<compile_context>
chip_gen: v7x
topology: tpu7x:2x2x1
jax: 0.10.2.dev20260603
libtpu: 0.0.44.dev20260713+nightly
codegen_flags: <defaults>
</compile_context>

<pallas_src>
import functools

import jax
import jax.numpy as jnp
from jax import lax
from jax.experimental import pallas as pl
from jax.experimental.pallas import tpu as pltpu
from jax.experimental.pallas import tpu_sc as plsc

N = 10000
E = 320000
EMB = 128
DE = 16
NG = 64
OUT = 64
NL = 5

N_PAD = 10240
NC = 2
NS = 16
LANES = 16
EDGES_PER_TILE = E // (NC * NS)
CHUNK = 80
NCHUNKS = EDGES_PER_TILE // CHUNK
ROWS_PER_TILE = N_PAD // NS
ZROWS = 128



def _sc_scatter_body(x_hbm, e_hbm, src_hbm, dst_hbm, out_hbm,
                     src_v, dst_v, xrow_v, m_v, zero_v, agg_s, sem):
  c = lax.axis_index("c")
  s = lax.axis_index("s")
  tile = c * NS + s

  zvec = jnp.zeros((LANES,), jnp.float32)

  def zrow(r, _):
    for j in range(EMB // LANES):
      zero_v[r, pl.ds(j * LANES, LANES)] = zvec
    return 0

  lax.fori_loop(0, ZROWS, zrow, 0, unroll=4)
  row0 = s * ROWS_PER_TILE
  for k in range(ROWS_PER_TILE // ZROWS):
    pltpu.sync_copy(zero_v, agg_s.at[pl.ds(row0 + k * ZROWS, ZROWS)])
  plsc.subcore_barrier()

  ebase = tile * EDGES_PER_TILE

  def chunk(jc, _):
    off = pl.multiple_of(ebase + jc * CHUNK, 8)
    pltpu.sync_copy(src_hbm.at[pl.ds(off, CHUNK)], src_v)
    pltpu.sync_copy(dst_hbm.at[pl.ds(off, CHUNK)], dst_v)
    gat = pltpu.async_copy(x_hbm.at[src_v], xrow_v, sem)
    pltpu.sync_copy(e_hbm.at[pl.ds(off, CHUNK)], m_v)
    gat.wait()

    def row(r, _):
      for j in range(EMB // LANES):
        sl = pl.ds(j * LANES, LANES)
        m_v[r, sl] = jnp.maximum(m_v[r, sl] + xrow_v[r, sl], 0.0)
      return 0

    lax.fori_loop(0, CHUNK, row, 0, unroll=2)
    pltpu.sync_copy(m_v, agg_s.at[dst_v], add=True)
    return 0

  lax.fori_loop(0, NCHUNKS, chunk, 0)
  plsc.subcore_barrier()

  pltpu.sync_copy(agg_s.at[pl.ds(row0, ROWS_PER_TILE)],
                  out_hbm.at[c, pl.ds(row0, ROWS_PER_TILE)])


_sc_scatter = pl.kernel(
    _sc_scatter_body,
    out_type=jax.ShapeDtypeStruct((NC, N_PAD, EMB), jnp.float32),
    mesh=plsc.VectorSubcoreMesh(core_axis_name="c", subcore_axis_name="s"),
    scratch_types=[
        pltpu.VMEM((CHUNK,), jnp.int32),
        pltpu.VMEM((CHUNK,), jnp.int32),
        pltpu.VMEM((CHUNK, EMB), jnp.float32),
        pltpu.VMEM((CHUNK, EMB), jnp.float32),
        pltpu.VMEM((ZROWS, EMB), jnp.float32),
        pltpu.VMEM_SHARED((N_PAD, EMB), jnp.float32),
        pltpu.SemaphoreType.DMA,
    ],
)


_EBLK = 8000


def _edge_enc_body(a_ref, w_ref, b_ref, o_ref):
  o_ref[...] = (
      jnp.dot(a_ref[...], w_ref[...], preferred_element_type=jnp.float32)
      + b_ref[...])


_edge_enc = pl.pallas_call(
    _edge_enc_body,
    grid=(E // _EBLK,),
    in_specs=[
        pl.BlockSpec((_EBLK, DE), lambda i: (i, 0)),
        pl.BlockSpec((DE, EMB), lambda i: (0, 0)),
        pl.BlockSpec((1, EMB), lambda i: (0, 0)),
    ],
    out_specs=pl.BlockSpec((_EBLK, EMB), lambda i: (i, 0)),
    out_shape=jax.ShapeDtypeStruct((E, EMB), jnp.float32),
)

_NBLK = 2048


def _mlp_body(eps_ref, x_ref, agg_ref, w1_ref, b1_ref, w2_ref, b2_ref, o_ref):
  t = (1.0 + eps_ref[0]) * x_ref[...] + agg_ref[0] + agg_ref[1]
  u = jnp.dot(t, w1_ref[...], preferred_element_type=jnp.float32) + b1_ref[...]
  u = jnp.maximum(u, 0.0)
  o_ref[...] = (
      jnp.dot(u, w2_ref[...], preferred_element_type=jnp.float32)
      + b2_ref[...])


_node_mlp = pl.pallas_call(
    _mlp_body,
    grid=(N_PAD // _NBLK,),
    in_specs=[
        pl.BlockSpec(memory_space=pltpu.SMEM),
        pl.BlockSpec((_NBLK, EMB), lambda i: (i, 0)),
        pl.BlockSpec((NC, _NBLK, EMB), lambda i: (0, i, 0)),
        pl.BlockSpec((EMB, 2 * EMB), lambda i: (0, 0)),
        pl.BlockSpec((1, 2 * EMB), lambda i: (0, 0)),
        pl.BlockSpec((2 * EMB, EMB), lambda i: (0, 0)),
        pl.BlockSpec((1, EMB), lambda i: (0, 0)),
    ],
    out_specs=pl.BlockSpec((_NBLK, EMB), lambda i: (i, 0)),
    out_shape=jax.ShapeDtypeStruct((N_PAD, EMB), jnp.float32),
)


def _pool_body(h_ref, batch_ref, lw1_ref, lb1_ref, lw2_ref, lb2_ref, o_ref,
               acc_ref):
  i = pl.program_id(0)

  @pl.when(i == 0)
  def _():
    acc_ref[...] = jnp.zeros_like(acc_ref)

  gids = lax.broadcasted_iota(jnp.int32, (NG, _NBLK), 0)
  onehot = (gids == batch_ref[0, 0, :][None, :]).astype(jnp.float32)
  acc_ref[...] += jnp.dot(onehot, h_ref[...],
                          preferred_element_type=jnp.float32)

  @pl.when(i == pl.num_programs(0) - 1)
  def _():
    u = jnp.dot(acc_ref[...], lw1_ref[...],
                preferred_element_type=jnp.float32) + lb1_ref[...]
    u = jnp.maximum(u, 0.0)
    o_ref[...] = (
        jnp.dot(u, lw2_ref[...], preferred_element_type=jnp.float32)
        + lb2_ref[...])


_pool_head = pl.pallas_call(
    _pool_body,
    grid=(N_PAD // _NBLK,),
    in_specs=[
        pl.BlockSpec((_NBLK, EMB), lambda i: (i, 0)),
        pl.BlockSpec((1, 1, _NBLK), lambda i: (i, 0, 0)),
        pl.BlockSpec((EMB, EMB // 2), lambda i: (0, 0)),
        pl.BlockSpec((1, EMB // 2), lambda i: (0, 0)),
        pl.BlockSpec((EMB // 2, OUT), lambda i: (0, 0)),
        pl.BlockSpec((1, OUT), lambda i: (0, 0)),
    ],
    out_specs=pl.BlockSpec((NG, OUT), lambda i: (0, 0)),
    out_shape=jax.ShapeDtypeStruct((NG, OUT), jnp.float32),
    scratch_shapes=[pltpu.VMEM((NG, EMB), jnp.float32)],
)



@jax.jit
def kernel(x, edge_index, edge_attr, batch, eW, eb, eps, W1, b1, bn_g, bn_b,
           W2, b2, lW1, lb1, lW2, lb2):
  src = edge_index[0].astype(jnp.int32)
  dst = edge_index[1].astype(jnp.int32)
  batch32 = batch.astype(jnp.int32)

  h = jnp.pad(x, ((0, N_PAD - N), (0, 0)))
  batch_pad = jnp.concatenate(
      [batch32, jnp.full((N_PAD - N,), NG, jnp.int32)])
  batch3 = batch_pad.reshape(N_PAD // _NBLK, 1, _NBLK)

  bn_scale = bn_g / jnp.sqrt(1.0 + 1e-5)
  W1eff = W1 * bn_scale[:, None, :]
  b1eff = b1 * bn_scale + bn_b

  for i in range(NL):
    e = _edge_enc(edge_attr, eW[i], eb[i].reshape(1, EMB))
    agg = _sc_scatter(h, e, src, dst)
    h = _node_mlp(eps[i].reshape(1), h, agg, W1eff[i],
                  b1eff[i].reshape(1, 2 * EMB), W2[i],
                  b2[i].reshape(1, EMB))

  return _pool_head(h, batch3, lW1, lb1.reshape(1, EMB // 2), lW2,
                    lb2.reshape(1, OUT))

# --- scband reference (transcript-rebuilt; emitter-appended) ---
"""Pipeline reference for scband-gingenerate-40802189312350 (READ-ONLY COPY).

The authoritative reference and input builder live on the scoring server;
editing this copy changes nothing except your own understanding.
"""

import jax, jax.numpy as jnp
import numpy as np

N = 10000
E = 320000
EMB = 128
DE = 16
NG = 64
OUT = 64
NL = 5


def setup_inputs(seed: int = 0) -> dict:
    key = jax.random.key(seed)
    ks = jax.random.split(key, 20)
    x = jax.random.normal(ks[0], (N, EMB), dtype=jnp.float32)
    edge_index = jax.random.randint(ks[1], (2, E), 0, N, dtype=jnp.int64)
    edge_attr = jax.random.normal(ks[2], (E, DE), dtype=jnp.float32)
    batch = jnp.sort(jax.random.randint(ks[3], (N,), 0, NG, dtype=jnp.int64))
    s = 0.05
    eW = jax.random.normal(ks[4], (NL, DE, EMB), dtype=jnp.float32) * s
    eb = jnp.zeros((NL, EMB), dtype=jnp.float32)
    eps = jnp.zeros((NL,), dtype=jnp.float32)
    W1 = jax.random.normal(ks[5], (NL, EMB, 2 * EMB), dtype=jnp.float32) * s
    b1 = jnp.zeros((NL, 2 * EMB), dtype=jnp.float32)
    bn_g = jnp.ones((NL, 2 * EMB), dtype=jnp.float32)
    bn_b = jnp.zeros((NL, 2 * EMB), dtype=jnp.float32)
    W2 = jax.random.normal(ks[6], (NL, 2 * EMB, EMB), dtype=jnp.float32) * s
    b2 = jnp.zeros((NL, EMB), dtype=jnp.float32)
    lW1 = jax.random.normal(ks[7], (EMB, EMB // 2), dtype=jnp.float32) * s
    lb1 = jnp.zeros((EMB // 2,), dtype=jnp.float32)
    lW2 = jax.random.normal(ks[8], (EMB // 2, OUT), dtype=jnp.float32) * s
    lb2 = jnp.zeros((OUT,), dtype=jnp.float32)
    return {"x": x, "edge_index": edge_index, "edge_attr": edge_attr, "batch": batch,
            "eW": eW, "eb": eb, "eps": eps, "W1": W1, "b1": b1, "bn_g": bn_g,
            "bn_b": bn_b, "W2": W2, "b2": b2, "lW1": lW1, "lb1": lb1, "lW2": lW2, "lb2": lb2}


def _gin_conv(x, src, dst, edge_attr, eW, eb, eps, W1, b1, bn_g, bn_b, W2, b2):
    # edge feature encoder (Linear on edge_attr)
    e = edge_attr @ eW + eb
    # message: relu(x_j + edge_emb), scatter-add aggregation to dst
    m = jax.nn.relu(x[src] + e)
    agg = jnp.zeros_like(x).at[dst].add(m)
    h = (1.0 + eps) * x + agg
    # MLP: Linear -> BatchNorm1d (eval: running_mean=0, running_var=1) -> ReLU -> Linear
    h = h @ W1 + b1
    h = h / jnp.sqrt(1.0 + 1e-5) * bn_g + bn_b
    h = jax.nn.relu(h)
    h = h @ W2 + b2
    return h


def reference(x, edge_index, edge_attr, batch, eW, eb, eps, W1, b1, bn_g, bn_b, W2, b2, lW1, lb1, lW2, lb2):
    src = edge_index[0]
    dst = edge_index[1]
    h = x
    for i in range(NL):
        h = _gin_conv(h, src, dst, edge_attr, eW[i], eb[i], eps[i], W1[i], b1[i], bn_g[i], bn_b[i], W2[i], b2[i])
    # global_add_pool over graphs
    pooled = jax.ops.segment_sum(h, batch, num_segments=NG)
    out = pooled @ lW1 + lb1
    out = jax.nn.relu(out)
    # dropout skipped (eval mode / training=False)
    out = out @ lW2 + lb2
    return out

if __name__ == "__main__":
    import jax
    _d = setup_inputs()
    print(jax.jit(kernel)(*tuple(_d.values())))

</pallas_src>

<mosaic_0001>
#map = affine_map<(d0, d1) -> (0, 0)>
#map1 = affine_map<(d0, d1) -> (0)>
#map2 = affine_map<(d0, d1) -> (0, 0, 0)>
module attributes {stable_mosaic.version = 14 : i64} {
  func.func @_sc_scatter_body(%arg0: i32, %arg1: i32, %arg2: memref<10240x128xf32, #tpu.memory_space<hbm>>, %arg3: memref<320000x128xf32, #tpu.memory_space<hbm>>, %arg4: memref<320000xi32, #tpu.memory_space<hbm>>, %arg5: memref<320000xi32, #tpu.memory_space<hbm>>, %arg6: memref<2x10240x128xf32, #tpu.memory_space<hbm>>, %arg7: memref<80xi32, #tpu.memory_space<vmem>>, %arg8: memref<80xi32, #tpu.memory_space<vmem>>, %arg9: memref<80x128xf32, #tpu.memory_space<vmem>>, %arg10: memref<80x128xf32, #tpu.memory_space<vmem>>, %arg11: memref<128x128xf32, #tpu.memory_space<vmem>>, %arg12: memref<10240x128xf32, #tpu.memory_space<vmem_shared>>, %arg13: memref<!tpu.dma_semaphore, #tpu.memory_space<semaphore_mem>>) attributes {dimension_semantics = [#tpu.dimension_semantics<core_parallel>, #tpu.dimension_semantics<subcore_parallel>], iteration_bounds = array<i64: 2, 16>, scalar_prefetch = 0 : i64, scratch_operands = 7 : i64, tpu.core_type = #tpu.core_type<sc_vector_subcore>, window_params = [{transform_indices = #map}, {transform_indices = #map}, {transform_indices = #map1}, {transform_indices = #map1}, {transform_indices = #map2}]} {
    %mul3A = arith.constant 16 : i32
    %mul3A_0 = arith.muli %arg0, %mul3A : i32
    %add3A = arith.addi %mul3A_0, %arg1 : i32
    %broadcast_in_dim3A = arith.constant 0.000000e+00 : f32
    %broadcast_in_dim3A_1 = vector.broadcast %broadcast_in_dim3A : f32 to vector<16xf32>
    %scan3A = arith.constant 0 : i32
    %scan3A_2 = arith.constant 0 : i32
    %scan3A_3 = arith.constant 128 : i32
    %scan3A_4 = arith.addi %scan3A_2, %scan3A_3 : i32
    %scan3A_5 = arith.constant 4 : i32
    %scan3A_6 = scf.for %scan3A_30 = %scan3A_2 to %scan3A_4 step %scan3A_5 iter_args(%scan3A_31 = %scan3A) -> (i32)  : i32 {
      %swap3A = arith.index_cast %scan3A_30 : i32 to index
      %swap3A_32 = arith.constant 0 : index
      %swap3A_33 = tpu.vector_load %arg11[%swap3A, %swap3A_32] {strides = array<i32>} : memref<128x128xf32, #tpu.memory_space<vmem>>, vector<1x16xf32>,
      %swap3A_34 = vector.shape_cast %swap3A_33 : vector<1x16xf32> to vector<16xf32>
      %swap3A_35 = vector.shape_cast %broadcast_in_dim3A_1 : vector<16xf32> to vector<1x16xf32>
      tpu.vector_store %arg11[%swap3A, %swap3A_32], %swap3A_35 {strides = array<i32>} : memref<128x128xf32, #tpu.memory_space<vmem>>, vector<1x16xf32>,
      %swap3A_36 = arith.index_cast %scan3A_30 : i32 to index
      %swap3A_37 = arith.constant 16 : index
      %swap3A_38 = tpu.vector_load %arg11[%swap3A_36, %swap3A_37] {strides = array<i32>} : memref<128x128xf32, #tpu.memory_space<vmem>>, vector<1x16xf32>,
      %swap3A_39 = vector.shape_cast %swap3A_38 : vector<1x16xf32> to vector<16xf32>
      %swap3A_40 = vector.shape_cast %broadcast_in_dim3A_1 : vector<16xf32> to vector<1x16xf32>
      tpu.vector_store %arg11[%swap3A_36, %swap3A_37], %swap3A_40 {strides = array<i32>} : memref<128x128xf32, #tpu.memory_space<vmem>>, vector<1x16xf32>,
      %swap3A_41 = arith.index_cast %scan3A_30 : i32 to index
      %swap3A_42 = arith.constant 32 : index
      %swap3A_43 = tpu.vector_load %arg11[%swap3A_41, %swap3A_42] {strides = array<i32>} : memref<128x128xf32, #tpu.memory_space<vmem>>, vector<1x16xf32>,
      %swap3A_44 = vector.shape_cast %swap3A_43 : vector<1x16xf32> to vector<16xf32>
      %swap3A_45 = vector.shape_cast %broadcast_in_dim3A_1 : vector<16xf32> to vector<1x16xf32>
      tpu.vector_store %arg11[%swap3A_41, %swap3A_42], %swap3A_45 {strides = array<i32>} : memref<128x128xf32, #tpu.memory_space<vmem>>, vector<1x16xf32>,
      %swap3A_46 = arith.index_cast %scan3A_30 : i32 to index
      %swap3A_47 = arith.constant 48 : index
      %swap3A_48 = tpu.vector_load %arg11[%swap3A_46, %swap3A_47] {strides = array<i32>} : memref<128x128xf32, #tpu.memory_space<vmem>>, vector<1x16xf32>,
      %swap3A_49 = vector.shape_cast %swap3A_48 : vector<1x16xf32> to vector<16xf32>
      %swap3A_50 = vector.shape_cast %broadcast_in_dim3A_1 : vector<16xf32> to vector<1x16xf32>
      tpu.vector_store %arg11[%swap3A_46, %swap3A_47], %swap3A_50 {strides = array<i32>} : memref<128x128xf32, #tpu.memory_space<vmem>>, vector<1x16xf32>,
      %swap3A_51 = arith.index_cast %scan3A_30 : i32 to index
      %swap3A_52 = arith.constant 64 : index
      %swap3A_53 = tpu.vector_load %arg11[%swap3A_51, %swap3A_52] {strides = array<i32>} : memref<128x128xf32, #tpu.memory_space<vmem>>, vector<1x16xf32>,
      %swap3A_54 = vector.shape_cast %swap3A_53 : vector<1x16xf32> to vector<16xf32>
      %swap3A_55 = vector.shape_cast %broadcast_in_dim3A_1 : vector<16xf32> to vector<1x16xf32>
      tpu.vector_store %arg11[%swap3A_51, %swap3A_52], %swap3A_55 {strides = array<i32>} : memref<128x128xf32, #tpu.memory_space<vmem>>, vector<1x16xf32>,
      %swap3A_56 = arith.index_cast %scan3A_30 : i32 to index
      %swap3A_57 = arith.constant 80 : index
      %swap3A_58 = tpu.vector_load %arg11[%swap3A_56, %swap3A_57] {strides = array<i32>} : memref<128x128xf32, #tpu.memory_space<vmem>>, vector<1x16xf32>,
      %swap3A_59 = vector.shape_cast %swap3A_58 : vector<1x16xf32> to vector<16xf32>
      %swap3A_60 = vector.shape_cast %broadcast_in_dim3A_1 : vector<16xf32> to vector<1x16xf32>
      tpu.vector_store %arg11[%swap3A_56, %swap3A_57], %swap3A_60 {strides = array<i32>} : memref<128x128xf32, #tpu.memory_space<vmem>>, vector<1x16xf32>,
      %swap3A_61 = arith.index_cast %scan3A_30 : i32 to index
      %swap3A_62 = arith.constant 96 : index
      %swap3A_63 = tpu.vector_load %arg11[%swap3A_61, %swap3A_62] {strides = array<i32>} : memref<128x128xf32, #tpu.memory_space<vmem>>, vector<1x16xf32>,
      %swap3A_64 = vector.shape_cast %swap3A_63 : vector<1x16xf32> to vector<16xf32>
      %swap3A_65 = vector.shape_cast %broadcast_in_dim3A_1 : vector<16xf32> to vector<1x16xf32>
      tpu.vector_store %arg11[%swap3A_61, %swap3A_62], %swap3A_65 {strides = array<i32>} : memref<128x128xf32, #tpu.memory_space<vmem>>, vector<1x16xf32>,
      %swap3A_66 = arith.index_cast %scan3A_30 : i32 to index
      %swap3A_67 = arith.constant 112 : index
      %swap3A_68 = tpu.vector_load %arg11[%swap3A_66, %swap3A_67] {strides = array<i32>} : memref<128x128xf32, #tpu.memory_space<vmem>>, vector<1x16xf32>,
      %swap3A_69 = vector.shape_cast %swap3A_68 : vector<1x16xf32> to vector<16xf32>
      %swap3A_70 = vector.shape_cast %broadcast_in_dim3A_1 : vector<16xf32> to vector<1x16xf32>
      tpu.vector_store %arg11[%swap3A_66, %swap3A_67], %swap3A_70 {strides = array<i32>} : memref<128x128xf32, #tpu.memory_space<vmem>>, vector<1x16xf32>,
      %scan3A_71 = arith.constant 0 : i32
      %scan3A_72 = arith.constant 1 : i32
      %scan3A_73 = arith.addi %scan3A_30, %scan3A_72 : i32
      %swap3A_74 = arith.index_cast %scan3A_73 : i32 to index
      %swap3A_75 = arith.constant 0 : index
      %swap3A_76 = tpu.vector_load %arg11[%swap3A_74, %swap3A_75] {strides = array<i32>} : memref<128x128xf32, #tpu.memory_space<vmem>>, vector<1x16xf32>,
      %swap3A_77 = vector.shape_cast %swap3A_76 : vector<1x16xf32> to vector<16xf32>
      %swap3A_78 = vector.shape_cast %broadcast_in_dim3A_1 : vector<16xf32> to vector<1x16xf32>
      tpu.vector_store %arg11[%swap3A_74, %swap3A_75], %swap3A_78 {strides = array<i32>} : memref<128x128xf32, #tpu.memory_space<vmem>>, vector<1x16xf32>,
      %swap3A_79 = arith.index_cast %scan3A_73 : i32 to index
      %swap3A_80 = arith.constant 16 : index
      %swap3A_81 = tpu.vector_load %arg11[%swap3A_79, %swap3A_80] {strides = array<i32>} : memref<128x128xf32, #tpu.memory_space<vmem>>, vector<1x16xf32>,
      %swap3A_82 = vector.shape_cast %swap3A_81 : vector<1x16xf32> to vector<16xf32>
      %swap3A_83 = vector.shape_cast %broadcast_in_dim3A_1 : vector<16xf32> to vector<1x16xf32>
      tpu.vector_store %arg11[%swap3A_79, %swap3A_80], %swap3A_83 {strides = array<i32>} : memref<128x128xf32, #tpu.memory_space<vmem>>, vector<1x16xf32>,
      %swap3A_84 = arith.index_cast %scan3A_73 : i32 to index
      %swap3A_85 = arith.constant 32 : index
      %swap3A_86 = tpu.vector_load %arg11[%swap3A_84, %swap3A_85] {strides = array<i32>} : memref<128x128xf32, #tpu.memory_space<vmem>>, vector<1x16xf32>,
      %swap3A_87 = vector.shape_cast %swap3A_86 : vector<1x16xf32> to vector<16xf32>
      %swap3A_88 = vector.shape_cast %broadcast_in_dim3A_1 : vector<16xf32> to vector<1x16xf32>
      tpu.vector_store %arg11[%swap3A_84, %swap3A_85], %swap3A_88 {strides = array<i32>} : memref<128x128xf32, #tpu.memory_space<vmem>>, vector<1x16xf32>,
      %swap3A_89 = arith.index_cast %scan3A_73 : i32 to index
      %swap3A_90 = arith.constant 48 : index
      %swap3A_91 = tpu.vector_load %arg11[%swap3A_89, %swap3A_90] {strides = array<i32>} : memref<128x128xf32, #tpu.memory_space<vmem>>, vector<1x16xf32>,
      %swap3A_92 = vector.shape_cast %swap3A_91 : vector<1x16xf32> to vector<16xf32>
      %swap3A_93 = vector.shape_cast %broadcast_in_dim3A_1 : vector<16xf32> to vector<1x16xf32>
      tpu.vector_store %arg11[%swap3A_89, %swap3A_90], %swap3A_93 {strides = array<i32>} : memref<128x128xf32, #tpu.memory_space<vmem>>, vector<1x16xf32>,
      %swap3A_94 = arith.index_cast %scan3A_73 : i32 to index
      %swap3A_95 = arith.constant 64 : index
      %swap3A_96 = tpu.vector_load %arg11[%swap3A_94, %swap3A_95] {strides = array<i32>} : memref<128x128xf32, #tpu.memory_space<vmem>>, vector<1x16xf32>,
      %swap3A_97 = vector.shape_cast %swap3A_96 : vector<1x16xf32> to vector<16xf32>
      %swap3A_98 = vector.shape_cast %broadcast_in_dim3A_1 : vector<16xf32> to vector<1x16xf32>
      tpu.vector_store %arg11[%swap3A_94, %swap3A_95], %swap3A_98 {strides = array<i32>} : memref<128x128xf32, #tpu.memory_space<vmem>>, vector<1x16xf32>,
      %swap3A_99 = arith.index_cast %scan3A_73 : i32 to index
      %swap3A_100 = arith.constant 80 : index
      %swap3A_101 = tpu.vector_load %arg11[%swap3A_99, %swap3A_100] {strides = array<i32>} : memref<128x128xf32, #tpu.memory_space<vmem>>, vector<1x16xf32>,
      %swap3A_102 = vector.shape_cast %swap3A_101 : vector<1x16xf32> to vector<16xf32>
      %swap3A_103 = vector.shape_cast %broadcast_in_dim3A_1 : vector<16xf32> to vector<1x16xf32>
      tpu.vector_store %arg11[%swap3A_99, %swap3A_100], %swap3A_103 {strides = array<i32>} : memref<128x128xf32, #tpu.memory_space<vmem>>, vector<1x16xf32>,
      %swap3A_104 = arith.index_cast %scan3A_73 : i32 to index
      %swap3A_105 = arith.constant 96 : index
      %swap3A_106 = tpu.vector_load %arg11[%swap3A_104, %swap3A_105] {strides = array<i32>} : memref<128x128xf32, #tpu.memory_space<vmem>>, vector<1x16xf32>,
      %swap3A_107 = vector.shape_cast %swap3A_106 : vector<1x16xf32> to vector<16xf32>
      %swap3A_108 = vector.shape_cast %broadcast_in_dim3A_1 : vector<16xf32> to vector<1x16xf32>
      tpu.vector_store %arg11[%swap3A_104, %swap3A_105], %swap3A_108 {strides = array<i32>} : memref<128x128xf32, #tpu.memory_space<vmem>>, vector<1x16xf32>,
      %swap3A_109 = arith.index_cast %scan3A_73 : i32 to index
      %swap3A_110 = arith.constant 112 : index
      %swap3A_111 = tpu.vector_load %arg11[%swap3A_109, %swap3A_110] {strides = array<i32>} : memref<128x128xf32, #tpu.memory_space<vmem>>, vector<1x16xf32>,
      %swap3A_112 = vector.shape_cast %swap3A_111 : vector<1x16xf32> to vector<16xf32>
      %swap3A_113 = vector.shape_cast %broadcast_in_dim3A_1 : vector<16xf32> to vector<1x16xf32>
      tpu.vector_store %arg11[%swap3A_109, %swap3A_110], %swap3A_113 {strides = array<i32>} : memref<128x128xf32, #tpu.memory_space<vmem>>, vector<1x16xf32>,
      %scan3A_114 = arith.constant 0 : i32
      %scan3A_115 = arith.constant 2 : i32
      %scan3A_116 = arith.addi %scan3A_30, %scan3A_115 : i32
      %swap3A_117 = arith.index_cast %scan3A_116 : i32 to index
      %swap3A_118 = arith.constant 0 : index
      %swap3A_119 = tpu.vector_load %arg11[%swap3A_117, %swap3A_118] {strides = array<i32>} : memref<128x128xf32, #tpu.memory_space<vmem>>, vector<1x16xf32>,
      %swap3A_120 = vector.shape_cast %swap3A_119 : vector<1x16xf32> to vector<16xf32>
      %swap3A_121 = vector.shape_cast %broadcast_in_dim3A_1 : vector<16xf32> to vector<1x16xf32>
      tpu.vector_store %arg11[%swap3A_117, %swap3A_118], %swap3A_121 {strides = array<i32>} : memref<128x128xf32, #tpu.memory_space<vmem>>, vector<1x16xf32>,
      %swap3A_122 = arith.index_cast %scan3A_116 : i32 to index
      %swap3A_123 = arith.constant 16 : index
      %swap3A_124 = tpu.vector_load %arg11[%swap3A_122, %swap3A_123] {strides = array<i32>} : memref<128x128xf32, #tpu.memory_space<vmem>>, vector<1x16xf32>,
      %swap3A_125 = vector.shape_cast %swap3A_124 : vector<1x16xf32> to vector<16xf32>
      %swap3A_126 = vector.shape_cast %broadcast_in_dim3A_1 : vector<16xf32> to vector<1x16xf32>
      tpu.vector_store %arg11[%swap3A_122, %swap3A_123], %swap3A_126 {strides = array<i32>} : memref<128x128xf32, #tpu.memory_space<vmem>>, vector<1x16xf32>,
      %swap3A_127 = arith.index_cast %scan3A_116 : i32 to index
      %swap3A_128 = arith.constant 32 : index
      %swap3A_129 = tpu.vector_load %arg11[%swap3A_127, %swap3A_128] {strides = array<i32>} : memref<128x128xf32, #tpu.memory_space<vmem>>, vector<1x16xf32>,
      %swap3A_130 = vector.shape_cast %swap3A_129 : vector<1x16xf32> to vector<16xf32>
      %swap3A_131 = vector.shape_cast %broadcast_in_dim3A_1 : vector<16xf32> to vector<1x16xf32>
      tpu.vector_store %arg11[%swap3A_127, %swap3A_128], %swap3A_131 {strides = array<i32>} : memref<128x128xf32, #tpu.memory_space<vmem>>, vector<1x16xf32>,
      %swap3A_132 = arith.index_cast %scan3A_116 : i32 to index
      %swap3A_133 = arith.constant 48 : index
      %swap3A_134 = tpu.vector_load %arg11[%swap3A_132, %swap3A_133] {strides = array<i32>} : memref<128x128xf32, #tpu.memory_space<vmem>>, vector<1x16xf32>,
      %swap3A_135 = vector.shape_cast %swap3A_134 : vector<1x16xf32> to vector<16xf32>
      %swap3A_136 = vector.shape_cast %broadcast_in_dim3A_1 : vector<16xf32> to vector<1x16xf32>
      tpu.vector_store %arg11[%swap3A_132, %swap3A_133], %swap3A_136 {strides = array<i32>} : memref<128x128xf32, #tpu.memory_space<vmem>>, vector<1x16xf32>,
      %swap3A_137 = arith.index_cast %scan3A_116 : i32 to index
      %swap3A_138 = arith.constant 64 : index
      %swap3A_139 = tpu.vector_load %arg11[%swap3A_137, %swap3A_138] {strides = array<i32>} : memref<128x128xf32, #tpu.memory_space<vmem>>, vector<1x16xf32>,
      %swap3A_140 = vector.shape_cast %swap3A_139 : vector<1x16xf32> to vector<16xf32>
      %swap3A_141 = vector.shape_cast %broadcast_in_dim3A_1 : vector<16xf32> to vector<1x16xf32>
      tpu.vector_store %arg11[%swap3A_137, %swap3A_138], %swap3A_141 {strides = array<i32>} : memref<128x128xf32, #tpu.memory_space<vmem>>, vector<1x16xf32>,
      %swap3A_142 = arith.index_cast %scan3A_116 : i32 to index
      %swap3A_143 = arith.constant 80 : index
      %swap3A_144 = tpu.vector_load %arg11[%swap3A_142, %swap3A_143] {strides = array<i32>} : memref<128x128xf32, #tpu.memory_space<vmem>>, vector<1x16xf32>,
      %swap3A_145 = vector.shape_cast %swap3A_144 : vector<1x16xf32> to vector<16xf32>
      %swap3A_146 = vector.shape_cast %broadcast_in_dim3A_1 : vector<16xf32> to vector<1x16xf32>
      tpu.vector_store %arg11[%swap3A_142, %swap3A_143], %swap3A_146 {strides = array<i32>} : memref<128x128xf32, #tpu.memory_space<vmem>>, vector<1x16xf32>,
      %swap3A_147 = arith.index_cast %scan3A_116 : i32 to index
      %swap3A_148 = arith.constant 96 : index
      %swap3A_149 = tpu.vector_load %arg11[%swap3A_147, %swap3A_148] {strides = array<i32>} : memref<128x128xf32, #tpu.memory_space<vmem>>, vector<1x16xf32>,
      %swap3A_150 = vector.shape_cast %swap3A_149 : vector<1x16xf32> to vector<16xf32>
      %swap3A_151 = vector.shape_cast %broadcast_in_dim3A_1 : vector<16xf32> to vector<1x16xf32>
      tpu.vector_store %arg11[%swap3A_147, %swap3A_148], %swap3A_151 {strides = array<i32>} : memref<128x128xf32, #tpu.memory_space<vmem>>, vector<1x16xf32>,
      %swap3A_152 = arith.index_cast %scan3A_116 : i32 to index
      %swap3A_153 = arith.constant 112 : index
      %swap3A_154 = tpu.vector_load %arg11[%swap3A_152, %swap3A_153] {strides = array<i32>} : memref<128x128xf32, #tpu.memory_space<vmem>>, vector<1x16xf32>,
      %swap3A_155 = vector.shape_cast %swap3A_154 : vector<1x16xf32> to vector<16xf32>
      %swap3A_156 = vector.shape_cast %broadcast_in_dim3A_1 : vector<16xf32> to vector<1x16xf32>
      tpu.vector_store %arg11[%swap3A_152, %swap3A_153], %swap3A_156 {strides = array<i32>} : memref<128x128xf32, #tpu.memory_space<vmem>>, vector<1x16xf32>,
      %scan3A_157 = arith.constant 0 : i32
      %scan3A_158 = arith.constant 3 : i32
      %scan3A_159 = arith.addi %scan3A_30, %scan3A_158 : i32
      %swap3A_160 = arith.index_cast %scan3A_159 : i32 to index
      %swap3A_161 = arith.constant 0 : index
      %swap3A_162 = tpu.vector_load %arg11[%swap3A_160, %swap3A_161] {strides = array<i32>} : memref<128x128xf32, #tpu.memory_space<vmem>>, vector<1x16xf32>,
      %swap3A_163 = vector.shape_cast %swap3A_162 : vector<1x16xf32> to vector<16xf32>
      %swap3A_164 = vector.shape_cast %broadcast_in_dim3A_1 : vector<16xf32> to vector<1x16xf32>
      tpu.vector_store %arg11[%swap3A_160, %swap3A_161], %swap3A_164 {strides = array<i32>} : memref<128x128xf32, #tpu.memory_space<vmem>>, vector<1x16xf32>,
      %swap3A_165 = arith.index_cast %scan3A_159 : i32 to index
      %swap3A_166 = arith.constant 16 : index
      %swap3A_167 = tpu.vector_load %arg11[%swap3A_165, %swap3A_166] {strides = array<i32>} : memref<128x128xf32, #tpu.memory_space<vmem>>, vector<1x16xf32>,
      %swap3A_168 = vector.shape_cast %swap3A_167 : vector<1x16xf32> to vector<16xf32>
      %swap3A_169 = vector.shape_cast %broadcast_in_dim3A_1 : vector<16xf32> to vector<1x16xf32>
      tpu.vector_store %arg11[%swap3A_165, %swap3A_166], %swap3A_169 {strides = array<i32>} : memref<128x128xf32, #tpu.memory_space<vmem>>, vector<1x16xf32>,
      %swap3A_170 = arith.index_cast %scan3A_159 : i32 to index
      %swap3A_171 = arith.constant 32 : index
      %swap3A_172 = tpu.vector_load %arg11[%swap3A_170, %swap3A_171] {strides = array<i32>} : memref<128x128xf32, #tpu.memory_space<vmem>>, vector<1x16xf32>,
      %swap3A_173 = vector.shape_cast %swap3A_172 : vector<1x16xf32> to vector<16xf32>
      %swap3A_174 = vector.shape_cast %broadcast_in_dim3A_1 : vector<16xf32> to vector<1x16xf32>
      tpu.vector_store %arg11[%swap3A_170, %swap3A_171], %swap3A_174 {strides = array<i32>} : memref<128x128xf32, #tpu.memory_space<vmem>>, vector<1x16xf32>,
      %swap3A_175 = arith.index_cast %scan3A_159 : i32 to index
      %swap3A_176 = arith.constant 48 : index
      %swap3A_177 = tpu.vector_load %arg11[%swap3A_175, %swap3A_176] {strides = array<i32>} : memref<128x128xf32, #tpu.memory_space<vmem>>, vector<1x16xf32>,
      %swap3A_178 = vector.shape_cast %swap3A_177 : vector<1x16xf32> to vector<16xf32>
      %swap3A_179 = vector.shape_cast %broadcast_in_dim3A_1 : vector<16xf32> to vector<1x16xf32>
      tpu.vector_store %arg11[%swap3A_175, %swap3A_176], %swap3A_179 {strides = array<i32>} : memref<128x128xf32, #tpu.memory_space<vmem>>, vector<1x16xf32>,
      %swap3A_180 = arith.index_cast %scan3A_159 : i32 to index
      %swap3A_181 = arith.constant 64 : index
      %swap3A_182 = tpu.vector_load %arg11[%swap3A_180, %swap3A_181] {strides = array<i32>} : memref<128x128xf32, #tpu.memory_space<vmem>>, vector<1x16xf32>,
      %swap3A_183 = vector.shape_cast %swap3A_182 : vector<1x16xf32> to vector<16xf32>
      %swap3A_184 = vector.shape_cast %broadcast_in_dim3A_1 : vector<16xf32> to vector<1x16xf32>
      tpu.vector_store %arg11[%swap3A_180, %swap3A_181], %swap3A_184 {strides = array<i32>} : memref<128x128xf32, #tpu.memory_space<vmem>>, vector<1x16xf32>,
      %swap3A_185 = arith.index_cast %scan3A_159 : i32 to index
      %swap3A_186 = arith.constant 80 : index
      %swap3A_187 = tpu.vector_load %arg11[%swap3A_185, %swap3A_186] {strides = array<i32>} : memref<128x128xf32, #tpu.memory_space<vmem>>, vector<1x16xf32>,
      %swap3A_188 = vector.shape_cast %swap3A_187 : vector<1x16xf32> to vector<16xf32>
      %swap3A_189 = vector.shape_cast %broadcast_in_dim3A_1 : vector<16xf32> to vector<1x16xf32>
      tpu.vector_store %arg11[%swap3A_185, %swap3A_186], %swap3A_189 {strides = array<i32>} : memref<128x128xf32, #tpu.memory_space<vmem>>, vector<1x16xf32>,
      %swap3A_190 = arith.index_cast %scan3A_159 : i32 to index
      %swap3A_191 = arith.constant 96 : index
      %swap3A_192 = tpu.vector_load %arg11[%swap3A_190, %swap3A_191] {strides = array<i32>} : memref<128x128xf32, #tpu.memory_space<vmem>>, vector<1x16xf32>,
      %swap3A_193 = vector.shape_cast %swap3A_192 : vector<1x16xf32> to vector<16xf32>
      %swap3A_194 = vector.shape_cast %broadcast_in_dim3A_1 : vector<16xf32> to vector<1x16xf32>
      tpu.vector_store %arg11[%swap3A_190, %swap3A_191], %swap3A_194 {strides = array<i32>} : memref<128x128xf32, #tpu.memory_space<vmem>>, vector<1x16xf32>,
      %swap3A_195 = arith.index_cast %scan3A_159 : i32 to index
      %swap3A_196 = arith.constant 112 : index
      %swap3A_197 = tpu.vector_load %arg11[%swap3A_195, %swap3A_196] {strides = array<i32>} : memref<128x128xf32, #tpu.memory_space<vmem>>, vector<1x16xf32>,
      %swap3A_198 = vector.shape_cast %swap3A_197 : vector<1x16xf32> to vector<16xf32>
      %swap3A_199 = vector.shape_cast %broadcast_in_dim3A_1 : vector<16xf32> to vector<1x16xf32>
      tpu.vector_store %arg11[%swap3A_195, %swap3A_196], %swap3A_199 {strides = array<i32>} : memref<128x128xf32, #tpu.memory_space<vmem>>, vector<1x16xf32>,
      %scan3A_200 = arith.constant 0 : i32
      scf.yield %scan3A_200 : i32
    }
    %scan3A_7 = arith.constant 128 : i32
    %mul3A_8 = arith.constant 640 : i32
    %mul3A_9 = arith.muli %arg1, %mul3A_8 : i32
    %add3A_10 = arith.constant 0 : i32
    %add3A_11 = arith.addi %mul3A_9, %add3A_10 : i32
    "tpu.region"() ({
      %run_scoped3A = tpu.sem_alloc : memref<!tpu.dma_semaphore, #tpu.memory_space<semaphore_mem>>
      %dma_start3A = arith.constant 0 : i32
      %dma_start3A_30 = tpu.memref_slice %arg12[%add3A_11, %dma_start3A] : memref<10240x128xf32, #tpu.memory_space<vmem_shared>> -> memref<128x128xf32, #tpu.memory_space<vmem_shared>>
      %dma_start3A_31 = arith.constant 0 : i32
      %dma_start3A_32 = tpu.memref_slice %arg12[%add3A_11, %dma_start3A_31] : memref<10240x128xf32, #tpu.memory_space<vmem_shared>> -> memref<128x128xf32, #tpu.memory_space<vmem_shared>>
      tpu.enqueue_dma source(%arg11 : memref<128x128xf32, #tpu.memory_space<vmem>>) target(%dma_start3A_32 : memref<128x128xf32, #tpu.memory_space<vmem_shared>>) target_semaphore(%run_scoped3A : memref<!tpu.dma_semaphore, #tpu.memory_space<semaphore_mem>>)
      %dma_wait3A = arith.constant 0 : i32
      %dma_wait3A_33 = tpu.memref_slice %arg12[%add3A_11, %dma_wait3A] : memref<10240x128xf32, #tpu.memory_space<vmem_shared>> -> memref<128x128xf32, #tpu.memory_space<vmem_shared>>
      %dma_wait3A_34 = arith.constant 0 : i32
      %dma_wait3A_35 = tpu.memref_slice %arg12[%add3A_11, %dma_wait3A_34] : memref<10240x128xf32, #tpu.memory_space<vmem_shared>> -> memref<128x128xf32, #tpu.memory_space<vmem_shared>>
      tpu.wait_dma2 semaphore(%run_scoped3A : memref<!tpu.dma_semaphore, #tpu.memory_space<semaphore_mem>>) src(%arg11 : memref<128x128xf32, #tpu.memory_space<vmem>>) dst(%dma_wait3A_35 : memref<128x128xf32, #tpu.memory_space<vmem_shared>>)
      tpu.yield
    }) : () -> ()
    %add3A_12 = arith.constant 128 : i32
    %add3A_13 = arith.addi %mul3A_9, %add3A_12 : i32
    "tpu.region"() ({
      %run_scoped3A = tpu.sem_alloc : memref<!tpu.dma_semaphore, #tpu.memory_space<semaphore_mem>>
      %dma_start3A = arith.constant 0 : i32
      %dma_start3A_30 = tpu.memref_slice %arg12[%add3A_13, %dma_start3A] : memref<10240x128xf32, #tpu.memory_space<vmem_shared>> -> memref<128x128xf32, #tpu.memory_space<vmem_shared>>
      %dma_start3A_31 = arith.constant 0 : i32
      %dma_start3A_32 = tpu.memref_slice %arg12[%add3A_13, %dma_start3A_31] : memref<10240x128xf32, #tpu.memory_space<vmem_shared>> -> memref<128x128xf32, #tpu.memory_space<vmem_shared>>
      tpu.enqueue_dma source(%arg11 : memref<128x128xf32, #tpu.memory_space<vmem>>) target(%dma_start3A_32 : memref<128x128xf32, #tpu.memory_space<vmem_shared>>) target_semaphore(%run_scoped3A : memref<!tpu.dma_semaphore, #tpu.memory_space<semaphore_mem>>)
      %dma_wait3A = arith.constant 0 : i32
      %dma_wait3A_33 = tpu.memref_slice %arg12[%add3A_13, %dma_wait3A] : memref<10240x128xf32, #tpu.memory_space<vmem_shared>> -> memref<128x128xf32, #tpu.memory_space<vmem_shared>>
      %dma_wait3A_34 = arith.constant 0 : i32
      %dma_wait3A_35 = tpu.memref_slice %arg12[%add3A_13, %dma_wait3A_34] : memref<10240x128xf32, #tpu.memory_space<vmem_shared>> -> memref<128x128xf32, #tpu.memory_space<vmem_shared>>
      tpu.wait_dma2 semaphore(%run_scoped3A : memref<!tpu.dma_semaphore, #tpu.memory_space<semaphore_mem>>) src(%arg11 : memref<128x128xf32, #tpu.memory_space<vmem>>) dst(%dma_wait3A_35 : memref<128x128xf32, #tpu.memory_space<vmem_shared>>)
      tpu.yield
    }) : () -> ()
    %add3A_14 = arith.constant 256 : i32
    %add3A_15 = arith.addi %mul3A_9, %add3A_14 : i32
    "tpu.region"() ({
      %run_scoped3A = tpu.sem_alloc : memref<!tpu.dma_semaphore, #tpu.memory_space<semaphore_mem>>
      %dma_start3A = arith.constant 0 : i32
      %dma_start3A_30 = tpu.memref_slice %arg12[%add3A_15, %dma_start3A] : memref<10240x128xf32, #tpu.memory_space<vmem_shared>> -> memref<128x128xf32, #tpu.memory_space<vmem_shared>>
      %dma_start3A_31 = arith.constant 0 : i32
      %dma_start3A_32 = tpu.memref_slice %arg12[%add3A_15, %dma_start3A_31] : memref<10240x128xf32, #tpu.memory_space<vmem_shared>> -> memref<128x128xf32, #tpu.memory_space<vmem_shared>>
      tpu.enqueue_dma source(%arg11 : memref<128x128xf32, #tpu.memory_space<vmem>>) target(%dma_start3A_32 : memref<128x128xf32, #tpu.memory_space<vmem_shared>>) target_semaphore(%run_scoped3A : memref<!tpu.dma_semaphore, #tpu.memory_space<semaphore_mem>>)
      %dma_wait3A = arith.constant 0 : i32
      %dma_wait3A_33 = tpu.memref_slice %arg12[%add3A_15, %dma_wait3A] : memref<10240x128xf32, #tpu.memory_space<vmem_shared>> -> memref<128x128xf32, #tpu.memory_space<vmem_shared>>
      %dma_wait3A_34 = arith.constant 0 : i32
      %dma_wait3A_35 = tpu.memref_slice %arg12[%add3A_15, %dma_wait3A_34] : memref<10240x128xf32, #tpu.memory_space<vmem_shared>> -> memref<128x128xf32, #tpu.memory_space<vmem_shared>>
      tpu.wait_dma2 semaphore(%run_scoped3A : memref<!tpu.dma_semaphore, #tpu.memory_space<semaphore_mem>>) src(%arg11 : memref<128x128xf32, #tpu.memory_space<vmem>>) dst(%dma_wait3A_35 : memref<128x128xf32, #tpu.memory_space<vmem_shared>>)
      tpu.yield
    }) : () -> ()
    %add3A_16 = arith.constant 384 : i32
    %add3A_17 = arith.addi %mul3A_9, %add3A_16 : i32
    "tpu.region"() ({
      %run_scoped3A = tpu.sem_alloc : memref<!tpu.dma_semaphore, #tpu.memory_space<semaphore_mem>>
      %dma_start3A = arith.constant 0 : i32
      %dma_start3A_30 = tpu.memref_slice %arg12[%add3A_17, %dma_start3A] : memref<10240x128xf32, #tpu.memory_space<vmem_shared>> -> memref<128x128xf32, #tpu.memory_space<vmem_shared>>
      %dma_start3A_31 = arith.constant 0 : i32
      %dma_start3A_32 = tpu.memref_slice %arg12[%add3A_17, %dma_start3A_31] : memref<10240x128xf32, #tpu.memory_space<vmem_shared>> -> memref<128x128xf32, #tpu.memory_space<vmem_shared>>
      tpu.enqueue_dma source(%arg11 : memref<128x128xf32, #tpu.memory_space<vmem>>) target(%dma_start3A_32 : memref<128x128xf32, #tpu.memory_space<vmem_shared>>) target_semaphore(%run_scoped3A : memref<!tpu.dma_semaphore, #tpu.memory_space<semaphore_mem>>)
      %dma_wait3A = arith.constant 0 : i32
      %dma_wait3A_33 = tpu.memref_slice %arg12[%add3A_17, %dma_wait3A] : memref<10240x128xf32, #tpu.memory_space<vmem_shared>> -> memref<128x128xf32, #tpu.memory_space<vmem_shared>>
      %dma_wait3A_34 = arith.constant 0 : i32
      %dma_wait3A_35 = tpu.memref_slice %arg12[%add3A_17, %dma_wait3A_34] : memref<10240x128xf32, #tpu.memory_space<vmem_shared>> -> memref<128x128xf32, #tpu.memory_space<vmem_shared>>
      tpu.wait_dma2 semaphore(%run_scoped3A : memref<!tpu.dma_semaphore, #tpu.memory_space<semaphore_mem>>) src(%arg11 : memref<128x128xf32, #tpu.memory_space<vmem>>) dst(%dma_wait3A_35 : memref<128x128xf32, #tpu.memory_space<vmem_shared>>)
      tpu.yield
    }) : () -> ()
    %add3A_18 = arith.constant 512 : i32
    %add3A_19 = arith.addi %mul3A_9, %add3A_18 : i32
    "tpu.region"() ({
      %run_scoped3A = tpu.sem_alloc : memref<!tpu.dma_semaphore, #tpu.memory_space<semaphore_mem>>
      %dma_start3A = arith.constant 0 : i32
      %dma_start3A_30 = tpu.memref_slice %arg12[%add3A_19, %dma_start3A] : memref<10240x128xf32, #tpu.memory_space<vmem_shared>> -> memref<128x128xf32, #tpu.memory_space<vmem_shared>>
      %dma_start3A_31 = arith.constant 0 : i32
      %dma_start3A_32 = tpu.memref_slice %arg12[%add3A_19, %dma_start3A_31] : memref<10240x128xf32, #tpu.memory_space<vmem_shared>> -> memref<128x128xf32, #tpu.memory_space<vmem_shared>>
      tpu.enqueue_dma source(%arg11 : memref<128x128xf32, #tpu.memory_space<vmem>>) target(%dma_start3A_32 : memref<128x128xf32, #tpu.memory_space<vmem_shared>>) target_semaphore(%run_scoped3A : memref<!tpu.dma_semaphore, #tpu.memory_space<semaphore_mem>>)
      %dma_wait3A = arith.constant 0 : i32
      %dma_wait3A_33 = tpu.memref_slice %arg12[%add3A_19, %dma_wait3A] : memref<10240x128xf32, #tpu.memory_space<vmem_shared>> -> memref<128x128xf32, #tpu.memory_space<vmem_shared>>
      %dma_wait3A_34 = arith.constant 0 : i32
      %dma_wait3A_35 = tpu.memref_slice %arg12[%add3A_19, %dma_wait3A_34] : memref<10240x128xf32, #tpu.memory_space<vmem_shared>> -> memref<128x128xf32, #tpu.memory_space<vmem_shared>>
      tpu.wait_dma2 semaphore(%run_scoped3A : memref<!tpu.dma_semaphore, #tpu.memory_space<semaphore_mem>>) src(%arg11 : memref<128x128xf32, #tpu.memory_space<vmem>>) dst(%dma_wait3A_35 : memref<128x128xf32, #tpu.memory_space<vmem_shared>>)
      tpu.yield
    }) : () -> ()
    %barrier3A = arith.constant 0 : index
    tpu.barrier barrier_id(%barrier3A)
    %mul3A_20 = arith.constant 10000 : i32
    %mul3A_21 = arith.muli %add3A, %mul3A_20 : i32
    %scan3A_22 = arith.constant 0 : i32
    %scan3A_23 = arith.constant 0 : i32
    %scan3A_24 = arith.constant 125 : i32
    %scan3A_25 = arith.addi %scan3A_23, %scan3A_24 : i32
    %scan3A_26 = arith.constant 1 : i32
    %scan3A_27 = scf.for %scan3A_30 = %scan3A_23 to %scan3A_25 step %scan3A_26 iter_args(%scan3A_31 = %scan3A_22) -> (i32)  : i32 {
      %mul3A_32 = arith.constant 80 : i32
      %mul3A_33 = arith.muli %scan3A_30, %mul3A_32 : i32
      %add3A_34 = arith.addi %mul3A_21, %mul3A_33 : i32
      %multiple_of3A = tpu.assume_multiple %add3A_34, 8 : i32
      "tpu.region"() ({
        %run_scoped3A = tpu.sem_alloc : memref<!tpu.dma_semaphore, #tpu.memory_space<semaphore_mem>>
        %dma_start3A_47 = tpu.memref_slice %arg4[%multiple_of3A] : memref<320000xi32, #tpu.memory_space<hbm>> -> memref<80xi32, #tpu.memory_space<hbm>>
        %dma_start3A_48 = tpu.memref_slice %arg4[%multiple_of3A] : memref<320000xi32, #tpu.memory_space<hbm>> -> memref<80xi32, #tpu.memory_space<hbm>>
        tpu.enqueue_dma source(%dma_start3A_48 : memref<80xi32, #tpu.memory_space<hbm>>) target(%arg7 : memref<80xi32, #tpu.memory_space<vmem>>) target_semaphore(%run_scoped3A : memref<!tpu.dma_semaphore, #tpu.memory_space<semaphore_mem>>)
        %dma_wait3A_49 = tpu.memref_slice %arg4[%multiple_of3A] : memref<320000xi32, #tpu.memory_space<hbm>> -> memref<80xi32, #tpu.memory_space<hbm>>
        %dma_wait3A_50 = tpu.memref_slice %arg4[%multiple_of3A] : memref<320000xi32, #tpu.memory_space<hbm>> -> memref<80xi32, #tpu.memory_space<hbm>>
        tpu.wait_dma2 semaphore(%run_scoped3A : memref<!tpu.dma_semaphore, #tpu.memory_space<semaphore_mem>>) src(%dma_wait3A_50 : memref<80xi32, #tpu.memory_space<hbm>>) dst(%arg7 : memref<80xi32, #tpu.memory_space<vmem>>)
        tpu.yield
      }) : () -> ()
      "tpu.region"() ({
        %run_scoped3A = tpu.sem_alloc : memref<!tpu.dma_semaphore, #tpu.memory_space<semaphore_mem>>
        %dma_start3A_47 = tpu.memref_slice %arg5[%multiple_of3A] : memref<320000xi32, #tpu.memory_space<hbm>> -> memref<80xi32, #tpu.memory_space<hbm>>
        %dma_start3A_48 = tpu.memref_slice %arg5[%multiple_of3A] : memref<320000xi32, #tpu.memory_space<hbm>> -> memref<80xi32, #tpu.memory_space<hbm>>
        tpu.enqueue_dma source(%dma_start3A_48 : memref<80xi32, #tpu.memory_space<hbm>>) target(%arg8 : memref<80xi32, #tpu.memory_space<vmem>>) target_semaphore(%run_scoped3A : memref<!tpu.dma_semaphore, #tpu.memory_space<semaphore_mem>>)
        %dma_wait3A_49 = tpu.memref_slice %arg5[%multiple_of3A] : memref<320000xi32, #tpu.memory_space<hbm>> -> memref<80xi32, #tpu.memory_space<hbm>>
        %dma_wait3A_50 = tpu.memref_slice %arg5[%multiple_of3A] : memref<320000xi32, #tpu.memory_space<hbm>> -> memref<80xi32, #tpu.memory_space<hbm>>
        tpu.wait_dma2 semaphore(%run_scoped3A : memref<!tpu.dma_semaphore, #tpu.memory_space<semaphore_mem>>) src(%dma_wait3A_50 : memref<80xi32, #tpu.memory_space<hbm>>) dst(%arg8 : memref<80xi32, #tpu.memory_space<vmem>>)
        tpu.yield
      }) : () -> ()
      %dma_start3A = arith.constant 0 : i32
      %dma_start3A_35 = arith.constant 0 : i32
      %dma_start3A_36 = tpu.memref_slice %arg2[%dma_start3A, %dma_start3A_35] : memref<10240x128xf32, #tpu.memory_space<hbm>> -> memref<10240x128xf32, #tpu.memory_space<hbm>>
      tpu.enqueue_indirect_dma source(%dma_start3A_36 : memref<10240x128xf32, #tpu.memory_space<hbm>>) target(%arg9 : memref<80x128xf32, #tpu.memory_space<vmem>>) offsets(%arg7 : memref<80xi32, #tpu.memory_space<vmem>>) semaphore(%arg13 : memref<!tpu.dma_semaphore, #tpu.memory_space<semaphore_mem>>)
      "tpu.region"() ({
        %run_scoped3A = tpu.sem_alloc : memref<!tpu.dma_semaphore, #tpu.memory_space<semaphore_mem>>
        %dma_start3A_47 = arith.constant 0 : i32
        %dma_start3A_48 = tpu.memref_slice %arg3[%multiple_of3A, %dma_start3A_47] : memref<320000x128xf32, #tpu.memory_space<hbm>> -> memref<80x128xf32, #tpu.memory_space<hbm>>
        %dma_start3A_49 = arith.constant 0 : i32
        %dma_start3A_50 = tpu.memref_slice %arg3[%multiple_of3A, %dma_start3A_49] : memref<320000x128xf32, #tpu.memory_space<hbm>> -> memref<80x128xf32, #tpu.memory_space<hbm>>
        tpu.enqueue_dma source(%dma_start3A_50 : memref<80x128xf32, #tpu.memory_space<hbm>>) target(%arg10 : memref<80x128xf32, #tpu.memory_space<vmem>>) target_semaphore(%run_scoped3A : memref<!tpu.dma_semaphore, #tpu.memory_space<semaphore_mem>>)
        %dma_wait3A_51 = arith.constant 0 : i32
        %dma_wait3A_52 = tpu.memref_slice %arg3[%multiple_of3A, %dma_wait3A_51] : memref<320000x128xf32, #tpu.memory_space<hbm>> -> memref<80x128xf32, #tpu.memory_space<hbm>>
        %dma_wait3A_53 = arith.constant 0 : i32
        %dma_wait3A_54 = tpu.memref_slice %arg3[%multiple_of3A, %dma_wait3A_53] : memref<320000x128xf32, #tpu.memory_space<hbm>> -> memref<80x128xf32, #tpu.memory_space<hbm>>
        tpu.wait_dma2 semaphore(%run_scoped3A : memref<!tpu.dma_semaphore, #tpu.memory_space<semaphore_mem>>) src(%dma_wait3A_54 : memref<80x128xf32, #tpu.memory_space<hbm>>) dst(%arg10 : memref<80x128xf32, #tpu.memory_space<vmem>>)
        tpu.yield
      }) : () -> ()
      %dma_wait3A = arith.constant 0 : i32
      %dma_wait3A_37 = arith.constant 0 : i32
      %dma_wait3A_38 = tpu.memref_slice %arg2[%dma_wait3A, %dma_wait3A_37] : memref<10240x128xf32, #tpu.memory_space<hbm>> -> memref<10240x128xf32, #tpu.memory_space<hbm>>
      tpu.wait_indirect_dma semaphore(%arg13 : memref<!tpu.dma_semaphore, #tpu.memory_space<semaphore_mem>>) src(%dma_wait3A_38 : memref<10240x128xf32, #tpu.memory_space<hbm>>) dst(%arg9 : memref<80x128xf32, #tpu.memory_space<vmem>>)
      %scan3A_39 = arith.constant 0 : i32
      %scan3A_40 = arith.constant 0 : i32
      %scan3A_41 = arith.constant 80 : i32
      %scan3A_42 = arith.addi %scan3A_40, %scan3A_41 : i32
      %scan3A_43 = arith.constant 2 : i32
      %scan3A_44 = scf.for %scan3A_47 = %scan3A_40 to %scan3A_42 step %scan3A_43 iter_args(%scan3A_48 = %scan3A_39) -> (i32)  : i32 {
        %get3A = arith.index_cast %scan3A_47 : i32 to index
        %get3A_49 = arith.constant 0 : index
        %get3A_50 = tpu.vector_load %arg10[%get3A, %get3A_49] {strides = array<i32>} : memref<80x128xf32, #tpu.memory_space<vmem>>, vector<1x16xf32>,
        %get3A_51 = vector.shape_cast %get3A_50 : vector<1x16xf32> to vector<16xf32>
        %get3A_52 = arith.index_cast %scan3A_47 : i32 to index
        %get3A_53 = arith.constant 0 : index
        %get3A_54 = tpu.vector_load %arg9[%get3A_52, %get3A_53] {strides = array<i32>} : memref<80x128xf32, #tpu.memory_space<vmem>>, vector<1x16xf32>,
        %get3A_55 = vector.shape_cast %get3A_54 : vector<1x16xf32> to vector<16xf32>
        %add3A_56 = arith.addf %get3A_51, %get3A_55 : vector<16xf32>
        %max3A = arith.constant 0.000000e+00 : f32
        %max3A_57 = vector.broadcast %max3A : f32 to vector<16xf32>
        %max3A_58 = arith.maximumf %add3A_56, %max3A_57 : vector<16xf32>
        %swap3A = arith.index_cast %scan3A_47 : i32 to index
        %swap3A_59 = arith.constant 0 : index
        %swap3A_60 = tpu.vector_load %arg10[%swap3A, %swap3A_59] {strides = array<i32>} : memref<80x128xf32, #tpu.memory_space<vmem>>, vector<1x16xf32>,
        %swap3A_61 = vector.shape_cast %swap3A_60 : vector<1x16xf32> to vector<16xf32>
        %swap3A_62 = vector.shape_cast %max3A_58 : vector<16xf32> to vector<1x16xf32>
        tpu.vector_store %arg10[%swap3A, %swap3A_59], %swap3A_62 {strides = array<i32>} : memref<80x128xf32, #tpu.memory_space<vmem>>, vector<1x16xf32>,
        %get3A_63 = arith.index_cast %scan3A_47 : i32 to index
        %get3A_64 = arith.constant 16 : index
        %get3A_65 = tpu.vector_load %arg10[%get3A_63, %get3A_64] {strides = array<i32>} : memref<80x128xf32, #tpu.memory_space<vmem>>, vector<1x16xf32>,
        %get3A_66 = vector.shape_cast %get3A_65 : vector<1x16xf32> to vector<16xf32>
        %get3A_67 = arith.index_cast %scan3A_47 : i32 to index
        %get3A_68 = arith.constant 16 : index
        %get3A_69 = tpu.vector_load %arg9[%get3A_67, %get3A_68] {strides = array<i32>} : memref<80x128xf32, #tpu.memory_space<vmem>>, vector<1x16xf32>,
        %get3A_70 = vector.shape_cast %get3A_69 : vector<1x16xf32> to vector<16xf32>
        %add3A_71 = arith.addf %get3A_66, %get3A_70 : vector<16xf32>
        %max3A_72 = arith.constant 0.000000e+00 : f32
        %max3A_73 = vector.broadcast %max3A_72 : f32 to vector<16xf32>
        %max3A_74 = arith.maximumf %add3A_71, %max3A_73 : vector<16xf32>
        %swap3A_75 = arith.index_cast %scan3A_47 : i32 to index
        %swap3A_76 = arith.constant 16 : index
        %swap3A_77 = tpu.vector_load %arg10[%swap3A_75, %swap3A_76] {strides = array<i32>} : memref<80x128xf32, #tpu.memory_space<vmem>>, vector<1x16xf32>,
        %swap3A_78 = vector.shape_cast %swap3A_77 : vector<1x16xf32> to vector<16xf32>
        %swap3A_79 = vector.shape_cast %max3A_74 : vector<16xf32> to vector<1x16xf32>
        tpu.vector_store %arg10[%swap3A_75, %swap3A_76], %swap3A_79 {strides = array<i32>} : memref<80x128xf32, #tpu.memory_space<vmem>>, vector<1x16xf32>,
        %get3A_80 = arith.index_cast %scan3A_47 : i32 to index
        %get3A_81 = arith.constant 32 : index
        %get3A_82 = tpu.vector_load %arg10[%get3A_80, %get3A_81] {strides = array<i32>} : memref<80x128xf32, #tpu.memory_space<vmem>>, vector<1x16xf32>,
        %get3A_83 = vector.shape_cast %get3A_82 : vector<1x16xf32> to vector<16xf32>
        %get3A_84 = arith.index_cast %scan3A_47 : i32 to index
        %get3A_85 = arith.constant 32 : index
        %get3A_86 = tpu.vector_load %arg9[%get3A_84, %get3A_85] {strides = array<i32>} : memref<80x128xf32, #tpu.memory_space<vmem>>, vector<1x16xf32>,
        %get3A_87 = vector.shape_cast %get3A_86 : vector<1x16xf32> to vector<16xf32>
        %add3A_88 = arith.addf %get3A_83, %get3A_87 : vector<16xf32>
        %max3A_89 = arith.constant 0.000000e+00 : f32
        %max3A_90 = vector.broadcast %max3A_89 : f32 to vector<16xf32>
        %max3A_91 = arith.maximumf %add3A_88, %max3A_90 : vector<16xf32>
        %swap3A_92 = arith.index_cast %scan3A_47 : i32 to index
        %swap3A_93 = arith.constant 32 : index
        %swap3A_94 = tpu.vector_load %arg10[%swap3A_92, %swap3A_93] {strides = array<i32>} : memref<80x128xf32, #tpu.memory_space<vmem>>, vector<1x16xf32>,
        %swap3A_95 = vector.shape_cast %swap3A_94 : vector<1x16xf32> to vector<16xf32>
        %swap3A_96 = vector.shape_cast %max3A_91 : vector<16xf32> to vector<1x16xf32>
        tpu.vector_store %arg10[%swap3A_92, %swap3A_93], %swap3A_96 {strides = array<i32>} : memref<80x128xf32, #tpu.memory_space<vmem>>, vector<1x16xf32>,
        %get3A_97 = arith.index_cast %scan3A_47 : i32 to index
        %get3A_98 = arith.constant 48 : index
        %get3A_99 = tpu.vector_load %arg10[%get3A_97, %get3A_98] {strides = array<i32>} : memref<80x128xf32, #tpu.memory_space<vmem>>, vector<1x16xf32>,
        %get3A_100 = vector.shape_cast %get3A_99 : vector<1x16xf32> to vector<16xf32>
        %get3A_101 = arith.index_cast %scan3A_47 : i32 to index
        %get3A_102 = arith.constant 48 : index
        %get3A_103 = tpu.vector_load %arg9[%get3A_101, %get3A_102] {strides = array<i32>} : memref<80x128xf32, #tpu.memory_space<vmem>>, vector<1x16xf32>,
        %get3A_104 = vector.shape_cast %get3A_103 : vector<1x16xf32> to vector<16xf32>
        %add3A_105 = arith.addf %get3A_100, %get3A_104 : vector<16xf32>
        %max3A_106 = arith.constant 0.000000e+00 : f32
        %max3A_107 = vector.broadcast %max3A_106 : f32 to vector<16xf32>
        %max3A_108 = arith.maximumf %add3A_105, %max3A_107 : vector<16xf32>
        %swap3A_109 = arith.index_cast %scan3A_47 : i32 to index
        %swap3A_110 = arith.constant 48 : index
        %swap3A_111 = tpu.vector_load %arg10[%swap3A_109, %swap3A_110] {strides = array<i32>} : memref<80x128xf32, #tpu.memory_space<vmem>>, vector<1x16xf32>,
        %swap3A_112 = vector.shape_cast %swap3A_111 : vector<1x16xf32> to vector<16xf32>
        %swap3A_113 = vector.shape_cast %max3A_108 : vector<16xf32> to vector<1x16xf32>
        tpu.vector_store %arg10[%swap3A_109, %swap3A_110], %swap3A_113 {strides = array<i32>} : memref<80x128xf32, #tpu.memory_space<vmem>>, vector<1x16xf32>,
        %get3A_114 = arith.index_cast %scan3A_47 : i32 to index
        %get3A_115 = arith.constant 64 : index
        %get3A_116 = tpu.vector_load %arg10[%get3A_114, %get3A_115] {strides = array<i32>} : memref<80x128xf32, #tpu.memory_space<vmem>>, vector<1x16xf32>,
        %get3A_117 = vector.shape_cast %get3A_116 : vector<1x16xf32> to vector<16xf32>
        %get3A_118 = arith.index_cast %scan3A_47 : i32 to index
        %get3A_119 = arith.constant 64 : index
        %get3A_120 = tpu.vector_load %arg9[%get3A_118, %get3A_119] {strides = array<i32>} : memref<80x128xf32, #tpu.memory_space<vmem>>, vector<1x16xf32>,
        %get3A_121 = vector.shape_cast %get3A_120 : vector<1x16xf32> to vector<16xf32>
        %add3A_122 = arith.addf %get3A_117, %get3A_121 : vector<16xf32>
        %max3A_123 = arith.constant 0.000000e+00 : f32
        %max3A_124 = vector.broadcast %max3A_123 : f32 to vector<16xf32>
        %max3A_125 = arith.maximumf %add3A_122, %max3A_124 : vector<16xf32>
        %swap3A_126 = arith.index_cast %scan3A_47 : i32 to index
        %swap3A_127 = arith.constant 64 : index
        %swap3A_128 = tpu.vector_load %arg10[%swap3A_126, %swap3A_127] {strides = array<i32>} : memref<80x128xf32, #tpu.memory_space<vmem>>, vector<1x16xf32>,
        %swap3A_129 = vector.shape_cast %swap3A_128 : vector<1x16xf32> to vector<16xf32>
        %swap3A_130 = vector.shape_cast %max3A_125 : vector<16xf32> to vector<1x16xf32>
        tpu.vector_store %arg10[%swap3A_126, %swap3A_127], %swap3A_130 {strides = array<i32>} : memref<80x128xf32, #tpu.memory_space<vmem>>, vector<1x16xf32>,
        %get3A_131 = arith.index_cast %scan3A_47 : i32 to index
        %get3A_132 = arith.constant 80 : index
        %get3A_133 = tpu.vector_load %arg10[%get3A_131, %get3A_132] {strides = array<i32>} : memref<80x128xf32, #tpu.memory_space<vmem>>, vector<1x16xf32>,
        %get3A_134 = vector.shape_cast %get3A_133 : vector<1x16xf32> to vector<16xf32>
        %get3A_135 = arith.index_cast %scan3A_47 : i32 to index
        %get3A_136 = arith.constant 80 : index
        %get3A_137 = tpu.vector_load %arg9[%get3A_135, %get3A_136] {strides = array<i32>} : memref<80x128xf32, #tpu.memory_space<vmem>>, vector<1x16xf32>,
        %get3A_138 = vector.shape_cast %get3A_137 : vector<1x16xf32> to vector<16xf32>
        %add3A_139 = arith.addf %get3A_134, %get3A_138 : vector<16xf32>
        %max3A_140 = arith.constant 0.000000e+00 : f32
        %max3A_141 = vector.broadcast %max3A_140 : f32 to vector<16xf32>
        %max3A_142 = arith.maximumf %add3A_139, %max3A_141 : vector<16xf32>
        %swap3A_143 = arith.index_cast %scan3A_47 : i32 to index
        %swap3A_144 = arith.constant 80 : index
        %swap3A_145 = tpu.vector_load %arg10[%swap3A_143, %swap3A_144] {strides = array<i32>} : memref<80x128xf32, #tpu.memory_space<vmem>>, vector<1x16xf32>,
        %swap3A_146 = vector.shape_cast %swap3A_145 : vector<1x16xf32> to vector<16xf32>
        %swap3A_147 = vector.shape_cast %max3A_142 : vector<16xf32> to vector<1x16xf32>
        tpu.vector_store %arg10[%swap3A_143, %swap3A_144], %swap3A_147 {strides = array<i32>} : memref<80x128xf32, #tpu.memory_space<vmem>>, vector<1x16xf32>,
        %get3A_148 = arith.index_cast %scan3A_47 : i32 to index
        %get3A_149 = arith.constant 96 : index
        %get3A_150 = tpu.vector_load %arg10[%get3A_148, %get3A_149] {strides = array<i32>} : memref<80x128xf32, #tpu.memory_space<vmem>>, vector<1x16xf32>,
        %get3A_151 = vector.shape_cast %get3A_150 : vector<1x16xf32> to vector<16xf32>
        %get3A_152 = arith.index_cast %scan3A_47 : i32 to index
        %get3A_153 = arith.constant 96 : index
        %get3A_154 = tpu.vector_load %arg9[%get3A_152, %get3A_153] {strides = array<i32>} : memref<80x128xf32, #tpu.memory_space<vmem>>, vector<1x16xf32>,
        %get3A_155 = vector.shape_cast %get3A_154 : vector<1x16xf32> to vector<16xf32>
        %add3A_156 = arith.addf %get3A_151, %get3A_155 : vector<16xf32>
        %max3A_157 = arith.constant 0.000000e+00 : f32
        %max3A_158 = vector.broadcast %max3A_157 : f32 to vector<16xf32>
        %max3A_159 = arith.maximumf %add3A_156, %max3A_158 : vector<16xf32>
        %swap3A_160 = arith.index_cast %scan3A_47 : i32 to index
        %swap3A_161 = arith.constant 96 : index
        %swap3A_162 = tpu.vector_load %arg10[%swap3A_160, %swap3A_161] {strides = array<i32>} : memref<80x128xf32, #tpu.memory_space<vmem>>, vector<1x16xf32>,
        %swap3A_163 = vector.shape_cast %swap3A_162 : vector<1x16xf32> to vector<16xf32>
        %swap3A_164 = vector.shape_cast %max3A_159 : vector<16xf32> to vector<1x16xf32>
        tpu.vector_store %arg10[%swap3A_160, %swap3A_161], %swap3A_164 {strides = array<i32>} : memref<80x128xf32, #tpu.memory_space<vmem>>, vector<1x16xf32>,
        %get3A_165 = arith.index_cast %scan3A_47 : i32 to index
        %get3A_166 = arith.constant 112 : index
        %get3A_167 = tpu.vector_load %arg10[%get3A_165, %get3A_166] {strides = array<i32>} : memref<80x128xf32, #tpu.memory_space<vmem>>, vector<1x16xf32>,
        %get3A_168 = vector.shape_cast %get3A_167 : vector<1x16xf32> to vector<16xf32>
        %get3A_169 = arith.index_cast %scan3A_47 : i32 to index
        %get3A_170 = arith.constant 112 : index
        %get3A_171 = tpu.vector_load %arg9[%get3A_169, %get3A_170] {strides = array<i32>} : memref<80x128xf32, #tpu.memory_space<vmem>>, vector<1x16xf32>,
        %get3A_172 = vector.shape_cast %get3A_171 : vector<1x16xf32> to vector<16xf32>
        %add3A_173 = arith.addf %get3A_168, %get3A_172 : vector<16xf32>
        %max3A_174 = arith.constant 0.000000e+00 : f32
        %max3A_175 = vector.broadcast %max3A_174 : f32 to vector<16xf32>
        %max3A_176 = arith.maximumf %add3A_173, %max3A_175 : vector<16xf32>
        %swap3A_177 = arith.index_cast %scan3A_47 : i32 to index
        %swap3A_178 = arith.constant 112 : index
        %swap3A_179 = tpu.vector_load %arg10[%swap3A_177, %swap3A_178] {strides = array<i32>} : memref<80x128xf32, #tpu.memory_space<vmem>>, vector<1x16xf32>,
        %swap3A_180 = vector.shape_cast %swap3A_179 : vector<1x16xf32> to vector<16xf32>
        %swap3A_181 = vector.shape_cast %max3A_176 : vector<16xf32> to vector<1x16xf32>
        tpu.vector_store %arg10[%swap3A_177, %swap3A_178], %swap3A_181 {strides = array<i32>} : memref<80x128xf32, #tpu.memory_space<vmem>>, vector<1x16xf32>,
        %scan3A_182 = arith.constant 0 : i32
        %scan3A_183 = arith.constant 1 : i32
        %scan3A_184 = arith.addi %scan3A_47, %scan3A_183 : i32
        %get3A_185 = arith.index_cast %scan3A_184 : i32 to index
        %get3A_186 = arith.constant 0 : index
        %get3A_187 = tpu.vector_load %arg10[%get3A_185, %get3A_186] {strides = array<i32>} : memref<80x128xf32, #tpu.memory_space<vmem>>, vector<1x16xf32>,
        %get3A_188 = vector.shape_cast %get3A_187 : vector<1x16xf32> to vector<16xf32>
        %get3A_189 = arith.index_cast %scan3A_184 : i32 to index
        %get3A_190 = arith.constant 0 : index
        %get3A_191 = tpu.vector_load %arg9[%get3A_189, %get3A_190] {strides = array<i32>} : memref<80x128xf32, #tpu.memory_space<vmem>>, vector<1x16xf32>,
        %get3A_192 = vector.shape_cast %get3A_191 : vector<1x16xf32> to vector<16xf32>
        %add3A_193 = arith.addf %get3A_188, %get3A_192 : vector<16xf32>
        %max3A_194 = arith.constant 0.000000e+00 : f32
        %max3A_195 = vector.broadcast %max3A_194 : f32 to vector<16xf32>
        %max3A_196 = arith.maximumf %add3A_193, %max3A_195 : vector<16xf32>
        %swap3A_197 = arith.index_cast %scan3A_184 : i32 to index
        %swap3A_198 = arith.constant 0 : index
        %swap3A_199 = tpu.vector_load %arg10[%swap3A_197, %swap3A_198] {strides = array<i32>} : memref<80x128xf32, #tpu.memory_space<vmem>>, vector<1x16xf32>,
        %swap3A_200 = vector.shape_cast %swap3A_199 : vector<1x16xf32> to vector<16xf32>
        %swap3A_201 = vector.shape_cast %max3A_196 : vector<16xf32> to vector<1x16xf32>
        tpu.vector_store %arg10[%swap3A_197, %swap3A_198], %swap3A_201 {strides = array<i32>} : memref<80x128xf32, #tpu.memory_space<vmem>>, vector<1x16xf32>,
        %get3A_202 = arith.index_cast %scan3A_184 : i32 to index
        %get3A_203 = arith.constant 16 : index
        %get3A_204 = tpu.vector_load %arg10[%get3A_202, %get3A_203] {strides = array<i32>} : memref<80x128xf32, #tpu.memory_space<vmem>>, vector<1x16xf32>,
        %get3A_205 = vector.shape_cast %get3A_204 : vector<1x16xf32> to vector<16xf32>
        %get3A_206 = arith.index_cast %scan3A_184 : i32 to index
        %get3A_207 = arith.constant 16 : index
        %get3A_208 = tpu.vector_load %arg9[%get3A_206, %get3A_207] {strides = array<i32>} : memref<80x128xf32, #tpu.memory_space<vmem>>, vector<1x16xf32>,
        %get3A_209 = vector.shape_cast %get3A_208 : vector<1x16xf32> to vector<16xf32>
        %add3A_210 = arith.addf %get3A_205, %get3A_209 : vector<16xf32>
        %max3A_211 = arith.constant 0.000000e+00 : f32
        %max3A_212 = vector.broadcast %max3A_211 : f32 to vector<16xf32>
        %max3A_213 = arith.maximumf %add3A_210, %max3A_212 : vector<16xf32>
        %swap3A_214 = arith.index_cast %scan3A_184 : i32 to index
        %swap3A_215 = arith.constant 16 : index
        %swap3A_216 = tpu.vector_load %arg10[%swap3A_214, %swap3A_215] {strides = array<i32>} : memref<80x128xf32, #tpu.memory_space<vmem>>, vector<1x16xf32>,
        %swap3A_217 = vector.shape_cast %swap3A_216 : vector<1x16xf32> to vector<16xf32>
        %swap3A_218 = vector.shape_cast %max3A_213 : vector<16xf32> to vector<1x16xf32>
        tpu.vector_store %arg10[%swap3A_214, %swap3A_215], %swap3A_218 {strides = array<i32>} : memref<80x128xf32, #tpu.memory_space<vmem>>, vector<1x16xf32>,
        %get3A_219 = arith.index_cast %scan3A_184 : i32 to index
        %get3A_220 = arith.constant 32 : index
        %get3A_221 = tpu.vector_load %arg10[%get3A_219, %get3A_220] {strides = array<i32>} : memref<80x128xf32, #tpu.memory_space<vmem>>, vector<1x16xf32>,
        %get3A_222 = vector.shape_cast %get3A_221 : vector<1x16xf32> to vector<16xf32>
        %get3A_223 = arith.index_cast %scan3A_184 : i32 to index
        %get3A_224 = arith.constant 32 : index
        %get3A_225 = tpu.vector_load %arg9[%get3A_223, %get3A_224] {strides = array<i32>} : memref<80x128xf32, #tpu.memory_space<vmem>>, vector<1x16xf32>,
        %get3A_226 = vector.shape_cast %get3A_225 : vector<1x16xf32> to vector<16xf32>
        %add3A_227 = arith.addf %get3A_222, %get3A_226 : vector<16xf32>
        %max3A_228 = arith.constant 0.000000e+00 : f32
        %max3A_229 = vector.broadcast %max3A_228 : f32 to vector<16xf32>
        %max3A_230 = arith.maximumf %add3A_227, %max3A_229 : vector<16xf32>
        %swap3A_231 = arith.index_cast %scan3A_184 : i32 to index
        %swap3A_232 = arith.constant 32 : index
        %swap3A_233 = tpu.vector_load %arg10[%swap3A_231, %swap3A_232] {strides = array<i32>} : memref<80x128xf32, #tpu.memory_space<vmem>>, vector<1x16xf32>,
        %swap3A_234 = vector.shape_cast %swap3A_233 : vector<1x16xf32> to vector<16xf32>
        %swap3A_235 = vector.shape_cast %max3A_230 : vector<16xf32> to vector<1x16xf32>
        tpu.vector_store %arg10[%swap3A_231, %swap3A_232], %swap3A_235 {strides = array<i32>} : memref<80x128xf32, #tpu.memory_space<vmem>>, vector<1x16xf32>,
        %get3A_236 = arith.index_cast %scan3A_184 : i32 to index
        %get3A_237 = arith.constant 48 : index
        %get3A_238 = tpu.vector_load %arg10[%get3A_236, %get3A_237] {strides = array<i32>} : memref<80x128xf32, #tpu.memory_space<vmem>>, vector<1x16xf32>,
        %get3A_239 = vector.shape_cast %get3A_238 : vector<1x16xf32> to vector<16xf32>
        %get3A_240 = arith.index_cast %scan3A_184 : i32 to index
        %get3A_241 = arith.constant 48 : index
        %get3A_242 = tpu.vector_load %arg9[%get3A_240, %get3A_241] {strides = array<i32>} : memref<80x128xf32, #tpu.memory_space<vmem>>, vector<1x16xf32>,
        %get3A_243 = vector.shape_cast %get3A_242 : vector<1x16xf32> to vector<16xf32>
        %add3A_244 = arith.addf %get3A_239, %get3A_243 : vector<16xf32>
        %max3A_245 = arith.constant 0.000000e+00 : f32
        %max3A_246 = vector.broadcast %max3A_245 : f32 to vector<16xf32>
        %max3A_247 = arith.maximumf %add3A_244, %max3A_246 : vector<16xf32>
        %swap3A_248 = arith.index_cast %scan3A_184 : i32 to index
        %swap3A_249 = arith.constant 48 : index
        %swap3A_250 = tpu.vector_load %arg10[%swap3A_248, %swap3A_249] {strides = array<i32>} : memref<80x128xf32, #tpu.memory_space<vmem>>, vector<1x16xf32>,
        %swap3A_251 = vector.shape_cast %swap3A_250 : vector<1x16xf32> to vector<16xf32>
        %swap3A_252 = vector.shape_cast %max3A_247 : vector<16xf32> to vector<1x16xf32>
        tpu.vector_store %arg10[%swap3A_248, %swap3A_249], %swap3A_252 {strides = array<i32>} : memref<80x128xf32, #tpu.memory_space<vmem>>, vector<1x16xf32>,
        %get3A_253 = arith.index_cast %scan3A_184 : i32 to index
        %get3A_254 = arith.constant 64 : index
        %get3A_255 = tpu.vector_load %arg10[%get3A_253, %get3A_254] {strides = array<i32>} : memref<80x128xf32, #tpu.memory_space<vmem>>, vector<1x16xf32>,
        %get3A_256 = vector.shape_cast %get3A_255 : vector<1x16xf32> to vector<16xf32>
        %get3A_257 = arith.index_cast %scan3A_184 : i32 to index
        %get3A_258 = arith.constant 64 : index
        %get3A_259 = tpu.vector_load %arg9[%get3A_257, %get3A_258] {strides = array<i32>} : memref<80x128xf32, #tpu.memory_space<vmem>>, vector<1x16xf32>,
        %get3A_260 = vector.shape_cast %get3A_259 : vector<1x16xf32> to vector<16xf32>
        %add3A_261 = arith.addf %get3A_256, %get3A_260 : vector<16xf32>
        %max3A_262 = arith.constant 0.000000e+00 : f32
        %max3A_263 = vector.broadcast %max3A_262 : f32 to vector<16xf32>
        %max3A_264 = arith.maximumf %add3A_261, %max3A_263 : vector<16xf32>
        %swap3A_265 = arith.index_cast %scan3A_184 : i32 to index
        %swap3A_266 = arith.constant 64 : index
        %swap3A_267 = tpu.vector_load %arg10[%swap3A_265, %swap3A_266] {strides = array<i32>} : memref<80x128xf32, #tpu.memory_space<vmem>>, vector<1x16xf32>,
        %swap3A_268 = vector.shape_cast %swap3A_267 : vector<1x16xf32> to vector<16xf32>
        %swap3A_269 = vector.shape_cast %max3A_264 : vector<16xf32> to vector<1x16xf32>
        tpu.vector_store %arg10[%swap3A_265, %swap3A_266], %swap3A_269 {strides = array<i32>} : memref<80x128xf32, #tpu.memory_space<vmem>>, vector<1x16xf32>,
        %get3A_270 = arith.index_cast %scan3A_184 : i32 to index
        %get3A_271 = arith.constant 80 : index
        %get3A_272 = tpu.vector_load %arg10[%get3A_270, %get3A_271] {strides = array<i32>} : memref<80x128xf32, #tpu.memory_space<vmem>>, vector<1x16xf32>,
        %get3A_273 = vector.shape_cast %get3A_272 : vector<1x16xf32> to vector<16xf32>
        %get3A_274 = arith.index_cast %scan3A_184 : i32 to index
        %get3A_275 = arith.constant 80 : index
        %get3A_276 = tpu.vector_load %arg9[%get3A_274, %get3A_275] {strides = array<i32>} : memref<80x128xf32, #tpu.memory_space<vmem>>, vector<1x16xf32>,
        %get3A_277 = vector.shape_cast %get3A_276 : vector<1x16xf32> to vector<16xf32>
        %add3A_278 = arith.addf %get3A_273, %get3A_277 : vector<16xf32>
        %max3A_279 = arith.constant 0.000000e+00 : f32
        %max3A_280 = vector.broadcast %max3A_279 : f32 to vector<16xf32>
        %max3A_281 = arith.maximumf %add3A_278, %max3A_280 : vector<16xf32>
        %swap3A_282 = arith.index_cast %scan3A_184 : i32 to index
        %swap3A_283 = arith.constant 80 : index
        %swap3A_284 = tpu.vector_load %arg10[%swap3A_282, %swap3A_283] {strides = array<i32>} : memref<80x128xf32, #tpu.memory_space<vmem>>, vector<1x16xf32>,
        %swap3A_285 = vector.shape_cast %swap3A_284 : vector<1x16xf32> to vector<16xf32>
        %swap3A_286 = vector.shape_cast %max3A_281 : vector<16xf32> to vector<1x16xf32>
        tpu.vector_store %arg10[%swap3A_282, %swap3A_283], %swap3A_286 {strides = array<i32>} : memref<80x128xf32, #tpu.memory_space<vmem>>, vector<1x16xf32>,
        %get3A_287 = arith.index_cast %scan3A_184 : i32 to index
        %get3A_288 = arith.constant 96 : index
        %get3A_289 = tpu.vector_load %arg10[%get3A_287, %get3A_288] {strides = array<i32>} : memref<80x128xf32, #tpu.memory_space<vmem>>, vector<1x16xf32>,
        %get3A_290 = vector.shape_cast %get3A_289 : vector<1x16xf32> to vector<16xf32>
        %get3A_291 = arith.index_cast %scan3A_184 : i32 to index
        %get3A_292 = arith.constant 96 : index
        %get3A_293 = tpu.vector_load %arg9[%get3A_291, %get3A_292] {strides = array<i32>} : memref<80x128xf32, #tpu.memory_space<vmem>>, vector<1x16xf32>,
        %get3A_294 = vector.shape_cast %get3A_293 : vector<1x16xf32> to vector<16xf32>
        %add3A_295 = arith.addf %get3A_290, %get3A_294 : vector<16xf32>
        %max3A_296 = arith.constant 0.000000e+00 : f32
        %max3A_297 = vector.broadcast %max3A_296 : f32 to vector<16xf32>
        %max3A_298 = arith.maximumf %add3A_295, %max3A_297 : vector<16xf32>
        %swap3A_299 = arith.index_cast %scan3A_184 : i32 to index
        %swap3A_300 = arith.constant 96 : index
        %swap3A_301 = tpu.vector_load %arg10[%swap3A_299, %swap3A_300] {strides = array<i32>} : memref<80x128xf32, #tpu.memory_space<vmem>>, vector<1x16xf32>,
        %swap3A_302 = vector.shape_cast %swap3A_301 : vector<1x16xf32> to vector<16xf32>
        %swap3A_303 = vector.shape_cast %max3A_298 : vector<16xf32> to vector<1x16xf32>
        tpu.vector_store %arg10[%swap3A_299, %swap3A_300], %swap3A_303 {strides = array<i32>} : memref<80x128xf32, #tpu.memory_space<vmem>>, vector<1x16xf32>,
        %get3A_304 = arith.index_cast %scan3A_184 : i32 to index
        %get3A_305 = arith.constant 112 : index
        %get3A_306 = tpu.vector_load %arg10[%get3A_304, %get3A_305] {strides = array<i32>} : memref<80x128xf32, #tpu.memory_space<vmem>>, vector<1x16xf32>,
        %get3A_307 = vector.shape_cast %get3A_306 : vector<1x16xf32> to vector<16xf32>
        %get3A_308 = arith.index_cast %scan3A_184 : i32 to index
        %get3A_309 = arith.constant 112 : index
        %get3A_310 = tpu.vector_load %arg9[%get3A_308, %get3A_309] {strides = array<i32>} : memref<80x128xf32, #tpu.memory_space<vmem>>, vector<1x16xf32>,
        %get3A_311 = vector.shape_cast %get3A_310 : vector<1x16xf32> to vector<16xf32>
        %add3A_312 = arith.addf %get3A_307, %get3A_311 : vector<16xf32>
        %max3A_313 = arith.constant 0.000000e+00 : f32
        %max3A_314 = vector.broadcast %max3A_313 : f32 to vector<16xf32>
        %max3A_315 = arith.maximumf %add3A_312, %max3A_314 : vector<16xf32>
        %swap3A_316 = arith.index_cast %scan3A_184 : i32 to index
        %swap3A_317 = arith.constant 112 : index
        %swap3A_318 = tpu.vector_load %arg10[%swap3A_316, %swap3A_317] {strides = array<i32>} : memref<80x128xf32, #tpu.memory_space<vmem>>, vector<1x16xf32>,
        %swap3A_319 = vector.shape_cast %swap3A_318 : vector<1x16xf32> to vector<16xf32>
        %swap3A_320 = vector.shape_cast %max3A_315 : vector<16xf32> to vector<1x16xf32>
        tpu.vector_store %arg10[%swap3A_316, %swap3A_317], %swap3A_320 {strides = array<i32>} : memref<80x128xf32, #tpu.memory_space<vmem>>, vector<1x16xf32>,
        %scan3A_321 = arith.constant 0 : i32
        scf.yield %scan3A_321 : i32
      }
      %scan3A_45 = arith.constant 80 : i32
      "tpu.region"() ({
        %run_scoped3A = tpu.sem_alloc : memref<!tpu.dma_semaphore, #tpu.memory_space<semaphore_mem>>
        %dma_start3A_47 = arith.constant 0 : i32
        %dma_start3A_48 = arith.constant 0 : i32
        %dma_start3A_49 = tpu.memref_slice %arg12[%dma_start3A_47, %dma_start3A_48] : memref<10240x128xf32, #tpu.memory_space<vmem_shared>> -> memref<10240x128xf32, #tpu.memory_space<vmem_shared>>
        tpu.enqueue_indirect_dma source(%arg10 : memref<80x128xf32, #tpu.memory_space<vmem>>) target(%dma_start3A_49 : memref<10240x128xf32, #tpu.memory_space<vmem_shared>>) offsets(%arg8 : memref<80xi32, #tpu.memory_space<vmem>>) semaphore(%run_scoped3A : memref<!tpu.dma_semaphore, #tpu.memory_space<semaphore_mem>>) {add = true}
        %dma_wait3A_50 = arith.constant 0 : i32
        %dma_wait3A_51 = arith.constant 0 : i32
        %dma_wait3A_52 = tpu.memref_slice %arg12[%dma_wait3A_50, %dma_wait3A_51] : memref<10240x128xf32, #tpu.memory_space<vmem_shared>> -> memref<10240x128xf32, #tpu.memory_space<vmem_shared>>
        tpu.wait_indirect_dma semaphore(%run_scoped3A : memref<!tpu.dma_semaphore, #tpu.memory_space<semaphore_mem>>) src(%arg10 : memref<80x128xf32, #tpu.memory_space<vmem>>) dst(%dma_wait3A_52 : memref<10240x128xf32, #tpu.memory_space<vmem_shared>>)
        tpu.yield
      }) : () -> ()
      %scan3A_46 = arith.constant 0 : i32
      scf.yield %scan3A_46 : i32
    }
    %scan3A_28 = arith.constant 125 : i32
    %barrier3A_29 = arith.constant 0 : index
    tpu.barrier barrier_id(%barrier3A_29)
    "tpu.region"() ({
      %run_scoped3A = tpu.sem_alloc : memref<!tpu.dma_semaphore, #tpu.memory_space<semaphore_mem>>
      %dma_start3A = arith.constant 0 : i32
      %dma_start3A_30 = tpu.memref_slice %arg6[%arg0, %mul3A_9, %dma_start3A] : memref<2x10240x128xf32, #tpu.memory_space<hbm>> -> memref<1x640x128xf32, #tpu.memory_space<hbm>>
      %dma_start3A_31 = tpu.memref_squeeze %dma_start3A_30 : memref<1x640x128xf32, #tpu.memory_space<hbm>> -> memref<640x128xf32, #tpu.memory_space<hbm>>
      %dma_start3A_32 = arith.constant 0 : i32
      %dma_start3A_33 = tpu.memref_slice %arg12[%mul3A_9, %dma_start3A_32] : memref<10240x128xf32, #tpu.memory_space<vmem_shared>> -> memref<640x128xf32, #tpu.memory_space<vmem_shared>>
      tpu.enqueue_dma source(%dma_start3A_33 : memref<640x128xf32, #tpu.memory_space<vmem_shared>>) target(%dma_start3A_31 : memref<640x128xf32, #tpu.memory_space<hbm>>) target_semaphore(%run_scoped3A : memref<!tpu.dma_semaphore, #tpu.memory_space<semaphore_mem>>)
      %dma_wait3A = arith.constant 0 : i32
      %dma_wait3A_34 = tpu.memref_slice %arg6[%arg0, %mul3A_9, %dma_wait3A] : memref<2x10240x128xf32, #tpu.memory_space<hbm>> -> memref<1x640x128xf32, #tpu.memory_space<hbm>>
      %dma_wait3A_35 = tpu.memref_squeeze %dma_wait3A_34 : memref<1x640x128xf32, #tpu.memory_space<hbm>> -> memref<640x128xf32, #tpu.memory_space<hbm>>
      %dma_wait3A_36 = arith.constant 0 : i32
      %dma_wait3A_37 = tpu.memref_slice %arg12[%mul3A_9, %dma_wait3A_36] : memref<10240x128xf32, #tpu.memory_space<vmem_shared>> -> memref<640x128xf32, #tpu.memory_space<vmem_shared>>
      tpu.wait_dma2 semaphore(%run_scoped3A : memref<!tpu.dma_semaphore, #tpu.memory_space<semaphore_mem>>) src(%dma_wait3A_37 : memref<640x128xf32, #tpu.memory_space<vmem_shared>>) dst(%dma_wait3A_35 : memref<640x128xf32, #tpu.memory_space<hbm>>)
      tpu.yield
    }) : () -> ()
    return
  }
}

#map = affine_map<(d0, d1) -> (0, 0)>
#map1 = affine_map<(d0, d1) -> (0)>
#map2 = affine_map<(d0, d1) -> (0, 0, 0)>
module attributes {stable_mosaic.version = 14 : i64} {
  func.func @_sc_scatter_body(%arg0: i32, %arg1: i32, %arg2: memref<10240x128xf32, #tpu.memory_space<hbm>>, %arg3: memref<320000x128xf32, #tpu.memory_space<hbm>>, %arg4: memref<320000xi32, #tpu.memory_space<hbm>>, %arg5: memref<320000xi32, #tpu.memory_space<hbm>>, %arg6: memref<2x10240x128xf32, #tpu.memory_space<hbm>>, %arg7: memref<80xi32, #tpu.memory_space<vmem>>, %arg8: memref<80xi32, #tpu.memory_space<vmem>>, %arg9: memref<80x128xf32, #tpu.memory_space<vmem>>, %arg10: memref<80x128xf32, #tpu.memory_space<vmem>>, %arg11: memref<128x128xf32, #tpu.memory_space<vmem>>, %arg12: memref<10240x128xf32, #tpu.memory_space<vmem_shared>>, %arg13: memref<!tpu.dma_semaphore, #tpu.memory_space<semaphore_mem>>) attributes {dimension_semantics = [#tpu.dimension_semantics<core_parallel>, #tpu.dimension_semantics<subcore_parallel>], iteration_bounds = array<i64: 2, 16>, scalar_prefetch = 0 : i64, scratch_operands = 7 : i64, tpu.core_type = #tpu.core_type<sc_vector_subcore>, window_params = [{transform_indices = #map}, {transform_indices = #map}, {transform_indices = #map1}, {transform_indices = #map1}, {transform_indices = #map2}]} {
    %mul3A = arith.constant 16 : i32
    %mul3A_0 = arith.muli %arg0, %mul3A : i32
    %add3A = arith.addi %mul3A_0, %arg1 : i32
    %broadcast_in_dim3A = arith.constant 0.000000e+00 : f32
    %broadcast_in_dim3A_1 = vector.broadcast %broadcast_in_dim3A : f32 to vector<16xf32>
    %scan3A = arith.constant 0 : i32
    %scan3A_2 = arith.constant 0 : i32
    %scan3A_3 = arith.constant 128 : i32
    %scan3A_4 = arith.addi %scan3A_2, %scan3A_3 : i32
    %scan3A_5 = arith.constant 4 : i32
    %scan3A_6 = scf.for %scan3A_30 = %scan3A_2 to %scan3A_4 step %scan3A_5 iter_args(%scan3A_31 = %scan3A) -> (i32)  : i32 {
      %swap3A = arith.index_cast %scan3A_30 : i32 to index
      %swap3A_32 = arith.constant 0 : index
      %swap3A_33 = tpu.vector_load %arg11[%swap3A, %swap3A_32] {strides = array<i32>} : memref<128x128xf32, #tpu.memory_space<vmem>>, vector<1x16xf32>,
      %swap3A_34 = vector.shape_cast %swap3A_33 : vector<1x16xf32> to vector<16xf32>
      %swap3A_35 = vector.shape_cast %broadcast_in_dim3A_1 : vector<16xf32> to vector<1x16xf32>
      tpu.vector_store %arg11[%swap3A, %swap3A_32], %swap3A_35 {strides = array<i32>} : memref<128x128xf32, #tpu.memory_space<vmem>>, vector<1x16xf32>,
      %swap3A_36 = arith.index_cast %scan3A_30 : i32 to index
      %swap3A_37 = arith.constant 16 : index
      %swap3A_38 = tpu.vector_load %arg11[%swap3A_36, %swap3A_37] {strides = array<i32>} : memref<128x128xf32, #tpu.memory_space<vmem>>, vector<1x16xf32>,
      %swap3A_39 = vector.shape_cast %swap3A_38 : vector<1x16xf32> to vector<16xf32>
      %swap3A_40 = vector.shape_cast %broadcast_in_dim3A_1 : vector<16xf32> to vector<1x16xf32>
      tpu.vector_store %arg11[%swap3A_36, %swap3A_37], %swap3A_40 {strides = array<i32>} : memref<128x128xf32, #tpu.memory_space<vmem>>, vector<1x16xf32>,
      %swap3A_41 = arith.index_cast %scan3A_30 : i32 to index
      %swap3A_42 = arith.constant 32 : index
      %swap3A_43 = tpu.vector_load %arg11[%swap3A_41, %swap3A_42] {strides = array<i32>} : memref<128x128xf32, #tpu.memory_space<vmem>>, vector<1x16xf32>,
      %swap3A_44 = vector.shape_cast %swap3A_43 : vector<1x16xf32> to vector<16xf32>
      %swap3A_45 = vector.shape_cast %broadcast_in_dim3A_1 : vector<16xf32> to vector<1x16xf32>
      tpu.vector_store %arg11[%swap3A_41, %swap3A_42], %swap3A_45 {strides = array<i32>} : memref<128x128xf32, #tpu.memory_space<vmem>>, vector<1x16xf32>,
      %swap3A_46 = arith.index_cast %scan3A_30 : i32 to index
      %swap3A_47 = arith.constant 48 : index
      %swap3A_48 = tpu.vector_load %arg11[%swap3A_46, %swap3A_47] {strides = array<i32>} : memref<128x128xf32, #tpu.memory_space<vmem>>, vector<1x16xf32>,
      %swap3A_49 = vector.shape_cast %swap3A_48 : vector<1x16xf32> to vector<16xf32>
      %swap3A_50 = vector.shape_cast %broadcast_in_dim3A_1 : vector<16xf32> to vector<1x16xf32>
      tpu.vector_store %arg11[%swap3A_46, %swap3A_47], %swap3A_50 {strides = array<i32>} : memref<128x128xf32, #tpu.memory_space<vmem>>, vector<1x16xf32>,
      %swap3A_51 = arith.index_cast %scan3A_30 : i32 to index
      %swap3A_52 = arith.constant 64 : index
      %swap3A_53 = tpu.vector_load %arg11[%swap3A_51, %swap3A_52] {strides = array<i32>} : memref<128x128xf32, #tpu.memory_space<vmem>>, vector<1x16xf32>,
      %swap3A_54 = vector.shape_cast %swap3A_53 : vector<1x16xf32> to vector<16xf32>
      %swap3A_55 = vector.shape_cast %broadcast_in_dim3A_1 : vector<16xf32> to vector<1x16xf32>
      tpu.vector_store %arg11[%swap3A_51, %swap3A_52], %swap3A_55 {strides = array<i32>} : memref<128x128xf32, #tpu.memory_space<vmem>>, vector<1x16xf32>,
      %swap3A_56 = arith.index_cast %scan3A_30 : i32 to index
      %swap3A_57 = arith.constant 80 : index
      %swap3A_58 = tpu.vector_load %arg11[%swap3A_56, %swap3A_57] {strides = array<i32>} : memref<128x128xf32, #tpu.memory_space<vmem>>, vector<1x16xf32>,
      %swap3A_59 = vector.shape_cast %swap3A_58 : vector<1x16xf32> to vector<16xf32>
      %swap3A_60 = vector.shape_cast %broadcast_in_dim3A_1 : vector<16xf32> to vector<1x16xf32>
      tpu.vector_store %arg11[%swap3A_56, %swap3A_57], %swap3A_60 {strides = array<i32>} : memref<128x128xf32, #tpu.memory_space<vmem>>, vector<1x16xf32>,
      %swap3A_61 = arith.index_cast %scan3A_30 : i32 to index
      %swap3A_62 = arith.constant 96 : index
      %swap3A_63 = tpu.vector_load %arg11[%swap3A_61, %swap3A_62] {strides = array<i32>} : memref<128x128xf32, #tpu.memory_space<vmem>>, vector<1x16xf32>,
      %swap3A_64 = vector.shape_cast %swap3A_63 : vector<1x16xf32> to vector<16xf32>
      %swap3A_65 = vector.shape_cast %broadcast_in_dim3A_1 : vector<16xf32> to vector<1x16xf32>
      tpu.vector_store %arg11[%swap3A_61, %swap3A_62], %swap3A_65 {strides = array<i32>} : memref<128x128xf32, #tpu.memory_space<vmem>>, vector<1x16xf32>,
      %swap3A_66 = arith.index_cast %scan3A_30 : i32 to index
      %swap3A_67 = arith.constant 112 : index
      %swap3A_68 = tpu.vector_load %arg11[%swap3A_66, %swap3A_67] {strides = array<i32>} : memref<128x128xf32, #tpu.memory_space<vmem>>, vector<1x16xf32>,
      %swap3A_69 = vector.shape_cast %swap3A_68 : vector<1x16xf32> to vector<16xf32>
      %swap3A_70 = vector.shape_cast %broadcast_in_dim3A_1 : vector<16xf32> to vector<1x16xf32>
      tpu.vector_store %arg11[%swap3A_66, %swap3A_67], %swap3A_70 {strides = array<i32>} : memref<128x128xf32, #tpu.memory_space<vmem>>, vector<1x16xf32>,
      %scan3A_71 = arith.constant 0 : i32
      %scan3A_72 = arith.constant 1 : i32
      %scan3A_73 = arith.addi %scan3A_30, %scan3A_72 : i32
      %swap3A_74 = arith.index_cast %scan3A_73 : i32 to index
      %swap3A_75 = arith.constant 0 : index
      %swap3A_76 = tpu.vector_load %arg11[%swap3A_74, %swap3A_75] {strides = array<i32>} : memref<128x128xf32, #tpu.memory_space<vmem>>, vector<1x16xf32>,
      %swap3A_77 = vector.shape_cast %swap3A_76 : vector<1x16xf32> to vector<16xf32>
      %swap3A_78 = vector.shape_cast %broadcast_in_dim3A_1 : vector<16xf32> to vector<1x16xf32>
      tpu.vector_store %arg11[%swap3A_74, %swap3A_75], %swap3A_78 {strides = array<i32>} : memref<128x128xf32, #tpu.memory_space<vmem>>, vector<1x16xf32>,
      %swap3A_79 = arith.index_cast %scan3A_73 : i32 to index
      %swap3A_80 = arith.constant 16 : index
      %swap3A_81 = tpu.vector_load %arg11[%swap3A_79, %swap3A_80] {strides = array<i32>} : memref<128x128xf32, #tpu.memory_space<vmem>>, vector<1x16xf32>,
      %swap3A_82 = vector.shape_cast %swap3A_81 : vector<1x16xf32> to vector<16xf32>
      %swap3A_83 = vector.shape_cast %broadcast_in_dim3A_1 : vector<16xf32> to vector<1x16xf32>
      tpu.vector_store %arg11[%swap3A_79, %swap3A_80], %swap3A_83 {strides = array<i32>} : memref<128x128xf32, #tpu.memory_space<vmem>>, vector<1x16xf32>,
      %swap3A_84 = arith.index_cast %scan3A_73 : i32 to index
      %swap3A_85 = arith.constant 32 : index
      %swap3A_86 = tpu.vector_load %arg11[%swap3A_84, %swap3A_85] {strides = array<i32>} : memref<128x128xf32, #tpu.memory_space<vmem>>, vector<1x16xf32>,
      %swap3A_87 = vector.shape_cast %swap3A_86 : vector<1x16xf32> to vector<16xf32>
      %swap3A_88 = vector.shape_cast %broadcast_in_dim3A_1 : vector<16xf32> to vector<1x16xf32>
      tpu.vector_store %arg11[%swap3A_84, %swap3A_85], %swap3A_88 {strides = array<i32>} : memref<128x128xf32, #tpu.memory_space<vmem>>, vector<1x16xf32>,
      %swap3A_89 = arith.index_cast %scan3A_73 : i32 to index
      %swap3A_90 = arith.constant 48 : index
      %swap3A_91 = tpu.vector_load %arg11[%swap3A_89, %swap3A_90] {strides = array<i32>} : memref<128x128xf32, #tpu.memory_space<vmem>>, vector<1x16xf32>,
      %swap3A_92 = vector.shape_cast %swap3A_91 : vector<1x16xf32> to vector<16xf32>
      %swap3A_93 = vector.shape_cast %broadcast_in_dim3A_1 : vector<16xf32> to vector<1x16xf32>
      tpu.vector_store %arg11[%swap3A_89, %swap3A_90], %swap3A_93 {strides = array<i32>} : memref<128x128xf32, #tpu.memory_space<vmem>>, vector<1x16xf32>,
      %swap3A_94 = arith.index_cast %scan3A_73 : i32 to index
      %swap3A_95 = arith.constant 64 : index
      %swap3A_96 = tpu.vector_load %arg11[%swap3A_94, %swap3A_95] {strides = array<i32>} : memref<128x128xf32, #tpu.memory_space<vmem>>, vector<1x16xf32>,
      %swap3A_97 = vector.shape_cast %swap3A_96 : vector<1x16xf32> to vector<16xf32>
      %swap3A_98 = vector.shape_cast %broadcast_in_dim3A_1 : vector<16xf32> to vector<1x16xf32>
      tpu.vector_store %arg11[%swap3A_94, %swap3A_95], %swap3A_98 {strides = array<i32>} : memref<128x128xf32, #tpu.memory_space<vmem>>, vector<1x16xf32>,
      %swap3A_99 = arith.index_cast %scan3A_73 : i32 to index
      %swap3A_100 = arith.constant 80 : index
      %swap3A_101 = tpu.vector_load %arg11[%swap3A_99, %swap3A_100] {strides = array<i32>} : memref<128x128xf32, #tpu.memory_space<vmem>>, vector<1x16xf32>,
      %swap3A_102 = vector.shape_cast %swap3A_101 : vector<1x16xf32> to vector<16xf32>
      %swap3A_103 = vector.shape_cast %broadcast_in_dim3A_1 : vector<16xf32> to vector<1x16xf32>
      tpu.vector_store %arg11[%swap3A_99, %swap3A_100], %swap3A_103 {strides = array<i32>} : memref<128x128xf32, #tpu.memory_space<vmem>>, vector<1x16xf32>,
      %swap3A_104 = arith.index_cast %scan3A_73 : i32 to index
      %swap3A_105 = arith.constant 96 : index
      %swap3A_106 = tpu.vector_load %arg11[%swap3A_104, %swap3A_105] {strides = array<i32>} : memref<128x128xf32, #tpu.memory_space<vmem>>, vector<1x16xf32>,
      %swap3A_107 = vector.shape_cast %swap3A_106 : vector<1x16xf32> to vector<16xf32>
      %swap3A_108 = vector.shape_cast %broadcast_in_dim3A_1 : vector<16xf32> to vector<1x16xf32>
      tpu.vector_store %arg11[%swap3A_104, %swap3A_105], %swap3A_108 {strides = array<i32>} : memref<128x128xf32, #tpu.memory_space<vmem>>, vector<1x16xf32>,
      %swap3A_109 = arith.index_cast %scan3A_73 : i32 to index
      %swap3A_110 = arith.constant 112 : index
      %swap3A_111 = tpu.vector_load %arg11[%swap3A_109, %swap3A_110] {strides = array<i32>} : memref<128x128xf32, #tpu.memory_space<vmem>>, vector<1x16xf32>,
      %swap3A_112 = vector.shape_cast %swap3A_111 : vector<1x16xf32> to vector<16xf32>
      %swap3A_113 = vector.shape_cast %broadcast_in_dim3A_1 : vector<16xf32> to vector<1x16xf32>
      tpu.vector_store %arg11[%swap3A_109, %swap3A_110], %swap3A_113 {strides = array<i32>} : memref<128x128xf32, #tpu.memory_space<vmem>>, vector<1x16xf32>,
      %scan3A_114 = arith.constant 0 : i32
      %scan3A_115 = arith.constant 2 : i32
      %scan3A_116 = arith.addi %scan3A_30, %scan3A_115 : i32
      %swap3A_117 = arith.index_cast %scan3A_116 : i32 to index
      %swap3A_118 = arith.constant 0 : index
      %swap3A_119 = tpu.vector_load %arg11[%swap3A_117, %swap3A_118] {strides = array<i32>} : memref<128x128xf32, #tpu.memory_space<vmem>>, vector<1x16xf32>,
      %swap3A_120 = vector.shape_cast %swap3A_119 : vector<1x16xf32> to vector<16xf32>
      %swap3A_121 = vector.shape_cast %broadcast_in_dim3A_1 : vector<16xf32> to vector<1x16xf32>
      tpu.vector_store %arg11[%swap3A_117, %swap3A_118], %swap3A_121 {strides = array<i32>} : memref<128x128xf32, #tpu.memory_space<vmem>>, vector<1x16xf32>,
      %swap3A_122 = arith.index_cast %scan3A_116 : i32 to index
      %swap3A_123 = arith.constant 16 : index
      %swap3A_124 = tpu.vector_load %arg11[%swap3A_122, %swap3A_123] {strides = array<i32>} : memref<128x128xf32, #tpu.memory_space<vmem>>, vector<1x16xf32>,
      %swap3A_125 = vector.shape_cast %swap3A_124 : vector<1x16xf32> to vector<16xf32>
      %swap3A_126 = vector.shape_cast %broadcast_in_dim3A_1 : vector<16xf32> to vector<1x16xf32>
      tpu.vector_store %arg11[%swap3A_122, %swap3A_123], %swap3A_126 {strides = array<i32>} : memref<128x128xf32, #tpu.memory_space<vmem>>, vector<1x16xf32>,
      %swap3A_127 = arith.index_cast %scan3A_116 : i32 to index
      %swap3A_128 = arith.constant 32 : index
      %swap3A_129 = tpu.vector_load %arg11[%swap3A_127, %swap3A_128] {strides = array<i32>} : memref<128x128xf32, #tpu.memory_space<vmem>>, vector<1x16xf32>,
      %swap3A_130 = vector.shape_cast %swap3A_129 : vector<1x16xf32> to vector<16xf32>
      %swap3A_131 = vector.shape_cast %broadcast_in_dim3A_1 : vector<16xf32> to vector<1x16xf32>
      tpu.vector_store %arg11[%swap3A_127, %swap3A_128], %swap3A_131 {strides = array<i32>} : memref<128x128xf32, #tpu.memory_space<vmem>>, vector<1x16xf32>,
      %swap3A_132 = arith.index_cast %scan3A_116 : i32 to index
      %swap3A_133 = arith.constant 48 : index
      %swap3A_134 = tpu.vector_load %arg11[%swap3A_132, %swap3A_133] {strides = array<i32>} : memref<128x128xf32, #tpu.memory_space<vmem>>, vector<1x16xf32>,
      %swap3A_135 = vector.shape_cast %swap3A_134 : vector<1x16xf32> to vector<16xf32>
      %swap3A_136 = vector.shape_cast %broadcast_in_dim3A_1 : vector<16xf32> to vector<1x16xf32>
      tpu.vector_store %arg11[%swap3A_132, %swap3A_133], %swap3A_136 {strides = array<i32>} : memref<128x128xf32, #tpu.memory_space<vmem>>, vector<1x16xf32>,
      %swap3A_137 = arith.index_cast %scan3A_116 : i32 to index
      %swap3A_138 = arith.constant 64 : index
      %swap3A_139 = tpu.vector_load %arg11[%swap3A_137, %swap3A_138] {strides = array<i32>} : memref<128x128xf32, #tpu.memory_space<vmem>>, vector<1x16xf32>,
      %swap3A_140 = vector.shape_cast %swap3A_139 : vector<1x16xf32> to vector<16xf32>
      %swap3A_141 = vector.shape_cast %broadcast_in_dim3A_1 : vector<16xf32> to vector<1x16xf32>
      tpu.vector_store %arg11[%swap3A_137, %swap3A_138], %swap3A_141 {strides = array<i32>} : memref<128x128xf32, #tpu.memory_space<vmem>>, vector<1x16xf32>,
      %swap3A_142 = arith.index_cast %scan3A_116 : i32 to index
      %swap3A_143 = arith.constant 80 : index
      %swap3A_144 = tpu.vector_load %arg11[%swap3A_142, %swap3A_143] {strides = array<i32>} : memref<128x128xf32, #tpu.memory_space<vmem>>, vector<1x16xf32>,
      %swap3A_145 = vector.shape_cast %swap3A_144 : vector<1x16xf32> to vector<16xf32>
      %swap3A_146 = vector.shape_cast %broadcast_in_dim3A_1 : vector<16xf32> to vector<1x16xf32>
      tpu.vector_store %arg11[%swap3A_142, %swap3A_143], %swap3A_146 {strides = array<i32>} : memref<128x128xf32, #tpu.memory_space<vmem>>, vector<1x16xf32>,
      %swap3A_147 = arith.index_cast %scan3A_116 : i32 to index
      %swap3A_148 = arith.constant 96 : index
      %swap3A_149 = tpu.vector_load %arg11[%swap3A_147, %swap3A_148] {strides = array<i32>} : memref<128x128xf32, #tpu.memory_space<vmem>>, vector<1x16xf32>,
      %swap3A_150 = vector.shape_cast %swap3A_149 : vector<1x16xf32> to vector<16xf32>
      %swap3A_151 = vector.shape_cast %broadcast_in_dim3A_1 : vector<16xf32> to vector<1x16xf32>
      tpu.vector_store %arg11[%swap3A_147, %swap3A_148], %swap3A_151 {strides = array<i32>} : memref<128x128xf32, #tpu.memory_space<vmem>>, vector<1x16xf32>,
      %swap3A_152 = arith.index_cast %scan3A_116 : i32 to index
      %swap3A_153 = arith.constant 112 : index
      %swap3A_154 = tpu.vector_load %arg11[%swap3A_152, %swap3A_153] {strides = array<i32>} : memref<128x128xf32, #tpu.memory_space<vmem>>, vector<1x16xf32>,
      %swap3A_155 = vector.shape_cast %swap3A_154 : vector<1x16xf32> to vector<16xf32>
      %swap3A_156 = vector.shape_cast %broadcast_in_dim3A_1 : vector<16xf32> to vector<1x16xf32>
      tpu.vector_store %arg11[%swap3A_152, %swap3A_153], %swap3A_156 {strides = array<i32>} : memref<128x128xf32, #tpu.memory_space<vmem>>, vector<1x16xf32>,
      %scan3A_157 = arith.constant 0 : i32
      %scan3A_158 = arith.constant 3 : i32
      %scan3A_159 = arith.addi %scan3A_30, %scan3A_158 : i32
      %swap3A_160 = arith.index_cast %scan3A_159 : i32 to index
      %swap3A_161 = arith.constant 0 : index
      %swap3A_162 = tpu.vector_load %arg11[%swap3A_160, %swap3A_161] {strides = array<i32>} : memref<128x128xf32, #tpu.memory_space<vmem>>, vector<1x16xf32>,
      %swap3A_163 = vector.shape_cast %swap3A_162 : vector<1x16xf32> to vector<16xf32>
      %swap3A_164 = vector.shape_cast %broadcast_in_dim3A_1 : vector<16xf32> to vector<1x16xf32>
      tpu.vector_store %arg11[%swap3A_160, %swap3A_161], %swap3A_164 {strides = array<i32>} : memref<128x128xf32, #tpu.memory_space<vmem>>, vector<1x16xf32>,
      %swap3A_165 = arith.index_cast %scan3A_159 : i32 to index
      %swap3A_166 = arith.constant 16 : index
      %swap3A_167 = tpu.vector_load %arg11[%swap3A_165, %swap3A_166] {strides = array<i32>} : memref<128x128xf32, #tpu.memory_space<vmem>>, vector<1x16xf32>,
      %swap3A_168 = vector.shape_cast %swap3A_167 : vector<1x16xf32> to vector<16xf32>
      %swap3A_169 = vector.shape_cast %broadcast_in_dim3A_1 : vector<16xf32> to vector<1x16xf32>
      tpu.vector_store %arg11[%swap3A_165, %swap3A_166], %swap3A_169 {strides = array<i32>} : memref<128x128xf32, #tpu.memory_space<vmem>>, vector<1x16xf32>,
      %swap3A_170 = arith.index_cast %scan3A_159 : i32 to index
      %swap3A_171 = arith.constant 32 : index
      %swap3A_172 = tpu.vector_load %arg11[%swap3A_170, %swap3A_171] {strides = array<i32>} : memref<128x128xf32, #tpu.memory_space<vmem>>, vector<1x16xf32>,
      %swap3A_173 = vector.shape_cast %swap3A_172 : vector<1x16xf32> to vector<16xf32>
      %swap3A_174 = vector.shape_cast %broadcast_in_dim3A_1 : vector<16xf32> to vector<1x16xf32>
      tpu.vector_store %arg11[%swap3A_170, %swap3A_171], %swap3A_174 {strides = array<i32>} : memref<128x128xf32, #tpu.memory_space<vmem>>, vector<1x16xf32>,
      %swap3A_175 = arith.index_cast %scan3A_159 : i32 to index
      %swap3A_176 = arith.constant 48 : index
      %swap3A_177 = tpu.vector_load %arg11[%swap3A_175, %swap3A_176] {strides = array<i32>} : memref<128x128xf32, #tpu.memory_space<vmem>>, vector<1x16xf32>,
      %swap3A_178 = vector.shape_cast %swap3A_177 : vector<1x16xf32> to vector<16xf32>
      %swap3A_179 = vector.shape_cast %broadcast_in_dim3A_1 : vector<16xf32> to vector<1x16xf32>
      tpu.vector_store %arg11[%swap3A_175, %swap3A_176], %swap3A_179 {strides = array<i32>} : memref<128x128xf32, #tpu.memory_space<vmem>>, vector<1x16xf32>,
      %swap3A_180 = arith.index_cast %scan3A_159 : i32 to index
      %swap3A_181 = arith.constant 64 : index
      %swap3A_182 = tpu.vector_load %arg11[%swap3A_180, %swap3A_181] {strides = array<i32>} : memref<128x128xf32, #tpu.memory_space<vmem>>, vector<1x16xf32>,
      %swap3A_183 = vector.shape_cast %swap3A_182 : vector<1x16xf32> to vector<16xf32>
      %swap3A_184 = vector.shape_cast %broadcast_in_dim3A_1 : vector<16xf32> to vector<1x16xf32>
      tpu.vector_store %arg11[%swap3A_180, %swap3A_181], %swap3A_184 {strides = array<i32>} : memref<128x128xf32, #tpu.memory_space<vmem>>, vector<1x16xf32>,
      %swap3A_185 = arith.index_cast %scan3A_159 : i32 to index
      %swap3A_186 = arith.constant 80 : index
      %swap3A_187 = tpu.vector_load %arg11[%swap3A_185, %swap3A_186] {strides = array<i32>} : memref<128x128xf32, #tpu.memory_space<vmem>>, vector<1x16xf32>,
      %swap3A_188 = vector.shape_cast %swap3A_187 : vector<1x16xf32> to vector<16xf32>
      %swap3A_189 = vector.shape_cast %broadcast_in_dim3A_1 : vector<16xf32> to vector<1x16xf32>
      tpu.vector_store %arg11[%swap3A_185, %swap3A_186], %swap3A_189 {strides = array<i32>} : memref<128x128xf32, #tpu.memory_space<vmem>>, vector<1x16xf32>,
      %swap3A_190 = arith.index_cast %scan3A_159 : i32 to index
      %swap3A_191 = arith.constant 96 : index
      %swap3A_192 = tpu.vector_load %arg11[%swap3A_190, %swap3A_191] {strides = array<i32>} : memref<128x128xf32, #tpu.memory_space<vmem>>, vector<1x16xf32>,
      %swap3A_193 = vector.shape_cast %swap3A_192 : vector<1x16xf32> to vector<16xf32>
      %swap3A_194 = vector.shape_cast %broadcast_in_dim3A_1 : vector<16xf32> to vector<1x16xf32>
      tpu.vector_store %arg11[%swap3A_190, %swap3A_191], %swap3A_194 {strides = array<i32>} : memref<128x128xf32, #tpu.memory_space<vmem>>, vector<1x16xf32>,
      %swap3A_195 = arith.index_cast %scan3A_159 : i32 to index
      %swap3A_196 = arith.constant 112 : index
      %swap3A_197 = tpu.vector_load %arg11[%swap3A_195, %swap3A_196] {strides = array<i32>} : memref<128x128xf32, #tpu.memory_space<vmem>>, vector<1x16xf32>,
      %swap3A_198 = vector.shape_cast %swap3A_197 : vector<1x16xf32> to vector<16xf32>
      %swap3A_199 = vector.shape_cast %broadcast_in_dim3A_1 : vector<16xf32> to vector<1x16xf32>
      tpu.vector_store %arg11[%swap3A_195, %swap3A_196], %swap3A_199 {strides = array<i32>} : memref<128x128xf32, #tpu.memory_space<vmem>>, vector<1x16xf32>,
      %scan3A_200 = arith.constant 0 : i32
      scf.yield %scan3A_200 : i32
    }
    %scan3A_7 = arith.constant 128 : i32
    %mul3A_8 = arith.constant 640 : i32
    %mul3A_9 = arith.muli %arg1, %mul3A_8 : i32
    %add3A_10 = arith.constant 0 : i32
    %add3A_11 = arith.addi %mul3A_9, %add3A_10 : i32
    "tpu.region"() ({
      %run_scoped3A = tpu.sem_alloc : memref<!tpu.dma_semaphore, #tpu.memory_space<semaphore_mem>>
      %dma_start3A = arith.constant 0 : i32
      %dma_start3A_30 = tpu.memref_slice %arg12[%add3A_11, %dma_start3A] : memref<10240x128xf32, #tpu.memory_space<vmem_shared>> -> memref<128x128xf32, #tpu.memory_space<vmem_shared>>
      %dma_start3A_31 = arith.constant 0 : i32
      %dma_start3A_32 = tpu.memref_slice %arg12[%add3A_11, %dma_start3A_31] : memref<10240x128xf32, #tpu.memory_space<vmem_shared>> -> memref<128x128xf32, #tpu.memory_space<vmem_shared>>
      tpu.enqueue_dma source(%arg11 : memref<128x128xf32, #tpu.memory_space<vmem>>) target(%dma_start3A_32 : memref<128x128xf32, #tpu.memory_space<vmem_shared>>) target_semaphore(%run_scoped3A : memref<!tpu.dma_semaphore, #tpu.memory_space<semaphore_mem>>)
      %dma_wait3A = arith.constant 0 : i32
      %dma_wait3A_33 = tpu.memref_slice %arg12[%add3A_11, %dma_wait3A] : memref<10240x128xf32, #tpu.memory_space<vmem_shared>> -> memref<128x128xf32, #tpu.memory_space<vmem_shared>>
      %dma_wait3A_34 = arith.constant 0 : i32
      %dma_wait3A_35 = tpu.memref_slice %arg12[%add3A_11, %dma_wait3A_34] : memref<10240x128xf32, #tpu.memory_space<vmem_shared>> -> memref<128x128xf32, #tpu.memory_space<vmem_shared>>
      tpu.wait_dma2 semaphore(%run_scoped3A : memref<!tpu.dma_semaphore, #tpu.memory_space<semaphore_mem>>) src(%arg11 : memref<128x128xf32, #tpu.memory_space<vmem>>) dst(%dma_wait3A_35 : memref<128x128xf32, #tpu.memory_space<vmem_shared>>)
      tpu.yield
    }) : () -> ()
    %add3A_12 = arith.constant 128 : i32
    %add3A_13 = arith.addi %mul3A_9, %add3A_12 : i32
    "tpu.region"() ({
      %run_scoped3A = tpu.sem_alloc : memref<!tpu.dma_semaphore, #tpu.memory_space<semaphore_mem>>
      %dma_start3A = arith.constant 0 : i32
      %dma_start3A_30 = tpu.memref_slice %arg12[%add3A_13, %dma_start3A] : memref<10240x128xf32, #tpu.memory_space<vmem_shared>> -> memref<128x128xf32, #tpu.memory_space<vmem_shared>>
      %dma_start3A_31 = arith.constant 0 : i32
      %dma_start3A_32 = tpu.memref_slice %arg12[%add3A_13, %dma_start3A_31] : memref<10240x128xf32, #tpu.memory_space<vmem_shared>> -> memref<128x128xf32, #tpu.memory_space<vmem_shared>>
      tpu.enqueue_dma source(%arg11 : memref<128x128xf32, #tpu.memory_space<vmem>>) target(%dma_start3A_32 : memref<128x128xf32, #tpu.memory_space<vmem_shared>>) target_semaphore(%run_scoped3A : memref<!tpu.dma_semaphore, #tpu.memory_space<semaphore_mem>>)
      %dma_wait3A = arith.constant 0 : i32
      %dma_wait3A_33 = tpu.memref_slice %arg12[%add3A_13, %dma_wait3A] : memref<10240x128xf32, #tpu.memory_space<vmem_shared>> -> memref<128x128xf32, #tpu.memory_space<vmem_shared>>
      %dma_wait3A_34 = arith.constant 0 : i32
      %dma_wait3A_35 = tpu.memref_slice %arg12[%add3A_13, %dma_wait3A_34] : memref<10240x128xf32, #tpu.memory_space<vmem_shared>> -> memref<128x128xf32, #tpu.memory_space<vmem_shared>>
      tpu.wait_dma2 semaphore(%run_scoped3A : memref<!tpu.dma_semaphore, #tpu.memory_space<semaphore_mem>>) src(%arg11 : memref<128x128xf32, #tpu.memory_space<vmem>>) dst(%dma_wait3A_35 : memref<128x128xf32, #tpu.memory_space<vmem_shared>>)
      tpu.yield
    }) : () -> ()
    %add3A_14 = arith.constant 256 : i32
    %add3A_15 = arith.addi %mul3A_9, %add3A_14 : i32
    "tpu.region"() ({
      %run_scoped3A = tpu.sem_alloc : memref<!tpu.dma_semaphore, #tpu.memory_space<semaphore_mem>>
      %dma_start3A = arith.constant 0 : i32
      %dma_start3A_30 = tpu.memref_slice %arg12[%add3A_15, %dma_start3A] : memref<10240x128xf32, #tpu.memory_space<vmem_shared>> -> memref<128x128xf32, #tpu.memory_space<vmem_shared>>
      %dma_start3A_31 = arith.constant 0 : i32
      %dma_start3A_32 = tpu.memref_slice %arg12[%add3A_15, %dma_start3A_31] : memref<10240x128xf32, #tpu.memory_space<vmem_shared>> -> memref<128x128xf32, #tpu.memory_space<vmem_shared>>
      tpu.enqueue_dma source(%arg11 : memref<128x128xf32, #tpu.memory_space<vmem>>) target(%dma_start3A_32 : memref<128x128xf32, #tpu.memory_space<vmem_shared>>) target_semaphore(%run_scoped3A : memref<!tpu.dma_semaphore, #tpu.memory_space<semaphore_mem>>)
      %dma_wait3A = arith.constant 0 : i32
      %dma_wait3A_33 = tpu.memref_slice %arg12[%add3A_15, %dma_wait3A] : memref<10240x128xf32, #tpu.memory_space<vmem_shared>> -> memref<128x128xf32, #tpu.memory_space<vmem_shared>>
      %dma_wait3A_34 = arith.constant 0 : i32
      %dma_wait3A_35 = tpu.memref_slice %arg12[%add3A_15, %dma_wait3A_34] : memref<10240x128xf32, #tpu.memory_space<vmem_shared>> -> memref<128x128xf32, #tpu.memory_space<vmem_shared>>
      tpu.wait_dma2 semaphore(%run_scoped3A : memref<!tpu.dma_semaphore, #tpu.memory_space<semaphore_mem>>) src(%arg11 : memref<128x128xf32, #tpu.memory_space<vmem>>) dst(%dma_wait3A_35 : memref<128x128xf32, #tpu.memory_space<vmem_shared>>)
      tpu.yield
    }) : () -> ()
    %add3A_16 = arith.constant 384 : i32
    %add3A_17 = arith.addi %mul3A_9, %add3A_16 : i32
    "tpu.region"() ({
      %run_scoped3A = tpu.sem_alloc : memref<!tpu.dma_semaphore, #tpu.memory_space<semaphore_mem>>
      %dma_start3A = arith.constant 0 : i32
      %dma_start3A_30 = tpu.memref_slice %arg12[%add3A_17, %dma_start3A] : memref<10240x128xf32, #tpu.memory_space<vmem_shared>> -> memref<128x128xf32, #tpu.memory_space<vmem_shared>>
      %dma_start3A_31 = arith.constant 0 : i32
      %dma_start3A_32 = tpu.memref_slice %arg12[%add3A_17, %dma_start3A_31] : memref<10240x128xf32, #tpu.memory_space<vmem_shared>> -> memref<128x128xf32, #tpu.memory_space<vmem_shared>>
      tpu.enqueue_dma source(%arg11 : memref<128x128xf32, #tpu.memory_space<vmem>>) target(%dma_start3A_32 : memref<128x128xf32, #tpu.memory_space<vmem_shared>>) target_semaphore(%run_scoped3A : memref<!tpu.dma_semaphore, #tpu.memory_space<semaphore_mem>>)
      %dma_wait3A = arith.constant 0 : i32
      %dma_wait3A_33 = tpu.memref_slice %arg12[%add3A_17, %dma_wait3A] : memref<10240x128xf32, #tpu.memory_space<vmem_shared>> -> memref<128x128xf32, #tpu.memory_space<vmem_shared>>
      %dma_wait3A_34 = arith.constant 0 : i32
      %dma_wait3A_35 = tpu.memref_slice %arg12[%add3A_17, %dma_wait3A_34] : memref<10240x128xf32, #tpu.memory_space<vmem_shared>> -> memref<128x128xf32, #tpu.memory_space<vmem_shared>>
      tpu.wait_dma2 semaphore(%run_scoped3A : memref<!tpu.dma_semaphore, #tpu.memory_space<semaphore_mem>>) src(%arg11 : memref<128x128xf32, #tpu.memory_space<vmem>>) dst(%dma_wait3A_35 : memref<128x128xf32, #tpu.memory_space<vmem_shared>>)
      tpu.yield
    }) : () -> ()
    %add3A_18 = arith.constant 512 : i32
    %add3A_19 = arith.addi %mul3A_9, %add3A_18 : i32
    "tpu.region"() ({
      %run_scoped3A = tpu.sem_alloc : memref<!tpu.dma_semaphore, #tpu.memory_space<semaphore_mem>>
      %dma_start3A = arith.constant 0 : i32
      %dma_start3A_30 = tpu.memref_slice %arg12[%add3A_19, %dma_start3A] : memref<10240x128xf32, #tpu.memory_space<vmem_shared>> -> memref<128x128xf32, #tpu.memory_space<vmem_shared>>
      %dma_start3A_31 = arith.constant 0 : i32
      %dma_start3A_32 = tpu.memref_slice %arg12[%add3A_19, %dma_start3A_31] : memref<10240x128xf32, #tpu.memory_space<vmem_shared>> -> memref<128x128xf32, #tpu.memory_space<vmem_shared>>
      tpu.enqueue_dma source(%arg11 : memref<128x128xf32, #tpu.memory_space<vmem>>) target(%dma_start3A_32 : memref<128x128xf32, #tpu.memory_space<vmem_shared>>) target_semaphore(%run_scoped3A : memref<!tpu.dma_semaphore, #tpu.memory_space<semaphore_mem>>)
      %dma_wait3A = arith.constant 0 : i32
      %dma_wait3A_33 = tpu.memref_slice %arg12[%add3A_19, %dma_wait3A] : memref<10240x128xf32, #tpu.memory_space<vmem_shared>> -> memref<128x128xf32, #tpu.memory_space<vmem_shared>>
      %dma_wait3A_34 = arith.constant 0 : i32
      %dma_wait3A_35 = tpu.memref_slice %arg12[%add3A_19, %dma_wait3A_34] : memref<10240x128xf32, #tpu.memory_space<vmem_shared>> -> memref<128x128xf32, #tpu.memory_space<vmem_shared>>
      tpu.wait_dma2 semaphore(%run_scoped3A : memref<!tpu.dma_semaphore, #tpu.memory_space<semaphore_mem>>) src(%arg11 : memref<128x128xf32, #tpu.memory_space<vmem>>) dst(%dma_wait3A_35 : memref<128x128xf32, #tpu.memory_space<vmem_shared>>)
      tpu.yield
    }) : () -> ()
    %barrier3A = arith.constant 0 : index
    tpu.barrier barrier_id(%barrier3A)
    %mul3A_20 = arith.constant 10000 : i32
    %mul3A_21 = arith.muli %add3A, %mul3A_20 : i32
    %scan3A_22 = arith.constant 0 : i32
    %scan3A_23 = arith.constant 0 : i32
    %scan3A_24 = arith.constant 125 : i32
    %scan3A_25 = arith.addi %scan3A_23, %scan3A_24 : i32
    %scan3A_26 = arith.constant 1 : i32
    %scan3A_27 = scf.for %scan3A_30 = %scan3A_23 to %scan3A_25 step %scan3A_26 iter_args(%scan3A_31 = %scan3A_22) -> (i32)  : i32 {
      %mul3A_32 = arith.constant 80 : i32
      %mul3A_33 = arith.muli %scan3A_30, %mul3A_32 : i32
      %add3A_34 = arith.addi %mul3A_21, %mul3A_33 : i32
      %multiple_of3A = tpu.assume_multiple %add3A_34, 8 : i32
      "tpu.region"() ({
        %run_scoped3A = tpu.sem_alloc : memref<!tpu.dma_semaphore, #tpu.memory_space<semaphore_mem>>
        %dma_start3A_47 = tpu.memref_slice %arg4[%multiple_of3A] : memref<320000xi32, #tpu.memory_space<hbm>> -> memref<80xi32, #tpu.memory_space<hbm>>
        %dma_start3A_48 = tpu.memref_slice %arg4[%multiple_of3A] : memref<320000xi32, #tpu.memory_space<hbm>> -> memref<80xi32, #tpu.memory_space<hbm>>
        tpu.enqueue_dma source(%dma_start3A_48 : memref<80xi32, #tpu.memory_space<hbm>>) target(%arg7 : memref<80xi32, #tpu.memory_space<vmem>>) target_semaphore(%run_scoped3A : memref<!tpu.dma_semaphore, #tpu.memory_space<semaphore_mem>>)
        %dma_wait3A_49 = tpu.memref_slice %arg4[%multiple_of3A] : memref<320000xi32, #tpu.memory_space<hbm>> -> memref<80xi32, #tpu.memory_space<hbm>>
        %dma_wait3A_50 = tpu.memref_slice %arg4[%multiple_of3A] : memref<320000xi32, #tpu.memory_space<hbm>> -> memref<80xi32, #tpu.memory_space<hbm>>
        tpu.wait_dma2 semaphore(%run_scoped3A : memref<!tpu.dma_semaphore, #tpu.memory_space<semaphore_mem>>) src(%dma_wait3A_50 : memref<80xi32, #tpu.memory_space<hbm>>) dst(%arg7 : memref<80xi32, #tpu.memory_space<vmem>>)
        tpu.yield
      }) : () -> ()
      "tpu.region"() ({
        %run_scoped3A = tpu.sem_alloc : memref<!tpu.dma_semaphore, #tpu.memory_space<semaphore_mem>>
        %dma_start3A_47 = tpu.memref_slice %arg5[%multiple_of3A] : memref<320000xi32, #tpu.memory_space<hbm>> -> memref<80xi32, #tpu.memory_space<hbm>>
        %dma_start3A_48 = tpu.memref_slice %arg5[%multiple_of3A] : memref<320000xi32, #tpu.memory_space<hbm>> -> memref<80xi32, #tpu.memory_space<hbm>>
        tpu.enqueue_dma source(%dma_start3A_48 : memref<80xi32, #tpu.memory_space<hbm>>) target(%arg8 : memref<80xi32, #tpu.memory_space<vmem>>) target_semaphore(%run_scoped3A : memref<!tpu.dma_semaphore, #tpu.memory_space<semaphore_mem>>)
        %dma_wait3A_49 = tpu.memref_slice %arg5[%multiple_of3A] : memref<320000xi32, #tpu.memory_space<hbm>> -> memref<80xi32, #tpu.memory_space<hbm>>
        %dma_wait3A_50 = tpu.memref_slice %arg5[%multiple_of3A] : memref<320000xi32, #tpu.memory_space<hbm>> -> memref<80xi32, #tpu.memory_space<hbm>>
        tpu.wait_dma2 semaphore(%run_scoped3A : memref<!tpu.dma_semaphore, #tpu.memory_space<semaphore_mem>>) src(%dma_wait3A_50 : memref<80xi32, #tpu.memory_space<hbm>>) dst(%arg8 : memref<80xi32, #tpu.memory_space<vmem>>)
        tpu.yield
      }) : () -> ()
      %dma_start3A = arith.constant 0 : i32
      %dma_start3A_35 = arith.constant 0 : i32
      %dma_start3A_36 = tpu.memref_slice %arg2[%dma_start3A, %dma_start3A_35] : memref<10240x128xf32, #tpu.memory_space<hbm>> -> memref<10240x128xf32, #tpu.memory_space<hbm>>
      tpu.enqueue_indirect_dma source(%dma_start3A_36 : memref<10240x128xf32, #tpu.memory_space<hbm>>) target(%arg9 : memref<80x128xf32, #tpu.memory_space<vmem>>) offsets(%arg7 : memref<80xi32, #tpu.memory_space<vmem>>) semaphore(%arg13 : memref<!tpu.dma_semaphore, #tpu.memory_space<semaphore_mem>>)
      "tpu.region"() ({
        %run_scoped3A = tpu.sem_alloc : memref<!tpu.dma_semaphore, #tpu.memory_space<semaphore_mem>>
        %dma_start3A_47 = arith.constant 0 : i32
        %dma_start3A_48 = tpu.memref_slice %arg3[%multiple_of3A, %dma_start3A_47] : memref<320000x128xf32, #tpu.memory_space<hbm>> -> memref<80x128xf32, #tpu.memory_space<hbm>>
        %dma_start3A_49 = arith.constant 0 : i32
        %dma_start3A_50 = tpu.memref_slice %arg3[%multiple_of3A, %dma_start3A_49] : memref<320000x128xf32, #tpu.memory_space<hbm>> -> memref<80x128xf32, #tpu.memory_space<hbm>>
        tpu.enqueue_dma source(%dma_start3A_50 : memref<80x128xf32, #tpu.memory_space<hbm>>) target(%arg10 : memref<80x128xf32, #tpu.memory_space<vmem>>) target_semaphore(%run_scoped3A : memref<!tpu.dma_semaphore, #tpu.memory_space<semaphore_mem>>)
        %dma_wait3A_51 = arith.constant 0 : i32
        %dma_wait3A_52 = tpu.memref_slice %arg3[%multiple_of3A, %dma_wait3A_51] : memref<320000x128xf32, #tpu.memory_space<hbm>> -> memref<80x128xf32, #tpu.memory_space<hbm>>
        %dma_wait3A_53 = arith.constant 0 : i32
        %dma_wait3A_54 = tpu.memref_slice %arg3[%multiple_of3A, %dma_wait3A_53] : memref<320000x128xf32, #tpu.memory_space<hbm>> -> memref<80x128xf32, #tpu.memory_space<hbm>>
        tpu.wait_dma2 semaphore(%run_scoped3A : memref<!tpu.dma_semaphore, #tpu.memory_space<semaphore_mem>>) src(%dma_wait3A_54 : memref<80x128xf32, #tpu.memory_space<hbm>>) dst(%arg10 : memref<80x128xf32, #tpu.memory_space<vmem>>)
        tpu.yield
      }) : () -> ()
      %dma_wait3A = arith.constant 0 : i32
      %dma_wait3A_37 = arith.constant 0 : i32
      %dma_wait3A_38 = tpu.memref_slice %arg2[%dma_wait3A, %dma_wait3A_37] : memref<10240x128xf32, #tpu.memory_space<hbm>> -> memref<10240x128xf32, #tpu.memory_space<hbm>>
      tpu.wait_indirect_dma semaphore(%arg13 : memref<!tpu.dma_semaphore, #tpu.memory_space<semaphore_mem>>) src(%dma_wait3A_38 : memref<10240x128xf32, #tpu.memory_space<hbm>>) dst(%arg9 : memref<80x128xf32, #tpu.memory_space<vmem>>)
      %scan3A_39 = arith.constant 0 : i32
      %scan3A_40 = arith.constant 0 : i32
      %scan3A_41 = arith.constant 80 : i32
      %scan3A_42 = arith.addi %scan3A_40, %scan3A_41 : i32
      %scan3A_43 = arith.constant 2 : i32
      %scan3A_44 = scf.for %scan3A_47 = %scan3A_40 to %scan3A_42 step %scan3A_43 iter_args(%scan3A_48 = %scan3A_39) -> (i32)  : i32 {
        %get3A = arith.index_cast %scan3A_47 : i32 to index
        %get3A_49 = arith.constant 0 : index
        %get3A_50 = tpu.vector_load %arg10[%get3A, %get3A_49] {strides = array<i32>} : memref<80x128xf32, #tpu.memory_space<vmem>>, vector<1x16xf32>,
        %get3A_51 = vector.shape_cast %get3A_50 : vector<1x16xf32> to vector<16xf32>
        %get3A_52 = arith.index_cast %scan3A_47 : i32 to index
        %get3A_53 = arith.constant 0 : index
        %get3A_54 = tpu.vector_load %arg9[%get3A_52, %get3A_53] {strides = array<i32>} : memref<80x128xf32, #tpu.memory_space<vmem>>, vector<1x16xf32>,
        %get3A_55 = vector.shape_cast %get3A_54 : vector<1x16xf32> to vector<16xf32>
        %add3A_56 = arith.addf %get3A_51, %get3A_55 : vector<16xf32>
        %max3A = arith.constant 0.000000e+00 : f32
        %max3A_57 = vector.broadcast %max3A : f32 to vector<16xf32>
        %max3A_58 = arith.maximumf %add3A_56, %max3A_57 : vector<16xf32>
        %swap3A = arith.index_cast %scan3A_47 : i32 to index
        %swap3A_59 = arith.constant 0 : index
        %swap3A_60 = tpu.vector_load %arg10[%swap3A, %swap3A_59] {strides = array<i32>} : memref<80x128xf32, #tpu.memory_space<vmem>>, vector<1x16xf32>,
        %swap3A_61 = vector.shape_cast %swap3A_60 : vector<1x16xf32> to vector<16xf32>
        %swap3A_62 = vector.shape_cast %max3A_58 : vector<16xf32> to vector<1x16xf32>
        tpu.vector_store %arg10[%swap3A, %swap3A_59], %swap3A_62 {strides = array<i32>} : memref<80x128xf32, #tpu.memory_space<vmem>>, vector<1x16xf32>,
        %get3A_63 = arith.index_cast %scan3A_47 : i32 to index
        %get3A_64 = arith.constant 16 : index
        %get3A_65 = tpu.vector_load %arg10[%get3A_63, %get3A_64] {strides = array<i32>} : memref<80x128xf32, #tpu.memory_space<vmem>>, vector<1x16xf32>,
        %get3A_66 = vector.shape_cast %get3A_65 : vector<1x16xf32> to vector<16xf32>
        %get3A_67 = arith.index_cast %scan3A_47 : i32 to index
        %get3A_68 = arith.constant 16 : index
        %get3A_69 = tpu.vector_load %arg9[%get3A_67, %get3A_68] {strides = array<i32>} : memref<80x128xf32, #tpu.memory_space<vmem>>, vector<1x16xf32>,
        %get3A_70 = vector.shape_cast %get3A_69 : vector<1x16xf32> to vector<16xf32>
        %add3A_71 = arith.addf %get3A_66, %get3A_70 : vector<16xf32>
        %max3A_72 = arith.constant 0.000000e+00 : f32
        %max3A_73 = vector.broadcast %max3A_72 : f32 to vector<16xf32>
        %max3A_74 = arith.maximumf %add3A_71, %max3A_73 : vector<16xf32>
        %swap3A_75 = arith.index_cast %scan3A_47 : i32 to index
        %swap3A_76 = arith.constant 16 : index
        %swap3A_77 = tpu.vector_load %arg10[%swap3A_75, %swap3A_76] {strides = array<i32>} : memref<80x128xf32, #tpu.memory_space<vmem>>, vector<1x16xf32>,
        %swap3A_78 = vector.shape_cast %swap3A_77 : vector<1x16xf32> to vector<16xf32>
        %swap3A_79 = vector.shape_cast %max3A_74 : vector<16xf32> to vector<1x16xf32>
        tpu.vector_store %arg10[%swap3A_75, %swap3A_76], %swap3A_79 {strides = array<i32>} : memref<80x128xf32, #tpu.memory_space<vmem>>, vector<1x16xf32>,
        %get3A_80 = arith.index_cast %scan3A_47 : i32 to index
        %get3A_81 = arith.constant 32 : index
        %get3A_82 = tpu.vector_load %arg10[%get3A_80, %get3A_81] {strides = array<i32>} : memref<80x128xf32, #tpu.memory_space<vmem>>, vector<1x16xf32>,
        %get3A_83 = vector.shape_cast %get3A_82 : vector<1x16xf32> to vector<16xf32>
        %get3A_84 = arith.index_cast %scan3A_47 : i32 to index
        %get3A_85 = arith.constant 32 : index
        %get3A_86 = tpu.vector_load %arg9[%get3A_84, %get3A_85] {strides = array<i32>} : memref<80x128xf32, #tpu.memory_space<vmem>>, vector<1x16xf32>,
        %get3A_87 = vector.shape_cast %get3A_86 : vector<1x16xf32> to vector<16xf32>
        %add3A_88 = arith.addf %get3A_83, %get3A_87 : vector<16xf32>
        %max3A_89 = arith.constant 0.000000e+00 : f32
        %max3A_90 = vector.broadcast %max3A_89 : f32 to vector<16xf32>
        %max3A_91 = arith.maximumf %add3A_88, %max3A_90 : vector<16xf32>
        %swap3A_92 = arith.index_cast %scan3A_47 : i32 to index
        %swap3A_93 = arith.constant 32 : index
        %swap3A_94 = tpu.vector_load %arg10[%swap3A_92, %swap3A_93] {strides = array<i32>} : memref<80x128xf32, #tpu.memory_space<vmem>>, vector<1x16xf32>,
        %swap3A_95 = vector.shape_cast %swap3A_94 : vector<1x16xf32> to vector<16xf32>
        %swap3A_96 = vector.shape_cast %max3A_91 : vector<16xf32> to vector<1x16xf32>
        tpu.vector_store %arg10[%swap3A_92, %swap3A_93], %swap3A_96 {strides = array<i32>} : memref<80x128xf32, #tpu.memory_space<vmem>>, vector<1x16xf32>,
        %get3A_97 = arith.index_cast %scan3A_47 : i32 to index
        %get3A_98 = arith.constant 48 : index
        %get3A_99 = tpu.vector_load %arg10[%get3A_97, %get3A_98] {strides = array<i32>} : memref<80x128xf32, #tpu.memory_space<vmem>>, vector<1x16xf32>,
        %get3A_100 = vector.shape_cast %get3A_99 : vector<1x16xf32> to vector<16xf32>
        %get3A_101 = arith.index_cast %scan3A_47 : i32 to index
        %get3A_102 = arith.constant 48 : index
        %get3A_103 = tpu.vector_load %arg9[%get3A_101, %get3A_102] {strides = array<i32>} : memref<80x128xf32, #tpu.memory_space<vmem>>, vector<1x16xf32>,
        %get3A_104 = vector.shape_cast %get3A_103 : vector<1x16xf32> to vector<16xf32>
        %add3A_105 = arith.addf %get3A_100, %get3A_104 : vector<16xf32>
        %max3A_106 = arith.constant 0.000000e+00 : f32
        %max3A_107 = vector.broadcast %max3A_106 : f32 to vector<16xf32>
        %max3A_108 = arith.maximumf %add3A_105, %max3A_107 : vector<16xf32>
        %swap3A_109 = arith.index_cast %scan3A_47 : i32 to index
        %swap3A_110 = arith.constant 48 : index
        %swap3A_111 = tpu.vector_load %arg10[%swap3A_109, %swap3A_110] {strides = array<i32>} : memref<80x128xf32, #tpu.memory_space<vmem>>, vector<1x16xf32>,
        %swap3A_112 = vector.shape_cast %swap3A_111 : vector<1x16xf32> to vector<16xf32>
        %swap3A_113 = vector.shape_cast %max3A_108 : vector<16xf32> to vector<1x16xf32>
        tpu.vector_store %arg10[%swap3A_109, %swap3A_110], %swap3A_113 {strides = array<i32>} : memref<80x128xf32, #tpu.memory_space<vmem>>, vector<1x16xf32>,
        %get3A_114 = arith.index_cast %scan3A_47 : i32 to index
        %get3A_115 = arith.constant 64 : index
        %get3A_116 = tpu.vector_load %arg10[%get3A_114, %get3A_115] {strides = array<i32>} : memref<80x128xf32, #tpu.memory_space<vmem>>, vector<1x16xf32>,
        %get3A_117 = vector.shape_cast %get3A_116 : vector<1x16xf32> to vector<16xf32>
        %get3A_118 = arith.index_cast %scan3A_47 : i32 to index
        %get3A_119 = arith.constant 64 : index
        %get3A_120 = tpu.vector_load %arg9[%get3A_118, %get3A_119] {strides = array<i32>} : memref<80x128xf32, #tpu.memory_space<vmem>>, vector<1x16xf32>,
        %get3A_121 = vector.shape_cast %get3A_120 : vector<1x16xf32> to vector<16xf32>
        %add3A_122 = arith.addf %get3A_117, %get3A_121 : vector<16xf32>
        %max3A_123 = arith.constant 0.000000e+00 : f32
        %max3A_124 = vector.broadcast %max3A_123 : f32 to vector<16xf32>
        %max3A_125 = arith.maximumf %add3A_122, %max3A_124 : vector<16xf32>
        %swap3A_126 = arith.index_cast %scan3A_47 : i32 to index
        %swap3A_127 = arith.constant 64 : index
        %swap3A_128 = tpu.vector_load %arg10[%swap3A_126, %swap3A_127] {strides = array<i32>} : memref<80x128xf32, #tpu.memory_space<vmem>>, vector<1x16xf32>,
        %swap3A_129 = vector.shape_cast %swap3A_128 : vector<1x16xf32> to vector<16xf32>
        %swap3A_130 = vector.shape_cast %max3A_125 : vector<16xf32> to vector<1x16xf32>
        tpu.vector_store %arg10[%swap3A_126, %swap3A_127], %swap3A_130 {strides = array<i32>} : memref<80x128xf32, #tpu.memory_space<vmem>>, vector<1x16xf32>,
        %get3A_131 = arith.index_cast %scan3A_47 : i32 to index
        %get3A_132 = arith.constant 80 : index
        %get3A_133 = tpu.vector_load %arg10[%get3A_131, %get3A_132] {strides = array<i32>} : memref<80x128xf32, #tpu.memory_space<vmem>>, vector<1x16xf32>,
        %get3A_134 = vector.shape_cast %get3A_133 : vector<1x16xf32> to vector<16xf32>
        %get3A_135 = arith.index_cast %scan3A_47 : i32 to index
        %get3A_136 = arith.constant 80 : index
        %get3A_137 = tpu.vector_load %arg9[%get3A_135, %get3A_136] {strides = array<i32>} : memref<80x128xf32, #tpu.memory_space<vmem>>, vector<1x16xf32>,
        %get3A_138 = vector.shape_cast %get3A_137 : vector<1x16xf32> to vector<16xf32>
        %add3A_139 = arith.addf %get3A_134, %get3A_138 : vector<16xf32>
        %max3A_140 = arith.constant 0.000000e+00 : f32
        %max3A_141 = vector.broadcast %max3A_140 : f32 to vector<16xf32>
        %max3A_142 = arith.maximumf %add3A_139, %max3A_141 : vector<16xf32>
        %swap3A_143 = arith.index_cast %scan3A_47 : i32 to index
        %swap3A_144 = arith.constant 80 : index
        %swap3A_145 = tpu.vector_load %arg10[%swap3A_143, %swap3A_144] {strides = array<i32>} : memref<80x128xf32, #tpu.memory_space<vmem>>, vector<1x16xf32>,
        %swap3A_146 = vector.shape_cast %swap3A_145 : vector<1x16xf32> to vector<16xf32>
        %swap3A_147 = vector.shape_cast %max3A_142 : vector<16xf32> to vector<1x16xf32>
        tpu.vector_store %arg10[%swap3A_143, %swap3A_144], %swap3A_147 {strides = array<i32>} : memref<80x128xf32, #tpu.memory_space<vmem>>, vector<1x16xf32>,
        %get3A_148 = arith.index_cast %scan3A_47 : i32 to index
        %get3A_149 = arith.constant 96 : index
        %get3A_150 = tpu.vector_load %arg10[%get3A_148, %get3A_149] {strides = array<i32>} : memref<80x128xf32, #tpu.memory_space<vmem>>, vector<1x16xf32>,
        %get3A_151 = vector.shape_cast %get3A_150 : vector<1x16xf32> to vector<16xf32>
        %get3A_152 = arith.index_cast %scan3A_47 : i32 to index
        %get3A_153 = arith.constant 96 : index
        %get3A_154 = tpu.vector_load %arg9[%get3A_152, %get3A_153] {strides = array<i32>} : memref<80x128xf32, #tpu.memory_space<vmem>>, vector<1x16xf32>,
        %get3A_155 = vector.shape_cast %get3A_154 : vector<1x16xf32> to vector<16xf32>
        %add3A_156 = arith.addf %get3A_151, %get3A_155 : vector<16xf32>
        %max3A_157 = arith.constant 0.000000e+00 : f32
        %max3A_158 = vector.broadcast %max3A_157 : f32 to vector<16xf32>
        %max3A_159 = arith.maximumf %add3A_156, %max3A_158 : vector<16xf32>
        %swap3A_160 = arith.index_cast %scan3A_47 : i32 to index
        %swap3A_161 = arith.constant 96 : index
        %swap3A_162 = tpu.vector_load %arg10[%swap3A_160, %swap3A_161] {strides = array<i32>} : memref<80x128xf32, #tpu.memory_space<vmem>>, vector<1x16xf32>,
        %swap3A_163 = vector.shape_cast %swap3A_162 : vector<1x16xf32> to vector<16xf32>
        %swap3A_164 = vector.shape_cast %max3A_159 : vector<16xf32> to vector<1x16xf32>
        tpu.vector_store %arg10[%swap3A_160, %swap3A_161], %swap3A_164 {strides = array<i32>} : memref<80x128xf32, #tpu.memory_space<vmem>>, vector<1x16xf32>,
        %get3A_165 = arith.index_cast %scan3A_47 : i32 to index
        %get3A_166 = arith.constant 112 : index
        %get3A_167 = tpu.vector_load %arg10[%get3A_165, %get3A_166] {strides = array<i32>} : memref<80x128xf32, #tpu.memory_space<vmem>>, vector<1x16xf32>,
        %get3A_168 = vector.shape_cast %get3A_167 : vector<1x16xf32> to vector<16xf32>
        %get3A_169 = arith.index_cast %scan3A_47 : i32 to index
        %get3A_170 = arith.constant 112 : index
        %get3A_171 = tpu.vector_load %arg9[%get3A_169, %get3A_170] {strides = array<i32>} : memref<80x128xf32, #tpu.memory_space<vmem>>, vector<1x16xf32>,
        %get3A_172 = vector.shape_cast %get3A_171 : vector<1x16xf32> to vector<16xf32>
        %add3A_173 = arith.addf %get3A_168, %get3A_172 : vector<16xf32>
        %max3A_174 = arith.constant 0.000000e+00 : f32
        %max3A_175 = vector.broadcast %max3A_174 : f32 to vector<16xf32>
        %max3A_176 = arith.maximumf %add3A_173, %max3A_175 : vector<16xf32>
        %swap3A_177 = arith.index_cast %scan3A_47 : i32 to index
        %swap3A_178 = arith.constant 112 : index
        %swap3A_179 = tpu.vector_load %arg10[%swap3A_177, %swap3A_178] {strides = array<i32>} : memref<80x128xf32, #tpu.memory_space<vmem>>, vector<1x16xf32>,
        %swap3A_180 = vector.shape_cast %swap3A_179 : vector<1x16xf32> to vector<16xf32>
        %swap3A_181 = vector.shape_cast %max3A_176 : vector<16xf32> to vector<1x16xf32>
        tpu.vector_store %arg10[%swap3A_177, %swap3A_178], %swap3A_181 {strides = array<i32>} : memref<80x128xf32, #tpu.memory_space<vmem>>, vector<1x16xf32>,
        %scan3A_182 = arith.constant 0 : i32
        %scan3A_183 = arith.constant 1 : i32
        %scan3A_184 = arith.addi %scan3A_47, %scan3A_183 : i32
        %get3A_185 = arith.index_cast %scan3A_184 : i32 to index
        %get3A_186 = arith.constant 0 : index
        %get3A_187 = tpu.vector_load %arg10[%get3A_185, %get3A_186] {strides = array<i32>} : memref<80x128xf32, #tpu.memory_space<vmem>>, vector<1x16xf32>,
        %get3A_188 = vector.shape_cast %get3A_187 : vector<1x16xf32> to vector<16xf32>
        %get3A_189 = arith.index_cast %scan3A_184 : i32 to index
        %get3A_190 = arith.constant 0 : index
        %get3A_191 = tpu.vector_load %arg9[%get3A_189, %get3A_190] {strides = array<i32>} : memref<80x128xf32, #tpu.memory_space<vmem>>, vector<1x16xf32>,
        %get3A_192 = vector.shape_cast %get3A_191 : vector<1x16xf32> to vector<16xf32>
        %add3A_193 = arith.addf %get3A_188, %get3A_192 : vector<16xf32>
        %max3A_194 = arith.constant 0.000000e+00 : f32
        %max3A_195 = vector.broadcast %max3A_194 : f32 to vector<16xf32>
        %max3A_196 = arith.maximumf %add3A_193, %max3A_195 : vector<16xf32>
        %swap3A_197 = arith.index_cast %scan3A_184 : i32 to index
        %swap3A_198 = arith.constant 0 : index
        %swap3A_199 = tpu.vector_load %arg10[%swap3A_197, %swap3A_198] {strides = array<i32>} : memref<80x128xf32, #tpu.memory_space<vmem>>, vector<1x16xf32>,
        %swap3A_200 = vector.shape_cast %swap3A_199 : vector<1x16xf32> to vector<16xf32>
        %swap3A_201 = vector.shape_cast %max3A_196 : vector<16xf32> to vector<1x16xf32>
        tpu.vector_store %arg10[%swap3A_197, %swap3A_198], %swap3A_201 {strides = array<i32>} : memref<80x128xf32, #tpu.memory_space<vmem>>, vector<1x16xf32>,
        %get3A_202 = arith.index_cast %scan3A_184 : i32 to index
        %get3A_203 = arith.constant 16 : index
        %get3A_204 = tpu.vector_load %arg10[%get3A_202, %get3A_203] {strides = array<i32>} : memref<80x128xf32, #tpu.memory_space<vmem>>, vector<1x16xf32>,
        %get3A_205 = vector.shape_cast %get3A_204 : vector<1x16xf32> to vector<16xf32>
        %get3A_206 = arith.index_cast %scan3A_184 : i32 to index
        %get3A_207 = arith.constant 16 : index
        %get3A_208 = tpu.vector_load %arg9[%get3A_206, %get3A_207] {strides = array<i32>} : memref<80x128xf32, #tpu.memory_space<vmem>>, vector<1x16xf32>,
        %get3A_209 = vector.shape_cast %get3A_208 : vector<1x16xf32> to vector<16xf32>
        %add3A_210 = arith.addf %get3A_205, %get3A_209 : vector<16xf32>
        %max3A_211 = arith.constant 0.000000e+00 : f32
        %max3A_212 = vector.broadcast %max3A_211 : f32 to vector<16xf32>
        %max3A_213 = arith.maximumf %add3A_210, %max3A_212 : vector<16xf32>
        %swap3A_214 = arith.index_cast %scan3A_184 : i32 to index
        %swap3A_215 = arith.constant 16 : index
        %swap3A_216 = tpu.vector_load %arg10[%swap3A_214, %swap3A_215] {strides = array<i32>} : memref<80x128xf32, #tpu.memory_space<vmem>>, vector<1x16xf32>,
        %swap3A_217 = vector.shape_cast %swap3A_216 : vector<1x16xf32> to vector<16xf32>
        %swap3A_218 = vector.shape_cast %max3A_213 : vector<16xf32> to vector<1x16xf32>
        tpu.vector_store %arg10[%swap3A_214, %swap3A_215], %swap3A_218 {strides = array<i32>} : memref<80x128xf32, #tpu.memory_space<vmem>>, vector<1x16xf32>,
        %get3A_219 = arith.index_cast %scan3A_184 : i32 to index
        %get3A_220 = arith.constant 32 : index
        %get3A_221 = tpu.vector_load %arg10[%get3A_219, %get3A_220] {strides = array<i32>} : memref<80x128xf32, #tpu.memory_space<vmem>>, vector<1x16xf32>,
        %get3A_222 = vector.shape_cast %get3A_221 : vector<1x16xf32> to vector<16xf32>
        %get3A_223 = arith.index_cast %scan3A_184 : i32 to index
        %get3A_224 = arith.constant 32 : index
        %get3A_225 = tpu.vector_load %arg9[%get3A_223, %get3A_224] {strides = array<i32>} : memref<80x128xf32, #tpu.memory_space<vmem>>, vector<1x16xf32>,
        %get3A_226 = vector.shape_cast %get3A_225 : vector<1x16xf32> to vector<16xf32>
        %add3A_227 = arith.addf %get3A_222, %get3A_226 : vector<16xf32>
        %max3A_228 = arith.constant 0.000000e+00 : f32
        %max3A_229 = vector.broadcast %max3A_228 : f32 to vector<16xf32>
        %max3A_230 = arith.maximumf %add3A_227, %max3A_229 : vector<16xf32>
        %swap3A_231 = arith.index_cast %scan3A_184 : i32 to index
        %swap3A_232 = arith.constant 32 : index
        %swap3A_233 = tpu.vector_load %arg10[%swap3A_231, %swap3A_232] {strides = array<i32>} : memref<80x128xf32, #tpu.memory_space<vmem>>, vector<1x16xf32>,
        %swap3A_234 = vector.shape_cast %swap3A_233 : vector<1x16xf32> to vector<16xf32>
        %swap3A_235 = vector.shape_cast %max3A_230 : vector<16xf32> to vector<1x16xf32>
        tpu.vector_store %arg10[%swap3A_231, %swap3A_232], %swap3A_235 {strides = array<i32>} : memref<80x128xf32, #tpu.memory_space<vmem>>, vector<1x16xf32>,
        %get3A_236 = arith.index_cast %scan3A_184 : i32 to index
        %get3A_237 = arith.constant 48 : index
        %get3A_238 = tpu.vector_load %arg10[%get3A_236, %get3A_237] {strides = array<i32>} : memref<80x128xf32, #tpu.memory_space<vmem>>, vector<1x16xf32>,
        %get3A_239 = vector.shape_cast %get3A_238 : vector<1x16xf32> to vector<16xf32>
        %get3A_240 = arith.index_cast %scan3A_184 : i32 to index
        %get3A_241 = arith.constant 48 : index
        %get3A_242 = tpu.vector_load %arg9[%get3A_240, %get3A_241] {strides = array<i32>} : memref<80x128xf32, #tpu.memory_space<vmem>>, vector<1x16xf32>,
        %get3A_243 = vector.shape_cast %get3A_242 : vector<1x16xf32> to vector<16xf32>
        %add3A_244 = arith.addf %get3A_239, %get3A_243 : vector<16xf32>
        %max3A_245 = arith.constant 0.000000e+00 : f32
        %max3A_246 = vector.broadcast %max3A_245 : f32 to vector<16xf32>
        %max3A_247 = arith.maximumf %add3A_244, %max3A_246 : vector<16xf32>
        %swap3A_248 = arith.index_cast %scan3A_184 : i32 to index
        %swap3A_249 = arith.constant 48 : index
        %swap3A_250 = tpu.vector_load %arg10[%swap3A_248, %swap3A_249] {strides = array<i32>} : memref<80x128xf32, #tpu.memory_space<vmem>>, vector<1x16xf32>,
        %swap3A_251 = vector.shape_cast %swap3A_250 : vector<1x16xf32> to vector<16xf32>
        %swap3A_252 = vector.shape_cast %max3A_247 : vector<16xf32> to vector<1x16xf32>
        tpu.vector_store %arg10[%swap3A_248, %swap3A_249], %swap3A_252 {strides = array<i32>} : memref<80x128xf32, #tpu.memory_space<vmem>>, vector<1x16xf32>,
        %get3A_253 = arith.index_cast %scan3A_184 : i32 to index
        %get3A_254 = arith.constant 64 : index
        %get3A_255 = tpu.vector_load %arg10[%get3A_253, %get3A_254] {strides = array<i32>} : memref<80x128xf32, #tpu.memory_space<vmem>>, vector<1x16xf32>,
        %get3A_256 = vector.shape_cast %get3A_255 : vector<1x16xf32> to vector<16xf32>
        %get3A_257 = arith.index_cast %scan3A_184 : i32 to index
        %get3A_258 = arith.constant 64 : index
        %get3A_259 = tpu.vector_load %arg9[%get3A_257, %get3A_258] {strides = array<i32>} : memref<80x128xf32, #tpu.memory_space<vmem>>, vector<1x16xf32>,
        %get3A_260 = vector.shape_cast %get3A_259 : vector<1x16xf32> to vector<16xf32>
        %add3A_261 = arith.addf %get3A_256, %get3A_260 : vector<16xf32>
        %max3A_262 = arith.constant 0.000000e+00 : f32
        %max3A_263 = vector.broadcast %max3A_262 : f32 to vector<16xf32>
        %max3A_264 = arith.maximumf %add3A_261, %max3A_263 : vector<16xf32>
        %swap3A_265 = arith.index_cast %scan3A_184 : i32 to index
        %swap3A_266 = arith.constant 64 : index
        %swap3A_267 = tpu.vector_load %arg10[%swap3A_265, %swap3A_266] {strides = array<i32>} : memref<80x128xf32, #tpu.memory_space<vmem>>, vector<1x16xf32>,
        %swap3A_268 = vector.shape_cast %swap3A_267 : vector<1x16xf32> to vector<16xf32>
        %swap3A_269 = vector.shape_cast %max3A_264 : vector<16xf32> to vector<1x16xf32>
        tpu.vector_store %arg10[%swap3A_265, %swap3A_266], %swap3A_269 {strides = array<i32>} : memref<80x128xf32, #tpu.memory_space<vmem>>, vector<1x16xf32>,
        %get3A_270 = arith.index_cast %scan3A_184 : i32 to index
        %get3A_271 = arith.constant 80 : index
        %get3A_272 = tpu.vector_load %arg10[%get3A_270, %get3A_271] {strides = array<i32>} : memref<80x128xf32, #tpu.memory_space<vmem>>, vector<1x16xf32>,
        %get3A_273 = vector.shape_cast %get3A_272 : vector<1x16xf32> to vector<16xf32>
        %get3A_274 = arith.index_cast %scan3A_184 : i32 to index
        %get3A_275 = arith.constant 80 : index
        %get3A_276 = tpu.vector_load %arg9[%get3A_274, %get3A_275] {strides = array<i32>} : memref<80x128xf32, #tpu.memory_space<vmem>>, vector<1x16xf32>,
        %get3A_277 = vector.shape_cast %get3A_276 : vector<1x16xf32> to vector<16xf32>
        %add3A_278 = arith.addf %get3A_273, %get3A_277 : vector<16xf32>
        %max3A_279 = arith.constant 0.000000e+00 : f32
        %max3A_280 = vector.broadcast %max3A_279 : f32 to vector<16xf32>
        %max3A_281 = arith.maximumf %add3A_278, %max3A_280 : vector<16xf32>
        %swap3A_282 = arith.index_cast %scan3A_184 : i32 to index
        %swap3A_283 = arith.constant 80 : index
        %swap3A_284 = tpu.vector_load %arg10[%swap3A_282, %swap3A_283] {strides = array<i32>} : memref<80x128xf32, #tpu.memory_space<vmem>>, vector<1x16xf32>,
        %swap3A_285 = vector.shape_cast %swap3A_284 : vector<1x16xf32> to vector<16xf32>
        %swap3A_286 = vector.shape_cast %max3A_281 : vector<16xf32> to vector<1x16xf32>
        tpu.vector_store %arg10[%swap3A_282, %swap3A_283], %swap3A_286 {strides = array<i32>} : memref<80x128xf32, #tpu.memory_space<vmem>>, vector<1x16xf32>,
        %get3A_287 = arith.index_cast %scan3A_184 : i32 to index
        %get3A_288 = arith.constant 96 : index
        %get3A_289 = tpu.vector_load %arg10[%get3A_287, %get3A_288] {strides = array<i32>} : memref<80x128xf32, #tpu.memory_space<vmem>>, vector<1x16xf32>,
        %get3A_290 = vector.shape_cast %get3A_289 : vector<1x16xf32> to vector<16xf32>
        %get3A_291 = arith.index_cast %scan3A_184 : i32 to index
        %get3A_292 = arith.constant 96 : index
        %get3A_293 = tpu.vector_load %arg9[%get3A_291, %get3A_292] {strides = array<i32>} : memref<80x128xf32, #tpu.memory_space<vmem>>, vector<1x16xf32>,
        %get3A_294 = vector.shape_cast %get3A_293 : vector<1x16xf32> to vector<16xf32>
        %add3A_295 = arith.addf %get3A_290, %get3A_294 : vector<16xf32>
        %max3A_296 = arith.constant 0.000000e+00 : f32
        %max3A_297 = vector.broadcast %max3A_296 : f32 to vector<16xf32>
        %max3A_298 = arith.maximumf %add3A_295, %max3A_297 : vector<16xf32>
        %swap3A_299 = arith.index_cast %scan3A_184 : i32 to index
        %swap3A_300 = arith.constant 96 : index
        %swap3A_301 = tpu.vector_load %arg10[%swap3A_299, %swap3A_300] {strides = array<i32>} : memref<80x128xf32, #tpu.memory_space<vmem>>, vector<1x16xf32>,
        %swap3A_302 = vector.shape_cast %swap3A_301 : vector<1x16xf32> to vector<16xf32>
        %swap3A_303 = vector.shape_cast %max3A_298 : vector<16xf32> to vector<1x16xf32>
        tpu.vector_store %arg10[%swap3A_299, %swap3A_300], %swap3A_303 {strides = array<i32>} : memref<80x128xf32, #tpu.memory_space<vmem>>, vector<1x16xf32>,
        %get3A_304 = arith.index_cast %scan3A_184 : i32 to index
        %get3A_305 = arith.constant 112 : index
        %get3A_306 = tpu.vector_load %arg10[%get3A_304, %get3A_305] {strides = array<i32>} : memref<80x128xf32, #tpu.memory_space<vmem>>, vector<1x16xf32>,
        %get3A_307 = vector.shape_cast %get3A_306 : vector<1x16xf32> to vector<16xf32>
        %get3A_308 = arith.index_cast %scan3A_184 : i32 to index
        %get3A_309 = arith.constant 112 : index
        %get3A_310 = tpu.vector_load %arg9[%get3A_308, %get3A_309] {strides = array<i32>} : memref<80x128xf32, #tpu.memory_space<vmem>>, vector<1x16xf32>,
        %get3A_311 = vector.shape_cast %get3A_310 : vector<1x16xf32> to vector<16xf32>
        %add3A_312 = arith.addf %get3A_307, %get3A_311 : vector<16xf32>
        %max3A_313 = arith.constant 0.000000e+00 : f32
        %max3A_314 = vector.broadcast %max3A_313 : f32 to vector<16xf32>
        %max3A_315 = arith.maximumf %add3A_312, %max3A_314 : vector<16xf32>
        %swap3A_316 = arith.index_cast %scan3A_184 : i32 to index
        %swap3A_317 = arith.constant 112 : index
        %swap3A_318 = tpu.vector_load %arg10[%swap3A_316, %swap3A_317] {strides = array<i32>} : memref<80x128xf32, #tpu.memory_space<vmem>>, vector<1x16xf32>,
        %swap3A_319 = vector.shape_cast %swap3A_318 : vector<1x16xf32> to vector<16xf32>
        %swap3A_320 = vector.shape_cast %max3A_315 : vector<16xf32> to vector<1x16xf32>
        tpu.vector_store %arg10[%swap3A_316, %swap3A_317], %swap3A_320 {strides = array<i32>} : memref<80x128xf32, #tpu.memory_space<vmem>>, vector<1x16xf32>,
        %scan3A_321 = arith.constant 0 : i32
        scf.yield %scan3A_321 : i32
      }
      %scan3A_45 = arith.constant 80 : i32
      "tpu.region"() ({
        %run_scoped3A = tpu.sem_alloc : memref<!tpu.dma_semaphore, #tpu.memory_space<semaphore_mem>>
        %dma_start3A_47 = arith.constant 0 : i32
        %dma_start3A_48 = arith.constant 0 : i32
        %dma_start3A_49 = tpu.memref_slice %arg12[%dma_start3A_47, %dma_start3A_48] : memref<10240x128xf32, #tpu.memory_space<vmem_shared>> -> memref<10240x128xf32, #tpu.memory_space<vmem_shared>>
        tpu.enqueue_indirect_dma source(%arg10 : memref<80x128xf32, #tpu.memory_space<vmem>>) target(%dma_start3A_49 : memref<10240x128xf32, #tpu.memory_space<vmem_shared>>) offsets(%arg8 : memref<80xi32, #tpu.memory_space<vmem>>) semaphore(%run_scoped3A : memref<!tpu.dma_semaphore, #tpu.memory_space<semaphore_mem>>) {add = true}
        %dma_wait3A_50 = arith.constant 0 : i32
        %dma_wait3A_51 = arith.constant 0 : i32
        %dma_wait3A_52 = tpu.memref_slice %arg12[%dma_wait3A_50, %dma_wait3A_51] : memref<10240x128xf32, #tpu.memory_space<vmem_shared>> -> memref<10240x128xf32, #tpu.memory_space<vmem_shared>>
        tpu.wait_indirect_dma semaphore(%run_scoped3A : memref<!tpu.dma_semaphore, #tpu.memory_space<semaphore_mem>>) src(%arg10 : memref<80x128xf32, #tpu.memory_space<vmem>>) dst(%dma_wait3A_52 : memref<10240x128xf32, #tpu.memory_space<vmem_shared>>)
        tpu.yield
      }) : () -> ()
      %scan3A_46 = arith.constant 0 : i32
      scf.yield %scan3A_46 : i32
    }
    %scan3A_28 = arith.constant 125 : i32
    %barrier3A_29 = arith.constant 0 : index
    tpu.barrier barrier_id(%barrier3A_29)
    "tpu.region"() ({
      %run_scoped3A = tpu.sem_alloc : memref<!tpu.dma_semaphore, #tpu.memory_space<semaphore_mem>>
      %dma_start3A = arith.constant 0 : i32
      %dma_start3A_30 = tpu.memref_slice %arg6[%arg0, %mul3A_9, %dma_start3A] : memref<2x10240x128xf32, #tpu.memory_space<hbm>> -> memref<1x640x128xf32, #tpu.memory_space<hbm>>
      %dma_start3A_31 = tpu.memref_squeeze %dma_start3A_30 : memref<1x640x128xf32, #tpu.memory_space<hbm>> -> memref<640x128xf32, #tpu.memory_space<hbm>>
      %dma_start3A_32 = arith.constant 0 : i32
      %dma_start3A_33 = tpu.memref_slice %arg12[%mul3A_9, %dma_start3A_32] : memref<10240x128xf32, #tpu.memory_space<vmem_shared>> -> memref<640x128xf32, #tpu.memory_space<vmem_shared>>
      tpu.enqueue_dma source(%dma_start3A_33 : memref<640x128xf32, #tpu.memory_space<vmem_shared>>) target(%dma_start3A_31 : memref<640x128xf32, #tpu.memory_space<hbm>>) target_semaphore(%run_scoped3A : memref<!tpu.dma_semaphore, #tpu.memory_space<semaphore_mem>>)
      %dma_wait3A = arith.constant 0 : i32
      %dma_wait3A_34 = tpu.memref_slice %arg6[%arg0, %mul3A_9, %dma_wait3A] : memref<2x10240x128xf32, #tpu.memory_space<hbm>> -> memref<1x640x128xf32, #tpu.memory_space<hbm>>
      %dma_wait3A_35 = tpu.memref_squeeze %dma_wait3A_34 : memref<1x640x128xf32, #tpu.memory_space<hbm>> -> memref<640x128xf32, #tpu.memory_space<hbm>>
      %dma_wait3A_36 = arith.constant 0 : i32
      %dma_wait3A_37 = tpu.memref_slice %arg12[%mul3A_9, %dma_wait3A_36] : memref<10240x128xf32, #tpu.memory_space<vmem_shared>> -> memref<640x128xf32, #tpu.memory_space<vmem_shared>>
      tpu.wait_dma2 semaphore(%run_scoped3A : memref<!tpu.dma_semaphore, #tpu.memory_space<semaphore_mem>>) src(%dma_wait3A_37 : memref<640x128xf32, #tpu.memory_space<vmem_shared>>) dst(%dma_wait3A_35 : memref<640x128xf32, #tpu.memory_space<hbm>>)
      tpu.yield
    }) : () -> ()
    return
  }
}

#map = affine_map<(d0, d1) -> (0, 0)>
#map1 = affine_map<(d0, d1) -> (0)>
#map2 = affine_map<(d0, d1) -> (0, 0, 0)>
module attributes {stable_mosaic.version = 14 : i64} {
  func.func @_sc_scatter_body(%arg0: i32, %arg1: i32, %arg2: memref<10240x128xf32, #tpu.memory_space<hbm>>, %arg3: memref<320000x128xf32, #tpu.memory_space<hbm>>, %arg4: memref<320000xi32, #tpu.memory_space<hbm>>, %arg5: memref<320000xi32, #tpu.memory_space<hbm>>, %arg6: memref<2x10240x128xf32, #tpu.memory_space<hbm>>, %arg7: memref<80xi32, #tpu.memory_space<vmem>>, %arg8: memref<80xi32, #tpu.memory_space<vmem>>, %arg9: memref<80x128xf32, #tpu.memory_space<vmem>>, %arg10: memref<80x128xf32, #tpu.memory_space<vmem>>, %arg11: memref<128x128xf32, #tpu.memory_space<vmem>>, %arg12: memref<10240x128xf32, #tpu.memory_space<vmem_shared>>, %arg13: memref<!tpu.dma_semaphore, #tpu.memory_space<semaphore_mem>>) attributes {dimension_semantics = [#tpu.dimension_semantics<core_parallel>, #tpu.dimension_semantics<subcore_parallel>], iteration_bounds = array<i64: 2, 16>, scalar_prefetch = 0 : i64, scratch_operands = 7 : i64, tpu.core_type = #tpu.core_type<sc_vector_subcore>, window_params = [{transform_indices = #map}, {transform_indices = #map}, {transform_indices = #map1}, {transform_indices = #map1}, {transform_indices = #map2}]} {
    %mul3A = arith.constant 16 : i32
    %mul3A_0 = arith.muli %arg0, %mul3A : i32
    %add3A = arith.addi %mul3A_0, %arg1 : i32
    %broadcast_in_dim3A = arith.constant 0.000000e+00 : f32
    %broadcast_in_dim3A_1 = vector.broadcast %broadcast_in_dim3A : f32 to vector<16xf32>
    %scan3A = arith.constant 0 : i32
    %scan3A_2 = arith.constant 0 : i32
    %scan3A_3 = arith.constant 128 : i32
    %scan3A_4 = arith.addi %scan3A_2, %scan3A_3 : i32
    %scan3A_5 = arith.constant 4 : i32
    %scan3A_6 = scf.for %scan3A_30 = %scan3A_2 to %scan3A_4 step %scan3A_5 iter_args(%scan3A_31 = %scan3A) -> (i32)  : i32 {
      %swap3A = arith.index_cast %scan3A_30 : i32 to index
      %swap3A_32 = arith.constant 0 : index
      %swap3A_33 = tpu.vector_load %arg11[%swap3A, %swap3A_32] {strides = array<i32>} : memref<128x128xf32, #tpu.memory_space<vmem>>, vector<1x16xf32>,
      %swap3A_34 = vector.shape_cast %swap3A_33 : vector<1x16xf32> to vector<16xf32>
      %swap3A_35 = vector.shape_cast %broadcast_in_dim3A_1 : vector<16xf32> to vector<1x16xf32>
      tpu.vector_store %arg11[%swap3A, %swap3A_32], %swap3A_35 {strides = array<i32>} : memref<128x128xf32, #tpu.memory_space<vmem>>, vector<1x16xf32>,
      %swap3A_36 = arith.index_cast %scan3A_30 : i32 to index
      %swap3A_37 = arith.constant 16 : index
      %swap3A_38 = tpu.vector_load %arg11[%swap3A_36, %swap3A_37] {strides = array<i32>} : memref<128x128xf32, #tpu.memory_space<vmem>>, vector<1x16xf32>,
      %swap3A_39 = vector.shape_cast %swap3A_38 : vector<1x16xf32> to vector<16xf32>
      %swap3A_40 = vector.shape_cast %broadcast_in_dim3A_1 : vector<16xf32> to vector<1x16xf32>
      tpu.vector_store %arg11[%swap3A_36, %swap3A_37], %swap3A_40 {strides = array<i32>} : memref<128x128xf32, #tpu.memory_space<vmem>>, vector<1x16xf32>,
      %swap3A_41 = arith.index_cast %scan3A_30 : i32 to index
      %swap3A_42 = arith.constant 32 : index
      %swap3A_43 = tpu.vector_load %arg11[%swap3A_41, %swap3A_42] {strides = array<i32>} : memref<128x128xf32, #tpu.memory_space<vmem>>, vector<1x16xf32>,
      %swap3A_44 = vector.shape_cast %swap3A_43 : vector<1x16xf32> to vector<16xf32>
      %swap3A_45 = vector.shape_cast %broadcast_in_dim3A_1 : vector<16xf32> to vector<1x16xf32>
      tpu.vector_store %arg11[%swap3A_41, %swap3A_42], %swap3A_45 {strides = array<i32>} : memref<128x128xf32, #tpu.memory_space<vmem>>, vector<1x16xf32>,
      %swap3A_46 = arith.index_cast %scan3A_30 : i32 to index
      %swap3A_47 = arith.constant 48 : index
      %swap3A_48 = tpu.vector_load %arg11[%swap3A_46, %swap3A_47] {strides = array<i32>} : memref<128x128xf32, #tpu.memory_space<vmem>>, vector<1x16xf32>,
      %swap3A_49 = vector.shape_cast %swap3A_48 : vector<1x16xf32> to vector<16xf32>
      %swap3A_50 = vector.shape_cast %broadcast_in_dim3A_1 : vector<16xf32> to vector<1x16xf32>
      tpu.vector_store %arg11[%swap3A_46, %swap3A_47], %swap3A_50 {strides = array<i32>} : memref<128x128xf32, #tpu.memory_space<vmem>>, vector<1x16xf32>,
      %swap3A_51 = arith.index_cast %scan3A_30 : i32 to index
      %swap3A_52 = arith.constant 64 : index
      %swap3A_53 = tpu.vector_load %arg11[%swap3A_51, %swap3A_52] {strides = array<i32>} : memref<128x128xf32, #tpu.memory_space<vmem>>, vector<1x16xf32>,
      %swap3A_54 = vector.shape_cast %swap3A_53 : vector<1x16xf32> to vector<16xf32>
      %swap3A_55 = vector.shape_cast %broadcast_in_dim3A_1 : vector<16xf32> to vector<1x16xf32>
      tpu.vector_store %arg11[%swap3A_51, %swap3A_52], %swap3A_55 {strides = array<i32>} : memref<128x128xf32, #tpu.memory_space<vmem>>, vector<1x16xf32>,
      %swap3A_56 = arith.index_cast %scan3A_30 : i32 to index
      %swap3A_57 = arith.constant 80 : index
      %swap3A_58 = tpu.vector_load %arg11[%swap3A_56, %swap3A_57] {strides = array<i32>} : memref<128x128xf32, #tpu.memory_space<vmem>>, vector<1x16xf32>,
      %swap3A_59 = vector.shape_cast %swap3A_58 : vector<1x16xf32> to vector<16xf32>
      %swap3A_60 = vector.shape_cast %broadcast_in_dim3A_1 : vector<16xf32> to vector<1x16xf32>
      tpu.vector_store %arg11[%swap3A_56, %swap3A_57], %swap3A_60 {strides = array<i32>} : memref<128x128xf32, #tpu.memory_space<vmem>>, vector<1x16xf32>,
      %swap3A_61 = arith.index_cast %scan3A_30 : i32 to index
      %swap3A_62 = arith.constant 96 : index
      %swap3A_63 = tpu.vector_load %arg11[%swap3A_61, %swap3A_62] {strides = array<i32>} : memref<128x128xf32, #tpu.memory_space<vmem>>, vector<1x16xf32>,
      %swap3A_64 = vector.shape_cast %swap3A_63 : vector<1x16xf32> to vector<16xf32>
      %swap3A_65 = vector.shape_cast %broadcast_in_dim3A_1 : vector<16xf32> to vector<1x16xf32>
      tpu.vector_store %arg11[%swap3A_61, %swap3A_62], %swap3A_65 {strides = array<i32>} : memref<128x128xf32, #tpu.memory_space<vmem>>, vector<1x16xf32>,
      %swap3A_66 = arith.index_cast %scan3A_30 : i32 to index
      %swap3A_67 = arith.constant 112 : index
      %swap3A_68 = tpu.vector_load %arg11[%swap3A_66, %swap3A_67] {strides = array<i32>} : memref<128x128xf32, #tpu.memory_space<vmem>>, vector<1x16xf32>,
      %swap3A_69 = vector.shape_cast %swap3A_68 : vector<1x16xf32> to vector<16xf32>
      %swap3A_70 = vector.shape_cast %broadcast_in_dim3A_1 : vector<16xf32> to vector<1x16xf32>
      tpu.vector_store %arg11[%swap3A_66, %swap3A_67], %swap3A_70 {strides = array<i32>} : memref<128x128xf32, #tpu.memory_space<vmem>>, vector<1x16xf32>,
      %scan3A_71 = arith.constant 0 : i32
      %scan3A_72 = arith.constant 1 : i32
      %scan3A_73 = arith.addi %scan3A_30, %scan3A_72 : i32
      %swap3A_74 = arith.index_cast %scan3A_73 : i32 to index
      %swap3A_75 = arith.constant 0 : index
      %swap3A_76 = tpu.vector_load %arg11[%swap3A_74, %swap3A_75] {strides = array<i32>} : memref<128x128xf32, #tpu.memory_space<vmem>>, vector<1x16xf32>,
      %swap3A_77 = vector.shape_cast %swap3A_76 : vector<1x16xf32> to vector<16xf32>
      %swap3A_78 = vector.shape_cast %broadcast_in_dim3A_1 : vector<16xf32> to vector<1x16xf32>
      tpu.vector_store %arg11[%swap3A_74, %swap3A_75], %swap3A_78 {strides = array<i32>} : memref<128x128xf32, #tpu.memory_space<vmem>>, vector<1x16xf32>,
      %swap3A_79 = arith.index_cast %scan3A_73 : i32 to index
      %swap3A_80 = arith.constant 16 : index
      %swap3A_81 = tpu.vector_load %arg11[%swap3A_79, %swap3A_80] {strides = array<i32>} : memref<128x128xf32, #tpu.memory_space<vmem>>, vector<1x16xf32>,
      %swap3A_82 = vector.shape_cast %swap3A_81 : vector<1x16xf32> to vector<16xf32>
      %swap3A_83 = vector.shape_cast %broadcast_in_dim3A_1 : vector<16xf32> to vector<1x16xf32>
      tpu.vector_store %arg11[%swap3A_79, %swap3A_80], %swap3A_83 {strides = array<i32>} : memref<128x128xf32, #tpu.memory_space<vmem>>, vector<1x16xf32>,
      %swap3A_84 = arith.index_cast %scan3A_73 : i32 to index
      %swap3A_85 = arith.constant 32 : index
      %swap3A_86 = tpu.vector_load %arg11[%swap3A_84, %swap3A_85] {strides = array<i32>} : memref<128x128xf32, #tpu.memory_space<vmem>>, vector<1x16xf32>,
      %swap3A_87 = vector.shape_cast %swap3A_86 : vector<1x16xf32> to vector<16xf32>
      %swap3A_88 = vector.shape_cast %broadcast_in_dim3A_1 : vector<16xf32> to vector<1x16xf32>
      tpu.vector_store %arg11[%swap3A_84, %swap3A_85], %swap3A_88 {strides = array<i32>} : memref<128x128xf32, #tpu.memory_space<vmem>>, vector<1x16xf32>,
      %swap3A_89 = arith.index_cast %scan3A_73 : i32 to index
      %swap3A_90 = arith.constant 48 : index
      %swap3A_91 = tpu.vector_load %arg11[%swap3A_89, %swap3A_90] {strides = array<i32>} : memref<128x128xf32, #tpu.memory_space<vmem>>, vector<1x16xf32>,
      %swap3A_92 = vector.shape_cast %swap3A_91 : vector<1x16xf32> to vector<16xf32>
      %swap3A_93 = vector.shape_cast %broadcast_in_dim3A_1 : vector<16xf32> to vector<1x16xf32>
      tpu.vector_store %arg11[%swap3A_89, %swap3A_90], %swap3A_93 {strides = array<i32>} : memref<128x128xf32, #tpu.memory_space<vmem>>, vector<1x16xf32>,
      %swap3A_94 = arith.index_cast %scan3A_73 : i32 to index
      %swap3A_95 = arith.constant 64 : index
      %swap3A_96 = tpu.vector_load %arg11[%swap3A_94, %swap3A_95] {strides = array<i32>} : memref<128x128xf32, #tpu.memory_space<vmem>>, vector<1x16xf32>,
      %swap3A_97 = vector.shape_cast %swap3A_96 : vector<1x16xf32> to vector<16xf32>
      %swap3A_98 = vector.shape_cast %broadcast_in_dim3A_1 : vector<16xf32> to vector<1x16xf32>
      tpu.vector_store %arg11[%swap3A_94, %swap3A_95], %swap3A_98 {strides = array<i32>} : memref<128x128xf32, #tpu.memory_space<vmem>>, vector<1x16xf32>,
      %swap3A_99 = arith.index_cast %scan3A_73 : i32 to index
      %swap3A_100 = arith.constant 80 : index
      %swap3A_101 = tpu.vector_load %arg11[%swap3A_99, %swap3A_100] {strides = array<i32>} : memref<128x128xf32, #tpu.memory_space<vmem>>, vector<1x16xf32>,
      %swap3A_102 = vector.shape_cast %swap3A_101 : vector<1x16xf32> to vector<16xf32>
      %swap3A_103 = vector.shape_cast %broadcast_in_dim3A_1 : vector<16xf32> to vector<1x16xf32>
      tpu.vector_store %arg11[%swap3A_99, %swap3A_100], %swap3A_103 {strides = array<i32>} : memref<128x128xf32, #tpu.memory_space<vmem>>, vector<1x16xf32>,
      %swap3A_104 = arith.index_cast %scan3A_73 : i32 to index
      %swap3A_105 = arith.constant 96 : index
      %swap3A_106 = tpu.vector_load %arg11[%swap3A_104, %swap3A_105] {strides = array<i32>} : memref<128x128xf32, #tpu.memory_space<vmem>>, vector<1x16xf32>,
      %swap3A_107 = vector.shape_cast %swap3A_106 : vector<1x16xf32> to vector<16xf32>
      %swap3A_108 = vector.shape_cast %broadcast_in_dim3A_1 : vector<16xf32> to vector<1x16xf32>
      tpu.vector_store %arg11[%swap3A_104, %swap3A_105], %swap3A_108 {strides = array<i32>} : memref<128x128xf32, #tpu.memory_space<vmem>>, vector<1x16xf32>,
      %swap3A_109 = arith.index_cast %scan3A_73 : i32 to index
      %swap3A_110 = arith.constant 112 : index
      %swap3A_111 = tpu.vector_load %arg11[%swap3A_109, %swap3A_110] {strides = array<i32>} : memref<128x128xf32, #tpu.memory_space<vmem>>, vector<1x16xf32>,
      %swap3A_112 = vector.shape_cast %swap3A_111 : vector<1x16xf32> to vector<16xf32>
      %swap3A_113 = vector.shape_cast %broadcast_in_dim3A_1 : vector<16xf32> to vector<1x16xf32>
      tpu.vector_store %arg11[%swap3A_109, %swap3A_110], %swap3A_113 {strides = array<i32>} : memref<128x128xf32, #tpu.memory_space<vmem>>, vector<1x16xf32>,
      %scan3A_114 = arith.constant 0 : i32
      %scan3A_115 = arith.constant 2 : i32
      %scan3A_116 = arith.addi %scan3A_30, %scan3A_115 : i32
      %swap3A_117 = arith.index_cast %scan3A_116 : i32 to index
      %swap3A_118 = arith.constant 0 : index
      %swap3A_119 = tpu.vector_load %arg11[%swap3A_117, %swap3A_118] {strides = array<i32>} : memref<128x128xf32, #tpu.memory_space<vmem>>, vector<1x16xf32>,
      %swap3A_120 = vector.shape_cast %swap3A_119 : vector<1x16xf32> to vector<16xf32>
      %swap3A_121 = vector.shape_cast %broadcast_in_dim3A_1 : vector<16xf32> to vector<1x16xf32>
      tpu.vector_store %arg11[%swap3A_117, %swap3A_118], %swap3A_121 {strides = array<i32>} : memref<128x128xf32, #tpu.memory_space<vmem>>, vector<1x16xf32>,
      %swap3A_122 = arith.index_cast %scan3A_116 : i32 to index
      %swap3A_123 = arith.constant 16 : index
      %swap3A_124 = tpu.vector_load %arg11[%swap3A_122, %swap3A_123] {strides = array<i32>} : memref<128x128xf32, #tpu.memory_space<vmem>>, vector<1x16xf32>,
      %swap3A_125 = vector.shape_cast %swap3A_124 : vector<1x16xf32> to vector<16xf32>
      %swap3A_126 = vector.shape_cast %broadcast_in_dim3A_1 : vector<16xf32> to vector<1x16xf32>
      tpu.vector_store %arg11[%swap3A_122, %swap3A_123], %swap3A_126 {strides = array<i32>} : memref<128x128xf32, #tpu.memory_space<vmem>>, vector<1x16xf32>,
      %swap3A_127 = arith.index_cast %scan3A_116 : i32 to index
      %swap3A_128 = arith.constant 32 : index
      %swap3A_129 = tpu.vector_load %arg11[%swap3A_127, %swap3A_128] {strides = array<i32>} : memref<128x128xf32, #tpu.memory_space<vmem>>, vector<1x16xf32>,
      %swap3A_130 = vector.shape_cast %swap3A_129 : vector<1x16xf32> to vector<16xf32>
      %swap3A_131 = vector.shape_cast %broadcast_in_dim3A_1 : vector<16xf32> to vector<1x16xf32>
      tpu.vector_store %arg11[%swap3A_127, %swap3A_128], %swap3A_131 {strides = array<i32>} : memref<128x128xf32, #tpu.memory_space<vmem>>, vector<1x16xf32>,
      %swap3A_132 = arith.index_cast %scan3A_116 : i32 to index
      %swap3A_133 = arith.constant 48 : index
      %swap3A_134 = tpu.vector_load %arg11[%swap3A_132, %swap3A_133] {strides = array<i32>} : memref<128x128xf32, #tpu.memory_space<vmem>>, vector<1x16xf32>,
      %swap3A_135 = vector.shape_cast %swap3A_134 : vector<1x16xf32> to vector<16xf32>
      %swap3A_136 = vector.shape_cast %broadcast_in_dim3A_1 : vector<16xf32> to vector<1x16xf32>
      tpu.vector_store %arg11[%swap3A_132, %swap3A_133], %swap3A_136 {strides = array<i32>} : memref<128x128xf32, #tpu.memory_space<vmem>>, vector<1x16xf32>,
      %swap3A_137 = arith.index_cast %scan3A_116 : i32 to index
      %swap3A_138 = arith.constant 64 : index
      %swap3A_139 = tpu.vector_load %arg11[%swap3A_137, %swap3A_138] {strides = array<i32>} : memref<128x128xf32, #tpu.memory_space<vmem>>, vector<1x16xf32>,
      %swap3A_140 = vector.shape_cast %swap3A_139 : vector<1x16xf32> to vector<16xf32>
      %swap3A_141 = vector.shape_cast %broadcast_in_dim3A_1 : vector<16xf32> to vector<1x16xf32>
      tpu.vector_store %arg11[%swap3A_137, %swap3A_138], %swap3A_141 {strides = array<i32>} : memref<128x128xf32, #tpu.memory_space<vmem>>, vector<1x16xf32>,
      %swap3A_142 = arith.index_cast %scan3A_116 : i32 to index
      %swap3A_143 = arith.constant 80 : index
      %swap3A_144 = tpu.vector_load %arg11[%swap3A_142, %swap3A_143] {strides = array<i32>} : memref<128x128xf32, #tpu.memory_space<vmem>>, vector<1x16xf32>,
      %swap3A_145 = vector.shape_cast %swap3A_144 : vector<1x16xf32> to vector<16xf32>
      %swap3A_146 = vector.shape_cast %broadcast_in_dim3A_1 : vector<16xf32> to vector<1x16xf32>
      tpu.vector_store %arg11[%swap3A_142, %swap3A_143], %swap3A_146 {strides = array<i32>} : memref<128x128xf32, #tpu.memory_space<vmem>>, vector<1x16xf32>,
      %swap3A_147 = arith.index_cast %scan3A_116 : i32 to index
      %swap3A_148 = arith.constant 96 : index
      %swap3A_149 = tpu.vector_load %arg11[%swap3A_147, %swap3A_148] {strides = array<i32>} : memref<128x128xf32, #tpu.memory_space<vmem>>, vector<1x16xf32>,
      %swap3A_150 = vector.shape_cast %swap3A_149 : vector<1x16xf32> to vector<16xf32>
      %swap3A_151 = vector.shape_cast %broadcast_in_dim3A_1 : vector<16xf32> to vector<1x16xf32>
      tpu.vector_store %arg11[%swap3A_147, %swap3A_148], %swap3A_151 {strides = array<i32>} : memref<128x128xf32, #tpu.memory_space<vmem>>, vector<1x16xf32>,
      %swap3A_152 = arith.index_cast %scan3A_116 : i32 to index
      %swap3A_153 = arith.constant 112 : index
      %swap3A_154 = tpu.vector_load %arg11[%swap3A_152, %swap3A_153] {strides = array<i32>} : memref<128x128xf32, #tpu.memory_space<vmem>>, vector<1x16xf32>,
      %swap3A_155 = vector.shape_cast %swap3A_154 : vector<1x16xf32> to vector<16xf32>
      %swap3A_156 = vector.shape_cast %broadcast_in_dim3A_1 : vector<16xf32> to vector<1x16xf32>
      tpu.vector_store %arg11[%swap3A_152, %swap3A_153], %swap3A_156 {strides = array<i32>} : memref<128x128xf32, #tpu.memory_space<vmem>>, vector<1x16xf32>,
      %scan3A_157 = arith.constant 0 : i32
      %scan3A_158 = arith.constant 3 : i32
      %scan3A_159 = arith.addi %scan3A_30, %scan3A_158 : i32
      %swap3A_160 = arith.index_cast %scan3A_159 : i32 to index
      %swap3A_161 = arith.constant 0 : index
      %swap3A_162 = tpu.vector_load %arg11[%swap3A_160, %swap3A_161] {strides = array<i32>} : memref<128x128xf32, #tpu.memory_space<vmem>>, vector<1x16xf32>,
      %swap3A_163 = vector.shape_cast %swap3A_162 : vector<1x16xf32> to vector<16xf32>
      %swap3A_164 = vector.shape_cast %broadcast_in_dim3A_1 : vector<16xf32> to vector<1x16xf32>
      tpu.vector_store %arg11[%swap3A_160, %swap3A_161], %swap3A_164 {strides = array<i32>} : memref<128x128xf32, #tpu.memory_space<vmem>>, vector<1x16xf32>,
      %swap3A_165 = arith.index_cast %scan3A_159 : i32 to index
      %swap3A_166 = arith.constant 16 : index
      %swap3A_167 = tpu.vector_load %arg11[%swap3A_165, %swap3A_166] {strides = array<i32>} : memref<128x128xf32, #tpu.memory_space<vmem>>, vector<1x16xf32>,
      %swap3A_168 = vector.shape_cast %swap3A_167 : vector<1x16xf32> to vector<16xf32>
      %swap3A_169 = vector.shape_cast %broadcast_in_dim3A_1 : vector<16xf32> to vector<1x16xf32>
      tpu.vector_store %arg11[%swap3A_165, %swap3A_166], %swap3A_169 {strides = array<i32>} : memref<128x128xf32, #tpu.memory_space<vmem>>, vector<1x16xf32>,
      %swap3A_170 = arith.index_cast %scan3A_159 : i32 to index
      %swap3A_171 = arith.constant 32 : index
      %swap3A_172 = tpu.vector_load %arg11[%swap3A_170, %swap3A_171] {strides = array<i32>} : memref<128x128xf32, #tpu.memory_space<vmem>>, vector<1x16xf32>,
      %swap3A_173 = vector.shape_cast %swap3A_172 : vector<1x16xf32> to vector<16xf32>
      %swap3A_174 = vector.shape_cast %broadcast_in_dim3A_1 : vector<16xf32> to vector<1x16xf32>
      tpu.vector_store %arg11[%swap3A_170, %swap3A_171], %swap3A_174 {strides = array<i32>} : memref<128x128xf32, #tpu.memory_space<vmem>>, vector<1x16xf32>,
      %swap3A_175 = arith.index_cast %scan3A_159 : i32 to index
      %swap3A_176 = arith.constant 48 : index
      %swap3A_177 = tpu.vector_load %arg11[%swap3A_175, %swap3A_176] {strides = array<i32>} : memref<128x128xf32, #tpu.memory_space<vmem>>, vector<1x16xf32>,
      %swap3A_178 = vector.shape_cast %swap3A_177 : vector<1x16xf32> to vector<16xf32>
      %swap3A_179 = vector.shape_cast %broadcast_in_dim3A_1 : vector<16xf32> to vector<1x16xf32>
      tpu.vector_store %arg11[%swap3A_175, %swap3A_176], %swap3A_179 {strides = array<i32>} : memref<128x128xf32, #tpu.memory_space<vmem>>, vector<1x16xf32>,
      %swap3A_180 = arith.index_cast %scan3A_159 : i32 to index
      %swap3A_181 = arith.constant 64 : index
      %swap3A_182 = tpu.vector_load %arg11[%swap3A_180, %swap3A_181] {strides = array<i32>} : memref<128x128xf32, #tpu.memory_space<vmem>>, vector<1x16xf32>,
      %swap3A_183 = vector.shape_cast %swap3A_182 : vector<1x16xf32> to vector<16xf32>
      %swap3A_184 = vector.shape_cast %broadcast_in_dim3A_1 : vector<16xf32> to vector<1x16xf32>
      tpu.vector_store %arg11[%swap3A_180, %swap3A_181], %swap3A_184 {strides = array<i32>} : memref<128x128xf32, #tpu.memory_space<vmem>>, vector<1x16xf32>,
      %swap3A_185 = arith.index_cast %scan3A_159 : i32 to index
      %swap3A_186 = arith.constant 80 : index
      %swap3A_187 = tpu.vector_load %arg11[%swap3A_185, %swap3A_186] {strides = array<i32>} : memref<128x128xf32, #tpu.memory_space<vmem>>, vector<1x16xf32>,
      %swap3A_188 = vector.shape_cast %swap3A_187 : vector<1x16xf32> to vector<16xf32>
      %swap3A_189 = vector.shape_cast %broadcast_in_dim3A_1 : vector<16xf32> to vector<1x16xf32>
      tpu.vector_store %arg11[%swap3A_185, %swap3A_186], %swap3A_189 {strides = array<i32>} : memref<128x128xf32, #tpu.memory_space<vmem>>, vector<1x16xf32>,
      %swap3A_190 = arith.index_cast %scan3A_159 : i32 to index
      %swap3A_191 = arith.constant 96 : index
      %swap3A_192 = tpu.vector_load %arg11[%swap3A_190, %swap3A_191] {strides = array<i32>} : memref<128x128xf32, #tpu.memory_space<vmem>>, vector<1x16xf32>,
      %swap3A_193 = vector.shape_cast %swap3A_192 : vector<1x16xf32> to vector<16xf32>
      %swap3A_194 = vector.shape_cast %broadcast_in_dim3A_1 : vector<16xf32> to vector<1x16xf32>
      tpu.vector_store %arg11[%swap3A_190, %swap3A_191], %swap3A_194 {strides = array<i32>} : memref<128x128xf32, #tpu.memory_space<vmem>>, vector<1x16xf32>,
      %swap3A_195 = arith.index_cast %scan3A_159 : i32 to index
      %swap3A_196 = arith.constant 112 : index
      %swap3A_197 = tpu.vector_load %arg11[%swap3A_195, %swap3A_196] {strides = array<i32>} : memref<128x128xf32, #tpu.memory_space<vmem>>, vector<1x16xf32>,
      %swap3A_198 = vector.shape_cast %swap3A_197 : vector<1x16xf32> to vector<16xf32>
      %swap3A_199 = vector.shape_cast %broadcast_in_dim3A_1 : vector<16xf32> to vector<1x16xf32>
      tpu.vector_store %arg11[%swap3A_195, %swap3A_196], %swap3A_199 {strides = array<i32>} : memref<128x128xf32, #tpu.memory_space<vmem>>, vector<1x16xf32>,
      %scan3A_200 = arith.constant 0 : i32
      scf.yield %scan3A_200 : i32
    }
    %scan3A_7 = arith.constant 128 : i32
    %mul3A_8 = arith.constant 640 : i32
    %mul3A_9 = arith.muli %arg1, %mul3A_8 : i32
    %add3A_10 = arith.constant 0 : i32
    %add3A_11 = arith.addi %mul3A_9, %add3A_10 : i32
    "tpu.region"() ({
      %run_scoped3A = tpu.sem_alloc : memref<!tpu.dma_semaphore, #tpu.memory_space<semaphore_mem>>
      %dma_start3A = arith.constant 0 : i32
      %dma_start3A_30 = tpu.memref_slice %arg12[%add3A_11, %dma_start3A] : memref<10240x128xf32, #tpu.memory_space<vmem_shared>> -> memref<128x128xf32, #tpu.memory_space<vmem_shared>>
      %dma_start3A_31 = arith.constant 0 : i32
      %dma_start3A_32 = tpu.memref_slice %arg12[%add3A_11, %dma_start3A_31] : memref<10240x128xf32, #tpu.memory_space<vmem_shared>> -> memref<128x128xf32, #tpu.memory_space<vmem_shared>>
      tpu.enqueue_dma source(%arg11 : memref<128x128xf32, #tpu.memory_space<vmem>>) target(%dma_start3A_32 : memref<128x128xf32, #tpu.memory_space<vmem_shared>>) target_semaphore(%run_scoped3A : memref<!tpu.dma_semaphore, #tpu.memory_space<semaphore_mem>>)
      %dma_wait3A = arith.constant 0 : i32
      %dma_wait3A_33 = tpu.memref_slice %arg12[%add3A_11, %dma_wait3A] : memref<10240x128xf32, #tpu.memory_space<vmem_shared>> -> memref<128x128xf32, #tpu.memory_space<vmem_shared>>
      %dma_wait3A_34 = arith.constant 0 : i32
      %dma_wait3A_35 = tpu.memref_slice %arg12[%add3A_11, %dma_wait3A_34] : memref<10240x128xf32, #tpu.memory_space<vmem_shared>> -> memref<128x128xf32, #tpu.memory_space<vmem_shared>>
      tpu.wait_dma2 semaphore(%run_scoped3A : memref<!tpu.dma_semaphore, #tpu.memory_space<semaphore_mem>>) src(%arg11 : memref<128x128xf32, #tpu.memory_space<vmem>>) dst(%dma_wait3A_35 : memref<128x128xf32, #tpu.memory_space<vmem_shared>>)
      tpu.yield
    }) : () -> ()
    %add3A_12 = arith.constant 128 : i32
    %add3A_13 = arith.addi %mul3A_9, %add3A_12 : i32
    "tpu.region"() ({
      %run_scoped3A = tpu.sem_alloc : memref<!tpu.dma_semaphore, #tpu.memory_space<semaphore_mem>>
      %dma_start3A = arith.constant 0 : i32
      %dma_start3A_30 = tpu.memref_slice %arg12[%add3A_13, %dma_start3A] : memref<10240x128xf32, #tpu.memory_space<vmem_shared>> -> memref<128x128xf32, #tpu.memory_space<vmem_shared>>
      %dma_start3A_31 = arith.constant 0 : i32
      %dma_start3A_32 = tpu.memref_slice %arg12[%add3A_13, %dma_start3A_31] : memref<10240x128xf32, #tpu.memory_space<vmem_shared>> -> memref<128x128xf32, #tpu.memory_space<vmem_shared>>
      tpu.enqueue_dma source(%arg11 : memref<128x128xf32, #tpu.memory_space<vmem>>) target(%dma_start3A_32 : memref<128x128xf32, #tpu.memory_space<vmem_shared>>) target_semaphore(%run_scoped3A : memref<!tpu.dma_semaphore, #tpu.memory_space<semaphore_mem>>)
      %dma_wait3A = arith.constant 0 : i32
      %dma_wait3A_33 = tpu.memref_slice %arg12[%add3A_13, %dma_wait3A] : memref<10240x128xf32, #tpu.memory_space<vmem_shared>> -> memref<128x128xf32, #tpu.memory_space<vmem_shared>>
      %dma_wait3A_34 = arith.constant 0 : i32
      %dma_wait3A_35 = tpu.memref_slice %arg12[%add3A_13, %dma_wait3A_34] : memref<10240x128xf32, #tpu.memory_space<vmem_shared>> -> memref<128x128xf32, #tpu.memory_space<vmem_shared>>
      tpu.wait_dma2 semaphore(%run_scoped3A : memref<!tpu.dma_semaphore, #tpu.memory_space<semaphore_mem>>) src(%arg11 : memref<128x128xf32, #tpu.memory_space<vmem>>) dst(%dma_wait3A_35 : memref<128x128xf32, #tpu.memory_space<vmem_shared>>)
      tpu.yield
    }) : () -> ()
    %add3A_14 = arith.constant 256 : i32
    %add3A_15 = arith.addi %mul3A_9, %add3A_14 : i32
    "tpu.region"() ({
      %run_scoped3A = tpu.sem_alloc : memref<!tpu.dma_semaphore, #tpu.memory_space<semaphore_mem>>
      %dma_start3A = arith.constant 0 : i32
      %dma_start3A_30 = tpu.memref_slice %arg12[%add3A_15, %dma_start3A] : memref<10240x128xf32, #tpu.memory_space<vmem_shared>> -> memref<128x128xf32, #tpu.memory_space<vmem_shared>>
      %dma_start3A_31 = arith.constant 0 : i32
      %dma_start3A_32 = tpu.memref_slice %arg12[%add3A_15, %dma_start3A_31] : memref<10240x128xf32, #tpu.memory_space<vmem_shared>> -> memref<128x128xf32, #tpu.memory_space<vmem_shared>>
      tpu.enqueue_dma source(%arg11 : memref<128x128xf32, #tpu.memory_space<vmem>>) target(%dma_start3A_32 : memref<128x128xf32, #tpu.memory_space<vmem_shared>>) target_semaphore(%run_scoped3A : memref<!tpu.dma_semaphore, #tpu.memory_space<semaphore_mem>>)
      %dma_wait3A = arith.constant 0 : i32
      %dma_wait3A_33 = tpu.memref_slice %arg12[%add3A_15, %dma_wait3A] : memref<10240x128xf32, #tpu.memory_space<vmem_shared>> -> memref<128x128xf32, #tpu.memory_space<vmem_shared>>
      %dma_wait3A_34 = arith.constant 0 : i32
      %dma_wait3A_35 = tpu.memref_slice %arg12[%add3A_15, %dma_wait3A_34] : memref<10240x128xf32, #tpu.memory_space<vmem_shared>> -> memref<128x128xf32, #tpu.memory_space<vmem_shared>>
      tpu.wait_dma2 semaphore(%run_scoped3A : memref<!tpu.dma_semaphore, #tpu.memory_space<semaphore_mem>>) src(%arg11 : memref<128x128xf32, #tpu.memory_space<vmem>>) dst(%dma_wait3A_35 : memref<128x128xf32, #tpu.memory_space<vmem_shared>>)
      tpu.yield
    }) : () -> ()
    %add3A_16 = arith.constant 384 : i32
    %add3A_17 = arith.addi %mul3A_9, %add3A_16 : i32
    "tpu.region"() ({
      %run_scoped3A = tpu.sem_alloc : memref<!tpu.dma_semaphore, #tpu.memory_space<semaphore_mem>>
      %dma_start3A = arith.constant 0 : i32
      %dma_start3A_30 = tpu.memref_slice %arg12[%add3A_17, %dma_start3A] : memref<10240x128xf32, #tpu.memory_space<vmem_shared>> -> memref<128x128xf32, #tpu.memory_space<vmem_shared>>
      %dma_start3A_31 = arith.constant 0 : i32
      %dma_start3A_32 = tpu.memref_slice %arg12[%add3A_17, %dma_start3A_31] : memref<10240x128xf32, #tpu.memory_space<vmem_shared>> -> memref<128x128xf32, #tpu.memory_space<vmem_shared>>
      tpu.enqueue_dma source(%arg11 : memref<128x128xf32, #tpu.memory_space<vmem>>) target(%dma_start3A_32 : memref<128x128xf32, #tpu.memory_space<vmem_shared>>) target_semaphore(%run_scoped3A : memref<!tpu.dma_semaphore, #tpu.memory_space<semaphore_mem>>)
      %dma_wait3A = arith.constant 0 : i32
      %dma_wait3A_33 = tpu.memref_slice %arg12[%add3A_17, %dma_wait3A] : memref<10240x128xf32, #tpu.memory_space<vmem_shared>> -> memref<128x128xf32, #tpu.memory_space<vmem_shared>>
      %dma_wait3A_34 = arith.constant 0 : i32
      %dma_wait3A_35 = tpu.memref_slice %arg12[%add3A_17, %dma_wait3A_34] : memref<10240x128xf32, #tpu.memory_space<vmem_shared>> -> memref<128x128xf32, #tpu.memory_space<vmem_shared>>
      tpu.wait_dma2 semaphore(%run_scoped3A : memref<!tpu.dma_semaphore, #tpu.memory_space<semaphore_mem>>) src(%arg11 : memref<128x128xf32, #tpu.memory_space<vmem>>) dst(%dma_wait3A_35 : memref<128x128xf32, #tpu.memory_space<vmem_shared>>)
      tpu.yield
    }) : () -> ()
    %add3A_18 = arith.constant 512 : i32
    %add3A_19 = arith.addi %mul3A_9, %add3A_18 : i32
    "tpu.region"() ({
      %run_scoped3A = tpu.sem_alloc : memref<!tpu.dma_semaphore, #tpu.memory_space<semaphore_mem>>
      %dma_start3A = arith.constant 0 : i32
      %dma_start3A_30 = tpu.memref_slice %arg12[%add3A_19, %dma_start3A] : memref<10240x128xf32, #tpu.memory_space<vmem_shared>> -> memref<128x128xf32, #tpu.memory_space<vmem_shared>>
      %dma_start3A_31 = arith.constant 0 : i32
      %dma_start3A_32 = tpu.memref_slice %arg12[%add3A_19, %dma_start3A_31] : memref<10240x128xf32, #tpu.memory_space<vmem_shared>> -> memref<128x128xf32, #tpu.memory_space<vmem_shared>>
      tpu.enqueue_dma source(%arg11 : memref<128x128xf32, #tpu.memory_space<vmem>>) target(%dma_start3A_32 : memref<128x128xf32, #tpu.memory_space<vmem_shared>>) target_semaphore(%run_scoped3A : memref<!tpu.dma_semaphore, #tpu.memory_space<semaphore_mem>>)
      %dma_wait3A = arith.constant 0 : i32
      %dma_wait3A_33 = tpu.memref_slice %arg12[%add3A_19, %dma_wait3A] : memref<10240x128xf32, #tpu.memory_space<vmem_shared>> -> memref<128x128xf32, #tpu.memory_space<vmem_shared>>
      %dma_wait3A_34 = arith.constant 0 : i32
      %dma_wait3A_35 = tpu.memref_slice %arg12[%add3A_19, %dma_wait3A_34] : memref<10240x128xf32, #tpu.memory_space<vmem_shared>> -> memref<128x128xf32, #tpu.memory_space<vmem_shared>>
      tpu.wait_dma2 semaphore(%run_scoped3A : memref<!tpu.dma_semaphore, #tpu.memory_space<semaphore_mem>>) src(%arg11 : memref<128x128xf32, #tpu.memory_space<vmem>>) dst(%dma_wait3A_35 : memref<128x128xf32, #tpu.memory_space<vmem_shared>>)
      tpu.yield
    }) : () -> ()
    %barrier3A = arith.constant 0 : index
    tpu.barrier barrier_id(%barrier3A)
    %mul3A_20 = arith.constant 10000 : i32
    %mul3A_21 = arith.muli %add3A, %mul3A_20 : i32
    %scan3A_22 = arith.constant 0 : i32
    %scan3A_23 = arith.constant 0 : i32
    %scan3A_24 = arith.constant 125 : i32
    %scan3A_25 = arith.addi %scan3A_23, %scan3A_24 : i32
    %scan3A_26 = arith.constant 1 : i32
    %scan3A_27 = scf.for %scan3A_30 = %scan3A_23 to %scan3A_25 step %scan3A_26 iter_args(%scan3A_31 = %scan3A_22) -> (i32)  : i32 {
      %mul3A_32 = arith.constant 80 : i32
      %mul3A_33 = arith.muli %scan3A_30, %mul3A_32 : i32
      %add3A_34 = arith.addi %mul3A_21, %mul3A_33 : i32
      %multiple_of3A = tpu.assume_multiple %add3A_34, 8 : i32
      "tpu.region"() ({
        %run_scoped3A = tpu.sem_alloc : memref<!tpu.dma_semaphore, #tpu.memory_space<semaphore_mem>>
        %dma_start3A_47 = tpu.memref_slice %arg4[%multiple_of3A] : memref<320000xi32, #tpu.memory_space<hbm>> -> memref<80xi32, #tpu.memory_space<hbm>>
        %dma_start3A_48 = tpu.memref_slice %arg4[%multiple_of3A] : memref<320000xi32, #tpu.memory_space<hbm>> -> memref<80xi32, #tpu.memory_space<hbm>>
        tpu.enqueue_dma source(%dma_start3A_48 : memref<80xi32, #tpu.memory_space<hbm>>) target(%arg7 : memref<80xi32, #tpu.memory_space<vmem>>) target_semaphore(%run_scoped3A : memref<!tpu.dma_semaphore, #tpu.memory_space<semaphore_mem>>)
        %dma_wait3A_49 = tpu.memref_slice %arg4[%multiple_of3A] : memref<320000xi32, #tpu.memory_space<hbm>> -> memref<80xi32, #tpu.memory_space<hbm>>
        %dma_wait3A_50 = tpu.memref_slice %arg4[%multiple_of3A] : memref<320000xi32, #tpu.memory_space<hbm>> -> memref<80xi32, #tpu.memory_space<hbm>>
        tpu.wait_dma2 semaphore(%run_scoped3A : memref<!tpu.dma_semaphore, #tpu.memory_space<semaphore_mem>>) src(%dma_wait3A_50 : memref<80xi32, #tpu.memory_space<hbm>>) dst(%arg7 : memref<80xi32, #tpu.memory_space<vmem>>)
        tpu.yield
      }) : () -> ()
      "tpu.region"() ({
        %run_scoped3A = tpu.sem_alloc : memref<!tpu.dma_semaphore, #tpu.memory_space<semaphore_mem>>
        %dma_start3A_47 = tpu.memref_slice %arg5[%multiple_of3A] : memref<320000xi32, #tpu.memory_space<hbm>> -> memref<80xi32, #tpu.memory_space<hbm>>
        %dma_start3A_48 = tpu.memref_slice %arg5[%multiple_of3A] : memref<320000xi32, #tpu.memory_space<hbm>> -> memref<80xi32, #tpu.memory_space<hbm>>
        tpu.enqueue_dma source(%dma_start3A_48 : memref<80xi32, #tpu.memory_space<hbm>>) target(%arg8 : memref<80xi32, #tpu.memory_space<vmem>>) target_semaphore(%run_scoped3A : memref<!tpu.dma_semaphore, #tpu.memory_space<semaphore_mem>>)
        %dma_wait3A_49 = tpu.memref_slice %arg5[%multiple_of3A] : memref<320000xi32, #tpu.memory_space<hbm>> -> memref<80xi32, #tpu.memory_space<hbm>>
        %dma_wait3A_50 = tpu.memref_slice %arg5[%multiple_of3A] : memref<320000xi32, #tpu.memory_space<hbm>> -> memref<80xi32, #tpu.memory_space<hbm>>
        tpu.wait_dma2 semaphore(%run_scoped3A : memref<!tpu.dma_semaphore, #tpu.memory_space<semaphore_mem>>) src(%dma_wait3A_50 : memref<80xi32, #tpu.memory_space<hbm>>) dst(%arg8 : memref<80xi32, #tpu.memory_space<vmem>>)
        tpu.yield
      }) : () -> ()
      %dma_start3A = arith.constant 0 : i32
      %dma_start3A_35 = arith.constant 0 : i32
      %dma_start3A_36 = tpu.memref_slice %arg2[%dma_start3A, %dma_start3A_35] : memref<10240x128xf32, #tpu.memory_space<hbm>> -> memref<10240x128xf32, #tpu.memory_space<hbm>>
      tpu.enqueue_indirect_dma source(%dma_start3A_36 : memref<10240x128xf32, #tpu.memory_space<hbm>>) target(%arg9 : memref<80x128xf32, #tpu.memory_space<vmem>>) offsets(%arg7 : memref<80xi32, #tpu.memory_space<vmem>>) semaphore(%arg13 : memref<!tpu.dma_semaphore, #tpu.memory_space<semaphore_mem>>)
      "tpu.region"() ({
        %run_scoped3A = tpu.sem_alloc : memref<!tpu.dma_semaphore, #tpu.memory_space<semaphore_mem>>
        %dma_start3A_47 = arith.constant 0 : i32
        %dma_start3A_48 = tpu.memref_slice %arg3[%multiple_of3A, %dma_start3A_47] : memref<320000x128xf32, #tpu.memory_space<hbm>> -> memref<80x128xf32, #tpu.memory_space<hbm>>
        %dma_start3A_49 = arith.constant 0 : i32
        %dma_start3A_50 = tpu.memref_slice %arg3[%multiple_of3A, %dma_start3A_49] : memref<320000x128xf32, #tpu.memory_space<hbm>> -> memref<80x128xf32, #tpu.memory_space<hbm>>
        tpu.enqueue_dma source(%dma_start3A_50 : memref<80x128xf32, #tpu.memory_space<hbm>>) target(%arg10 : memref<80x128xf32, #tpu.memory_space<vmem>>) target_semaphore(%run_scoped3A : memref<!tpu.dma_semaphore, #tpu.memory_space<semaphore_mem>>)
        %dma_wait3A_51 = arith.constant 0 : i32
        %dma_wait3A_52 = tpu.memref_slice %arg3[%multiple_of3A, %dma_wait3A_51] : memref<320000x128xf32, #tpu.memory_space<hbm>> -> memref<80x128xf32, #tpu.memory_space<hbm>>
        %dma_wait3A_53 = arith.constant 0 : i32
        %dma_wait3A_54 = tpu.memref_slice %arg3[%multiple_of3A, %dma_wait3A_53] : memref<320000x128xf32, #tpu.memory_space<hbm>> -> memref<80x128xf32, #tpu.memory_space<hbm>>
        tpu.wait_dma2 semaphore(%run_scoped3A : memref<!tpu.dma_semaphore, #tpu.memory_space<semaphore_mem>>) src(%dma_wait3A_54 : memref<80x128xf32, #tpu.memory_space<hbm>>) dst(%arg10 : memref<80x128xf32, #tpu.memory_space<vmem>>)
        tpu.yield
      }) : () -> ()
      %dma_wait3A = arith.constant 0 : i32
      %dma_wait3A_37 = arith.constant 0 : i32
      %dma_wait3A_38 = tpu.memref_slice %arg2[%dma_wait3A, %dma_wait3A_37] : memref<10240x128xf32, #tpu.memory_space<hbm>> -> memref<10240x128xf32, #tpu.memory_space<hbm>>
      tpu.wait_indirect_dma semaphore(%arg13 : memref<!tpu.dma_semaphore, #tpu.memory_space<semaphore_mem>>) src(%dma_wait3A_38 : memref<10240x128xf32, #tpu.memory_space<hbm>>) dst(%arg9 : memref<80x128xf32, #tpu.memory_space<vmem>>)
      %scan3A_39 = arith.constant 0 : i32
      %scan3A_40 = arith.constant 0 : i32
      %scan3A_41 = arith.constant 80 : i32
      %scan3A_42 = arith.addi %scan3A_40, %scan3A_41 : i32
      %scan3A_43 = arith.constant 2 : i32
      %scan3A_44 = scf.for %scan3A_47 = %scan3A_40 to %scan3A_42 step %scan3A_43 iter_args(%scan3A_48 = %scan3A_39) -> (i32)  : i32 {
        %get3A = arith.index_cast %scan3A_47 : i32 to index
        %get3A_49 = arith.constant 0 : index
        %get3A_50 = tpu.vector_load %arg10[%get3A, %get3A_49] {strides = array<i32>} : memref<80x128xf32, #tpu.memory_space<vmem>>, vector<1x16xf32>,
        %get3A_51 = vector.shape_cast %get3A_50 : vector<1x16xf32> to vector<16xf32>
        %get3A_52 = arith.index_cast %scan3A_47 : i32 to index
        %get3A_53 = arith.constant 0 : index
        %get3A_54 = tpu.vector_load %arg9[%get3A_52, %get3A_53] {strides = array<i32>} : memref<80x128xf32, #tpu.memory_space<vmem>>, vector<1x16xf32>,
        %get3A_55 = vector.shape_cast %get3A_54 : vector<1x16xf32> to vector<16xf32>
        %add3A_56 = arith.addf %get3A_51, %get3A_55 : vector<16xf32>
        %max3A = arith.constant 0.000000e+00 : f32
        %max3A_57 = vector.broadcast %max3A : f32 to vector<16xf32>
        %max3A_58 = arith.maximumf %add3A_56, %max3A_57 : vector<16xf32>
        %swap3A = arith.index_cast %scan3A_47 : i32 to index
        %swap3A_59 = arith.constant 0 : index
        %swap3A_60 = tpu.vector_load %arg10[%swap3A, %swap3A_59] {strides = array<i32>} : memref<80x128xf32, #tpu.memory_space<vmem>>, vector<1x16xf32>,
        %swap3A_61 = vector.shape_cast %swap3A_60 : vector<1x16xf32> to vector<16xf32>
        %swap3A_62 = vector.shape_cast %max3A_58 : vector<16xf32> to vector<1x16xf32>
        tpu.vector_store %arg10[%swap3A, %swap3A_59], %swap3A_62 {strides = array<i32>} : memref<80x128xf32, #tpu.memory_space<vmem>>, vector<1x16xf32>,
        %get3A_63 = arith.index_cast %scan3A_47 : i32 to index
        %get3A_64 = arith.constant 16 : index
        %get3A_65 = tpu.vector_load %arg10[%get3A_63, %get3A_64] {strides = array<i32>} : memref<80x128xf32, #tpu.memory_space<vmem>>, vector<1x16xf32>,
        %get3A_66 = vector.shape_cast %get3A_65 : vector<1x16xf32> to vector<16xf32>
        %get3A_67 = arith.index_cast %scan3A_47 : i32 to index
        %get3A_68 = arith.constant 16 : index
        %get3A_69 = tpu.vector_load %arg9[%get3A_67, %get3A_68] {strides = array<i32>} : memref<80x128xf32, #tpu.memory_space<vmem>>, vector<1x16xf32>,
        %get3A_70 = vector.shape_cast %get3A_69 : vector<1x16xf32> to vector<16xf32>
        %add3A_71 = arith.addf %get3A_66, %get3A_70 : vector<16xf32>
        %max3A_72 = arith.constant 0.000000e+00 : f32
        %max3A_73 = vector.broadcast %max3A_72 : f32 to vector<16xf32>
        %max3A_74 = arith.maximumf %add3A_71, %max3A_73 : vector<16xf32>
        %swap3A_75 = arith.index_cast %scan3A_47 : i32 to index
        %swap3A_76 = arith.constant 16 : index
        %swap3A_77 = tpu.vector_load %arg10[%swap3A_75, %swap3A_76] {strides = array<i32>} : memref<80x128xf32, #tpu.memory_space<vmem>>, vector<1x16xf32>,
        %swap3A_78 = vector.shape_cast %swap3A_77 : vector<1x16xf32> to vector<16xf32>
        %swap3A_79 = vector.shape_cast %max3A_74 : vector<16xf32> to vector<1x16xf32>
        tpu.vector_store %arg10[%swap3A_75, %swap3A_76], %swap3A_79 {strides = array<i32>} : memref<80x128xf32, #tpu.memory_space<vmem>>, vector<1x16xf32>,
        %get3A_80 = arith.index_cast %scan3A_47 : i32 to index
        %get3A_81 = arith.constant 32 : index
        %get3A_82 = tpu.vector_load %arg10[%get3A_80, %get3A_81] {strides = array<i32>} : memref<80x128xf32, #tpu.memory_space<vmem>>, vector<1x16xf32>,
        %get3A_83 = vector.shape_cast %get3A_82 : vector<1x16xf32> to vector<16xf32>
        %get3A_84 = arith.index_cast %scan3A_47 : i32 to index
        %get3A_85 = arith.constant 32 : index
        %get3A_86 = tpu.vector_load %arg9[%get3A_84, %get3A_85] {strides = array<i32>} : memref<80x128xf32, #tpu.memory_space<vmem>>, vector<1x16xf32>,
        %get3A_87 = vector.shape_cast %get3A_86 : vector<1x16xf32> to vector<16xf32>
        %add3A_88 = arith.addf %get3A_83, %get3A_87 : vector<16xf32>
        %max3A_89 = arith.constant 0.000000e+00 : f32
        %max3A_90 = vector.broadcast %max3A_89 : f32 to vector<16xf32>
        %max3A_91 = arith.maximumf %add3A_88, %max3A_90 : vector<16xf32>
        %swap3A_92 = arith.index_cast %scan3A_47 : i32 to index
        %swap3A_93 = arith.constant 32 : index
        %swap3A_94 = tpu.vector_load %arg10[%swap3A_92, %swap3A_93] {strides = array<i32>} : memref<80x128xf32, #tpu.memory_space<vmem>>, vector<1x16xf32>,
        %swap3A_95 = vector.shape_cast %swap3A_94 : vector<1x16xf32> to vector<16xf32>
        %swap3A_96 = vector.shape_cast %max3A_91 : vector<16xf32> to vector<1x16xf32>
        tpu.vector_store %arg10[%swap3A_92, %swap3A_93], %swap3A_96 {strides = array<i32>} : memref<80x128xf32, #tpu.memory_space<vmem>>, vector<1x16xf32>,
        %get3A_97 = arith.index_cast %scan3A_47 : i32 to index
        %get3A_98 = arith.constant 48 : index
        %get3A_99 = tpu.vector_load %arg10[%get3A_97, %get3A_98] {strides = array<i32>} : memref<80x128xf32, #tpu.memory_space<vmem>>, vector<1x16xf32>,
        %get3A_100 = vector.shape_cast %get3A_99 : vector<1x16xf32> to vector<16xf32>
        %get3A_101 = arith.index_cast %scan3A_47 : i32 to index
        %get3A_102 = arith.constant 48 : index
        %get3A_103 = tpu.vector_load %arg9[%get3A_101, %get3A_102] {strides = array<i32>} : memref<80x128xf32, #tpu.memory_space<vmem>>, vector<1x16xf32>,
        %get3A_104 = vector.shape_cast %get3A_103 : vector<1x16xf32> to vector<16xf32>
        %add3A_105 = arith.addf %get3A_100, %get3A_104 : vector<16xf32>
        %max3A_106 = arith.constant 0.000000e+00 : f32
        %max3A_107 = vector.broadcast %max3A_106 : f32 to vector<16xf32>
        %max3A_108 = arith.maximumf %add3A_105, %max3A_107 : vector<16xf32>
        %swap3A_109 = arith.index_cast %scan3A_47 : i32 to index
        %swap3A_110 = arith.constant 48 : index
        %swap3A_111 = tpu.vector_load %arg10[%swap3A_109, %swap3A_110] {strides = array<i32>} : memref<80x128xf32, #tpu.memory_space<vmem>>, vector<1x16xf32>,
        %swap3A_112 = vector.shape_cast %swap3A_111 : vector<1x16xf32> to vector<16xf32>
        %swap3A_113 = vector.shape_cast %max3A_108 : vector<16xf32> to vector<1x16xf32>
        tpu.vector_store %arg10[%swap3A_109, %swap3A_110], %swap3A_113 {strides = array<i32>} : memref<80x128xf32, #tpu.memory_space<vmem>>, vector<1x16xf32>,
        %get3A_114 = arith.index_cast %scan3A_47 : i32 to index
        %get3A_115 = arith.constant 64 : index
        %get3A_116 = tpu.vector_load %arg10[%get3A_114, %get3A_115] {strides = array<i32>} : memref<80x128xf32, #tpu.memory_space<vmem>>, vector<1x16xf32>,
        %get3A_117 = vector.shape_cast %get3A_116 : vector<1x16xf32> to vector<16xf32>
        %get3A_118 = arith.index_cast %scan3A_47 : i32 to index
        %get3A_119 = arith.constant 64 : index
        %get3A_120 = tpu.vector_load %arg9[%get3A_118, %get3A_119] {strides = array<i32>} : memref<80x128xf32, #tpu.memory_space<vmem>>, vector<1x16xf32>,
        %get3A_121 = vector.shape_cast %get3A_120 : vector<1x16xf32> to vector<16xf32>
        %add3A_122 = arith.addf %get3A_117, %get3A_121 : vector<16xf32>
        %max3A_123 = arith.constant 0.000000e+00 : f32
        %max3A_124 = vector.broadcast %max3A_123 : f32 to vector<16xf32>
        %max3A_125 = arith.maximumf %add3A_122, %max3A_124 : vector<16xf32>
        %swap3A_126 = arith.index_cast %scan3A_47 : i32 to index
        %swap3A_127 = arith.constant 64 : index
        %swap3A_128 = tpu.vector_load %arg10[%swap3A_126, %swap3A_127] {strides = array<i32>} : memref<80x128xf32, #tpu.memory_space<vmem>>, vector<1x16xf32>,
        %swap3A_129 = vector.shape_cast %swap3A_128 : vector<1x16xf32> to vector<16xf32>
        %swap3A_130 = vector.shape_cast %max3A_125 : vector<16xf32> to vector<1x16xf32>
        tpu.vector_store %arg10[%swap3A_126, %swap3A_127], %swap3A_130 {strides = array<i32>} : memref<80x128xf32, #tpu.memory_space<vmem>>, vector<1x16xf32>,
        %get3A_131 = arith.index_cast %scan3A_47 : i32 to index
        %get3A_132 = arith.constant 80 : index
        %get3A_133 = tpu.vector_load %arg10[%get3A_131, %get3A_132] {strides = array<i32>} : memref<80x128xf32, #tpu.memory_space<vmem>>, vector<1x16xf32>,
        %get3A_134 = vector.shape_cast %get3A_133 : vector<1x16xf32> to vector<16xf32>
        %get3A_135 = arith.index_cast %scan3A_47 : i32 to index
        %get3A_136 = arith.constant 80 : index
        %get3A_137 = tpu.vector_load %arg9[%get3A_135, %get3A_136] {strides = array<i32>} : memref<80x128xf32, #tpu.memory_space<vmem>>, vector<1x16xf32>,
        %get3A_138 = vector.shape_cast %get3A_137 : vector<1x16xf32> to vector<16xf32>
        %add3A_139 = arith.addf %get3A_134, %get3A_138 : vector<16xf32>
        %max3A_140 = arith.constant 0.000000e+00 : f32
        %max3A_141 = vector.broadcast %max3A_140 : f32 to vector<16xf32>
        %max3A_142 = arith.maximumf %add3A_139, %max3A_141 : vector<16xf32>
        %swap3A_143 = arith.index_cast %scan3A_47 : i32 to index
        %swap3A_144 = arith.constant 80 : index
        %swap3A_145 = tpu.vector_load %arg10[%swap3A_143, %swap3A_144] {strides = array<i32>} : memref<80x128xf32, #tpu.memory_space<vmem>>, vector<1x16xf32>,
        %swap3A_146 = vector.shape_cast %swap3A_145 : vector<1x16xf32> to vector<16xf32>
        %swap3A_147 = vector.shape_cast %max3A_142 : vector<16xf32> to vector<1x16xf32>
        tpu.vector_store %arg10[%swap3A_143, %swap3A_144], %swap3A_147 {strides = array<i32>} : memref<80x128xf32, #tpu.memory_space<vmem>>, vector<1x16xf32>,
        %get3A_148 = arith.index_cast %scan3A_47 : i32 to index
        %get3A_149 = arith.constant 96 : index
        %get3A_150 = tpu.vector_load %arg10[%get3A_148, %get3A_149] {strides = array<i32>} : memref<80x128xf32, #tpu.memory_space<vmem>>, vector<1x16xf32>,
        %get3A_151 = vector.shape_cast %get3A_150 : vector<1x16xf32> to vector<16xf32>
        %get3A_152 = arith.index_cast %scan3A_47 : i32 to index
        %get3A_153 = arith.constant 96 : index
        %get3A_154 = tpu.vector_load %arg9[%get3A_152, %get3A_153] {strides = array<i32>} : memref<80x128xf32, #tpu.memory_space<vmem>>, vector<1x16xf32>,
        %get3A_155 = vector.shape_cast %get3A_154 : vector<1x16xf32> to vector<16xf32>
        %add3A_156 = arith.addf %get3A_151, %get3A_155 : vector<16xf32>
        %max3A_157 = arith.constant 0.000000e+00 : f32
        %max3A_158 = vector.broadcast %max3A_157 : f32 to vector<16xf32>
        %max3A_159 = arith.maximumf %add3A_156, %max3A_158 : vector<16xf32>
        %swap3A_160 = arith.index_cast %scan3A_47 : i32 to index
        %swap3A_161 = arith.constant 96 : index
        %swap3A_162 = tpu.vector_load %arg10[%swap3A_160, %swap3A_161] {strides = array<i32>} : memref<80x128xf32, #tpu.memory_space<vmem>>, vector<1x16xf32>,
        %swap3A_163 = vector.shape_cast %swap3A_162 : vector<1x16xf32> to vector<16xf32>
        %swap3A_164 = vector.shape_cast %max3A_159 : vector<16xf32> to vector<1x16xf32>
        tpu.vector_store %arg10[%swap3A_160, %swap3A_161], %swap3A_164 {strides = array<i32>} : memref<80x128xf32, #tpu.memory_space<vmem>>, vector<1x16xf32>,
        %get3A_165 = arith.index_cast %scan3A_47 : i32 to index
        %get3A_166 = arith.constant 112 : index
        %get3A_167 = tpu.vector_load %arg10[%get3A_165, %get3A_166] {strides = array<i32>} : memref<80x128xf32, #tpu.memory_space<vmem>>, vector<1x16xf32>,
        %get3A_168 = vector.shape_cast %get3A_167 : vector<1x16xf32> to vector<16xf32>
        %get3A_169 = arith.index_cast %scan3A_47 : i32 to index
        %get3A_170 = arith.constant 112 : index
        %get3A_171 = tpu.vector_load %arg9[%get3A_169, %get3A_170] {strides = array<i32>} : memref<80x128xf32, #tpu.memory_space<vmem>>, vector<1x16xf32>,
        %get3A_172 = vector.shape_cast %get3A_171 : vector<1x16xf32> to vector<16xf32>
        %add3A_173 = arith.addf %get3A_168, %get3A_172 : vector<16xf32>
        %max3A_174 = arith.constant 0.000000e+00 : f32
        %max3A_175 = vector.broadcast %max3A_174 : f32 to vector<16xf32>
        %max3A_176 = arith.maximumf %add3A_173, %max3A_175 : vector<16xf32>
        %swap3A_177 = arith.index_cast %scan3A_47 : i32 to index
        %swap3A_178 = arith.constant 112 : index
        %swap3A_179 = tpu.vector_load %arg10[%swap3A_177, %swap3A_178] {strides = array<i32>} : memref<80x128xf32, #tpu.memory_space<vmem>>, vector<1x16xf32>,
        %swap3A_180 = vector.shape_cast %swap3A_179 : vector<1x16xf32> to vector<16xf32>
        %swap3A_181 = vector.shape_cast %max3A_176 : vector<16xf32> to vector<1x16xf32>
        tpu.vector_store %arg10[%swap3A_177, %swap3A_178], %swap3A_181 {strides = array<i32>} : memref<80x128xf32, #tpu.memory_space<vmem>>, vector<1x16xf32>,
        %scan3A_182 = arith.constant 0 : i32
        %scan3A_183 = arith.constant 1 : i32
        %scan3A_184 = arith.addi %scan3A_47, %scan3A_183 : i32
        %get3A_185 = arith.index_cast %scan3A_184 : i32 to index
        %get3A_186 = arith.constant 0 : index
        %get3A_187 = tpu.vector_load %arg10[%get3A_185, %get3A_186] {strides = array<i32>} : memref<80x128xf32, #tpu.memory_space<vmem>>, vector<1x16xf32>,
        %get3A_188 = vector.shape_cast %get3A_187 : vector<1x16xf32> to vector<16xf32>
        %get3A_189 = arith.index_cast %scan3A_184 : i32 to index
        %get3A_190 = arith.constant 0 : index
        %get3A_191 = tpu.vector_load %arg9[%get3A_189, %get3A_190] {strides = array<i32>} : memref<80x128xf32, #tpu.memory_space<vmem>>, vector<1x16xf32>,
        %get3A_192 = vector.shape_cast %get3A_191 : vector<1x16xf32> to vector<16xf32>
        %add3A_193 = arith.addf %get3A_188, %get3A_192 : vector<16xf32>
        %max3A_194 = arith.constant 0.000000e+00 : f32
        %max3A_195 = vector.broadcast %max3A_194 : f32 to vector<16xf32>
        %max3A_196 = arith.maximumf %add3A_193, %max3A_195 : vector<16xf32>
        %swap3A_197 = arith.index_cast %scan3A_184 : i32 to index
        %swap3A_198 = arith.constant 0 : index
        %swap3A_199 = tpu.vector_load %arg10[%swap3A_197, %swap3A_198] {strides = array<i32>} : memref<80x128xf32, #tpu.memory_space<vmem>>, vector<1x16xf32>,
        %swap3A_200 = vector.shape_cast %swap3A_199 : vector<1x16xf32> to vector<16xf32>
        %swap3A_201 = vector.shape_cast %max3A_196 : vector<16xf32> to vector<1x16xf32>
        tpu.vector_store %arg10[%swap3A_197, %swap3A_198], %swap3A_201 {strides = array<i32>} : memref<80x128xf32, #tpu.memory_space<vmem>>, vector<1x16xf32>,
        %get3A_202 = arith.index_cast %scan3A_184 : i32 to index
        %get3A_203 = arith.constant 16 : index
        %get3A_204 = tpu.vector_load %arg10[%get3A_202, %get3A_203] {strides = array<i32>} : memref<80x128xf32, #tpu.memory_space<vmem>>, vector<1x16xf32>,
        %get3A_205 = vector.shape_cast %get3A_204 : vector<1x16xf32> to vector<16xf32>
        %get3A_206 = arith.index_cast %scan3A_184 : i32 to index
        %get3A_207 = arith.constant 16 : index
        %get3A_208 = tpu.vector_load %arg9[%get3A_206, %get3A_207] {strides = array<i32>} : memref<80x128xf32, #tpu.memory_space<vmem>>, vector<1x16xf32>,
        %get3A_209 = vector.shape_cast %get3A_208 : vector<1x16xf32> to vector<16xf32>
        %add3A_210 = arith.addf %get3A_205, %get3A_209 : vector<16xf32>
        %max3A_211 = arith.constant 0.000000e+00 : f32
        %max3A_212 = vector.broadcast %max3A_211 : f32 to vector<16xf32>
        %max3A_213 = arith.maximumf %add3A_210, %max3A_212 : vector<16xf32>
        %swap3A_214 = arith.index_cast %scan3A_184 : i32 to index
        %swap3A_215 = arith.constant 16 : index
        %swap3A_216 = tpu.vector_load %arg10[%swap3A_214, %swap3A_215] {strides = array<i32>} : memref<80x128xf32, #tpu.memory_space<vmem>>, vector<1x16xf32>,
        %swap3A_217 = vector.shape_cast %swap3A_216 : vector<1x16xf32> to vector<16xf32>
        %swap3A_218 = vector.shape_cast %max3A_213 : vector<16xf32> to vector<1x16xf32>
        tpu.vector_store %arg10[%swap3A_214, %swap3A_215], %swap3A_218 {strides = array<i32>} : memref<80x128xf32, #tpu.memory_space<vmem>>, vector<1x16xf32>,
        %get3A_219 = arith.index_cast %scan3A_184 : i32 to index
        %get3A_220 = arith.constant 32 : index
        %get3A_221 = tpu.vector_load %arg10[%get3A_219, %get3A_220] {strides = array<i32>} : memref<80x128xf32, #tpu.memory_space<vmem>>, vector<1x16xf32>,
        %get3A_222 = vector.shape_cast %get3A_221 : vector<1x16xf32> to vector<16xf32>
        %get3A_223 = arith.index_cast %scan3A_184 : i32 to index
        %get3A_224 = arith.constant 32 : index
        %get3A_225 = tpu.vector_load %arg9[%get3A_223, %get3A_224] {strides = array<i32>} : memref<80x128xf32, #tpu.memory_space<vmem>>, vector<1x16xf32>,
        %get3A_226 = vector.shape_cast %get3A_225 : vector<1x16xf32> to vector<16xf32>
        %add3A_227 = arith.addf %get3A_222, %get3A_226 : vector<16xf32>
        %max3A_228 = arith.constant 0.000000e+00 : f32
        %max3A_229 = vector.broadcast %max3A_228 : f32 to vector<16xf32>
        %max3A_230 = arith.maximumf %add3A_227, %max3A_229 : vector<16xf32>
        %swap3A_231 = arith.index_cast %scan3A_184 : i32 to index
        %swap3A_232 = arith.constant 32 : index
        %swap3A_233 = tpu.vector_load %arg10[%swap3A_231, %swap3A_232] {strides = array<i32>} : memref<80x128xf32, #tpu.memory_space<vmem>>, vector<1x16xf32>,
        %swap3A_234 = vector.shape_cast %swap3A_233 : vector<1x16xf32> to vector<16xf32>
        %swap3A_235 = vector.shape_cast %max3A_230 : vector<16xf32> to vector<1x16xf32>
        tpu.vector_store %arg10[%swap3A_231, %swap3A_232], %swap3A_235 {strides = array<i32>} : memref<80x128xf32, #tpu.memory_space<vmem>>, vector<1x16xf32>,
        %get3A_236 = arith.index_cast %scan3A_184 : i32 to index
        %get3A_237 = arith.constant 48 : index
        %get3A_238 = tpu.vector_load %arg10[%get3A_236, %get3A_237] {strides = array<i32>} : memref<80x128xf32, #tpu.memory_space<vmem>>, vector<1x16xf32>,
        %get3A_239 = vector.shape_cast %get3A_238 : vector<1x16xf32> to vector<16xf32>
        %get3A_240 = arith.index_cast %scan3A_184 : i32 to index
        %get3A_241 = arith.constant 48 : index
        %get3A_242 = tpu.vector_load %arg9[%get3A_240, %get3A_241] {strides = array<i32>} : memref<80x128xf32, #tpu.memory_space<vmem>>, vector<1x16xf32>,
        %get3A_243 = vector.shape_cast %get3A_242 : vector<1x16xf32> to vector<16xf32>
        %add3A_244 = arith.addf %get3A_239, %get3A_243 : vector<16xf32>
        %max3A_245 = arith.constant 0.000000e+00 : f32
        %max3A_246 = vector.broadcast %max3A_245 : f32 to vector<16xf32>
        %max3A_247 = arith.maximumf %add3A_244, %max3A_246 : vector<16xf32>
        %swap3A_248 = arith.index_cast %scan3A_184 : i32 to index
        %swap3A_249 = arith.constant 48 : index
        %swap3A_250 = tpu.vector_load %arg10[%swap3A_248, %swap3A_249] {strides = array<i32>} : memref<80x128xf32, #tpu.memory_space<vmem>>, vector<1x16xf32>,
        %swap3A_251 = vector.shape_cast %swap3A_250 : vector<1x16xf32> to vector<16xf32>
        %swap3A_252 = vector.shape_cast %max3A_247 : vector<16xf32> to vector<1x16xf32>
        tpu.vector_store %arg10[%swap3A_248, %swap3A_249], %swap3A_252 {strides = array<i32>} : memref<80x128xf32, #tpu.memory_space<vmem>>, vector<1x16xf32>,
        %get3A_253 = arith.index_cast %scan3A_184 : i32 to index
        %get3A_254 = arith.constant 64 : index
        %get3A_255 = tpu.vector_load %arg10[%get3A_253, %get3A_254] {strides = array<i32>} : memref<80x128xf32, #tpu.memory_space<vmem>>, vector<1x16xf32>,
        %get3A_256 = vector.shape_cast %get3A_255 : vector<1x16xf32> to vector<16xf32>
        %get3A_257 = arith.index_cast %scan3A_184 : i32 to index
        %get3A_258 = arith.constant 64 : index
        %get3A_259 = tpu.vector_load %arg9[%get3A_257, %get3A_258] {strides = array<i32>} : memref<80x128xf32, #tpu.memory_space<vmem>>, vector<1x16xf32>,
        %get3A_260 = vector.shape_cast %get3A_259 : vector<1x16xf32> to vector<16xf32>
        %add3A_261 = arith.addf %get3A_256, %get3A_260 : vector<16xf32>
        %max3A_262 = arith.constant 0.000000e+00 : f32
        %max3A_263 = vector.broadcast %max3A_262 : f32 to vector<16xf32>
        %max3A_264 = arith.maximumf %add3A_261, %max3A_263 : vector<16xf32>
        %swap3A_265 = arith.index_cast %scan3A_184 : i32 to index
        %swap3A_266 = arith.constant 64 : index
        %swap3A_267 = tpu.vector_load %arg10[%swap3A_265, %swap3A_266] {strides = array<i32>} : memref<80x128xf32, #tpu.memory_space<vmem>>, vector<1x16xf32>,
        %swap3A_268 = vector.shape_cast %swap3A_267 : vector<1x16xf32> to vector<16xf32>
        %swap3A_269 = vector.shape_cast %max3A_264 : vector<16xf32> to vector<1x16xf32>
        tpu.vector_store %arg10[%swap3A_265, %swap3A_266], %swap3A_269 {strides = array<i32>} : memref<80x128xf32, #tpu.memory_space<vmem>>, vector<1x16xf32>,
        %get3A_270 = arith.index_cast %scan3A_184 : i32 to index
        %get3A_271 = arith.constant 80 : index
        %get3A_272 = tpu.vector_load %arg10[%get3A_270, %get3A_271] {strides = array<i32>} : memref<80x128xf32, #tpu.memory_space<vmem>>, vector<1x16xf32>,
        %get3A_273 = vector.shape_cast %get3A_272 : vector<1x16xf32> to vector<16xf32>
        %get3A_274 = arith.index_cast %scan3A_184 : i32 to index
        %get3A_275 = arith.constant 80 : index
        %get3A_276 = tpu.vector_load %arg9[%get3A_274, %get3A_275] {strides = array<i32>} : memref<80x128xf32, #tpu.memory_space<vmem>>, vector<1x16xf32>,
        %get3A_277 = vector.shape_cast %get3A_276 : vector<1x16xf32> to vector<16xf32>
        %add3A_278 = arith.addf %get3A_273, %get3A_277 : vector<16xf32>
        %max3A_279 = arith.constant 0.000000e+00 : f32
        %max3A_280 = vector.broadcast %max3A_279 : f32 to vector<16xf32>
        %max3A_281 = arith.maximumf %add3A_278, %max3A_280 : vector<16xf32>
        %swap3A_282 = arith.index_cast %scan3A_184 : i32 to index
        %swap3A_283 = arith.constant 80 : index
        %swap3A_284 = tpu.vector_load %arg10[%swap3A_282, %swap3A_283] {strides = array<i32>} : memref<80x128xf32, #tpu.memory_space<vmem>>, vector<1x16xf32>,
        %swap3A_285 = vector.shape_cast %swap3A_284 : vector<1x16xf32> to vector<16xf32>
        %swap3A_286 = vector.shape_cast %max3A_281 : vector<16xf32> to vector<1x16xf32>
        tpu.vector_store %arg10[%swap3A_282, %swap3A_283], %swap3A_286 {strides = array<i32>} : memref<80x128xf32, #tpu.memory_space<vmem>>, vector<1x16xf32>,
        %get3A_287 = arith.index_cast %scan3A_184 : i32 to index
        %get3A_288 = arith.constant 96 : index
        %get3A_289 = tpu.vector_load %arg10[%get3A_287, %get3A_288] {strides = array<i32>} : memref<80x128xf32, #tpu.memory_space<vmem>>, vector<1x16xf32>,
        %get3A_290 = vector.shape_cast %get3A_289 : vector<1x16xf32> to vector<16xf32>
        %get3A_291 = arith.index_cast %scan3A_184 : i32 to index
        %get3A_292 = arith.constant 96 : index
        %get3A_293 = tpu.vector_load %arg9[%get3A_291, %get3A_292] {strides = array<i32>} : memref<80x128xf32, #tpu.memory_space<vmem>>, vector<1x16xf32>,
        %get3A_294 = vector.shape_cast %get3A_293 : vector<1x16xf32> to vector<16xf32>
        %add3A_295 = arith.addf %get3A_290, %get3A_294 : vector<16xf32>
        %max3A_296 = arith.constant 0.000000e+00 : f32
        %max3A_297 = vector.broadcast %max3A_296 : f32 to vector<16xf32>
        %max3A_298 = arith.maximumf %add3A_295, %max3A_297 : vector<16xf32>
        %swap3A_299 = arith.index_cast %scan3A_184 : i32 to index
        %swap3A_300 = arith.constant 96 : index
        %swap3A_301 = tpu.vector_load %arg10[%swap3A_299, %swap3A_300] {strides = array<i32>} : memref<80x128xf32, #tpu.memory_space<vmem>>, vector<1x16xf32>,
        %swap3A_302 = vector.shape_cast %swap3A_301 : vector<1x16xf32> to vector<16xf32>
        %swap3A_303 = vector.shape_cast %max3A_298 : vector<16xf32> to vector<1x16xf32>
        tpu.vector_store %arg10[%swap3A_299, %swap3A_300], %swap3A_303 {strides = array<i32>} : memref<80x128xf32, #tpu.memory_space<vmem>>, vector<1x16xf32>,
        %get3A_304 = arith.index_cast %scan3A_184 : i32 to index
        %get3A_305 = arith.constant 112 : index
        %get3A_306 = tpu.vector_load %arg10[%get3A_304, %get3A_305] {strides = array<i32>} : memref<80x128xf32, #tpu.memory_space<vmem>>, vector<1x16xf32>,
        %get3A_307 = vector.shape_cast %get3A_306 : vector<1x16xf32> to vector<16xf32>
        %get3A_308 = arith.index_cast %scan3A_184 : i32 to index
        %get3A_309 = arith.constant 112 : index
        %get3A_310 = tpu.vector_load %arg9[%get3A_308, %get3A_309] {strides = array<i32>} : memref<80x128xf32, #tpu.memory_space<vmem>>, vector<1x16xf32>,
        %get3A_311 = vector.shape_cast %get3A_310 : vector<1x16xf32> to vector<16xf32>
        %add3A_312 = arith.addf %get3A_307, %get3A_311 : vector<16xf32>
        %max3A_313 = arith.constant 0.000000e+00 : f32
        %max3A_314 = vector.broadcast %max3A_313 : f32 to vector<16xf32>
        %max3A_315 = arith.maximumf %add3A_312, %max3A_314 : vector<16xf32>
        %swap3A_316 = arith.index_cast %scan3A_184 : i32 to index
        %swap3A_317 = arith.constant 112 : index
        %swap3A_318 = tpu.vector_load %arg10[%swap3A_316, %swap3A_317] {strides = array<i32>} : memref<80x128xf32, #tpu.memory_space<vmem>>, vector<1x16xf32>,
        %swap3A_319 = vector.shape_cast %swap3A_318 : vector<1x16xf32> to vector<16xf32>
        %swap3A_320 = vector.shape_cast %max3A_315 : vector<16xf32> to vector<1x16xf32>
        tpu.vector_store %arg10[%swap3A_316, %swap3A_317], %swap3A_320 {strides = array<i32>} : memref<80x128xf32, #tpu.memory_space<vmem>>, vector<1x16xf32>,
        %scan3A_321 = arith.constant 0 : i32
        scf.yield %scan3A_321 : i32
      }
      %scan3A_45 = arith.constant 80 : i32
      "tpu.region"() ({
        %run_scoped3A = tpu.sem_alloc : memref<!tpu.dma_semaphore, #tpu.memory_space<semaphore_mem>>
        %dma_start3A_47 = arith.constant 0 : i32
        %dma_start3A_48 = arith.constant 0 : i32
        %dma_start3A_49 = tpu.memref_slice %arg12[%dma_start3A_47, %dma_start3A_48] : memref<10240x128xf32, #tpu.memory_space<vmem_shared>> -> memref<10240x128xf32, #tpu.memory_space<vmem_shared>>
        tpu.enqueue_indirect_dma source(%arg10 : memref<80x128xf32, #tpu.memory_space<vmem>>) target(%dma_start3A_49 : memref<10240x128xf32, #tpu.memory_space<vmem_shared>>) offsets(%arg8 : memref<80xi32, #tpu.memory_space<vmem>>) semaphore(%run_scoped3A : memref<!tpu.dma_semaphore, #tpu.memory_space<semaphore_mem>>) {add = true}
        %dma_wait3A_50 = arith.constant 0 : i32
        %dma_wait3A_51 = arith.constant 0 : i32
        %dma_wait3A_52 = tpu.memref_slice %arg12[%dma_wait3A_50, %dma_wait3A_51] : memref<10240x128xf32, #tpu.memory_space<vmem_shared>> -> memref<10240x128xf32, #tpu.memory_space<vmem_shared>>
        tpu.wait_indirect_dma semaphore(%run_scoped3A : memref<!tpu.dma_semaphore, #tpu.memory_space<semaphore_mem>>) src(%arg10 : memref<80x128xf32, #tpu.memory_space<vmem>>) dst(%dma_wait3A_52 : memref<10240x128xf32, #tpu.memory_space<vmem_shared>>)
        tpu.yield
      }) : () -> ()
      %scan3A_46 = arith.constant 0 : i32
      scf.yield %scan3A_46 : i32
    }
    %scan3A_28 = arith.constant 125 : i32
    %barrier3A_29 = arith.constant 0 : index
    tpu.barrier barrier_id(%barrier3A_29)
    "tpu.region"() ({
      %run_scoped3A = tpu.sem_alloc : memref<!tpu.dma_semaphore, #tpu.memory_space<semaphore_mem>>
      %dma_start3A = arith.constant 0 : i32
      %dma_start3A_30 = tpu.memref_slice %arg6[%arg0, %mul3A_9, %dma_start3A] : memref<2x10240x128xf32, #tpu.memory_space<hbm>> -> memref<1x640x128xf32, #tpu.memory_space<hbm>>
      %dma_start3A_31 = tpu.memref_squeeze %dma_start3A_30 : memref<1x640x128xf32, #tpu.memory_space<hbm>> -> memref<640x128xf32, #tpu.memory_space<hbm>>
      %dma_start3A_32 = arith.constant 0 : i32
      %dma_start3A_33 = tpu.memref_slice %arg12[%mul3A_9, %dma_start3A_32] : memref<10240x128xf32, #tpu.memory_space<vmem_shared>> -> memref<640x128xf32, #tpu.memory_space<vmem_shared>>
      tpu.enqueue_dma source(%dma_start3A_33 : memref<640x128xf32, #tpu.memory_space<vmem_shared>>) target(%dma_start3A_31 : memref<640x128xf32, #tpu.memory_space<hbm>>) target_semaphore(%run_scoped3A : memref<!tpu.dma_semaphore, #tpu.memory_space<semaphore_mem>>)
      %dma_wait3A = arith.constant 0 : i32
      %dma_wait3A_34 = tpu.memref_slice %arg6[%arg0, %mul3A_9, %dma_wait3A] : memref<2x10240x128xf32, #tpu.memory_space<hbm>> -> memref<1x640x128xf32, #tpu.memory_space<hbm>>
      %dma_wait3A_35 = tpu.memref_squeeze %dma_wait3A_34 : memref<1x640x128xf32, #tpu.memory_space<hbm>> -> memref<640x128xf32, #tpu.memory_space<hbm>>
      %dma_wait3A_36 = arith.constant 0 : i32
      %dma_wait3A_37 = tpu.memref_slice %arg12[%mul3A_9, %dma_wait3A_36] : memref<10240x128xf32, #tpu.memory_space<vmem_shared>> -> memref<640x128xf32, #tpu.memory_space<vmem_shared>>
      tpu.wait_dma2 semaphore(%run_scoped3A : memref<!tpu.dma_semaphore, #tpu.memory_space<semaphore_mem>>) src(%dma_wait3A_37 : memref<640x128xf32, #tpu.memory_space<vmem_shared>>) dst(%dma_wait3A_35 : memref<640x128xf32, #tpu.memory_space<hbm>>)
      tpu.yield
    }) : () -> ()
    return
  }
}

#map = affine_map<(d0, d1) -> (0, 0)>
#map1 = affine_map<(d0, d1) -> (0)>
#map2 = affine_map<(d0, d1) -> (0, 0, 0)>
module attributes {stable_mosaic.version = 14 : i64} {
  func.func @_sc_scatter_body(%arg0: i32, %arg1: i32, %arg2: memref<10240x128xf32, #tpu.memory_space<hbm>>, %arg3: memref<320000x128xf32, #tpu.memory_space<hbm>>, %arg4: memref<320000xi32, #tpu.memory_space<hbm>>, %arg5: memref<320000xi32, #tpu.memory_space<hbm>>, %arg6: memref<2x10240x128xf32, #tpu.memory_space<hbm>>, %arg7: memref<80xi32, #tpu.memory_space<vmem>>, %arg8: memref<80xi32, #tpu.memory_space<vmem>>, %arg9: memref<80x128xf32, #tpu.memory_space<vmem>>, %arg10: memref<80x128xf32, #tpu.memory_space<vmem>>, %arg11: memref<128x128xf32, #tpu.memory_space<vmem>>, %arg12: memref<10240x128xf32, #tpu.memory_space<vmem_shared>>, %arg13: memref<!tpu.dma_semaphore, #tpu.memory_space<semaphore_mem>>) attributes {dimension_semantics = [#tpu.dimension_semantics<core_parallel>, #tpu.dimension_semantics<subcore_parallel>], iteration_bounds = array<i64: 2, 16>, scalar_prefetch = 0 : i64, scratch_operands = 7 : i64, tpu.core_type = #tpu.core_type<sc_vector_subcore>, window_params = [{transform_indices = #map}, {transform_indices = #map}, {transform_indices = #map1}, {transform_indices = #map1}, {transform_indices = #map2}]} {
    %mul3A = arith.constant 16 : i32
    %mul3A_0 = arith.muli %arg0, %mul3A : i32
    %add3A = arith.addi %mul3A_0, %arg1 : i32
    %broadcast_in_dim3A = arith.constant 0.000000e+00 : f32
    %broadcast_in_dim3A_1 = vector.broadcast %broadcast_in_dim3A : f32 to vector<16xf32>
    %scan3A = arith.constant 0 : i32
    %scan3A_2 = arith.constant 0 : i32
    %scan3A_3 = arith.constant 128 : i32
    %scan3A_4 = arith.addi %scan3A_2, %scan3A_3 : i32
    %scan3A_5 = arith.constant 4 : i32
    %scan3A_6 = scf.for %scan3A_30 = %scan3A_2 to %scan3A_4 step %scan3A_5 iter_args(%scan3A_31 = %scan3A) -> (i32)  : i32 {
      %swap3A = arith.index_cast %scan3A_30 : i32 to index
      %swap3A_32 = arith.constant 0 : index
      %swap3A_33 = tpu.vector_load %arg11[%swap3A, %swap3A_32] {strides = array<i32>} : memref<128x128xf32, #tpu.memory_space<vmem>>, vector<1x16xf32>,
      %swap3A_34 = vector.shape_cast %swap3A_33 : vector<1x16xf32> to vector<16xf32>
      %swap3A_35 = vector.shape_cast %broadcast_in_dim3A_1 : vector<16xf32> to vector<1x16xf32>
      tpu.vector_store %arg11[%swap3A, %swap3A_32], %swap3A_35 {strides = array<i32>} : memref<128x128xf32, #tpu.memory_space<vmem>>, vector<1x16xf32>,
      %swap3A_36 = arith.index_cast %scan3A_30 : i32 to index
      %swap3A_37 = arith.constant 16 : index
      %swap3A_38 = tpu.vector_load %arg11[%swap3A_36, %swap3A_37] {strides = array<i32>} : memref<128x128xf32, #tpu.memory_space<vmem>>, vector<1x16xf32>,
      %swap3A_39 = vector.shape_cast %swap3A_38 : vector<1x16xf32> to vector<16xf32>
      %swap3A_40 = vector.shape_cast %broadcast_in_dim3A_1 : vector<16xf32> to vector<1x16xf32>
      tpu.vector_store %arg11[%swap3A_36, %swap3A_37], %swap3A_40 {strides = array<i32>} : memref<128x128xf32, #tpu.memory_space<vmem>>, vector<1x16xf32>,
      %swap3A_41 = arith.index_cast %scan3A_30 : i32 to index
      %swap3A_42 = arith.constant 32 : index
      %swap3A_43 = tpu.vector_load %arg11[%swap3A_41, %swap3A_42] {strides = array<i32>} : memref<128x128xf32, #tpu.memory_space<vmem>>, vector<1x16xf32>,
      %swap3A_44 = vector.shape_cast %swap3A_43 : vector<1x16xf32> to vector<16xf32>
      %swap3A_45 = vector.shape_cast %broadcast_in_dim3A_1 : vector<16xf32> to vector<1x16xf32>
      tpu.vector_store %arg11[%swap3A_41, %swap3A_42], %swap3A_45 {strides = array<i32>} : memref<128x128xf32, #tpu.memory_space<vmem>>, vector<1x16xf32>,
      %swap3A_46 = arith.index_cast %scan3A_30 : i32 to index
      %swap3A_47 = arith.constant 48 : index
      %swap3A_48 = tpu.vector_load %arg11[%swap3A_46, %swap3A_47] {strides = array<i32>} : memref<128x128xf32, #tpu.memory_space<vmem>>, vector<1x16xf32>,
      %swap3A_49 = vector.shape_cast %swap3A_48 : vector<1x16xf32> to vector<16xf32>
      %swap3A_50 = vector.shape_cast %broadcast_in_dim3A_1 : vector<16xf32> to vector<1x16xf32>
      tpu.vector_store %arg11[%swap3A_46, %swap3A_47], %swap3A_50 {strides = array<i32>} : memref<128x128xf32, #tpu.memory_space<vmem>>, vector<1x16xf32>,
      %swap3A_51 = arith.index_cast %scan3A_30 : i32 to index
      %swap3A_52 = arith.constant 64 : index
      %swap3A_53 = tpu.vector_load %arg11[%swap3A_51, %swap3A_52] {strides = array<i32>} : memref<128x128xf32, #tpu.memory_space<vmem>>, vector<1x16xf32>,
      %swap3A_54 = vector.shape_cast %swap3A_53 : vector<1x16xf32> to vector<16xf32>
      %swap3A_55 = vector.shape_cast %broadcast_in_dim3A_1 : vector<16xf32> to vector<1x16xf32>
      tpu.vector_store %arg11[%swap3A_51, %swap3A_52], %swap3A_55 {strides = array<i32>} : memref<128x128xf32, #tpu.memory_space<vmem>>, vector<1x16xf32>,
      %swap3A_56 = arith.index_cast %scan3A_30 : i32 to index
      %swap3A_57 = arith.constant 80 : index
      %swap3A_58 = tpu.vector_load %arg11[%swap3A_56, %swap3A_57] {strides = array<i32>} : memref<128x128xf32, #tpu.memory_space<vmem>>, vector<1x16xf32>,
      %swap3A_59 = vector.shape_cast %swap3A_58 : vector<1x16xf32> to vector<16xf32>
      %swap3A_60 = vector.shape_cast %broadcast_in_dim3A_1 : vector<16xf32> to vector<1x16xf32>
      tpu.vector_store %arg11[%swap3A_56, %swap3A_57], %swap3A_60 {strides = array<i32>} : memref<128x128xf32, #tpu.memory_space<vmem>>, vector<1x16xf32>,
      %swap3A_61 = arith.index_cast %scan3A_30 : i32 to index
      %swap3A_62 = arith.constant 96 : index
      %swap3A_63 = tpu.vector_load %arg11[%swap3A_61, %swap3A_62] {strides = array<i32>} : memref<128x128xf32, #tpu.memory_space<vmem>>, vector<1x16xf32>,
      %swap3A_64 = vector.shape_cast %swap3A_63 : vector<1x16xf32> to vector<16xf32>
      %swap3A_65 = vector.shape_cast %broadcast_in_dim3A_1 : vector<16xf32> to vector<1x16xf32>
      tpu.vector_store %arg11[%swap3A_61, %swap3A_62], %swap3A_65 {strides = array<i32>} : memref<128x128xf32, #tpu.memory_space<vmem>>, vector<1x16xf32>,
      %swap3A_66 = arith.index_cast %scan3A_30 : i32 to index
      %swap3A_67 = arith.constant 112 : index
      %swap3A_68 = tpu.vector_load %arg11[%swap3A_66, %swap3A_67] {strides = array<i32>} : memref<128x128xf32, #tpu.memory_space<vmem>>, vector<1x16xf32>,
      %swap3A_69 = vector.shape_cast %swap3A_68 : vector<1x16xf32> to vector<16xf32>
      %swap3A_70 = vector.shape_cast %broadcast_in_dim3A_1 : vector<16xf32> to vector<1x16xf32>
      tpu.vector_store %arg11[%swap3A_66, %swap3A_67], %swap3A_70 {strides = array<i32>} : memref<128x128xf32, #tpu.memory_space<vmem>>, vector<1x16xf32>,
      %scan3A_71 = arith.constant 0 : i32
      %scan3A_72 = arith.constant 1 : i32
      %scan3A_73 = arith.addi %scan3A_30, %scan3A_72 : i32
      %swap3A_74 = arith.index_cast %scan3A_73 : i32 to index
      %swap3A_75 = arith.constant 0 : index
      %swap3A_76 = tpu.vector_load %arg11[%swap3A_74, %swap3A_75] {strides = array<i32>} : memref<128x128xf32, #tpu.memory_space<vmem>>, vector<1x16xf32>,
      %swap3A_77 = vector.shape_cast %swap3A_76 : vector<1x16xf32> to vector<16xf32>
      %swap3A_78 = vector.shape_cast %broadcast_in_dim3A_1 : vector<16xf32> to vector<1x16xf32>
      tpu.vector_store %arg11[%swap3A_74, %swap3A_75], %swap3A_78 {strides = array<i32>} : memref<128x128xf32, #tpu.memory_space<vmem>>, vector<1x16xf32>,
      %swap3A_79 = arith.index_cast %scan3A_73 : i32 to index
      %swap3A_80 = arith.constant 16 : index
      %swap3A_81 = tpu.vector_load %arg11[%swap3A_79, %swap3A_80] {strides = array<i32>} : memref<128x128xf32, #tpu.memory_space<vmem>>, vector<1x16xf32>,
      %swap3A_82 = vector.shape_cast %swap3A_81 : vector<1x16xf32> to vector<16xf32>
      %swap3A_83 = vector.shape_cast %broadcast_in_dim3A_1 : vector<16xf32> to vector<1x16xf32>
      tpu.vector_store %arg11[%swap3A_79, %swap3A_80], %swap3A_83 {strides = array<i32>} : memref<128x128xf32, #tpu.memory_space<vmem>>, vector<1x16xf32>,
      %swap3A_84 = arith.index_cast %scan3A_73 : i32 to index
      %swap3A_85 = arith.constant 32 : index
      %swap3A_86 = tpu.vector_load %arg11[%swap3A_84, %swap3A_85] {strides = array<i32>} : memref<128x128xf32, #tpu.memory_space<vmem>>, vector<1x16xf32>,
      %swap3A_87 = vector.shape_cast %swap3A_86 : vector<1x16xf32> to vector<16xf32>
      %swap3A_88 = vector.shape_cast %broadcast_in_dim3A_1 : vector<16xf32> to vector<1x16xf32>
      tpu.vector_store %arg11[%swap3A_84, %swap3A_85], %swap3A_88 {strides = array<i32>} : memref<128x128xf32, #tpu.memory_space<vmem>>, vector<1x16xf32>,
      %swap3A_89 = arith.index_cast %scan3A_73 : i32 to index
      %swap3A_90 = arith.constant 48 : index
      %swap3A_91 = tpu.vector_load %arg11[%swap3A_89, %swap3A_90] {strides = array<i32>} : memref<128x128xf32, #tpu.memory_space<vmem>>, vector<1x16xf32>,
      %swap3A_92 = vector.shape_cast %swap3A_91 : vector<1x16xf32> to vector<16xf32>
      %swap3A_93 = vector.shape_cast %broadcast_in_dim3A_1 : vector<16xf32> to vector<1x16xf32>
      tpu.vector_store %arg11[%swap3A_89, %swap3A_90], %swap3A_93 {strides = array<i32>} : memref<128x128xf32, #tpu.memory_space<vmem>>, vector<1x16xf32>,
      %swap3A_94 = arith.index_cast %scan3A_73 : i32 to index
      %swap3A_95 = arith.constant 64 : index
      %swap3A_96 = tpu.vector_load %arg11[%swap3A_94, %swap3A_95] {strides = array<i32>} : memref<128x128xf32, #tpu.memory_space<vmem>>, vector<1x16xf32>,
      %swap3A_97 = vector.shape_cast %swap3A_96 : vector<1x16xf32> to vector<16xf32>
      %swap3A_98 = vector.shape_cast %broadcast_in_dim3A_1 : vector<16xf32> to vector<1x16xf32>
      tpu.vector_store %arg11[%swap3A_94, %swap3A_95], %swap3A_98 {strides = array<i32>} : memref<128x128xf32, #tpu.memory_space<vmem>>, vector<1x16xf32>,
      %swap3A_99 = arith.index_cast %scan3A_73 : i32 to index
      %swap3A_100 = arith.constant 80 : index
      %swap3A_101 = tpu.vector_load %arg11[%swap3A_99, %swap3A_100] {strides = array<i32>} : memref<128x128xf32, #tpu.memory_space<vmem>>, vector<1x16xf32>,
      %swap3A_102 = vector.shape_cast %swap3A_101 : vector<1x16xf32> to vector<16xf32>
      %swap3A_103 = vector.shape_cast %broadcast_in_dim3A_1 : vector<16xf32> to vector<1x16xf32>
      tpu.vector_store %arg11[%swap3A_99, %swap3A_100], %swap3A_103 {strides = array<i32>} : memref<128x128xf32, #tpu.memory_space<vmem>>, vector<1x16xf32>,
      %swap3A_104 = arith.index_cast %scan3A_73 : i32 to index
      %swap3A_105 = arith.constant 96 : index
      %swap3A_106 = tpu.vector_load %arg11[%swap3A_104, %swap3A_105] {strides = array<i32>} : memref<128x128xf32, #tpu.memory_space<vmem>>, vector<1x16xf32>,
      %swap3A_107 = vector.shape_cast %swap3A_106 : vector<1x16xf32> to vector<16xf32>
      %swap3A_108 = vector.shape_cast %broadcast_in_dim3A_1 : vector<16xf32> to vector<1x16xf32>
      tpu.vector_store %arg11[%swap3A_104, %swap3A_105], %swap3A_108 {strides = array<i32>} : memref<128x128xf32, #tpu.memory_space<vmem>>, vector<1x16xf32>,
      %swap3A_109 = arith.index_cast %scan3A_73 : i32 to index
      %swap3A_110 = arith.constant 112 : index
      %swap3A_111 = tpu.vector_load %arg11[%swap3A_109, %swap3A_110] {strides = array<i32>} : memref<128x128xf32, #tpu.memory_space<vmem>>, vector<1x16xf32>,
      %swap3A_112 = vector.shape_cast %swap3A_111 : vector<1x16xf32> to vector<16xf32>
      %swap3A_113 = vector.shape_cast %broadcast_in_dim3A_1 : vector<16xf32> to vector<1x16xf32>
      tpu.vector_store %arg11[%swap3A_109, %swap3A_110], %swap3A_113 {strides = array<i32>} : memref<128x128xf32, #tpu.memory_space<vmem>>, vector<1x16xf32>,
      %scan3A_114 = arith.constant 0 : i32
      %scan3A_115 = arith.constant 2 : i32
      %scan3A_116 = arith.addi %scan3A_30, %scan3A_115 : i32
      %swap3A_117 = arith.index_cast %scan3A_116 : i32 to index
      %swap3A_118 = arith.constant 0 : index
      %swap3A_119 = tpu.vector_load %arg11[%swap3A_117, %swap3A_118] {strides = array<i32>} : memref<128x128xf32, #tpu.memory_space<vmem>>, vector<1x16xf32>,
      %swap3A_120 = vector.shape_cast %swap3A_119 : vector<1x16xf32> to vector<16xf32>
      %swap3A_121 = vector.shape_cast %broadcast_in_dim3A_1 : vector<16xf32> to vector<1x16xf32>
      tpu.vector_store %arg11[%swap3A_117, %swap3A_118], %swap3A_121 {strides = array<i32>} : memref<128x128xf32, #tpu.memory_space<vmem>>, vector<1x16xf32>,
      %swap3A_122 = arith.index_cast %scan3A_116 : i32 to index
      %swap3A_123 = arith.constant 16 : index
      %swap3A_124 = tpu.vector_load %arg11[%swap3A_122, %swap3A_123] {strides = array<i32>} : memref<128x128xf32, #tpu.memory_space<vmem>>, vector<1x16xf32>,
      %swap3A_125 = vector.shape_cast %swap3A_124 : vector<1x16xf32> to vector<16xf32>
      %swap3A_126 = vector.shape_cast %broadcast_in_dim3A_1 : vector<16xf32> to vector<1x16xf32>
      tpu.vector_store %arg11[%swap3A_122, %swap3A_123], %swap3A_126 {strides = array<i32>} : memref<128x128xf32, #tpu.memory_space<vmem>>, vector<1x16xf32>,
      %swap3A_127 = arith.index_cast %scan3A_116 : i32 to index
      %swap3A_128 = arith.constant 32 : index
      %swap3A_129 = tpu.vector_load %arg11[%swap3A_127, %swap3A_128] {strides = array<i32>} : memref<128x128xf32, #tpu.memory_space<vmem>>, vector<1x16xf32>,
      %swap3A_130 = vector.shape_cast %swap3A_129 : vector<1x16xf32> to vector<16xf32>
      %swap3A_131 = vector.shape_cast %broadcast_in_dim3A_1 : vector<16xf32> to vector<1x16xf32>
      tpu.vector_store %arg11[%swap3A_127, %swap3A_128], %swap3A_131 {strides = array<i32>} : memref<128x128xf32, #tpu.memory_space<vmem>>, vector<1x16xf32>,
      %swap3A_132 = arith.index_cast %scan3A_116 : i32 to index
      %swap3A_133 = arith.constant 48 : index
      %swap3A_134 = tpu.vector_load %arg11[%swap3A_132, %swap3A_133] {strides = array<i32>} : memref<128x128xf32, #tpu.memory_space<vmem>>, vector<1x16xf32>,
      %swap3A_135 = vector.shape_cast %swap3A_134 : vector<1x16xf32> to vector<16xf32>
      %swap3A_136 = vector.shape_cast %broadcast_in_dim3A_1 : vector<16xf32> to vector<1x16xf32>
      tpu.vector_store %arg11[%swap3A_132, %swap3A_133], %swap3A_136 {strides = array<i32>} : memref<128x128xf32, #tpu.memory_space<vmem>>, vector<1x16xf32>,
      %swap3A_137 = arith.index_cast %scan3A_116 : i32 to index
      %swap3A_138 = arith.constant 64 : index
      %swap3A_139 = tpu.vector_load %arg11[%swap3A_137, %swap3A_138] {strides = array<i32>} : memref<128x128xf32, #tpu.memory_space<vmem>>, vector<1x16xf32>,
      %swap3A_140 = vector.shape_cast %swap3A_139 : vector<1x16xf32> to vector<16xf32>
      %swap3A_141 = vector.shape_cast %broadcast_in_dim3A_1 : vector<16xf32> to vector<1x16xf32>
      tpu.vector_store %arg11[%swap3A_137, %swap3A_138], %swap3A_141 {strides = array<i32>} : memref<128x128xf32, #tpu.memory_space<vmem>>, vector<1x16xf32>,
      %swap3A_142 = arith.index_cast %scan3A_116 : i32 to index
      %swap3A_143 = arith.constant 80 : index
      %swap3A_144 = tpu.vector_load %arg11[%swap3A_142, %swap3A_143] {strides = array<i32>} : memref<128x128xf32, #tpu.memory_space<vmem>>, vector<1x16xf32>,
      %swap3A_145 = vector.shape_cast %swap3A_144 : vector<1x16xf32> to vector<16xf32>
      %swap3A_146 = vector.shape_cast %broadcast_in_dim3A_1 : vector<16xf32> to vector<1x16xf32>
      tpu.vector_store %arg11[%swap3A_142, %swap3A_143], %swap3A_146 {strides = array<i32>} : memref<128x128xf32, #tpu.memory_space<vmem>>, vector<1x16xf32>,
      %swap3A_147 = arith.index_cast %scan3A_116 : i32 to index
      %swap3A_148 = arith.constant 96 : index
      %swap3A_149 = tpu.vector_load %arg11[%swap3A_147, %swap3A_148] {strides = array<i32>} : memref<128x128xf32, #tpu.memory_space<vmem>>, vector<1x16xf32>,
      %swap3A_150 = vector.shape_cast %swap3A_149 : vector<1x16xf32> to vector<16xf32>
      %swap3A_151 = vector.shape_cast %broadcast_in_dim3A_1 : vector<16xf32> to vector<1x16xf32>
      tpu.vector_store %arg11[%swap3A_147, %swap3A_148], %swap3A_151 {strides = array<i32>} : memref<128x128xf32, #tpu.memory_space<vmem>>, vector<1x16xf32>,
      %swap3A_152 = arith.index_cast %scan3A_116 : i32 to index
      %swap3A_153 = arith.constant 112 : index
      %swap3A_154 = tpu.vector_load %arg11[%swap3A_152, %swap3A_153] {strides = array<i32>} : memref<128x128xf32, #tpu.memory_space<vmem>>, vector<1x16xf32>,
      %swap3A_155 = vector.shape_cast %swap3A_154 : vector<1x16xf32> to vector<16xf32>
      %swap3A_156 = vector.shape_cast %broadcast_in_dim3A_1 : vector<16xf32> to vector<1x16xf32>
      tpu.vector_store %arg11[%swap3A_152, %swap3A_153], %swap3A_156 {strides = array<i32>} : memref<128x128xf32, #tpu.memory_space<vmem>>, vector<1x16xf32>,
      %scan3A_157 = arith.constant 0 : i32
      %scan3A_158 = arith.constant 3 : i32
      %scan3A_159 = arith.addi %scan3A_30, %scan3A_158 : i32
      %swap3A_160 = arith.index_cast %scan3A_159 : i32 to index
      %swap3A_161 = arith.constant 0 : index
      %swap3A_162 = tpu.vector_load %arg11[%swap3A_160, %swap3A_161] {strides = array<i32>} : memref<128x128xf32, #tpu.memory_space<vmem>>, vector<1x16xf32>,
      %swap3A_163 = vector.shape_cast %swap3A_162 : vector<1x16xf32> to vector<16xf32>
      %swap3A_164 = vector.shape_cast %broadcast_in_dim3A_1 : vector<16xf32> to vector<1x16xf32>
      tpu.vector_store %arg11[%swap3A_160, %swap3A_161], %swap3A_164 {strides = array<i32>} : memref<128x128xf32, #tpu.memory_space<vmem>>, vector<1x16xf32>,
      %swap3A_165 = arith.index_cast %scan3A_159 : i32 to index
      %swap3A_166 = arith.constant 16 : index
      %swap3A_167 = tpu.vector_load %arg11[%swap3A_165, %swap3A_166] {strides = array<i32>} : memref<128x128xf32, #tpu.memory_space<vmem>>, vector<1x16xf32>,
      %swap3A_168 = vector.shape_cast %swap3A_167 : vector<1x16xf32> to vector<16xf32>
      %swap3A_169 = vector.shape_cast %broadcast_in_dim3A_1 : vector<16xf32> to vector<1x16xf32>
      tpu.vector_store %arg11[%swap3A_165, %swap3A_166], %swap3A_169 {strides = array<i32>} : memref<128x128xf32, #tpu.memory_space<vmem>>, vector<1x16xf32>,
      %swap3A_170 = arith.index_cast %scan3A_159 : i32 to index
      %swap3A_171 = arith.constant 32 : index
      %swap3A_172 = tpu.vector_load %arg11[%swap3A_170, %swap3A_171] {strides = array<i32>} : memref<128x128xf32, #tpu.memory_space<vmem>>, vector<1x16xf32>,
      %swap3A_173 = vector.shape_cast %swap3A_172 : vector<1x16xf32> to vector<16xf32>
      %swap3A_174 = vector.shape_cast %broadcast_in_dim3A_1 : vector<16xf32> to vector<1x16xf32>
      tpu.vector_store %arg11[%swap3A_170, %swap3A_171], %swap3A_174 {strides = array<i32>} : memref<128x128xf32, #tpu.memory_space<vmem>>, vector<1x16xf32>,
      %swap3A_175 = arith.index_cast %scan3A_159 : i32 to index
      %swap3A_176 = arith.constant 48 : index
      %swap3A_177 = tpu.vector_load %arg11[%swap3A_175, %swap3A_176] {strides = array<i32>} : memref<128x128xf32, #tpu.memory_space<vmem>>, vector<1x16xf32>,
      %swap3A_178 = vector.shape_cast %swap3A_177 : vector<1x16xf32> to vector<16xf32>
      %swap3A_179 = vector.shape_cast %broadcast_in_dim3A_1 : vector<16xf32> to vector<1x16xf32>
      tpu.vector_store %arg11[%swap3A_175, %swap3A_176], %swap3A_179 {strides = array<i32>} : memref<128x128xf32, #tpu.memory_space<vmem>>, vector<1x16xf32>,
      %swap3A_180 = arith.index_cast %scan3A_159 : i32 to index
      %swap3A_181 = arith.constant 64 : index
      %swap3A_182 = tpu.vector_load %arg11[%swap3A_180, %swap3A_181] {strides = array<i32>} : memref<128x128xf32, #tpu.memory_space<vmem>>, vector<1x16xf32>,
      %swap3A_183 = vector.shape_cast %swap3A_182 : vector<1x16xf32> to vector<16xf32>
      %swap3A_184 = vector.shape_cast %broadcast_in_dim3A_1 : vector<16xf32> to vector<1x16xf32>
      tpu.vector_store %arg11[%swap3A_180, %swap3A_181], %swap3A_184 {strides = array<i32>} : memref<128x128xf32, #tpu.memory_space<vmem>>, vector<1x16xf32>,
      %swap3A_185 = arith.index_cast %scan3A_159 : i32 to index
      %swap3A_186 = arith.constant 80 : index
      %swap3A_187 = tpu.vector_load %arg11[%swap3A_185, %swap3A_186] {strides = array<i32>} : memref<128x128xf32, #tpu.memory_space<vmem>>, vector<1x16xf32>,
      %swap3A_188 = vector.shape_cast %swap3A_187 : vector<1x16xf32> to vector<16xf32>
      %swap3A_189 = vector.shape_cast %broadcast_in_dim3A_1 : vector<16xf32> to vector<1x16xf32>
      tpu.vector_store %arg11[%swap3A_185, %swap3A_186], %swap3A_189 {strides = array<i32>} : memref<128x128xf32, #tpu.memory_space<vmem>>, vector<1x16xf32>,
      %swap3A_190 = arith.index_cast %scan3A_159 : i32 to index
      %swap3A_191 = arith.constant 96 : index
      %swap3A_192 = tpu.vector_load %arg11[%swap3A_190, %swap3A_191] {strides = array<i32>} : memref<128x128xf32, #tpu.memory_space<vmem>>, vector<1x16xf32>,
      %swap3A_193 = vector.shape_cast %swap3A_192 : vector<1x16xf32> to vector<16xf32>
      %swap3A_194 = vector.shape_cast %broadcast_in_dim3A_1 : vector<16xf32> to vector<1x16xf32>
      tpu.vector_store %arg11[%swap3A_190, %swap3A_191], %swap3A_194 {strides = array<i32>} : memref<128x128xf32, #tpu.memory_space<vmem>>, vector<1x16xf32>,
      %swap3A_195 = arith.index_cast %scan3A_159 : i32 to index
      %swap3A_196 = arith.constant 112 : index
      %swap3A_197 = tpu.vector_load %arg11[%swap3A_195, %swap3A_196] {strides = array<i32>} : memref<128x128xf32, #tpu.memory_space<vmem>>, vector<1x16xf32>,
      %swap3A_198 = vector.shape_cast %swap3A_197 : vector<1x16xf32> to vector<16xf32>
      %swap3A_199 = vector.shape_cast %broadcast_in_dim3A_1 : vector<16xf32> to vector<1x16xf32>
      tpu.vector_store %arg11[%swap3A_195, %swap3A_196], %swap3A_199 {strides = array<i32>} : memref<128x128xf32, #tpu.memory_space<vmem>>, vector<1x16xf32>,
      %scan3A_200 = arith.constant 0 : i32
      scf.yield %scan3A_200 : i32
    }
    %scan3A_7 = arith.constant 128 : i32
    %mul3A_8 = arith.constant 640 : i32
    %mul3A_9 = arith.muli %arg1, %mul3A_8 : i32
    %add3A_10 = arith.constant 0 : i32
    %add3A_11 = arith.addi %mul3A_9, %add3A_10 : i32
    "tpu.region"() ({
      %run_scoped3A = tpu.sem_alloc : memref<!tpu.dma_semaphore, #tpu.memory_space<semaphore_mem>>
      %dma_start3A = arith.constant 0 : i32
      %dma_start3A_30 = tpu.memref_slice %arg12[%add3A_11, %dma_start3A] : memref<10240x128xf32, #tpu.memory_space<vmem_shared>> -> memref<128x128xf32, #tpu.memory_space<vmem_shared>>
      %dma_start3A_31 = arith.constant 0 : i32
      %dma_start3A_32 = tpu.memref_slice %arg12[%add3A_11, %dma_start3A_31] : memref<10240x128xf32, #tpu.memory_space<vmem_shared>> -> memref<128x128xf32, #tpu.memory_space<vmem_shared>>
      tpu.enqueue_dma source(%arg11 : memref<128x128xf32, #tpu.memory_space<vmem>>) target(%dma_start3A_32 : memref<128x128xf32, #tpu.memory_space<vmem_shared>>) target_semaphore(%run_scoped3A : memref<!tpu.dma_semaphore, #tpu.memory_space<semaphore_mem>>)
      %dma_wait3A = arith.constant 0 : i32
      %dma_wait3A_33 = tpu.memref_slice %arg12[%add3A_11, %dma_wait3A] : memref<10240x128xf32, #tpu.memory_space<vmem_shared>> -> memref<128x128xf32, #tpu.memory_space<vmem_shared>>
      %dma_wait3A_34 = arith.constant 0 : i32
      %dma_wait3A_35 = tpu.memref_slice %arg12[%add3A_11, %dma_wait3A_34] : memref<10240x128xf32, #tpu.memory_space<vmem_shared>> -> memref<128x128xf32, #tpu.memory_space<vmem_shared>>
      tpu.wait_dma2 semaphore(%run_scoped3A : memref<!tpu.dma_semaphore, #tpu.memory_space<semaphore_mem>>) src(%arg11 : memref<128x128xf32, #tpu.memory_space<vmem>>) dst(%dma_wait3A_35 : memref<128x128xf32, #tpu.memory_space<vmem_shared>>)
      tpu.yield
    }) : () -> ()
    %add3A_12 = arith.constant 128 : i32
    %add3A_13 = arith.addi %mul3A_9, %add3A_12 : i32
    "tpu.region"() ({
      %run_scoped3A = tpu.sem_alloc : memref<!tpu.dma_semaphore, #tpu.memory_space<semaphore_mem>>
      %dma_start3A = arith.constant 0 : i32
      %dma_start3A_30 = tpu.memref_slice %arg12[%add3A_13, %dma_start3A] : memref<10240x128xf32, #tpu.memory_space<vmem_shared>> -> memref<128x128xf32, #tpu.memory_space<vmem_shared>>
      %dma_start3A_31 = arith.constant 0 : i32
      %dma_start3A_32 = tpu.memref_slice %arg12[%add3A_13, %dma_start3A_31] : memref<10240x128xf32, #tpu.memory_space<vmem_shared>> -> memref<128x128xf32, #tpu.memory_space<vmem_shared>>
      tpu.enqueue_dma source(%arg11 : memref<128x128xf32, #tpu.memory_space<vmem>>) target(%dma_start3A_32 : memref<128x128xf32, #tpu.memory_space<vmem_shared>>) target_semaphore(%run_scoped3A : memref<!tpu.dma_semaphore, #tpu.memory_space<semaphore_mem>>)
      %dma_wait3A = arith.constant 0 : i32
      %dma_wait3A_33 = tpu.memref_slice %arg12[%add3A_13, %dma_wait3A] : memref<10240x128xf32, #tpu.memory_space<vmem_shared>> -> memref<128x128xf32, #tpu.memory_space<vmem_shared>>
      %dma_wait3A_34 = arith.constant 0 : i32
      %dma_wait3A_35 = tpu.memref_slice %arg12[%add3A_13, %dma_wait3A_34] : memref<10240x128xf32, #tpu.memory_space<vmem_shared>> -> memref<128x128xf32, #tpu.memory_space<vmem_shared>>
      tpu.wait_dma2 semaphore(%run_scoped3A : memref<!tpu.dma_semaphore, #tpu.memory_space<semaphore_mem>>) src(%arg11 : memref<128x128xf32, #tpu.memory_space<vmem>>) dst(%dma_wait3A_35 : memref<128x128xf32, #tpu.memory_space<vmem_shared>>)
      tpu.yield
    }) : () -> ()
    %add3A_14 = arith.constant 256 : i32
    %add3A_15 = arith.addi %mul3A_9, %add3A_14 : i32
    "tpu.region"() ({
      %run_scoped3A = tpu.sem_alloc : memref<!tpu.dma_semaphore, #tpu.memory_space<semaphore_mem>>
      %dma_start3A = arith.constant 0 : i32
      %dma_start3A_30 = tpu.memref_slice %arg12[%add3A_15, %dma_start3A] : memref<10240x128xf32, #tpu.memory_space<vmem_shared>> -> memref<128x128xf32, #tpu.memory_space<vmem_shared>>
      %dma_start3A_31 = arith.constant 0 : i32
      %dma_start3A_32 = tpu.memref_slice %arg12[%add3A_15, %dma_start3A_31] : memref<10240x128xf32, #tpu.memory_space<vmem_shared>> -> memref<128x128xf32, #tpu.memory_space<vmem_shared>>
      tpu.enqueue_dma source(%arg11 : memref<128x128xf32, #tpu.memory_space<vmem>>) target(%dma_start3A_32 : memref<128x128xf32, #tpu.memory_space<vmem_shared>>) target_semaphore(%run_scoped3A : memref<!tpu.dma_semaphore, #tpu.memory_space<semaphore_mem>>)
      %dma_wait3A = arith.constant 0 : i32
      %dma_wait3A_33 = tpu.memref_slice %arg12[%add3A_15, %dma_wait3A] : memref<10240x128xf32, #tpu.memory_space<vmem_shared>> -> memref<128x128xf32, #tpu.memory_space<vmem_shared>>
      %dma_wait3A_34 = arith.constant 0 : i32
      %dma_wait3A_35 = tpu.memref_slice %arg12[%add3A_15, %dma_wait3A_34] : memref<10240x128xf32, #tpu.memory_space<vmem_shared>> -> memref<128x128xf32, #tpu.memory_space<vmem_shared>>
      tpu.wait_dma2 semaphore(%run_scoped3A : memref<!tpu.dma_semaphore, #tpu.memory_space<semaphore_mem>>) src(%arg11 : memref<128x128xf32, #tpu.memory_space<vmem>>) dst(%dma_wait3A_35 : memref<128x128xf32, #tpu.memory_space<vmem_shared>>)
      tpu.yield
    }) : () -> ()
    %add3A_16 = arith.constant 384 : i32
    %add3A_17 = arith.addi %mul3A_9, %add3A_16 : i32
    "tpu.region"() ({
      %run_scoped3A = tpu.sem_alloc : memref<!tpu.dma_semaphore, #tpu.memory_space<semaphore_mem>>
      %dma_start3A = arith.constant 0 : i32
      %dma_start3A_30 = tpu.memref_slice %arg12[%add3A_17, %dma_start3A] : memref<10240x128xf32, #tpu.memory_space<vmem_shared>> -> memref<128x128xf32, #tpu.memory_space<vmem_shared>>
      %dma_start3A_31 = arith.constant 0 : i32
      %dma_start3A_32 = tpu.memref_slice %arg12[%add3A_17, %dma_start3A_31] : memref<10240x128xf32, #tpu.memory_space<vmem_shared>> -> memref<128x128xf32, #tpu.memory_space<vmem_shared>>
      tpu.enqueue_dma source(%arg11 : memref<128x128xf32, #tpu.memory_space<vmem>>) target(%dma_start3A_32 : memref<128x128xf32, #tpu.memory_space<vmem_shared>>) target_semaphore(%run_scoped3A : memref<!tpu.dma_semaphore, #tpu.memory_space<semaphore_mem>>)
      %dma_wait3A = arith.constant 0 : i32
      %dma_wait3A_33 = tpu.memref_slice %arg12[%add3A_17, %dma_wait3A] : memref<10240x128xf32, #tpu.memory_space<vmem_shared>> -> memref<128x128xf32, #tpu.memory_space<vmem_shared>>
      %dma_wait3A_34 = arith.constant 0 : i32
      %dma_wait3A_35 = tpu.memref_slice %arg12[%add3A_17, %dma_wait3A_34] : memref<10240x128xf32, #tpu.memory_space<vmem_shared>> -> memref<128x128xf32, #tpu.memory_space<vmem_shared>>
      tpu.wait_dma2 semaphore(%run_scoped3A : memref<!tpu.dma_semaphore, #tpu.memory_space<semaphore_mem>>) src(%arg11 : memref<128x128xf32, #tpu.memory_space<vmem>>) dst(%dma_wait3A_35 : memref<128x128xf32, #tpu.memory_space<vmem_shared>>)
      tpu.yield
    }) : () -> ()
    %add3A_18 = arith.constant 512 : i32
    %add3A_19 = arith.addi %mul3A_9, %add3A_18 : i32
    "tpu.region"() ({
      %run_scoped3A = tpu.sem_alloc : memref<!tpu.dma_semaphore, #tpu.memory_space<semaphore_mem>>
      %dma_start3A = arith.constant 0 : i32
      %dma_start3A_30 = tpu.memref_slice %arg12[%add3A_19, %dma_start3A] : memref<10240x128xf32, #tpu.memory_space<vmem_shared>> -> memref<128x128xf32, #tpu.memory_space<vmem_shared>>
      %dma_start3A_31 = arith.constant 0 : i32
      %dma_start3A_32 = tpu.memref_slice %arg12[%add3A_19, %dma_start3A_31] : memref<10240x128xf32, #tpu.memory_space<vmem_shared>> -> memref<128x128xf32, #tpu.memory_space<vmem_shared>>
      tpu.enqueue_dma source(%arg11 : memref<128x128xf32, #tpu.memory_space<vmem>>) target(%dma_start3A_32 : memref<128x128xf32, #tpu.memory_space<vmem_shared>>) target_semaphore(%run_scoped3A : memref<!tpu.dma_semaphore, #tpu.memory_space<semaphore_mem>>)
      %dma_wait3A = arith.constant 0 : i32
      %dma_wait3A_33 = tpu.memref_slice %arg12[%add3A_19, %dma_wait3A] : memref<10240x128xf32, #tpu.memory_space<vmem_shared>> -> memref<128x128xf32, #tpu.memory_space<vmem_shared>>
      %dma_wait3A_34 = arith.constant 0 : i32
      %dma_wait3A_35 = tpu.memref_slice %arg12[%add3A_19, %dma_wait3A_34] : memref<10240x128xf32, #tpu.memory_space<vmem_shared>> -> memref<128x128xf32, #tpu.memory_space<vmem_shared>>
      tpu.wait_dma2 semaphore(%run_scoped3A : memref<!tpu.dma_semaphore, #tpu.memory_space<semaphore_mem>>) src(%arg11 : memref<128x128xf32, #tpu.memory_space<vmem>>) dst(%dma_wait3A_35 : memref<128x128xf32, #tpu.memory_space<vmem_shared>>)
      tpu.yield
    }) : () -> ()
    %barrier3A = arith.constant 0 : index
    tpu.barrier barrier_id(%barrier3A)
    %mul3A_20 = arith.constant 10000 : i32
    %mul3A_21 = arith.muli %add3A, %mul3A_20 : i32
    %scan3A_22 = arith.constant 0 : i32
    %scan3A_23 = arith.constant 0 : i32
    %scan3A_24 = arith.constant 125 : i32
    %scan3A_25 = arith.addi %scan3A_23, %scan3A_24 : i32
    %scan3A_26 = arith.constant 1 : i32
    %scan3A_27 = scf.for %scan3A_30 = %scan3A_23 to %scan3A_25 step %scan3A_26 iter_args(%scan3A_31 = %scan3A_22) -> (i32)  : i32 {
      %mul3A_32 = arith.constant 80 : i32
      %mul3A_33 = arith.muli %scan3A_30, %mul3A_32 : i32
      %add3A_34 = arith.addi %mul3A_21, %mul3A_33 : i32
      %multiple_of3A = tpu.assume_multiple %add3A_34, 8 : i32
      "tpu.region"() ({
        %run_scoped3A = tpu.sem_alloc : memref<!tpu.dma_semaphore, #tpu.memory_space<semaphore_mem>>
        %dma_start3A_47 = tpu.memref_slice %arg4[%multiple_of3A] : memref<320000xi32, #tpu.memory_space<hbm>> -> memref<80xi32, #tpu.memory_space<hbm>>
        %dma_start3A_48 = tpu.memref_slice %arg4[%multiple_of3A] : memref<320000xi32, #tpu.memory_space<hbm>> -> memref<80xi32, #tpu.memory_space<hbm>>
        tpu.enqueue_dma source(%dma_start3A_48 : memref<80xi32, #tpu.memory_space<hbm>>) target(%arg7 : memref<80xi32, #tpu.memory_space<vmem>>) target_semaphore(%run_scoped3A : memref<!tpu.dma_semaphore, #tpu.memory_space<semaphore_mem>>)
        %dma_wait3A_49 = tpu.memref_slice %arg4[%multiple_of3A] : memref<320000xi32, #tpu.memory_space<hbm>> -> memref<80xi32, #tpu.memory_space<hbm>>
        %dma_wait3A_50 = tpu.memref_slice %arg4[%multiple_of3A] : memref<320000xi32, #tpu.memory_space<hbm>> -> memref<80xi32, #tpu.memory_space<hbm>>
        tpu.wait_dma2 semaphore(%run_scoped3A : memref<!tpu.dma_semaphore, #tpu.memory_space<semaphore_mem>>) src(%dma_wait3A_50 : memref<80xi32, #tpu.memory_space<hbm>>) dst(%arg7 : memref<80xi32, #tpu.memory_space<vmem>>)
        tpu.yield
      }) : () -> ()
      "tpu.region"() ({
        %run_scoped3A = tpu.sem_alloc : memref<!tpu.dma_semaphore, #tpu.memory_space<semaphore_mem>>
        %dma_start3A_47 = tpu.memref_slice %arg5[%multiple_of3A] : memref<320000xi32, #tpu.memory_space<hbm>> -> memref<80xi32, #tpu.memory_space<hbm>>
        %dma_start3A_48 = tpu.memref_slice %arg5[%multiple_of3A] : memref<320000xi32, #tpu.memory_space<hbm>> -> memref<80xi32, #tpu.memory_space<hbm>>
        tpu.enqueue_dma source(%dma_start3A_48 : memref<80xi32, #tpu.memory_space<hbm>>) target(%arg8 : memref<80xi32, #tpu.memory_space<vmem>>) target_semaphore(%run_scoped3A : memref<!tpu.dma_semaphore, #tpu.memory_space<semaphore_mem>>)
        %dma_wait3A_49 = tpu.memref_slice %arg5[%multiple_of3A] : memref<320000xi32, #tpu.memory_space<hbm>> -> memref<80xi32, #tpu.memory_space<hbm>>
        %dma_wait3A_50 = tpu.memref_slice %arg5[%multiple_of3A] : memref<320000xi32, #tpu.memory_space<hbm>> -> memref<80xi32, #tpu.memory_space<hbm>>
        tpu.wait_dma2 semaphore(%run_scoped3A : memref<!tpu.dma_semaphore, #tpu.memory_space<semaphore_mem>>) src(%dma_wait3A_50 : memref<80xi32, #tpu.memory_space<hbm>>) dst(%arg8 : memref<80xi32, #tpu.memory_space<vmem>>)
        tpu.yield
      }) : () -> ()
      %dma_start3A = arith.constant 0 : i32
      %dma_start3A_35 = arith.constant 0 : i32
      %dma_start3A_36 = tpu.memref_slice %arg2[%dma_start3A, %dma_start3A_35] : memref<10240x128xf32, #tpu.memory_space<hbm>> -> memref<10240x128xf32, #tpu.memory_space<hbm>>
      tpu.enqueue_indirect_dma source(%dma_start3A_36 : memref<10240x128xf32, #tpu.memory_space<hbm>>) target(%arg9 : memref<80x128xf32, #tpu.memory_space<vmem>>) offsets(%arg7 : memref<80xi32, #tpu.memory_space<vmem>>) semaphore(%arg13 : memref<!tpu.dma_semaphore, #tpu.memory_space<semaphore_mem>>)
      "tpu.region"() ({
        %run_scoped3A = tpu.sem_alloc : memref<!tpu.dma_semaphore, #tpu.memory_space<semaphore_mem>>
        %dma_start3A_47 = arith.constant 0 : i32
        %dma_start3A_48 = tpu.memref_slice %arg3[%multiple_of3A, %dma_start3A_47] : memref<320000x128xf32, #tpu.memory_space<hbm>> -> memref<80x128xf32, #tpu.memory_space<hbm>>
        %dma_start3A_49 = arith.constant 0 : i32
        %dma_start3A_50 = tpu.memref_slice %arg3[%multiple_of3A, %dma_start3A_49] : memref<320000x128xf32, #tpu.memory_space<hbm>> -> memref<80x128xf32, #tpu.memory_space<hbm>>
        tpu.enqueue_dma source(%dma_start3A_50 : memref<80x128xf32, #tpu.memory_space<hbm>>) target(%arg10 : memref<80x128xf32, #tpu.memory_space<vmem>>) target_semaphore(%run_scoped3A : memref<!tpu.dma_semaphore, #tpu.memory_space<semaphore_mem>>)
        %dma_wait3A_51 = arith.constant 0 : i32
        %dma_wait3A_52 = tpu.memref_slice %arg3[%multiple_of3A, %dma_wait3A_51] : memref<320000x128xf32, #tpu.memory_space<hbm>> -> memref<80x128xf32, #tpu.memory_space<hbm>>
        %dma_wait3A_53 = arith.constant 0 : i32
        %dma_wait3A_54 = tpu.memref_slice %arg3[%multiple_of3A, %dma_wait3A_53] : memref<320000x128xf32, #tpu.memory_space<hbm>> -> memref<80x128xf32, #tpu.memory_space<hbm>>
        tpu.wait_dma2 semaphore(%run_scoped3A : memref<!tpu.dma_semaphore, #tpu.memory_space<semaphore_mem>>) src(%dma_wait3A_54 : memref<80x128xf32, #tpu.memory_space<hbm>>) dst(%arg10 : memref<80x128xf32, #tpu.memory_space<vmem>>)
        tpu.yield
      }) : () -> ()
      %dma_wait3A = arith.constant 0 : i32
      %dma_wait3A_37 = arith.constant 0 : i32
      %dma_wait3A_38 = tpu.memref_slice %arg2[%dma_wait3A, %dma_wait3A_37] : memref<10240x128xf32, #tpu.memory_space<hbm>> -> memref<10240x128xf32, #tpu.memory_space<hbm>>
      tpu.wait_indirect_dma semaphore(%arg13 : memref<!tpu.dma_semaphore, #tpu.memory_space<semaphore_mem>>) src(%dma_wait3A_38 : memref<10240x128xf32, #tpu.memory_space<hbm>>) dst(%arg9 : memref<80x128xf32, #tpu.memory_space<vmem>>)
      %scan3A_39 = arith.constant 0 : i32
      %scan3A_40 = arith.constant 0 : i32
      %scan3A_41 = arith.constant 80 : i32
      %scan3A_42 = arith.addi %scan3A_40, %scan3A_41 : i32
      %scan3A_43 = arith.constant 2 : i32
      %scan3A_44 = scf.for %scan3A_47 = %scan3A_40 to %scan3A_42 step %scan3A_43 iter_args(%scan3A_48 = %scan3A_39) -> (i32)  : i32 {
        %get3A = arith.index_cast %scan3A_47 : i32 to index
        %get3A_49 = arith.constant 0 : index
        %get3A_50 = tpu.vector_load %arg10[%get3A, %get3A_49] {strides = array<i32>} : memref<80x128xf32, #tpu.memory_space<vmem>>, vector<1x16xf32>,
        %get3A_51 = vector.shape_cast %get3A_50 : vector<1x16xf32> to vector<16xf32>
        %get3A_52 = arith.index_cast %scan3A_47 : i32 to index
        %get3A_53 = arith.constant 0 : index
        %get3A_54 = tpu.vector_load %arg9[%get3A_52, %get3A_53] {strides = array<i32>} : memref<80x128xf32, #tpu.memory_space<vmem>>, vector<1x16xf32>,
        %get3A_55 = vector.shape_cast %get3A_54 : vector<1x16xf32> to vector<16xf32>
        %add3A_56 = arith.addf %get3A_51, %get3A_55 : vector<16xf32>
        %max3A = arith.constant 0.000000e+00 : f32
        %max3A_57 = vector.broadcast %max3A : f32 to vector<16xf32>
        %max3A_58 = arith.maximumf %add3A_56, %max3A_57 : vector<16xf32>
        %swap3A = arith.index_cast %scan3A_47 : i32 to index
        %swap3A_59 = arith.constant 0 : index
        %swap3A_60 = tpu.vector_load %arg10[%swap3A, %swap3A_59] {strides = array<i32>} : memref<80x128xf32, #tpu.memory_space<vmem>>, vector<1x16xf32>,
        %swap3A_61 = vector.shape_cast %swap3A_60 : vector<1x16xf32> to vector<16xf32>
        %swap3A_62 = vector.shape_cast %max3A_58 : vector<16xf32> to vector<1x16xf32>
        tpu.vector_store %arg10[%swap3A, %swap3A_59], %swap3A_62 {strides = array<i32>} : memref<80x128xf32, #tpu.memory_space<vmem>>, vector<1x16xf32>,
        %get3A_63 = arith.index_cast %scan3A_47 : i32 to index
        %get3A_64 = arith.constant 16 : index
        %get3A_65 = tpu.vector_load %arg10[%get3A_63, %get3A_64] {strides = array<i32>} : memref<80x128xf32, #tpu.memory_space<vmem>>, vector<1x16xf32>,
        %get3A_66 = vector.shape_cast %get3A_65 : vector<1x16xf32> to vector<16xf32>
        %get3A_67 = arith.index_cast %scan3A_47 : i32 to index
        %get3A_68 = arith.constant 16 : index
        %get3A_69 = tpu.vector_load %arg9[%get3A_67, %get3A_68] {strides = array<i32>} : memref<80x128xf32, #tpu.memory_space<vmem>>, vector<1x16xf32>,
        %get3A_70 = vector.shape_cast %get3A_69 : vector<1x16xf32> to vector<16xf32>
        %add3A_71 = arith.addf %get3A_66, %get3A_70 : vector<16xf32>
        %max3A_72 = arith.constant 0.000000e+00 : f32
        %max3A_73 = vector.broadcast %max3A_72 : f32 to vector<16xf32>
        %max3A_74 = arith.maximumf %add3A_71, %max3A_73 : vector<16xf32>
        %swap3A_75 = arith.index_cast %scan3A_47 : i32 to index
        %swap3A_76 = arith.constant 16 : index
        %swap3A_77 = tpu.vector_load %arg10[%swap3A_75, %swap3A_76] {strides = array<i32>} : memref<80x128xf32, #tpu.memory_space<vmem>>, vector<1x16xf32>,
        %swap3A_78 = vector.shape_cast %swap3A_77 : vector<1x16xf32> to vector<16xf32>
        %swap3A_79 = vector.shape_cast %max3A_74 : vector<16xf32> to vector<1x16xf32>
        tpu.vector_store %arg10[%swap3A_75, %swap3A_76], %swap3A_79 {strides = array<i32>} : memref<80x128xf32, #tpu.memory_space<vmem>>, vector<1x16xf32>,
        %get3A_80 = arith.index_cast %scan3A_47 : i32 to index
        %get3A_81 = arith.constant 32 : index
        %get3A_82 = tpu.vector_load %arg10[%get3A_80, %get3A_81] {strides = array<i32>} : memref<80x128xf32, #tpu.memory_space<vmem>>, vector<1x16xf32>,
        %get3A_83 = vector.shape_cast %get3A_82 : vector<1x16xf32> to vector<16xf32>
        %get3A_84 = arith.index_cast %scan3A_47 : i32 to index
        %get3A_85 = arith.constant 32 : index
        %get3A_86 = tpu.vector_load %arg9[%get3A_84, %get3A_85] {strides = array<i32>} : memref<80x128xf32, #tpu.memory_space<vmem>>, vector<1x16xf32>,
        %get3A_87 = vector.shape_cast %get3A_86 : vector<1x16xf32> to vector<16xf32>
        %add3A_88 = arith.addf %get3A_83, %get3A_87 : vector<16xf32>
        %max3A_89 = arith.constant 0.000000e+00 : f32
        %max3A_90 = vector.broadcast %max3A_89 : f32 to vector<16xf32>
        %max3A_91 = arith.maximumf %add3A_88, %max3A_90 : vector<16xf32>
        %swap3A_92 = arith.index_cast %scan3A_47 : i32 to index
        %swap3A_93 = arith.constant 32 : index
        %swap3A_94 = tpu.vector_load %arg10[%swap3A_92, %swap3A_93] {strides = array<i32>} : memref<80x128xf32, #tpu.memory_space<vmem>>, vector<1x16xf32>,
        %swap3A_95 = vector.shape_cast %swap3A_94 : vector<1x16xf32> to vector<16xf32>
        %swap3A_96 = vector.shape_cast %max3A_91 : vector<16xf32> to vector<1x16xf32>
        tpu.vector_store %arg10[%swap3A_92, %swap3A_93], %swap3A_96 {strides = array<i32>} : memref<80x128xf32, #tpu.memory_space<vmem>>, vector<1x16xf32>,
        %get3A_97 = arith.index_cast %scan3A_47 : i32 to index
        %get3A_98 = arith.constant 48 : index
        %get3A_99 = tpu.vector_load %arg10[%get3A_97, %get3A_98] {strides = array<i32>} : memref<80x128xf32, #tpu.memory_space<vmem>>, vector<1x16xf32>,
        %get3A_100 = vector.shape_cast %get3A_99 : vector<1x16xf32> to vector<16xf32>
        %get3A_101 = arith.index_cast %scan3A_47 : i32 to index
        %get3A_102 = arith.constant 48 : index
        %get3A_103 = tpu.vector_load %arg9[%get3A_101, %get3A_102] {strides = array<i32>} : memref<80x128xf32, #tpu.memory_space<vmem>>, vector<1x16xf32>,
        %get3A_104 = vector.shape_cast %get3A_103 : vector<1x16xf32> to vector<16xf32>
        %add3A_105 = arith.addf %get3A_100, %get3A_104 : vector<16xf32>
        %max3A_106 = arith.constant 0.000000e+00 : f32
        %max3A_107 = vector.broadcast %max3A_106 : f32 to vector<16xf32>
        %max3A_108 = arith.maximumf %add3A_105, %max3A_107 : vector<16xf32>
        %swap3A_109 = arith.index_cast %scan3A_47 : i32 to index
        %swap3A_110 = arith.constant 48 : index
        %swap3A_111 = tpu.vector_load %arg10[%swap3A_109, %swap3A_110] {strides = array<i32>} : memref<80x128xf32, #tpu.memory_space<vmem>>, vector<1x16xf32>,
        %swap3A_112 = vector.shape_cast %swap3A_111 : vector<1x16xf32> to vector<16xf32>
        %swap3A_113 = vector.shape_cast %max3A_108 : vector<16xf32> to vector<1x16xf32>
        tpu.vector_store %arg10[%swap3A_109, %swap3A_110], %swap3A_113 {strides = array<i32>} : memref<80x128xf32, #tpu.memory_space<vmem>>, vector<1x16xf32>,
        %get3A_114 = arith.index_cast %scan3A_47 : i32 to index
        %get3A_115 = arith.constant 64 : index
        %get3A_116 = tpu.vector_load %arg10[%get3A_114, %get3A_115] {strides = array<i32>} : memref<80x128xf32, #tpu.memory_space<vmem>>, vector<1x16xf32>,
        %get3A_117 = vector.shape_cast %get3A_116 : vector<1x16xf32> to vector<16xf32>
        %get3A_118 = arith.index_cast %scan3A_47 : i32 to index
        %get3A_119 = arith.constant 64 : index
        %get3A_120 = tpu.vector_load %arg9[%get3A_118, %get3A_119] {strides = array<i32>} : memref<80x128xf32, #tpu.memory_space<vmem>>, vector<1x16xf32>,
        %get3A_121 = vector.shape_cast %get3A_120 : vector<1x16xf32> to vector<16xf32>
        %add3A_122 = arith.addf %get3A_117, %get3A_121 : vector<16xf32>
        %max3A_123 = arith.constant 0.000000e+00 : f32
        %max3A_124 = vector.broadcast %max3A_123 : f32 to vector<16xf32>
        %max3A_125 = arith.maximumf %add3A_122, %max3A_124 : vector<16xf32>
        %swap3A_126 = arith.index_cast %scan3A_47 : i32 to index
        %swap3A_127 = arith.constant 64 : index
        %swap3A_128 = tpu.vector_load %arg10[%swap3A_126, %swap3A_127] {strides = array<i32>} : memref<80x128xf32, #tpu.memory_space<vmem>>, vector<1x16xf32>,
        %swap3A_129 = vector.shape_cast %swap3A_128 : vector<1x16xf32> to vector<16xf32>
        %swap3A_130 = vector.shape_cast %max3A_125 : vector<16xf32> to vector<1x16xf32>
        tpu.vector_store %arg10[%swap3A_126, %swap3A_127], %swap3A_130 {strides = array<i32>} : memref<80x128xf32, #tpu.memory_space<vmem>>, vector<1x16xf32>,
        %get3A_131 = arith.index_cast %scan3A_47 : i32 to index
        %get3A_132 = arith.constant 80 : index
        %get3A_133 = tpu.vector_load %arg10[%get3A_131, %get3A_132] {strides = array<i32>} : memref<80x128xf32, #tpu.memory_space<vmem>>, vector<1x16xf32>,
        %get3A_134 = vector.shape_cast %get3A_133 : vector<1x16xf32> to vector<16xf32>
        %get3A_135 = arith.index_cast %scan3A_47 : i32 to index
        %get3A_136 = arith.constant 80 : index
        %get3A_137 = tpu.vector_load %arg9[%get3A_135, %get3A_136] {strides = array<i32>} : memref<80x128xf32, #tpu.memory_space<vmem>>, vector<1x16xf32>,
        %get3A_138 = vector.shape_cast %get3A_137 : vector<1x16xf32> to vector<16xf32>
        %add3A_139 = arith.addf %get3A_134, %get3A_138 : vector<16xf32>
        %max3A_140 = arith.constant 0.000000e+00 : f32
        %max3A_141 = vector.broadcast %max3A_140 : f32 to vector<16xf32>
        %max3A_142 = arith.maximumf %add3A_139, %max3A_141 : vector<16xf32>
        %swap3A_143 = arith.index_cast %scan3A_47 : i32 to index
        %swap3A_144 = arith.constant 80 : index
        %swap3A_145 = tpu.vector_load %arg10[%swap3A_143, %swap3A_144] {strides = array<i32>} : memref<80x128xf32, #tpu.memory_space<vmem>>, vector<1x16xf32>,
        %swap3A_146 = vector.shape_cast %swap3A_145 : vector<1x16xf32> to vector<16xf32>
        %swap3A_147 = vector.shape_cast %max3A_142 : vector<16xf32> to vector<1x16xf32>
        tpu.vector_store %arg10[%swap3A_143, %swap3A_144], %swap3A_147 {strides = array<i32>} : memref<80x128xf32, #tpu.memory_space<vmem>>, vector<1x16xf32>,
        %get3A_148 = arith.index_cast %scan3A_47 : i32 to index
        %get3A_149 = arith.constant 96 : index
        %get3A_150 = tpu.vector_load %arg10[%get3A_148, %get3A_149] {strides = array<i32>} : memref<80x128xf32, #tpu.memory_space<vmem>>, vector<1x16xf32>,
        %get3A_151 = vector.shape_cast %get3A_150 : vector<1x16xf32> to vector<16xf32>
        %get3A_152 = arith.index_cast %scan3A_47 : i32 to index
        %get3A_153 = arith.constant 96 : index
        %get3A_154 = tpu.vector_load %arg9[%get3A_152, %get3A_153] {strides = array<i32>} : memref<80x128xf32, #tpu.memory_space<vmem>>, vector<1x16xf32>,
        %get3A_155 = vector.shape_cast %get3A_154 : vector<1x16xf32> to vector<16xf32>
        %add3A_156 = arith.addf %get3A_151, %get3A_155 : vector<16xf32>
        %max3A_157 = arith.constant 0.000000e+00 : f32
        %max3A_158 = vector.broadcast %max3A_157 : f32 to vector<16xf32>
        %max3A_159 = arith.maximumf %add3A_156, %max3A_158 : vector<16xf32>
        %swap3A_160 = arith.index_cast %scan3A_47 : i32 to index
        %swap3A_161 = arith.constant 96 : index
        %swap3A_162 = tpu.vector_load %arg10[%swap3A_160, %swap3A_161] {strides = array<i32>} : memref<80x128xf32, #tpu.memory_space<vmem>>, vector<1x16xf32>,
        %swap3A_163 = vector.shape_cast %swap3A_162 : vector<1x16xf32> to vector<16xf32>
        %swap3A_164 = vector.shape_cast %max3A_159 : vector<16xf32> to vector<1x16xf32>
        tpu.vector_store %arg10[%swap3A_160, %swap3A_161], %swap3A_164 {strides = array<i32>} : memref<80x128xf32, #tpu.memory_space<vmem>>, vector<1x16xf32>,
        %get3A_165 = arith.index_cast %scan3A_47 : i32 to index
        %get3A_166 = arith.constant 112 : index
        %get3A_167 = tpu.vector_load %arg10[%get3A_165, %get3A_166] {strides = array<i32>} : memref<80x128xf32, #tpu.memory_space<vmem>>, vector<1x16xf32>,
        %get3A_168 = vector.shape_cast %get3A_167 : vector<1x16xf32> to vector<16xf32>
        %get3A_169 = arith.index_cast %scan3A_47 : i32 to index
        %get3A_170 = arith.constant 112 : index
        %get3A_171 = tpu.vector_load %arg9[%get3A_169, %get3A_170] {strides = array<i32>} : memref<80x128xf32, #tpu.memory_space<vmem>>, vector<1x16xf32>,
        %get3A_172 = vector.shape_cast %get3A_171 : vector<1x16xf32> to vector<16xf32>
        %add3A_173 = arith.addf %get3A_168, %get3A_172 : vector<16xf32>
        %max3A_174 = arith.constant 0.000000e+00 : f32
        %max3A_175 = vector.broadcast %max3A_174 : f32 to vector<16xf32>
        %max3A_176 = arith.maximumf %add3A_173, %max3A_175 : vector<16xf32>
        %swap3A_177 = arith.index_cast %scan3A_47 : i32 to index
        %swap3A_178 = arith.constant 112 : index
        %swap3A_179 = tpu.vector_load %arg10[%swap3A_177, %swap3A_178] {strides = array<i32>} : memref<80x128xf32, #tpu.memory_space<vmem>>, vector<1x16xf32>,
        %swap3A_180 = vector.shape_cast %swap3A_179 : vector<1x16xf32> to vector<16xf32>
        %swap3A_181 = vector.shape_cast %max3A_176 : vector<16xf32> to vector<1x16xf32>
        tpu.vector_store %arg10[%swap3A_177, %swap3A_178], %swap3A_181 {strides = array<i32>} : memref<80x128xf32, #tpu.memory_space<vmem>>, vector<1x16xf32>,
        %scan3A_182 = arith.constant 0 : i32
        %scan3A_183 = arith.constant 1 : i32
        %scan3A_184 = arith.addi %scan3A_47, %scan3A_183 : i32
        %get3A_185 = arith.index_cast %scan3A_184 : i32 to index
        %get3A_186 = arith.constant 0 : index
        %get3A_187 = tpu.vector_load %arg10[%get3A_185, %get3A_186] {strides = array<i32>} : memref<80x128xf32, #tpu.memory_space<vmem>>, vector<1x16xf32>,
        %get3A_188 = vector.shape_cast %get3A_187 : vector<1x16xf32> to vector<16xf32>
        %get3A_189 = arith.index_cast %scan3A_184 : i32 to index
        %get3A_190 = arith.constant 0 : index
        %get3A_191 = tpu.vector_load %arg9[%get3A_189, %get3A_190] {strides = array<i32>} : memref<80x128xf32, #tpu.memory_space<vmem>>, vector<1x16xf32>,
        %get3A_192 = vector.shape_cast %get3A_191 : vector<1x16xf32> to vector<16xf32>
        %add3A_193 = arith.addf %get3A_188, %get3A_192 : vector<16xf32>
        %max3A_194 = arith.constant 0.000000e+00 : f32
        %max3A_195 = vector.broadcast %max3A_194 : f32 to vector<16xf32>
        %max3A_196 = arith.maximumf %add3A_193, %max3A_195 : vector<16xf32>
        %swap3A_197 = arith.index_cast %scan3A_184 : i32 to index
        %swap3A_198 = arith.constant 0 : index
        %swap3A_199 = tpu.vector_load %arg10[%swap3A_197, %swap3A_198] {strides = array<i32>} : memref<80x128xf32, #tpu.memory_space<vmem>>, vector<1x16xf32>,
        %swap3A_200 = vector.shape_cast %swap3A_199 : vector<1x16xf32> to vector<16xf32>
        %swap3A_201 = vector.shape_cast %max3A_196 : vector<16xf32> to vector<1x16xf32>
        tpu.vector_store %arg10[%swap3A_197, %swap3A_198], %swap3A_201 {strides = array<i32>} : memref<80x128xf32, #tpu.memory_space<vmem>>, vector<1x16xf32>,
        %get3A_202 = arith.index_cast %scan3A_184 : i32 to index
        %get3A_203 = arith.constant 16 : index
        %get3A_204 = tpu.vector_load %arg10[%get3A_202, %get3A_203] {strides = array<i32>} : memref<80x128xf32, #tpu.memory_space<vmem>>, vector<1x16xf32>,
        %get3A_205 = vector.shape_cast %get3A_204 : vector<1x16xf32> to vector<16xf32>
        %get3A_206 = arith.index_cast %scan3A_184 : i32 to index
        %get3A_207 = arith.constant 16 : index
        %get3A_208 = tpu.vector_load %arg9[%get3A_206, %get3A_207] {strides = array<i32>} : memref<80x128xf32, #tpu.memory_space<vmem>>, vector<1x16xf32>,
        %get3A_209 = vector.shape_cast %get3A_208 : vector<1x16xf32> to vector<16xf32>
        %add3A_210 = arith.addf %get3A_205, %get3A_209 : vector<16xf32>
        %max3A_211 = arith.constant 0.000000e+00 : f32
        %max3A_212 = vector.broadcast %max3A_211 : f32 to vector<16xf32>
        %max3A_213 = arith.maximumf %add3A_210, %max3A_212 : vector<16xf32>
        %swap3A_214 = arith.index_cast %scan3A_184 : i32 to index
        %swap3A_215 = arith.constant 16 : index
        %swap3A_216 = tpu.vector_load %arg10[%swap3A_214, %swap3A_215] {strides = array<i32>} : memref<80x128xf32, #tpu.memory_space<vmem>>, vector<1x16xf32>,
        %swap3A_217 = vector.shape_cast %swap3A_216 : vector<1x16xf32> to vector<16xf32>
        %swap3A_218 = vector.shape_cast %max3A_213 : vector<16xf32> to vector<1x16xf32>
        tpu.vector_store %arg10[%swap3A_214, %swap3A_215], %swap3A_218 {strides = array<i32>} : memref<80x128xf32, #tpu.memory_space<vmem>>, vector<1x16xf32>,
        %get3A_219 = arith.index_cast %scan3A_184 : i32 to index
        %get3A_220 = arith.constant 32 : index
        %get3A_221 = tpu.vector_load %arg10[%get3A_219, %get3A_220] {strides = array<i32>} : memref<80x128xf32, #tpu.memory_space<vmem>>, vector<1x16xf32>,
        %get3A_222 = vector.shape_cast %get3A_221 : vector<1x16xf32> to vector<16xf32>
        %get3A_223 = arith.index_cast %scan3A_184 : i32 to index
        %get3A_224 = arith.constant 32 : index
        %get3A_225 = tpu.vector_load %arg9[%get3A_223, %get3A_224] {strides = array<i32>} : memref<80x128xf32, #tpu.memory_space<vmem>>, vector<1x16xf32>,
        %get3A_226 = vector.shape_cast %get3A_225 : vector<1x16xf32> to vector<16xf32>
        %add3A_227 = arith.addf %get3A_222, %get3A_226 : vector<16xf32>
        %max3A_228 = arith.constant 0.000000e+00 : f32
        %max3A_229 = vector.broadcast %max3A_228 : f32 to vector<16xf32>
        %max3A_230 = arith.maximumf %add3A_227, %max3A_229 : vector<16xf32>
        %swap3A_231 = arith.index_cast %scan3A_184 : i32 to index
        %swap3A_232 = arith.constant 32 : index
        %swap3A_233 = tpu.vector_load %arg10[%swap3A_231, %swap3A_232] {strides = array<i32>} : memref<80x128xf32, #tpu.memory_space<vmem>>, vector<1x16xf32>,
        %swap3A_234 = vector.shape_cast %swap3A_233 : vector<1x16xf32> to vector<16xf32>
        %swap3A_235 = vector.shape_cast %max3A_230 : vector<16xf32> to vector<1x16xf32>
        tpu.vector_store %arg10[%swap3A_231, %swap3A_232], %swap3A_235 {strides = array<i32>} : memref<80x128xf32, #tpu.memory_space<vmem>>, vector<1x16xf32>,
        %get3A_236 = arith.index_cast %scan3A_184 : i32 to index
        %get3A_237 = arith.constant 48 : index
        %get3A_238 = tpu.vector_load %arg10[%get3A_236, %get3A_237] {strides = array<i32>} : memref<80x128xf32, #tpu.memory_space<vmem>>, vector<1x16xf32>,
        %get3A_239 = vector.shape_cast %get3A_238 : vector<1x16xf32> to vector<16xf32>
        %get3A_240 = arith.index_cast %scan3A_184 : i32 to index
        %get3A_241 = arith.constant 48 : index
        %get3A_242 = tpu.vector_load %arg9[%get3A_240, %get3A_241] {strides = array<i32>} : memref<80x128xf32, #tpu.memory_space<vmem>>, vector<1x16xf32>,
        %get3A_243 = vector.shape_cast %get3A_242 : vector<1x16xf32> to vector<16xf32>
        %add3A_244 = arith.addf %get3A_239, %get3A_243 : vector<16xf32>
        %max3A_245 = arith.constant 0.000000e+00 : f32
        %max3A_246 = vector.broadcast %max3A_245 : f32 to vector<16xf32>
        %max3A_247 = arith.maximumf %add3A_244, %max3A_246 : vector<16xf32>
        %swap3A_248 = arith.index_cast %scan3A_184 : i32 to index
        %swap3A_249 = arith.constant 48 : index
        %swap3A_250 = tpu.vector_load %arg10[%swap3A_248, %swap3A_249] {strides = array<i32>} : memref<80x128xf32, #tpu.memory_space<vmem>>, vector<1x16xf32>,
        %swap3A_251 = vector.shape_cast %swap3A_250 : vector<1x16xf32> to vector<16xf32>
        %swap3A_252 = vector.shape_cast %max3A_247 : vector<16xf32> to vector<1x16xf32>
        tpu.vector_store %arg10[%swap3A_248, %swap3A_249], %swap3A_252 {strides = array<i32>} : memref<80x128xf32, #tpu.memory_space<vmem>>, vector<1x16xf32>,
        %get3A_253 = arith.index_cast %scan3A_184 : i32 to index
        %get3A_254 = arith.constant 64 : index
        %get3A_255 = tpu.vector_load %arg10[%get3A_253, %get3A_254] {strides = array<i32>} : memref<80x128xf32, #tpu.memory_space<vmem>>, vector<1x16xf32>,
        %get3A_256 = vector.shape_cast %get3A_255 : vector<1x16xf32> to vector<16xf32>
        %get3A_257 = arith.index_cast %scan3A_184 : i32 to index
        %get3A_258 = arith.constant 64 : index
        %get3A_259 = tpu.vector_load %arg9[%get3A_257, %get3A_258] {strides = array<i32>} : memref<80x128xf32, #tpu.memory_space<vmem>>, vector<1x16xf32>,
        %get3A_260 = vector.shape_cast %get3A_259 : vector<1x16xf32> to vector<16xf32>
        %add3A_261 = arith.addf %get3A_256, %get3A_260 : vector<16xf32>
        %max3A_262 = arith.constant 0.000000e+00 : f32
        %max3A_263 = vector.broadcast %max3A_262 : f32 to vector<16xf32>
        %max3A_264 = arith.maximumf %add3A_261, %max3A_263 : vector<16xf32>
        %swap3A_265 = arith.index_cast %scan3A_184 : i32 to index
        %swap3A_266 = arith.constant 64 : index
        %swap3A_267 = tpu.vector_load %arg10[%swap3A_265, %swap3A_266] {strides = array<i32>} : memref<80x128xf32, #tpu.memory_space<vmem>>, vector<1x16xf32>,
        %swap3A_268 = vector.shape_cast %swap3A_267 : vector<1x16xf32> to vector<16xf32>
        %swap3A_269 = vector.shape_cast %max3A_264 : vector<16xf32> to vector<1x16xf32>
        tpu.vector_store %arg10[%swap3A_265, %swap3A_266], %swap3A_269 {strides = array<i32>} : memref<80x128xf32, #tpu.memory_space<vmem>>, vector<1x16xf32>,
        %get3A_270 = arith.index_cast %scan3A_184 : i32 to index
        %get3A_271 = arith.constant 80 : index
        %get3A_272 = tpu.vector_load %arg10[%get3A_270, %get3A_271] {strides = array<i32>} : memref<80x128xf32, #tpu.memory_space<vmem>>, vector<1x16xf32>,
        %get3A_273 = vector.shape_cast %get3A_272 : vector<1x16xf32> to vector<16xf32>
        %get3A_274 = arith.index_cast %scan3A_184 : i32 to index
        %get3A_275 = arith.constant 80 : index
        %get3A_276 = tpu.vector_load %arg9[%get3A_274, %get3A_275] {strides = array<i32>} : memref<80x128xf32, #tpu.memory_space<vmem>>, vector<1x16xf32>,
        %get3A_277 = vector.shape_cast %get3A_276 : vector<1x16xf32> to vector<16xf32>
        %add3A_278 = arith.addf %get3A_273, %get3A_277 : vector<16xf32>
        %max3A_279 = arith.constant 0.000000e+00 : f32
        %max3A_280 = vector.broadcast %max3A_279 : f32 to vector<16xf32>
        %max3A_281 = arith.maximumf %add3A_278, %max3A_280 : vector<16xf32>
        %swap3A_282 = arith.index_cast %scan3A_184 : i32 to index
        %swap3A_283 = arith.constant 80 : index
        %swap3A_284 = tpu.vector_load %arg10[%swap3A_282, %swap3A_283] {strides = array<i32>} : memref<80x128xf32, #tpu.memory_space<vmem>>, vector<1x16xf32>,
        %swap3A_285 = vector.shape_cast %swap3A_284 : vector<1x16xf32> to vector<16xf32>
        %swap3A_286 = vector.shape_cast %max3A_281 : vector<16xf32> to vector<1x16xf32>
        tpu.vector_store %arg10[%swap3A_282, %swap3A_283], %swap3A_286 {strides = array<i32>} : memref<80x128xf32, #tpu.memory_space<vmem>>, vector<1x16xf32>,
        %get3A_287 = arith.index_cast %scan3A_184 : i32 to index
        %get3A_288 = arith.constant 96 : index
        %get3A_289 = tpu.vector_load %arg10[%get3A_287, %get3A_288] {strides = array<i32>} : memref<80x128xf32, #tpu.memory_space<vmem>>, vector<1x16xf32>,
        %get3A_290 = vector.shape_cast %get3A_289 : vector<1x16xf32> to vector<16xf32>
        %get3A_291 = arith.index_cast %scan3A_184 : i32 to index
        %get3A_292 = arith.constant 96 : index
        %get3A_293 = tpu.vector_load %arg9[%get3A_291, %get3A_292] {strides = array<i32>} : memref<80x128xf32, #tpu.memory_space<vmem>>, vector<1x16xf32>,
        %get3A_294 = vector.shape_cast %get3A_293 : vector<1x16xf32> to vector<16xf32>
        %add3A_295 = arith.addf %get3A_290, %get3A_294 : vector<16xf32>
        %max3A_296 = arith.constant 0.000000e+00 : f32
        %max3A_297 = vector.broadcast %max3A_296 : f32 to vector<16xf32>
        %max3A_298 = arith.maximumf %add3A_295, %max3A_297 : vector<16xf32>
        %swap3A_299 = arith.index_cast %scan3A_184 : i32 to index
        %swap3A_300 = arith.constant 96 : index
        %swap3A_301 = tpu.vector_load %arg10[%swap3A_299, %swap3A_300] {strides = array<i32>} : memref<80x128xf32, #tpu.memory_space<vmem>>, vector<1x16xf32>,
        %swap3A_302 = vector.shape_cast %swap3A_301 : vector<1x16xf32> to vector<16xf32>
        %swap3A_303 = vector.shape_cast %max3A_298 : vector<16xf32> to vector<1x16xf32>
        tpu.vector_store %arg10[%swap3A_299, %swap3A_300], %swap3A_303 {strides = array<i32>} : memref<80x128xf32, #tpu.memory_space<vmem>>, vector<1x16xf32>,
        %get3A_304 = arith.index_cast %scan3A_184 : i32 to index
        %get3A_305 = arith.constant 112 : index
        %get3A_306 = tpu.vector_load %arg10[%get3A_304, %get3A_305] {strides = array<i32>} : memref<80x128xf32, #tpu.memory_space<vmem>>, vector<1x16xf32>,
        %get3A_307 = vector.shape_cast %get3A_306 : vector<1x16xf32> to vector<16xf32>
        %get3A_308 = arith.index_cast %scan3A_184 : i32 to index
        %get3A_309 = arith.constant 112 : index
        %get3A_310 = tpu.vector_load %arg9[%get3A_308, %get3A_309] {strides = array<i32>} : memref<80x128xf32, #tpu.memory_space<vmem>>, vector<1x16xf32>,
        %get3A_311 = vector.shape_cast %get3A_310 : vector<1x16xf32> to vector<16xf32>
        %add3A_312 = arith.addf %get3A_307, %get3A_311 : vector<16xf32>
        %max3A_313 = arith.constant 0.000000e+00 : f32
        %max3A_314 = vector.broadcast %max3A_313 : f32 to vector<16xf32>
        %max3A_315 = arith.maximumf %add3A_312, %max3A_314 : vector<16xf32>
        %swap3A_316 = arith.index_cast %scan3A_184 : i32 to index
        %swap3A_317 = arith.constant 112 : index
        %swap3A_318 = tpu.vector_load %arg10[%swap3A_316, %swap3A_317] {strides = array<i32>} : memref<80x128xf32, #tpu.memory_space<vmem>>, vector<1x16xf32>,
        %swap3A_319 = vector.shape_cast %swap3A_318 : vector<1x16xf32> to vector<16xf32>
        %swap3A_320 = vector.shape_cast %max3A_315 : vector<16xf32> to vector<1x16xf32>
        tpu.vector_store %arg10[%swap3A_316, %swap3A_317], %swap3A_320 {strides = array<i32>} : memref<80x128xf32, #tpu.memory_space<vmem>>, vector<1x16xf32>,
        %scan3A_321 = arith.constant 0 : i32
        scf.yield %scan3A_321 : i32
      }
      %scan3A_45 = arith.constant 80 : i32
      "tpu.region"() ({
        %run_scoped3A = tpu.sem_alloc : memref<!tpu.dma_semaphore, #tpu.memory_space<semaphore_mem>>
        %dma_start3A_47 = arith.constant 0 : i32
        %dma_start3A_48 = arith.constant 0 : i32
        %dma_start3A_49 = tpu.memref_slice %arg12[%dma_start3A_47, %dma_start3A_48] : memref<10240x128xf32, #tpu.memory_space<vmem_shared>> -> memref<10240x128xf32, #tpu.memory_space<vmem_shared>>
        tpu.enqueue_indirect_dma source(%arg10 : memref<80x128xf32, #tpu.memory_space<vmem>>) target(%dma_start3A_49 : memref<10240x128xf32, #tpu.memory_space<vmem_shared>>) offsets(%arg8 : memref<80xi32, #tpu.memory_space<vmem>>) semaphore(%run_scoped3A : memref<!tpu.dma_semaphore, #tpu.memory_space<semaphore_mem>>) {add = true}
        %dma_wait3A_50 = arith.constant 0 : i32
        %dma_wait3A_51 = arith.constant 0 : i32
        %dma_wait3A_52 = tpu.memref_slice %arg12[%dma_wait3A_50, %dma_wait3A_51] : memref<10240x128xf32, #tpu.memory_space<vmem_shared>> -> memref<10240x128xf32, #tpu.memory_space<vmem_shared>>
        tpu.wait_indirect_dma semaphore(%run_scoped3A : memref<!tpu.dma_semaphore, #tpu.memory_space<semaphore_mem>>) src(%arg10 : memref<80x128xf32, #tpu.memory_space<vmem>>) dst(%dma_wait3A_52 : memref<10240x128xf32, #tpu.memory_space<vmem_shared>>)
        tpu.yield
      }) : () -> ()
      %scan3A_46 = arith.constant 0 : i32
      scf.yield %scan3A_46 : i32
    }
    %scan3A_28 = arith.constant 125 : i32
    %barrier3A_29 = arith.constant 0 : index
    tpu.barrier barrier_id(%barrier3A_29)
    "tpu.region"() ({
      %run_scoped3A = tpu.sem_alloc : memref<!tpu.dma_semaphore, #tpu.memory_space<semaphore_mem>>
      %dma_start3A = arith.constant 0 : i32
      %dma_start3A_30 = tpu.memref_slice %arg6[%arg0, %mul3A_9, %dma_start3A] : memref<2x10240x128xf32, #tpu.memory_space<hbm>> -> memref<1x640x128xf32, #tpu.memory_space<hbm>>
      %dma_start3A_31 = tpu.memref_squeeze %dma_start3A_30 : memref<1x640x128xf32, #tpu.memory_space<hbm>> -> memref<640x128xf32, #tpu.memory_space<hbm>>
      %dma_start3A_32 = arith.constant 0 : i32
      %dma_start3A_33 = tpu.memref_slice %arg12[%mul3A_9, %dma_start3A_32] : memref<10240x128xf32, #tpu.memory_space<vmem_shared>> -> memref<640x128xf32, #tpu.memory_space<vmem_shared>>
      tpu.enqueue_dma source(%dma_start3A_33 : memref<640x128xf32, #tpu.memory_space<vmem_shared>>) target(%dma_start3A_31 : memref<640x128xf32, #tpu.memory_space<hbm>>) target_semaphore(%run_scoped3A : memref<!tpu.dma_semaphore, #tpu.memory_space<semaphore_mem>>)
      %dma_wait3A = arith.constant 0 : i32
      %dma_wait3A_34 = tpu.memref_slice %arg6[%arg0, %mul3A_9, %dma_wait3A] : memref<2x10240x128xf32, #tpu.memory_space<hbm>> -> memref<1x640x128xf32, #tpu.memory_space<hbm>>
      %dma_wait3A_35 = tpu.memref_squeeze %dma_wait3A_34 : memref<1x640x128xf32, #tpu.memory_space<hbm>> -> memref<640x128xf32, #tpu.memory_space<hbm>>
      %dma_wait3A_36 = arith.constant 0 : i32
      %dma_wait3A_37 = tpu.memref_slice %arg12[%mul3A_9, %dma_wait3A_36] : memref<10240x128xf32, #tpu.memory_space<vmem_shared>> -> memref<640x128xf32, #tpu.memory_space<vmem_shared>>
      tpu.wait_dma2 semaphore(%run_scoped3A : memref<!tpu.dma_semaphore, #tpu.memory_space<semaphore_mem>>) src(%dma_wait3A_37 : memref<640x128xf32, #tpu.memory_space<vmem_shared>>) dst(%dma_wait3A_35 : memref<640x128xf32, #tpu.memory_space<hbm>>)
      tpu.yield
    }) : () -> ()
    return
  }
}

#map = affine_map<(d0, d1) -> (0, 0)>
#map1 = affine_map<(d0, d1) -> (0)>
#map2 = affine_map<(d0, d1) -> (0, 0, 0)>
module attributes {stable_mosaic.version = 14 : i64} {
  func.func @_sc_scatter_body(%arg0: i32, %arg1: i32, %arg2: memref<10240x128xf32, #tpu.memory_space<hbm>>, %arg3: memref<320000x128xf32, #tpu.memory_space<hbm>>, %arg4: memref<320000xi32, #tpu.memory_space<hbm>>, %arg5: memref<320000xi32, #tpu.memory_space<hbm>>, %arg6: memref<2x10240x128xf32, #tpu.memory_space<hbm>>, %arg7: memref<80xi32, #tpu.memory_space<vmem>>, %arg8: memref<80xi32, #tpu.memory_space<vmem>>, %arg9: memref<80x128xf32, #tpu.memory_space<vmem>>, %arg10: memref<80x128xf32, #tpu.memory_space<vmem>>, %arg11: memref<128x128xf32, #tpu.memory_space<vmem>>, %arg12: memref<10240x128xf32, #tpu.memory_space<vmem_shared>>, %arg13: memref<!tpu.dma_semaphore, #tpu.memory_space<semaphore_mem>>) attributes {dimension_semantics = [#tpu.dimension_semantics<core_parallel>, #tpu.dimension_semantics<subcore_parallel>], iteration_bounds = array<i64: 2, 16>, scalar_prefetch = 0 : i64, scratch_operands = 7 : i64, tpu.core_type = #tpu.core_type<sc_vector_subcore>, window_params = [{transform_indices = #map}, {transform_indices = #map}, {transform_indices = #map1}, {transform_indices = #map1}, {transform_indices = #map2}]} {
    %mul3A = arith.constant 16 : i32
    %mul3A_0 = arith.muli %arg0, %mul3A : i32
    %add3A = arith.addi %mul3A_0, %arg1 : i32
    %broadcast_in_dim3A = arith.constant 0.000000e+00 : f32
    %broadcast_in_dim3A_1 = vector.broadcast %broadcast_in_dim3A : f32 to vector<16xf32>
    %scan3A = arith.constant 0 : i32
    %scan3A_2 = arith.constant 0 : i32
    %scan3A_3 = arith.constant 128 : i32
    %scan3A_4 = arith.addi %scan3A_2, %scan3A_3 : i32
    %scan3A_5 = arith.constant 4 : i32
    %scan3A_6 = scf.for %scan3A_30 = %scan3A_2 to %scan3A_4 step %scan3A_5 iter_args(%scan3A_31 = %scan3A) -> (i32)  : i32 {
      %swap3A = arith.index_cast %scan3A_30 : i32 to index
      %swap3A_32 = arith.constant 0 : index
      %swap3A_33 = tpu.vector_load %arg11[%swap3A, %swap3A_32] {strides = array<i32>} : memref<128x128xf32, #tpu.memory_space<vmem>>, vector<1x16xf32>,
      %swap3A_34 = vector.shape_cast %swap3A_33 : vector<1x16xf32> to vector<16xf32>
      %swap3A_35 = vector.shape_cast %broadcast_in_dim3A_1 : vector<16xf32> to vector<1x16xf32>
      tpu.vector_store %arg11[%swap3A, %swap3A_32], %swap3A_35 {strides = array<i32>} : memref<128x128xf32, #tpu.memory_space<vmem>>, vector<1x16xf32>,
      %swap3A_36 = arith.index_cast %scan3A_30 : i32 to index
      %swap3A_37 = arith.constant 16 : index
      %swap3A_38 = tpu.vector_load %arg11[%swap3A_36, %swap3A_37] {strides = array<i32>} : memref<128x128xf32, #tpu.memory_space<vmem>>, vector<1x16xf32>,
      %swap3A_39 = vector.shape_cast %swap3A_38 : vector<1x16xf32> to vector<16xf32>
      %swap3A_40 = vector.shape_cast %broadcast_in_dim3A_1 : vector<16xf32> to vector<1x16xf32>
      tpu.vector_store %arg11[%swap3A_36, %swap3A_37], %swap3A_40 {strides = array<i32>} : memref<128x128xf32, #tpu.memory_space<vmem>>, vector<1x16xf32>,
      %swap3A_41 = arith.index_cast %scan3A_30 : i32 to index
      %swap3A_42 = arith.constant 32 : index
      %swap3A_43 = tpu.vector_load %arg11[%swap3A_41, %swap3A_42] {strides = array<i32>} : memref<128x128xf32, #tpu.memory_space<vmem>>, vector<1x16xf32>,
      %swap3A_44 = vector.shape_cast %swap3A_43 : vector<1x16xf32> to vector<16xf32>
      %swap3A_45 = vector.shape_cast %broadcast_in_dim3A_1 : vector<16xf32> to vector<1x16xf32>
      tpu.vector_store %arg11[%swap3A_41, %swap3A_42], %swap3A_45 {strides = array<i32>} : memref<128x128xf32, #tpu.memory_space<vmem>>, vector<1x16xf32>,
      %swap3A_46 = arith.index_cast %scan3A_30 : i32 to index
      %swap3A_47 = arith.constant 48 : index
      %swap3A_48 = tpu.vector_load %arg11[%swap3A_46, %swap3A_47] {strides = array<i32>} : memref<128x128xf32, #tpu.memory_space<vmem>>, vector<1x16xf32>,
      %swap3A_49 = vector.shape_cast %swap3A_48 : vector<1x16xf32> to vector<16xf32>
      %swap3A_50 = vector.shape_cast %broadcast_in_dim3A_1 : vector<16xf32> to vector<1x16xf32>
      tpu.vector_store %arg11[%swap3A_46, %swap3A_47], %swap3A_50 {strides = array<i32>} : memref<128x128xf32, #tpu.memory_space<vmem>>, vector<1x16xf32>,
      %swap3A_51 = arith.index_cast %scan3A_30 : i32 to index
      %swap3A_52 = arith.constant 64 : index
      %swap3A_53 = tpu.vector_load %arg11[%swap3A_51, %swap3A_52] {strides = array<i32>} : memref<128x128xf32, #tpu.memory_space<vmem>>, vector<1x16xf32>,
      %swap3A_54 = vector.shape_cast %swap3A_53 : vector<1x16xf32> to vector<16xf32>
      %swap3A_55 = vector.shape_cast %broadcast_in_dim3A_1 : vector<16xf32> to vector<1x16xf32>
      tpu.vector_store %arg11[%swap3A_51, %swap3A_52], %swap3A_55 {strides = array<i32>} : memref<128x128xf32, #tpu.memory_space<vmem>>, vector<1x16xf32>,
      %swap3A_56 = arith.index_cast %scan3A_30 : i32 to index
      %swap3A_57 = arith.constant 80 : index
      %swap3A_58 = tpu.vector_load %arg11[%swap3A_56, %swap3A_57] {strides = array<i32>} : memref<128x128xf32, #tpu.memory_space<vmem>>, vector<1x16xf32>,
      %swap3A_59 = vector.shape_cast %swap3A_58 : vector<1x16xf32> to vector<16xf32>
      %swap3A_60 = vector.shape_cast %broadcast_in_dim3A_1 : vector<16xf32> to vector<1x16xf32>
      tpu.vector_store %arg11[%swap3A_56, %swap3A_57], %swap3A_60 {strides = array<i32>} : memref<128x128xf32, #tpu.memory_space<vmem>>, vector<1x16xf32>,
      %swap3A_61 = arith.index_cast %scan3A_30 : i32 to index
      %swap3A_62 = arith.constant 96 : index
      %swap3A_63 = tpu.vector_load %arg11[%swap3A_61, %swap3A_62] {strides = array<i32>} : memref<128x128xf32, #tpu.memory_space<vmem>>, vector<1x16xf32>,
      %swap3A_64 = vector.shape_cast %swap3A_63 : vector<1x16xf32> to vector<16xf32>
      %swap3A_65 = vector.shape_cast %broadcast_in_dim3A_1 : vector<16xf32> to vector<1x16xf32>
      tpu.vector_store %arg11[%swap3A_61, %swap3A_62], %swap3A_65 {strides = array<i32>} : memref<128x128xf32, #tpu.memory_space<vmem>>, vector<1x16xf32>,
      %swap3A_66 = arith.index_cast %scan3A_30 : i32 to index
      %swap3A_67 = arith.constant 112 : index
      %swap3A_68 = tpu.vector_load %arg11[%swap3A_66, %swap3A_67] {strides = array<i32>} : memref<128x128xf32, #tpu.memory_space<vmem>>, vector<1x16xf32>,
      %swap3A_69 = vector.shape_cast %swap3A_68 : vector<1x16xf32> to vector<16xf32>
      %swap3A_70 = vector.shape_cast %broadcast_in_dim3A_1 : vector<16xf32> to vector<1x16xf32>
      tpu.vector_store %arg11[%swap3A_66, %swap3A_67], %swap3A_70 {strides = array<i32>} : memref<128x128xf32, #tpu.memory_space<vmem>>, vector<1x16xf32>,
      %scan3A_71 = arith.constant 0 : i32
      %scan3A_72 = arith.constant 1 : i32
      %scan3A_73 = arith.addi %scan3A_30, %scan3A_72 : i32
      %swap3A_74 = arith.index_cast %scan3A_73 : i32 to index
      %swap3A_75 = arith.constant 0 : index
      %swap3A_76 = tpu.vector_load %arg11[%swap3A_74, %swap3A_75] {strides = array<i32>} : memref<128x128xf32, #tpu.memory_space<vmem>>, vector<1x16xf32>,
      %swap3A_77 = vector.shape_cast %swap3A_76 : vector<1x16xf32> to vector<16xf32>
      %swap3A_78 = vector.shape_cast %broadcast_in_dim3A_1 : vector<16xf32> to vector<1x16xf32>
      tpu.vector_store %arg11[%swap3A_74, %swap3A_75], %swap3A_78 {strides = array<i32>} : memref<128x128xf32, #tpu.memory_space<vmem>>, vector<1x16xf32>,
      %swap3A_79 = arith.index_cast %scan3A_73 : i32 to index
      %swap3A_80 = arith.constant 16 : index
      %swap3A_81 = tpu.vector_load %arg11[%swap3A_79, %swap3A_80] {strides = array<i32>} : memref<128x128xf32, #tpu.memory_space<vmem>>, vector<1x16xf32>,
      %swap3A_82 = vector.shape_cast %swap3A_81 : vector<1x16xf32> to vector<16xf32>
      %swap3A_83 = vector.shape_cast %broadcast_in_dim3A_1 : vector<16xf32> to vector<1x16xf32>
      tpu.vector_store %arg11[%swap3A_79, %swap3A_80], %swap3A_83 {strides = array<i32>} : memref<128x128xf32, #tpu.memory_space<vmem>>, vector<1x16xf32>,
      %swap3A_84 = arith.index_cast %scan3A_73 : i32 to index
      %swap3A_85 = arith.constant 32 : index
      %swap3A_86 = tpu.vector_load %arg11[%swap3A_84, %swap3A_85] {strides = array<i32>} : memref<128x128xf32, #tpu.memory_space<vmem>>, vector<1x16xf32>,
      %swap3A_87 = vector.shape_cast %swap3A_86 : vector<1x16xf32> to vector<16xf32>
      %swap3A_88 = vector.shape_cast %broadcast_in_dim3A_1 : vector<16xf32> to vector<1x16xf32>
      tpu.vector_store %arg11[%swap3A_84, %swap3A_85], %swap3A_88 {strides = array<i32>} : memref<128x128xf32, #tpu.memory_space<vmem>>, vector<1x16xf32>,
      %swap3A_89 = arith.index_cast %scan3A_73 : i32 to index
      %swap3A_90 = arith.constant 48 : index
      %swap3A_91 = tpu.vector_load %arg11[%swap3A_89, %swap3A_90] {strides = array<i32>} : memref<128x128xf32, #tpu.memory_space<vmem>>, vector<1x16xf32>,
      %swap3A_92 = vector.shape_cast %swap3A_91 : vector<1x16xf32> to vector<16xf32>
      %swap3A_93 = vector.shape_cast %broadcast_in_dim3A_1 : vector<16xf32> to vector<1x16xf32>
      tpu.vector_store %arg11[%swap3A_89, %swap3A_90], %swap3A_93 {strides = array<i32>} : memref<128x128xf32, #tpu.memory_space<vmem>>, vector<1x16xf32>,
      %swap3A_94 = arith.index_cast %scan3A_73 : i32 to index
      %swap3A_95 = arith.constant 64 : index
      %swap3A_96 = tpu.vector_load %arg11[%swap3A_94, %swap3A_95] {strides = array<i32>} : memref<128x128xf32, #tpu.memory_space<vmem>>, vector<1x16xf32>,
      %swap3A_97 = vector.shape_cast %swap3A_96 : vector<1x16xf32> to vector<16xf32>
      %swap3A_98 = vector.shape_cast %broadcast_in_dim3A_1 : vector<16xf32> to vector<1x16xf32>
      tpu.vector_store %arg11[%swap3A_94, %swap3A_95], %swap3A_98 {strides = array<i32>} : memref<128x128xf32, #tpu.memory_space<vmem>>, vector<1x16xf32>,
      %swap3A_99 = arith.index_cast %scan3A_73 : i32 to index
      %swap3A_100 = arith.constant 80 : index
      %swap3A_101 = tpu.vector_load %arg11[%swap3A_99, %swap3A_100] {strides = array<i32>} : memref<128x128xf32, #tpu.memory_space<vmem>>, vector<1x16xf32>,
      %swap3A_102 = vector.shape_cast %swap3A_101 : vector<1x16xf32> to vector<16xf32>
      %swap3A_103 = vector.shape_cast %broadcast_in_dim3A_1 : vector<16xf32> to vector<1x16xf32>
      tpu.vector_store %arg11[%swap3A_99, %swap3A_100], %swap3A_103 {strides = array<i32>} : memref<128x128xf32, #tpu.memory_space<vmem>>, vector<1x16xf32>,
      %swap3A_104 = arith.index_cast %scan3A_73 : i32 to index
      %swap3A_105 = arith.constant 96 : index
      %swap3A_106 = tpu.vector_load %arg11[%swap3A_104, %swap3A_105] {strides = array<i32>} : memref<128x128xf32, #tpu.memory_space<vmem>>, vector<1x16xf32>,
      %swap3A_107 = vector.shape_cast %swap3A_106 : vector<1x16xf32> to vector<16xf32>
      %swap3A_108 = vector.shape_cast %broadcast_in_dim3A_1 : vector<16xf32> to vector<1x16xf32>
      tpu.vector_store %arg11[%swap3A_104, %swap3A_105], %swap3A_108 {strides = array<i32>} : memref<128x128xf32, #tpu.memory_space<vmem>>, vector<1x16xf32>,
      %swap3A_109 = arith.index_cast %scan3A_73 : i32 to index
      %swap3A_110 = arith.constant 112 : index
      %swap3A_111 = tpu.vector_load %arg11[%swap3A_109, %swap3A_110] {strides = array<i32>} : memref<128x128xf32, #tpu.memory_space<vmem>>, vector<1x16xf32>,
      %swap3A_112 = vector.shape_cast %swap3A_111 : vector<1x16xf32> to vector<16xf32>
      %swap3A_113 = vector.shape_cast %broadcast_in_dim3A_1 : vector<16xf32> to vector<1x16xf32>
      tpu.vector_store %arg11[%swap3A_109, %swap3A_110], %swap3A_113 {strides = array<i32>} : memref<128x128xf32, #tpu.memory_space<vmem>>, vector<1x16xf32>,
      %scan3A_114 = arith.constant 0 : i32
      %scan3A_115 = arith.constant 2 : i32
      %scan3A_116 = arith.addi %scan3A_30, %scan3A_115 : i32
      %swap3A_117 = arith.index_cast %scan3A_116 : i32 to index
      %swap3A_118 = arith.constant 0 : index
      %swap3A_119 = tpu.vector_load %arg11[%swap3A_117, %swap3A_118] {strides = array<i32>} : memref<128x128xf32, #tpu.memory_space<vmem>>, vector<1x16xf32>,
      %swap3A_120 = vector.shape_cast %swap3A_119 : vector<1x16xf32> to vector<16xf32>
      %swap3A_121 = vector.shape_cast %broadcast_in_dim3A_1 : vector<16xf32> to vector<1x16xf32>
      tpu.vector_store %arg11[%swap3A_117, %swap3A_118], %swap3A_121 {strides = array<i32>} : memref<128x128xf32, #tpu.memory_space<vmem>>, vector<1x16xf32>,
      %swap3A_122 = arith.index_cast %scan3A_116 : i32 to index
      %swap3A_123 = arith.constant 16 : index
      %swap3A_124 = tpu.vector_load %arg11[%swap3A_122, %swap3A_123] {strides = array<i32>} : memref<128x128xf32, #tpu.memory_space<vmem>>, vector<1x16xf32>,
      %swap3A_125 = vector.shape_cast %swap3A_124 : vector<1x16xf32> to vector<16xf32>
      %swap3A_126 = vector.shape_cast %broadcast_in_dim3A_1 : vector<16xf32> to vector<1x16xf32>
      tpu.vector_store %arg11[%swap3A_122, %swap3A_123], %swap3A_126 {strides = array<i32>} : memref<128x128xf32, #tpu.memory_space<vmem>>, vector<1x16xf32>,
      %swap3A_127 = arith.index_cast %scan3A_116 : i32 to index
      %swap3A_128 = arith.constant 32 : index
      %swap3A_129 = tpu.vector_load %arg11[%swap3A_127, %swap3A_128] {strides = array<i32>} : memref<128x128xf32, #tpu.memory_space<vmem>>, vector<1x16xf32>,
      %swap3A_130 = vector.shape_cast %swap3A_129 : vector<1x16xf32> to vector<16xf32>
      %swap3A_131 = vector.shape_cast %broadcast_in_dim3A_1 : vector<16xf32> to vector<1x16xf32>
      tpu.vector_store %arg11[%swap3A_127, %swap3A_128], %swap3A_131 {strides = array<i32>} : memref<128x128xf32, #tpu.memory_space<vmem>>, vector<1x16xf32>,
      %swap3A_132 = arith.index_cast %scan3A_116 : i32 to index
      %swap3A_133 = arith.constant 48 : index
      %swap3A_134 = tpu.vector_load %arg11[%swap3A_132, %swap3A_133] {strides = array<i32>} : memref<128x128xf32, #tpu.memory_space<vmem>>, vector<1x16xf32>,
      %swap3A_135 = vector.shape_cast %swap3A_134 : vector<1x16xf32> to vector<16xf32>
      %swap3A_136 = vector.shape_cast %broadcast_in_dim3A_1 : vector<16xf32> to vector<1x16xf32>
      tpu.vector_store %arg11[%swap3A_132, %swap3A_133], %swap3A_136 {strides = array<i32>} : memref<128x128xf32, #tpu.memory_space<vmem>>, vector<1x16xf32>,
      %swap3A_137 = arith.index_cast %scan3A_116 : i32 to index
      %swap3A_138 = arith.constant 64 : index
      %swap3A_139 = tpu.vector_load %arg11[%swap3A_137, %swap3A_138] {strides = array<i32>} : memref<128x128xf32, #tpu.memory_space<vmem>>, vector<1x16xf32>,
      %swap3A_140 = vector.shape_cast %swap3A_139 : vector<1x16xf32> to vector<16xf32>
      %swap3A_141 = vector.shape_cast %broadcast_in_dim3A_1 : vector<16xf32> to vector<1x16xf32>
      tpu.vector_store %arg11[%swap3A_137, %swap3A_138], %swap3A_141 {strides = array<i32>} : memref<128x128xf32, #tpu.memory_space<vmem>>, vector<1x16xf32>,
      %swap3A_142 = arith.index_cast %scan3A_116 : i32 to index
      %swap3A_143 = arith.constant 80 : index
      %swap3A_144 = tpu.vector_load %arg11[%swap3A_142, %swap3A_143] {strides = array<i32>} : memref<128x128xf32, #tpu.memory_space<vmem>>, vector<1x16xf32>,
      %swap3A_145 = vector.shape_cast %swap3A_144 : vector<1x16xf32> to vector<16xf32>
      %swap3A_146 = vector.shape_cast %broadcast_in_dim3A_1 : vector<16xf32> to vector<1x16xf32>
      tpu.vector_store %arg11[%swap3A_142, %swap3A_143], %swap3A_146 {strides = array<i32>} : memref<128x128xf32, #tpu.memory_space<vmem>>, vector<1x16xf32>,
      %swap3A_147 = arith.index_cast %scan3A_116 : i32 to index
      %swap3A_148 = arith.constant 96 : index
      %swap3A_149 = tpu.vector_load %arg11[%swap3A_147, %swap3A_148] {strides = array<i32>} : memref<128x128xf32, #tpu.memory_space<vmem>>, vector<1x16xf32>,
      %swap3A_150 = vector.shape_cast %swap3A_149 : vector<1x16xf32> to vector<16xf32>
      %swap3A_151 = vector.shape_cast %broadcast_in_dim3A_1 : vector<16xf32> to vector<1x16xf32>
      tpu.vector_store %arg11[%swap3A_147, %swap3A_148], %swap3A_151 {strides = array<i32>} : memref<128x128xf32, #tpu.memory_space<vmem>>, vector<1x16xf32>,
      %swap3A_152 = arith.index_cast %scan3A_116 : i32 to index
      %swap3A_153 = arith.constant 112 : index
      %swap3A_154 = tpu.vector_load %arg11[%swap3A_152, %swap3A_153] {strides = array<i32>} : memref<128x128xf32, #tpu.memory_space<vmem>>, vector<1x16xf32>,
      %swap3A_155 = vector.shape_cast %swap3A_154 : vector<1x16xf32> to vector<16xf32>
      %swap3A_156 = vector.shape_cast %broadcast_in_dim3A_1 : vector<16xf32> to vector<1x16xf32>
      tpu.vector_store %arg11[%swap3A_152, %swap3A_153], %swap3A_156 {strides = array<i32>} : memref<128x128xf32, #tpu.memory_space<vmem>>, vector<1x16xf32>,
      %scan3A_157 = arith.constant 0 : i32
      %scan3A_158 = arith.constant 3 : i32
      %scan3A_159 = arith.addi %scan3A_30, %scan3A_158 : i32
      %swap3A_160 = arith.index_cast %scan3A_159 : i32 to index
      %swap3A_161 = arith.constant 0 : index
      %swap3A_162 = tpu.vector_load %arg11[%swap3A_160, %swap3A_161] {strides = array<i32>} : memref<128x128xf32, #tpu.memory_space<vmem>>, vector<1x16xf32>,
      %swap3A_163 = vector.shape_cast %swap3A_162 : vector<1x16xf32> to vector<16xf32>
      %swap3A_164 = vector.shape_cast %broadcast_in_dim3A_1 : vector<16xf32> to vector<1x16xf32>
      tpu.vector_store %arg11[%swap3A_160, %swap3A_161], %swap3A_164 {strides = array<i32>} : memref<128x128xf32, #tpu.memory_space<vmem>>, vector<1x16xf32>,
      %swap3A_165 = arith.index_cast %scan3A_159 : i32 to index
      %swap3A_166 = arith.constant 16 : index
      %swap3A_167 = tpu.vector_load %arg11[%swap3A_165, %swap3A_166] {strides = array<i32>} : memref<128x128xf32, #tpu.memory_space<vmem>>, vector<1x16xf32>,
      %swap3A_168 = vector.shape_cast %swap3A_167 : vector<1x16xf32> to vector<16xf32>
      %swap3A_169 = vector.shape_cast %broadcast_in_dim3A_1 : vector<16xf32> to vector<1x16xf32>
      tpu.vector_store %arg11[%swap3A_165, %swap3A_166], %swap3A_169 {strides = array<i32>} : memref<128x128xf32, #tpu.memory_space<vmem>>, vector<1x16xf32>,
      %swap3A_170 = arith.index_cast %scan3A_159 : i32 to index
      %swap3A_171 = arith.constant 32 : index
      %swap3A_172 = tpu.vector_load %arg11[%swap3A_170, %swap3A_171] {strides = array<i32>} : memref<128x128xf32, #tpu.memory_space<vmem>>, vector<1x16xf32>,
      %swap3A_173 = vector.shape_cast %swap3A_172 : vector<1x16xf32> to vector<16xf32>
      %swap3A_174 = vector.shape_cast %broadcast_in_dim3A_1 : vector<16xf32> to vector<1x16xf32>
      tpu.vector_store %arg11[%swap3A_170, %swap3A_171], %swap3A_174 {strides = array<i32>} : memref<128x128xf32, #tpu.memory_space<vmem>>, vector<1x16xf32>,
      %swap3A_175 = arith.index_cast %scan3A_159 : i32 to index
      %swap3A_176 = arith.constant 48 : index
      %swap3A_177 = tpu.vector_load %arg11[%swap3A_175, %swap3A_176] {strides = array<i32>} : memref<128x128xf32, #tpu.memory_space<vmem>>, vector<1x16xf32>,
      %swap3A_178 = vector.shape_cast %swap3A_177 : vector<1x16xf32> to vector<16xf32>
      %swap3A_179 = vector.shape_cast %broadcast_in_dim3A_1 : vector<16xf32> to vector<1x16xf32>
      tpu.vector_store %arg11[%swap3A_175, %swap3A_176], %swap3A_179 {strides = array<i32>} : memref<128x128xf32, #tpu.memory_space<vmem>>, vector<1x16xf32>,
      %swap3A_180 = arith.index_cast %scan3A_159 : i32 to index
      %swap3A_181 = arith.constant 64 : index
      %swap3A_182 = tpu.vector_load %arg11[%swap3A_180, %swap3A_181] {strides = array<i32>} : memref<128x128xf32, #tpu.memory_space<vmem>>, vector<1x16xf32>,
      %swap3A_183 = vector.shape_cast %swap3A_182 : vector<1x16xf32> to vector<16xf32>
      %swap3A_184 = vector.shape_cast %broadcast_in_dim3A_1 : vector<16xf32> to vector<1x16xf32>
      tpu.vector_store %arg11[%swap3A_180, %swap3A_181], %swap3A_184 {strides = array<i32>} : memref<128x128xf32, #tpu.memory_space<vmem>>, vector<1x16xf32>,
      %swap3A_185 = arith.index_cast %scan3A_159 : i32 to index
      %swap3A_186 = arith.constant 80 : index
      %swap3A_187 = tpu.vector_load %arg11[%swap3A_185, %swap3A_186] {strides = array<i32>} : memref<128x128xf32, #tpu.memory_space<vmem>>, vector<1x16xf32>,
      %swap3A_188 = vector.shape_cast %swap3A_187 : vector<1x16xf32> to vector<16xf32>
      %swap3A_189 = vector.shape_cast %broadcast_in_dim3A_1 : vector<16xf32> to vector<1x16xf32>
      tpu.vector_store %arg11[%swap3A_185, %swap3A_186], %swap3A_189 {strides = array<i32>} : memref<128x128xf32, #tpu.memory_space<vmem>>, vector<1x16xf32>,
      %swap3A_190 = arith.index_cast %scan3A_159 : i32 to index
      %swap3A_191 = arith.constant 96 : index
      %swap3A_192 = tpu.vector_load %arg11[%swap3A_190, %swap3A_191] {strides = array<i32>} : memref<128x128xf32, #tpu.memory_space<vmem>>, vector<1x16xf32>,
      %swap3A_193 = vector.shape_cast %swap3A_192 : vector<1x16xf32> to vector<16xf32>
      %swap3A_194 = vector.shape_cast %broadcast_in_dim3A_1 : vector<16xf32> to vector<1x16xf32>
      tpu.vector_store %arg11[%swap3A_190, %swap3A_191], %swap3A_194 {strides = array<i32>} : memref<128x128xf32, #tpu.memory_space<vmem>>, vector<1x16xf32>,
      %swap3A_195 = arith.index_cast %scan3A_159 : i32 to index
      %swap3A_196 = arith.constant 112 : index
      %swap3A_197 = tpu.vector_load %arg11[%swap3A_195, %swap3A_196] {strides = array<i32>} : memref<128x128xf32, #tpu.memory_space<vmem>>, vector<1x16xf32>,
      %swap3A_198 = vector.shape_cast %swap3A_197 : vector<1x16xf32> to vector<16xf32>
      %swap3A_199 = vector.shape_cast %broadcast_in_dim3A_1 : vector<16xf32> to vector<1x16xf32>
      tpu.vector_store %arg11[%swap3A_195, %swap3A_196], %swap3A_199 {strides = array<i32>} : memref<128x128xf32, #tpu.memory_space<vmem>>, vector<1x16xf32>,
      %scan3A_200 = arith.constant 0 : i32
      scf.yield %scan3A_200 : i32
    }
    %scan3A_7 = arith.constant 128 : i32
    %mul3A_8 = arith.constant 640 : i32
    %mul3A_9 = arith.muli %arg1, %mul3A_8 : i32
    %add3A_10 = arith.constant 0 : i32
    %add3A_11 = arith.addi %mul3A_9, %add3A_10 : i32
    "tpu.region"() ({
      %run_scoped3A = tpu.sem_alloc : memref<!tpu.dma_semaphore, #tpu.memory_space<semaphore_mem>>
      %dma_start3A = arith.constant 0 : i32
      %dma_start3A_30 = tpu.memref_slice %arg12[%add3A_11, %dma_start3A] : memref<10240x128xf32, #tpu.memory_space<vmem_shared>> -> memref<128x128xf32, #tpu.memory_space<vmem_shared>>
      %dma_start3A_31 = arith.constant 0 : i32
      %dma_start3A_32 = tpu.memref_slice %arg12[%add3A_11, %dma_start3A_31] : memref<10240x128xf32, #tpu.memory_space<vmem_shared>> -> memref<128x128xf32, #tpu.memory_space<vmem_shared>>
      tpu.enqueue_dma source(%arg11 : memref<128x128xf32, #tpu.memory_space<vmem>>) target(%dma_start3A_32 : memref<128x128xf32, #tpu.memory_space<vmem_shared>>) target_semaphore(%run_scoped3A : memref<!tpu.dma_semaphore, #tpu.memory_space<semaphore_mem>>)
      %dma_wait3A = arith.constant 0 : i32
      %dma_wait3A_33 = tpu.memref_slice %arg12[%add3A_11, %dma_wait3A] : memref<10240x128xf32, #tpu.memory_space<vmem_shared>> -> memref<128x128xf32, #tpu.memory_space<vmem_shared>>
      %dma_wait3A_34 = arith.constant 0 : i32
      %dma_wait3A_35 = tpu.memref_slice %arg12[%add3A_11, %dma_wait3A_34] : memref<10240x128xf32, #tpu.memory_space<vmem_shared>> -> memref<128x128xf32, #tpu.memory_space<vmem_shared>>
      tpu.wait_dma2 semaphore(%run_scoped3A : memref<!tpu.dma_semaphore, #tpu.memory_space<semaphore_mem>>) src(%arg11 : memref<128x128xf32, #tpu.memory_space<vmem>>) dst(%dma_wait3A_35 : memref<128x128xf32, #tpu.memory_space<vmem_shared>>)
      tpu.yield
    }) : () -> ()
    %add3A_12 = arith.constant 128 : i32
    %add3A_13 = arith.addi %mul3A_9, %add3A_12 : i32
    "tpu.region"() ({
      %run_scoped3A = tpu.sem_alloc : memref<!tpu.dma_semaphore, #tpu.memory_space<semaphore_mem>>
      %dma_start3A = arith.constant 0 : i32
      %dma_start3A_30 = tpu.memref_slice %arg12[%add3A_13, %dma_start3A] : memref<10240x128xf32, #tpu.memory_space<vmem_shared>> -> memref<128x128xf32, #tpu.memory_space<vmem_shared>>
      %dma_start3A_31 = arith.constant 0 : i32
      %dma_start3A_32 = tpu.memref_slice %arg12[%add3A_13, %dma_start3A_31] : memref<10240x128xf32, #tpu.memory_space<vmem_shared>> -> memref<128x128xf32, #tpu.memory_space<vmem_shared>>
      tpu.enqueue_dma source(%arg11 : memref<128x128xf32, #tpu.memory_space<vmem>>) target(%dma_start3A_32 : memref<128x128xf32, #tpu.memory_space<vmem_shared>>) target_semaphore(%run_scoped3A : memref<!tpu.dma_semaphore, #tpu.memory_space<semaphore_mem>>)
      %dma_wait3A = arith.constant 0 : i32
      %dma_wait3A_33 = tpu.memref_slice %arg12[%add3A_13, %dma_wait3A] : memref<10240x128xf32, #tpu.memory_space<vmem_shared>> -> memref<128x128xf32, #tpu.memory_space<vmem_shared>>
      %dma_wait3A_34 = arith.constant 0 : i32
      %dma_wait3A_35 = tpu.memref_slice %arg12[%add3A_13, %dma_wait3A_34] : memref<10240x128xf32, #tpu.memory_space<vmem_shared>> -> memref<128x128xf32, #tpu.memory_space<vmem_shared>>
      tpu.wait_dma2 semaphore(%run_scoped3A : memref<!tpu.dma_semaphore, #tpu.memory_space<semaphore_mem>>) src(%arg11 : memref<128x128xf32, #tpu.memory_space<vmem>>) dst(%dma_wait3A_35 : memref<128x128xf32, #tpu.memory_space<vmem_shared>>)
      tpu.yield
    }) : () -> ()
    %add3A_14 = arith.constant 256 : i32
    %add3A_15 = arith.addi %mul3A_9, %add3A_14 : i32
    "tpu.region"() ({
      %run_scoped3A = tpu.sem_alloc : memref<!tpu.dma_semaphore, #tpu.memory_space<semaphore_mem>>
      %dma_start3A = arith.constant 0 : i32
      %dma_start3A_30 = tpu.memref_slice %arg12[%add3A_15, %dma_start3A] : memref<10240x128xf32, #tpu.memory_space<vmem_shared>> -> memref<128x128xf32, #tpu.memory_space<vmem_shared>>
      %dma_start3A_31 = arith.constant 0 : i32
      %dma_start3A_32 = tpu.memref_slice %arg12[%add3A_15, %dma_start3A_31] : memref<10240x128xf32, #tpu.memory_space<vmem_shared>> -> memref<128x128xf32, #tpu.memory_space<vmem_shared>>
      tpu.enqueue_dma source(%arg11 : memref<128x128xf32, #tpu.memory_space<vmem>>) target(%dma_start3A_32 : memref<128x128xf32, #tpu.memory_space<vmem_shared>>) target_semaphore(%run_scoped3A : memref<!tpu.dma_semaphore, #tpu.memory_space<semaphore_mem>>)
      %dma_wait3A = arith.constant 0 : i32
      %dma_wait3A_33 = tpu.memref_slice %arg12[%add3A_15, %dma_wait3A] : memref<10240x128xf32, #tpu.memory_space<vmem_shared>> -> memref<128x128xf32, #tpu.memory_space<vmem_shared>>
      %dma_wait3A_34 = arith.constant 0 : i32
      %dma_wait3A_35 = tpu.memref_slice %arg12[%add3A_15, %dma_wait3A_34] : memref<10240x128xf32, #tpu.memory_space<vmem_shared>> -> memref<128x128xf32, #tpu.memory_space<vmem_shared>>
      tpu.wait_dma2 semaphore(%run_scoped3A : memref<!tpu.dma_semaphore, #tpu.memory_space<semaphore_mem>>) src(%arg11 : memref<128x128xf32, #tpu.memory_space<vmem>>) dst(%dma_wait3A_35 : memref<128x128xf32, #tpu.memory_space<vmem_shared>>)
      tpu.yield
    }) : () -> ()
    %add3A_16 = arith.constant 384 : i32
    %add3A_17 = arith.addi %mul3A_9, %add3A_16 : i32
    "tpu.region"() ({
      %run_scoped3A = tpu.sem_alloc : memref<!tpu.dma_semaphore, #tpu.memory_space<semaphore_mem>>
      %dma_start3A = arith.constant 0 : i32
      %dma_start3A_30 = tpu.memref_slice %arg12[%add3A_17, %dma_start3A] : memref<10240x128xf32, #tpu.memory_space<vmem_shared>> -> memref<128x128xf32, #tpu.memory_space<vmem_shared>>
      %dma_start3A_31 = arith.constant 0 : i32
      %dma_start3A_32 = tpu.memref_slice %arg12[%add3A_17, %dma_start3A_31] : memref<10240x128xf32, #tpu.memory_space<vmem_shared>> -> memref<128x128xf32, #tpu.memory_space<vmem_shared>>
      tpu.enqueue_dma source(%arg11 : memref<128x128xf32, #tpu.memory_space<vmem>>) target(%dma_start3A_32 : memref<128x128xf32, #tpu.memory_space<vmem_shared>>) target_semaphore(%run_scoped3A : memref<!tpu.dma_semaphore, #tpu.memory_space<semaphore_mem>>)
      %dma_wait3A = arith.constant 0 : i32
      %dma_wait3A_33 = tpu.memref_slice %arg12[%add3A_17, %dma_wait3A] : memref<10240x128xf32, #tpu.memory_space<vmem_shared>> -> memref<128x128xf32, #tpu.memory_space<vmem_shared>>
      %dma_wait3A_34 = arith.constant 0 : i32
      %dma_wait3A_35 = tpu.memref_slice %arg12[%add3A_17, %dma_wait3A_34] : memref<10240x128xf32, #tpu.memory_space<vmem_shared>> -> memref<128x128xf32, #tpu.memory_space<vmem_shared>>
      tpu.wait_dma2 semaphore(%run_scoped3A : memref<!tpu.dma_semaphore, #tpu.memory_space<semaphore_mem>>) src(%arg11 : memref<128x128xf32, #tpu.memory_space<vmem>>) dst(%dma_wait3A_35 : memref<128x128xf32, #tpu.memory_space<vmem_shared>>)
      tpu.yield
    }) : () -> ()
    %add3A_18 = arith.constant 512 : i32
    %add3A_19 = arith.addi %mul3A_9, %add3A_18 : i32
    "tpu.region"() ({
      %run_scoped3A = tpu.sem_alloc : memref<!tpu.dma_semaphore, #tpu.memory_space<semaphore_mem>>
      %dma_start3A = arith.constant 0 : i32
      %dma_start3A_30 = tpu.memref_slice %arg12[%add3A_19, %dma_start3A] : memref<10240x128xf32, #tpu.memory_space<vmem_shared>> -> memref<128x128xf32, #tpu.memory_space<vmem_shared>>
      %dma_start3A_31 = arith.constant 0 : i32
      %dma_start3A_32 = tpu.memref_slice %arg12[%add3A_19, %dma_start3A_31] : memref<10240x128xf32, #tpu.memory_space<vmem_shared>> -> memref<128x128xf32, #tpu.memory_space<vmem_shared>>
      tpu.enqueue_dma source(%arg11 : memref<128x128xf32, #tpu.memory_space<vmem>>) target(%dma_start3A_32 : memref<128x128xf32, #tpu.memory_space<vmem_shared>>) target_semaphore(%run_scoped3A : memref<!tpu.dma_semaphore, #tpu.memory_space<semaphore_mem>>)
      %dma_wait3A = arith.constant 0 : i32
      %dma_wait3A_33 = tpu.memref_slice %arg12[%add3A_19, %dma_wait3A] : memref<10240x128xf32, #tpu.memory_space<vmem_shared>> -> memref<128x128xf32, #tpu.memory_space<vmem_shared>>
      %dma_wait3A_34 = arith.constant 0 : i32
      %dma_wait3A_35 = tpu.memref_slice %arg12[%add3A_19, %dma_wait3A_34] : memref<10240x128xf32, #tpu.memory_space<vmem_shared>> -> memref<128x128xf32, #tpu.memory_space<vmem_shared>>
      tpu.wait_dma2 semaphore(%run_scoped3A : memref<!tpu.dma_semaphore, #tpu.memory_space<semaphore_mem>>) src(%arg11 : memref<128x128xf32, #tpu.memory_space<vmem>>) dst(%dma_wait3A_35 : memref<128x128xf32, #tpu.memory_space<vmem_shared>>)
      tpu.yield
    }) : () -> ()
    %barrier3A = arith.constant 0 : index
    tpu.barrier barrier_id(%barrier3A)
    %mul3A_20 = arith.constant 10000 : i32
    %mul3A_21 = arith.muli %add3A, %mul3A_20 : i32
    %scan3A_22 = arith.constant 0 : i32
    %scan3A_23 = arith.constant 0 : i32
    %scan3A_24 = arith.constant 125 : i32
    %scan3A_25 = arith.addi %scan3A_23, %scan3A_24 : i32
    %scan3A_26 = arith.constant 1 : i32
    %scan3A_27 = scf.for %scan3A_30 = %scan3A_23 to %scan3A_25 step %scan3A_26 iter_args(%scan3A_31 = %scan3A_22) -> (i32)  : i32 {
      %mul3A_32 = arith.constant 80 : i32
      %mul3A_33 = arith.muli %scan3A_30, %mul3A_32 : i32
      %add3A_34 = arith.addi %mul3A_21, %mul3A_33 : i32
      %multiple_of3A = tpu.assume_multiple %add3A_34, 8 : i32
      "tpu.region"() ({
        %run_scoped3A = tpu.sem_alloc : memref<!tpu.dma_semaphore, #tpu.memory_space<semaphore_mem>>
        %dma_start3A_47 = tpu.memref_slice %arg4[%multiple_of3A] : memref<320000xi32, #tpu.memory_space<hbm>> -> memref<80xi32, #tpu.memory_space<hbm>>
        %dma_start3A_48 = tpu.memref_slice %arg4[%multiple_of3A] : memref<320000xi32, #tpu.memory_space<hbm>> -> memref<80xi32, #tpu.memory_space<hbm>>
        tpu.enqueue_dma source(%dma_start3A_48 : memref<80xi32, #tpu.memory_space<hbm>>) target(%arg7 : memref<80xi32, #tpu.memory_space<vmem>>) target_semaphore(%run_scoped3A : memref<!tpu.dma_semaphore, #tpu.memory_space<semaphore_mem>>)
        %dma_wait3A_49 = tpu.memref_slice %arg4[%multiple_of3A] : memref<320000xi32, #tpu.memory_space<hbm>> -> memref<80xi32, #tpu.memory_space<hbm>>
        %dma_wait3A_50 = tpu.memref_slice %arg4[%multiple_of3A] : memref<320000xi32, #tpu.memory_space<hbm>> -> memref<80xi32, #tpu.memory_space<hbm>>
        tpu.wait_dma2 semaphore(%run_scoped3A : memref<!tpu.dma_semaphore, #tpu.memory_space<semaphore_mem>>) src(%dma_wait3A_50 : memref<80xi32, #tpu.memory_space<hbm>>) dst(%arg7 : memref<80xi32, #tpu.memory_space<vmem>>)
        tpu.yield
      }) : () -> ()
      "tpu.region"() ({
        %run_scoped3A = tpu.sem_alloc : memref<!tpu.dma_semaphore, #tpu.memory_space<semaphore_mem>>
        %dma_start3A_47 = tpu.memref_slice %arg5[%multiple_of3A] : memref<320000xi32, #tpu.memory_space<hbm>> -> memref<80xi32, #tpu.memory_space<hbm>>
        %dma_start3A_48 = tpu.memref_slice %arg5[%multiple_of3A] : memref<320000xi32, #tpu.memory_space<hbm>> -> memref<80xi32, #tpu.memory_space<hbm>>
        tpu.enqueue_dma source(%dma_start3A_48 : memref<80xi32, #tpu.memory_space<hbm>>) target(%arg8 : memref<80xi32, #tpu.memory_space<vmem>>) target_semaphore(%run_scoped3A : memref<!tpu.dma_semaphore, #tpu.memory_space<semaphore_mem>>)
        %dma_wait3A_49 = tpu.memref_slice %arg5[%multiple_of3A] : memref<320000xi32, #tpu.memory_space<hbm>> -> memref<80xi32, #tpu.memory_space<hbm>>
        %dma_wait3A_50 = tpu.memref_slice %arg5[%multiple_of3A] : memref<320000xi32, #tpu.memory_space<hbm>> -> memref<80xi32, #tpu.memory_space<hbm>>
        tpu.wait_dma2 semaphore(%run_scoped3A : memref<!tpu.dma_semaphore, #tpu.memory_space<semaphore_mem>>) src(%dma_wait3A_50 : memref<80xi32, #tpu.memory_space<hbm>>) dst(%arg8 : memref<80xi32, #tpu.memory_space<vmem>>)
        tpu.yield
      }) : () -> ()
      %dma_start3A = arith.constant 0 : i32
      %dma_start3A_35 = arith.constant 0 : i32
      %dma_start3A_36 = tpu.memref_slice %arg2[%dma_start3A, %dma_start3A_35] : memref<10240x128xf32, #tpu.memory_space<hbm>> -> memref<10240x128xf32, #tpu.memory_space<hbm>>
      tpu.enqueue_indirect_dma source(%dma_start3A_36 : memref<10240x128xf32, #tpu.memory_space<hbm>>) target(%arg9 : memref<80x128xf32, #tpu.memory_space<vmem>>) offsets(%arg7 : memref<80xi32, #tpu.memory_space<vmem>>) semaphore(%arg13 : memref<!tpu.dma_semaphore, #tpu.memory_space<semaphore_mem>>)
      "tpu.region"() ({
        %run_scoped3A = tpu.sem_alloc : memref<!tpu.dma_semaphore, #tpu.memory_space<semaphore_mem>>
        %dma_start3A_47 = arith.constant 0 : i32
        %dma_start3A_48 = tpu.memref_slice %arg3[%multiple_of3A, %dma_start3A_47] : memref<320000x128xf32, #tpu.memory_space<hbm>> -> memref<80x128xf32, #tpu.memory_space<hbm>>
        %dma_start3A_49 = arith.constant 0 : i32
        %dma_start3A_50 = tpu.memref_slice %arg3[%multiple_of3A, %dma_start3A_49] : memref<320000x128xf32, #tpu.memory_space<hbm>> -> memref<80x128xf32, #tpu.memory_space<hbm>>
        tpu.enqueue_dma source(%dma_start3A_50 : memref<80x128xf32, #tpu.memory_space<hbm>>) target(%arg10 : memref<80x128xf32, #tpu.memory_space<vmem>>) target_semaphore(%run_scoped3A : memref<!tpu.dma_semaphore, #tpu.memory_space<semaphore_mem>>)
        %dma_wait3A_51 = arith.constant 0 : i32
        %dma_wait3A_52 = tpu.memref_slice %arg3[%multiple_of3A, %dma_wait3A_51] : memref<320000x128xf32, #tpu.memory_space<hbm>> -> memref<80x128xf32, #tpu.memory_space<hbm>>
        %dma_wait3A_53 = arith.constant 0 : i32
        %dma_wait3A_54 = tpu.memref_slice %arg3[%multiple_of3A, %dma_wait3A_53] : memref<320000x128xf32, #tpu.memory_space<hbm>> -> memref<80x128xf32, #tpu.memory_space<hbm>>
        tpu.wait_dma2 semaphore(%run_scoped3A : memref<!tpu.dma_semaphore, #tpu.memory_space<semaphore_mem>>) src(%dma_wait3A_54 : memref<80x128xf32, #tpu.memory_space<hbm>>) dst(%arg10 : memref<80x128xf32, #tpu.memory_space<vmem>>)
        tpu.yield
      }) : () -> ()
      %dma_wait3A = arith.constant 0 : i32
      %dma_wait3A_37 = arith.constant 0 : i32
      %dma_wait3A_38 = tpu.memref_slice %arg2[%dma_wait3A, %dma_wait3A_37] : memref<10240x128xf32, #tpu.memory_space<hbm>> -> memref<10240x128xf32, #tpu.memory_space<hbm>>
      tpu.wait_indirect_dma semaphore(%arg13 : memref<!tpu.dma_semaphore, #tpu.memory_space<semaphore_mem>>) src(%dma_wait3A_38 : memref<10240x128xf32, #tpu.memory_space<hbm>>) dst(%arg9 : memref<80x128xf32, #tpu.memory_space<vmem>>)
      %scan3A_39 = arith.constant 0 : i32
      %scan3A_40 = arith.constant 0 : i32
      %scan3A_41 = arith.constant 80 : i32
      %scan3A_42 = arith.addi %scan3A_40, %scan3A_41 : i32
      %scan3A_43 = arith.constant 2 : i32
      %scan3A_44 = scf.for %scan3A_47 = %scan3A_40 to %scan3A_42 step %scan3A_43 iter_args(%scan3A_48 = %scan3A_39) -> (i32)  : i32 {
        %get3A = arith.index_cast %scan3A_47 : i32 to index
        %get3A_49 = arith.constant 0 : index
        %get3A_50 = tpu.vector_load %arg10[%get3A, %get3A_49] {strides = array<i32>} : memref<80x128xf32, #tpu.memory_space<vmem>>, vector<1x16xf32>,
        %get3A_51 = vector.shape_cast %get3A_50 : vector<1x16xf32> to vector<16xf32>
        %get3A_52 = arith.index_cast %scan3A_47 : i32 to index
        %get3A_53 = arith.constant 0 : index
        %get3A_54 = tpu.vector_load %arg9[%get3A_52, %get3A_53] {strides = array<i32>} : memref<80x128xf32, #tpu.memory_space<vmem>>, vector<1x16xf32>,
        %get3A_55 = vector.shape_cast %get3A_54 : vector<1x16xf32> to vector<16xf32>
        %add3A_56 = arith.addf %get3A_51, %get3A_55 : vector<16xf32>
        %max3A = arith.constant 0.000000e+00 : f32
        %max3A_57 = vector.broadcast %max3A : f32 to vector<16xf32>
        %max3A_58 = arith.maximumf %add3A_56, %max3A_57 : vector<16xf32>
        %swap3A = arith.index_cast %scan3A_47 : i32 to index
        %swap3A_59 = arith.constant 0 : index
        %swap3A_60 = tpu.vector_load %arg10[%swap3A, %swap3A_59] {strides = array<i32>} : memref<80x128xf32, #tpu.memory_space<vmem>>, vector<1x16xf32>,
        %swap3A_61 = vector.shape_cast %swap3A_60 : vector<1x16xf32> to vector<16xf32>
        %swap3A_62 = vector.shape_cast %max3A_58 : vector<16xf32> to vector<1x16xf32>
        tpu.vector_store %arg10[%swap3A, %swap3A_59], %swap3A_62 {strides = array<i32>} : memref<80x128xf32, #tpu.memory_space<vmem>>, vector<1x16xf32>,
        %get3A_63 = arith.index_cast %scan3A_47 : i32 to index
        %get3A_64 = arith.constant 16 : index
        %get3A_65 = tpu.vector_load %arg10[%get3A_63, %get3A_64] {strides = array<i32>} : memref<80x128xf32, #tpu.memory_space<vmem>>, vector<1x16xf32>,
        %get3A_66 = vector.shape_cast %get3A_65 : vector<1x16xf32> to vector<16xf32>
        %get3A_67 = arith.index_cast %scan3A_47 : i32 to index
        %get3A_68 = arith.constant 16 : index
        %get3A_69 = tpu.vector_load %arg9[%get3A_67, %get3A_68] {strides = array<i32>} : memref<80x128xf32, #tpu.memory_space<vmem>>, vector<1x16xf32>,
        %get3A_70 = vector.shape_cast %get3A_69 : vector<1x16xf32> to vector<16xf32>
        %add3A_71 = arith.addf %get3A_66, %get3A_70 : vector<16xf32>
        %max3A_72 = arith.constant 0.000000e+00 : f32
        %max3A_73 = vector.broadcast %max3A_72 : f32 to vector<16xf32>
        %max3A_74 = arith.maximumf %add3A_71, %max3A_73 : vector<16xf32>
        %swap3A_75 = arith.index_cast %scan3A_47 : i32 to index
        %swap3A_76 = arith.constant 16 : index
        %swap3A_77 = tpu.vector_load %arg10[%swap3A_75, %swap3A_76] {strides = array<i32>} : memref<80x128xf32, #tpu.memory_space<vmem>>, vector<1x16xf32>,
        %swap3A_78 = vector.shape_cast %swap3A_77 : vector<1x16xf32> to vector<16xf32>
        %swap3A_79 = vector.shape_cast %max3A_74 : vector<16xf32> to vector<1x16xf32>
        tpu.vector_store %arg10[%swap3A_75, %swap3A_76], %swap3A_79 {strides = array<i32>} : memref<80x128xf32, #tpu.memory_space<vmem>>, vector<1x16xf32>,
        %get3A_80 = arith.index_cast %scan3A_47 : i32 to index
        %get3A_81 = arith.constant 32 : index
        %get3A_82 = tpu.vector_load %arg10[%get3A_80, %get3A_81] {strides = array<i32>} : memref<80x128xf32, #tpu.memory_space<vmem>>, vector<1x16xf32>,
        %get3A_83 = vector.shape_cast %get3A_82 : vector<1x16xf32> to vector<16xf32>
        %get3A_84 = arith.index_cast %scan3A_47 : i32 to index
        %get3A_85 = arith.constant 32 : index
        %get3A_86 = tpu.vector_load %arg9[%get3A_84, %get3A_85] {strides = array<i32>} : memref<80x128xf32, #tpu.memory_space<vmem>>, vector<1x16xf32>,
        %get3A_87 = vector.shape_cast %get3A_86 : vector<1x16xf32> to vector<16xf32>
        %add3A_88 = arith.addf %get3A_83, %get3A_87 : vector<16xf32>
        %max3A_89 = arith.constant 0.000000e+00 : f32
        %max3A_90 = vector.broadcast %max3A_89 : f32 to vector<16xf32>
        %max3A_91 = arith.maximumf %add3A_88, %max3A_90 : vector<16xf32>
        %swap3A_92 = arith.index_cast %scan3A_47 : i32 to index
        %swap3A_93 = arith.constant 32 : index
        %swap3A_94 = tpu.vector_load %arg10[%swap3A_92, %swap3A_93] {strides = array<i32>} : memref<80x128xf32, #tpu.memory_space<vmem>>, vector<1x16xf32>,
        %swap3A_95 = vector.shape_cast %swap3A_94 : vector<1x16xf32> to vector<16xf32>
        %swap3A_96 = vector.shape_cast %max3A_91 : vector<16xf32> to vector<1x16xf32>
        tpu.vector_store %arg10[%swap3A_92, %swap3A_93], %swap3A_96 {strides = array<i32>} : memref<80x128xf32, #tpu.memory_space<vmem>>, vector<1x16xf32>,
        %get3A_97 = arith.index_cast %scan3A_47 : i32 to index
        %get3A_98 = arith.constant 48 : index
        %get3A_99 = tpu.vector_load %arg10[%get3A_97, %get3A_98] {strides = array<i32>} : memref<80x128xf32, #tpu.memory_space<vmem>>, vector<1x16xf32>,
        %get3A_100 = vector.shape_cast %get3A_99 : vector<1x16xf32> to vector<16xf32>
        %get3A_101 = arith.index_cast %scan3A_47 : i32 to index
        %get3A_102 = arith.constant 48 : index
        %get3A_103 = tpu.vector_load %arg9[%get3A_101, %get3A_102] {strides = array<i32>} : memref<80x128xf32, #tpu.memory_space<vmem>>, vector<1x16xf32>,
        %get3A_104 = vector.shape_cast %get3A_103 : vector<1x16xf32> to vector<16xf32>
        %add3A_105 = arith.addf %get3A_100, %get3A_104 : vector<16xf32>
        %max3A_106 = arith.constant 0.000000e+00 : f32
        %max3A_107 = vector.broadcast %max3A_106 : f32 to vector<16xf32>
        %max3A_108 = arith.maximumf %add3A_105, %max3A_107 : vector<16xf32>
        %swap3A_109 = arith.index_cast %scan3A_47 : i32 to index
        %swap3A_110 = arith.constant 48 : index
        %swap3A_111 = tpu.vector_load %arg10[%swap3A_109, %swap3A_110] {strides = array<i32>} : memref<80x128xf32, #tpu.memory_space<vmem>>, vector<1x16xf32>,
        %swap3A_112 = vector.shape_cast %swap3A_111 : vector<1x16xf32> to vector<16xf32>
        %swap3A_113 = vector.shape_cast %max3A_108 : vector<16xf32> to vector<1x16xf32>
        tpu.vector_store %arg10[%swap3A_109, %swap3A_110], %swap3A_113 {strides = array<i32>} : memref<80x128xf32, #tpu.memory_space<vmem>>, vector<1x16xf32>,
        %get3A_114 = arith.index_cast %scan3A_47 : i32 to index
        %get3A_115 = arith.constant 64 : index
        %get3A_116 = tpu.vector_load %arg10[%get3A_114, %get3A_115] {strides = array<i32>} : memref<80x128xf32, #tpu.memory_space<vmem>>, vector<1x16xf32>,
        %get3A_117 = vector.shape_cast %get3A_116 : vector<1x16xf32> to vector<16xf32>
        %get3A_118 = arith.index_cast %scan3A_47 : i32 to index
        %get3A_119 = arith.constant 64 : index
        %get3A_120 = tpu.vector_load %arg9[%get3A_118, %get3A_119] {strides = array<i32>} : memref<80x128xf32, #tpu.memory_space<vmem>>, vector<1x16xf32>,
        %get3A_121 = vector.shape_cast %get3A_120 : vector<1x16xf32> to vector<16xf32>
        %add3A_122 = arith.addf %get3A_117, %get3A_121 : vector<16xf32>
        %max3A_123 = arith.constant 0.000000e+00 : f32
        %max3A_124 = vector.broadcast %max3A_123 : f32 to vector<16xf32>
        %max3A_125 = arith.maximumf %add3A_122, %max3A_124 : vector<16xf32>
        %swap3A_126 = arith.index_cast %scan3A_47 : i32 to index
        %swap3A_127 = arith.constant 64 : index
        %swap3A_128 = tpu.vector_load %arg10[%swap3A_126, %swap3A_127] {strides = array<i32>} : memref<80x128xf32, #tpu.memory_space<vmem>>, vector<1x16xf32>,
        %swap3A_129 = vector.shape_cast %swap3A_128 : vector<1x16xf32> to vector<16xf32>
        %swap3A_130 = vector.shape_cast %max3A_125 : vector<16xf32> to vector<1x16xf32>
        tpu.vector_store %arg10[%swap3A_126, %swap3A_127], %swap3A_130 {strides = array<i32>} : memref<80x128xf32, #tpu.memory_space<vmem>>, vector<1x16xf32>,
        %get3A_131 = arith.index_cast %scan3A_47 : i32 to index
        %get3A_132 = arith.constant 80 : index
        %get3A_133 = tpu.vector_load %arg10[%get3A_131, %get3A_132] {strides = array<i32>} : memref<80x128xf32, #tpu.memory_space<vmem>>, vector<1x16xf32>,
        %get3A_134 = vector.shape_cast %get3A_133 : vector<1x16xf32> to vector<16xf32>
        %get3A_135 = arith.index_cast %scan3A_47 : i32 to index
        %get3A_136 = arith.constant 80 : index
        %get3A_137 = tpu.vector_load %arg9[%get3A_135, %get3A_136] {strides = array<i32>} : memref<80x128xf32, #tpu.memory_space<vmem>>, vector<1x16xf32>,
        %get3A_138 = vector.shape_cast %get3A_137 : vector<1x16xf32> to vector<16xf32>
        %add3A_139 = arith.addf %get3A_134, %get3A_138 : vector<16xf32>
        %max3A_140 = arith.constant 0.000000e+00 : f32
        %max3A_141 = vector.broadcast %max3A_140 : f32 to vector<16xf32>
        %max3A_142 = arith.maximumf %add3A_139, %max3A_141 : vector<16xf32>
        %swap3A_143 = arith.index_cast %scan3A_47 : i32 to index
        %swap3A_144 = arith.constant 80 : index
        %swap3A_145 = tpu.vector_load %arg10[%swap3A_143, %swap3A_144] {strides = array<i32>} : memref<80x128xf32, #tpu.memory_space<vmem>>, vector<1x16xf32>,
        %swap3A_146 = vector.shape_cast %swap3A_145 : vector<1x16xf32> to vector<16xf32>
        %swap3A_147 = vector.shape_cast %max3A_142 : vector<16xf32> to vector<1x16xf32>
        tpu.vector_store %arg10[%swap3A_143, %swap3A_144], %swap3A_147 {strides = array<i32>} : memref<80x128xf32, #tpu.memory_space<vmem>>, vector<1x16xf32>,
        %get3A_148 = arith.index_cast %scan3A_47 : i32 to index
        %get3A_149 = arith.constant 96 : index
        %get3A_150 = tpu.vector_load %arg10[%get3A_148, %get3A_149] {strides = array<i32>} : memref<80x128xf32, #tpu.memory_space<vmem>>, vector<1x16xf32>,
        %get3A_151 = vector.shape_cast %get3A_150 : vector<1x16xf32> to vector<16xf32>
        %get3A_152 = arith.index_cast %scan3A_47 : i32 to index
        %get3A_153 = arith.constant 96 : index
        %get3A_154 = tpu.vector_load %arg9[%get3A_152, %get3A_153] {strides = array<i32>} : memref<80x128xf32, #tpu.memory_space<vmem>>, vector<1x16xf32>,
        %get3A_155 = vector.shape_cast %get3A_154 : vector<1x16xf32> to vector<16xf32>
        %add3A_156 = arith.addf %get3A_151, %get3A_155 : vector<16xf32>
        %max3A_157 = arith.constant 0.000000e+00 : f32
        %max3A_158 = vector.broadcast %max3A_157 : f32 to vector<16xf32>
        %max3A_159 = arith.maximumf %add3A_156, %max3A_158 : vector<16xf32>
        %swap3A_160 = arith.index_cast %scan3A_47 : i32 to index
        %swap3A_161 = arith.constant 96 : index
        %swap3A_162 = tpu.vector_load %arg10[%swap3A_160, %swap3A_161] {strides = array<i32>} : memref<80x128xf32, #tpu.memory_space<vmem>>, vector<1x16xf32>,
        %swap3A_163 = vector.shape_cast %swap3A_162 : vector<1x16xf32> to vector<16xf32>
        %swap3A_164 = vector.shape_cast %max3A_159 : vector<16xf32> to vector<1x16xf32>
        tpu.vector_store %arg10[%swap3A_160, %swap3A_161], %swap3A_164 {strides = array<i32>} : memref<80x128xf32, #tpu.memory_space<vmem>>, vector<1x16xf32>,
        %get3A_165 = arith.index_cast %scan3A_47 : i32 to index
        %get3A_166 = arith.constant 112 : index
        %get3A_167 = tpu.vector_load %arg10[%get3A_165, %get3A_166] {strides = array<i32>} : memref<80x128xf32, #tpu.memory_space<vmem>>, vector<1x16xf32>,
        %get3A_168 = vector.shape_cast %get3A_167 : vector<1x16xf32> to vector<16xf32>
        %get3A_169 = arith.index_cast %scan3A_47 : i32 to index
        %get3A_170 = arith.constant 112 : index
        %get3A_171 = tpu.vector_load %arg9[%get3A_169, %get3A_170] {strides = array<i32>} : memref<80x128xf32, #tpu.memory_space<vmem>>, vector<1x16xf32>,
        %get3A_172 = vector.shape_cast %get3A_171 : vector<1x16xf32> to vector<16xf32>
        %add3A_173 = arith.addf %get3A_168, %get3A_172 : vector<16xf32>
        %max3A_174 = arith.constant 0.000000e+00 : f32
        %max3A_175 = vector.broadcast %max3A_174 : f32 to vector<16xf32>
        %max3A_176 = arith.maximumf %add3A_173, %max3A_175 : vector<16xf32>
        %swap3A_177 = arith.index_cast %scan3A_47 : i32 to index
        %swap3A_178 = arith.constant 112 : index
        %swap3A_179 = tpu.vector_load %arg10[%swap3A_177, %swap3A_178] {strides = array<i32>} : memref<80x128xf32, #tpu.memory_space<vmem>>, vector<1x16xf32>,
        %swap3A_180 = vector.shape_cast %swap3A_179 : vector<1x16xf32> to vector<16xf32>
        %swap3A_181 = vector.shape_cast %max3A_176 : vector<16xf32> to vector<1x16xf32>
        tpu.vector_store %arg10[%swap3A_177, %swap3A_178], %swap3A_181 {strides = array<i32>} : memref<80x128xf32, #tpu.memory_space<vmem>>, vector<1x16xf32>,
        %scan3A_182 = arith.constant 0 : i32
        %scan3A_183 = arith.constant 1 : i32
        %scan3A_184 = arith.addi %scan3A_47, %scan3A_183 : i32
        %get3A_185 = arith.index_cast %scan3A_184 : i32 to index
        %get3A_186 = arith.constant 0 : index
        %get3A_187 = tpu.vector_load %arg10[%get3A_185, %get3A_186] {strides = array<i32>} : memref<80x128xf32, #tpu.memory_space<vmem>>, vector<1x16xf32>,
        %get3A_188 = vector.shape_cast %get3A_187 : vector<1x16xf32> to vector<16xf32>
        %get3A_189 = arith.index_cast %scan3A_184 : i32 to index
        %get3A_190 = arith.constant 0 : index
        %get3A_191 = tpu.vector_load %arg9[%get3A_189, %get3A_190] {strides = array<i32>} : memref<80x128xf32, #tpu.memory_space<vmem>>, vector<1x16xf32>,
        %get3A_192 = vector.shape_cast %get3A_191 : vector<1x16xf32> to vector<16xf32>
        %add3A_193 = arith.addf %get3A_188, %get3A_192 : vector<16xf32>
        %max3A_194 = arith.constant 0.000000e+00 : f32
        %max3A_195 = vector.broadcast %max3A_194 : f32 to vector<16xf32>
        %max3A_196 = arith.maximumf %add3A_193, %max3A_195 : vector<16xf32>
        %swap3A_197 = arith.index_cast %scan3A_184 : i32 to index
        %swap3A_198 = arith.constant 0 : index
        %swap3A_199 = tpu.vector_load %arg10[%swap3A_197, %swap3A_198] {strides = array<i32>} : memref<80x128xf32, #tpu.memory_space<vmem>>, vector<1x16xf32>,
        %swap3A_200 = vector.shape_cast %swap3A_199 : vector<1x16xf32> to vector<16xf32>
        %swap3A_201 = vector.shape_cast %max3A_196 : vector<16xf32> to vector<1x16xf32>
        tpu.vector_store %arg10[%swap3A_197, %swap3A_198], %swap3A_201 {strides = array<i32>} : memref<80x128xf32, #tpu.memory_space<vmem>>, vector<1x16xf32>,
        %get3A_202 = arith.index_cast %scan3A_184 : i32 to index
        %get3A_203 = arith.constant 16 : index
        %get3A_204 = tpu.vector_load %arg10[%get3A_202, %get3A_203] {strides = array<i32>} : memref<80x128xf32, #tpu.memory_space<vmem>>, vector<1x16xf32>,
        %get3A_205 = vector.shape_cast %get3A_204 : vector<1x16xf32> to vector<16xf32>
        %get3A_206 = arith.index_cast %scan3A_184 : i32 to index
        %get3A_207 = arith.constant 16 : index
        %get3A_208 = tpu.vector_load %arg9[%get3A_206, %get3A_207] {strides = array<i32>} : memref<80x128xf32, #tpu.memory_space<vmem>>, vector<1x16xf32>,
        %get3A_209 = vector.shape_cast %get3A_208 : vector<1x16xf32> to vector<16xf32>
        %add3A_210 = arith.addf %get3A_205, %get3A_209 : vector<16xf32>
        %max3A_211 = arith.constant 0.000000e+00 : f32
        %max3A_212 = vector.broadcast %max3A_211 : f32 to vector<16xf32>
        %max3A_213 = arith.maximumf %add3A_210, %max3A_212 : vector<16xf32>
        %swap3A_214 = arith.index_cast %scan3A_184 : i32 to index
        %swap3A_215 = arith.constant 16 : index
        %swap3A_216 = tpu.vector_load %arg10[%swap3A_214, %swap3A_215] {strides = array<i32>} : memref<80x128xf32, #tpu.memory_space<vmem>>, vector<1x16xf32>,
        %swap3A_217 = vector.shape_cast %swap3A_216 : vector<1x16xf32> to vector<16xf32>
        %swap3A_218 = vector.shape_cast %max3A_213 : vector<16xf32> to vector<1x16xf32>
        tpu.vector_store %arg10[%swap3A_214, %swap3A_215], %swap3A_218 {strides = array<i32>} : memref<80x128xf32, #tpu.memory_space<vmem>>, vector<1x16xf32>,
        %get3A_219 = arith.index_cast %scan3A_184 : i32 to index
        %get3A_220 = arith.constant 32 : index
        %get3A_221 = tpu.vector_load %arg10[%get3A_219, %get3A_220] {strides = array<i32>} : memref<80x128xf32, #tpu.memory_space<vmem>>, vector<1x16xf32>,
        %get3A_222 = vector.shape_cast %get3A_221 : vector<1x16xf32> to vector<16xf32>
        %get3A_223 = arith.index_cast %scan3A_184 : i32 to index
        %get3A_224 = arith.constant 32 : index
        %get3A_225 = tpu.vector_load %arg9[%get3A_223, %get3A_224] {strides = array<i32>} : memref<80x128xf32, #tpu.memory_space<vmem>>, vector<1x16xf32>,
        %get3A_226 = vector.shape_cast %get3A_225 : vector<1x16xf32> to vector<16xf32>
        %add3A_227 = arith.addf %get3A_222, %get3A_226 : vector<16xf32>
        %max3A_228 = arith.constant 0.000000e+00 : f32
        %max3A_229 = vector.broadcast %max3A_228 : f32 to vector<16xf32>
        %max3A_230 = arith.maximumf %add3A_227, %max3A_229 : vector<16xf32>
        %swap3A_231 = arith.index_cast %scan3A_184 : i32 to index
        %swap3A_232 = arith.constant 32 : index
        %swap3A_233 = tpu.vector_load %arg10[%swap3A_231, %swap3A_232] {strides = array<i32>} : memref<80x128xf32, #tpu.memory_space<vmem>>, vector<1x16xf32>,
        %swap3A_234 = vector.shape_cast %swap3A_233 : vector<1x16xf32> to vector<16xf32>
        %swap3A_235 = vector.shape_cast %max3A_230 : vector<16xf32> to vector<1x16xf32>
        tpu.vector_store %arg10[%swap3A_231, %swap3A_232], %swap3A_235 {strides = array<i32>} : memref<80x128xf32, #tpu.memory_space<vmem>>, vector<1x16xf32>,
        %get3A_236 = arith.index_cast %scan3A_184 : i32 to index
        %get3A_237 = arith.constant 48 : index
        %get3A_238 = tpu.vector_load %arg10[%get3A_236, %get3A_237] {strides = array<i32>} : memref<80x128xf32, #tpu.memory_space<vmem>>, vector<1x16xf32>,
        %get3A_239 = vector.shape_cast %get3A_238 : vector<1x16xf32> to vector<16xf32>
        %get3A_240 = arith.index_cast %scan3A_184 : i32 to index
        %get3A_241 = arith.constant 48 : index
        %get3A_242 = tpu.vector_load %arg9[%get3A_240, %get3A_241] {strides = array<i32>} : memref<80x128xf32, #tpu.memory_space<vmem>>, vector<1x16xf32>,
        %get3A_243 = vector.shape_cast %get3A_242 : vector<1x16xf32> to vector<16xf32>
        %add3A_244 = arith.addf %get3A_239, %get3A_243 : vector<16xf32>
        %max3A_245 = arith.constant 0.000000e+00 : f32
        %max3A_246 = vector.broadcast %max3A_245 : f32 to vector<16xf32>
        %max3A_247 = arith.maximumf %add3A_244, %max3A_246 : vector<16xf32>
        %swap3A_248 = arith.index_cast %scan3A_184 : i32 to index
        %swap3A_249 = arith.constant 48 : index
        %swap3A_250 = tpu.vector_load %arg10[%swap3A_248, %swap3A_249] {strides = array<i32>} : memref<80x128xf32, #tpu.memory_space<vmem>>, vector<1x16xf32>,
        %swap3A_251 = vector.shape_cast %swap3A_250 : vector<1x16xf32> to vector<16xf32>
        %swap3A_252 = vector.shape_cast %max3A_247 : vector<16xf32> to vector<1x16xf32>
        tpu.vector_store %arg10[%swap3A_248, %swap3A_249], %swap3A_252 {strides = array<i32>} : memref<80x128xf32, #tpu.memory_space<vmem>>, vector<1x16xf32>,
        %get3A_253 = arith.index_cast %scan3A_184 : i32 to index
        %get3A_254 = arith.constant 64 : index
        %get3A_255 = tpu.vector_load %arg10[%get3A_253, %get3A_254] {strides = array<i32>} : memref<80x128xf32, #tpu.memory_space<vmem>>, vector<1x16xf32>,
        %get3A_256 = vector.shape_cast %get3A_255 : vector<1x16xf32> to vector<16xf32>
        %get3A_257 = arith.index_cast %scan3A_184 : i32 to index
        %get3A_258 = arith.constant 64 : index
        %get3A_259 = tpu.vector_load %arg9[%get3A_257, %get3A_258] {strides = array<i32>} : memref<80x128xf32, #tpu.memory_space<vmem>>, vector<1x16xf32>,
        %get3A_260 = vector.shape_cast %get3A_259 : vector<1x16xf32> to vector<16xf32>
        %add3A_261 = arith.addf %get3A_256, %get3A_260 : vector<16xf32>
        %max3A_262 = arith.constant 0.000000e+00 : f32
        %max3A_263 = vector.broadcast %max3A_262 : f32 to vector<16xf32>
        %max3A_264 = arith.maximumf %add3A_261, %max3A_263 : vector<16xf32>
        %swap3A_265 = arith.index_cast %scan3A_184 : i32 to index
        %swap3A_266 = arith.constant 64 : index
        %swap3A_267 = tpu.vector_load %arg10[%swap3A_265, %swap3A_266] {strides = array<i32>} : memref<80x128xf32, #tpu.memory_space<vmem>>, vector<1x16xf32>,
        %swap3A_268 = vector.shape_cast %swap3A_267 : vector<1x16xf32> to vector<16xf32>
        %swap3A_269 = vector.shape_cast %max3A_264 : vector<16xf32> to vector<1x16xf32>
        tpu.vector_store %arg10[%swap3A_265, %swap3A_266], %swap3A_269 {strides = array<i32>} : memref<80x128xf32, #tpu.memory_space<vmem>>, vector<1x16xf32>,
        %get3A_270 = arith.index_cast %scan3A_184 : i32 to index
        %get3A_271 = arith.constant 80 : index
        %get3A_272 = tpu.vector_load %arg10[%get3A_270, %get3A_271] {strides = array<i32>} : memref<80x128xf32, #tpu.memory_space<vmem>>, vector<1x16xf32>,
        %get3A_273 = vector.shape_cast %get3A_272 : vector<1x16xf32> to vector<16xf32>
        %get3A_274 = arith.index_cast %scan3A_184 : i32 to index
        %get3A_275 = arith.constant 80 : index
        %get3A_276 = tpu.vector_load %arg9[%get3A_274, %get3A_275] {strides = array<i32>} : memref<80x128xf32, #tpu.memory_space<vmem>>, vector<1x16xf32>,
        %get3A_277 = vector.shape_cast %get3A_276 : vector<1x16xf32> to vector<16xf32>
        %add3A_278 = arith.addf %get3A_273, %get3A_277 : vector<16xf32>
        %max3A_279 = arith.constant 0.000000e+00 : f32
        %max3A_280 = vector.broadcast %max3A_279 : f32 to vector<16xf32>
        %max3A_281 = arith.maximumf %add3A_278, %max3A_280 : vector<16xf32>
        %swap3A_282 = arith.index_cast %scan3A_184 : i32 to index
        %swap3A_283 = arith.constant 80 : index
        %swap3A_284 = tpu.vector_load %arg10[%swap3A_282, %swap3A_283] {strides = array<i32>} : memref<80x128xf32, #tpu.memory_space<vmem>>, vector<1x16xf32>,
        %swap3A_285 = vector.shape_cast %swap3A_284 : vector<1x16xf32> to vector<16xf32>
        %swap3A_286 = vector.shape_cast %max3A_281 : vector<16xf32> to vector<1x16xf32>
        tpu.vector_store %arg10[%swap3A_282, %swap3A_283], %swap3A_286 {strides = array<i32>} : memref<80x128xf32, #tpu.memory_space<vmem>>, vector<1x16xf32>,
        %get3A_287 = arith.index_cast %scan3A_184 : i32 to index
        %get3A_288 = arith.constant 96 : index
        %get3A_289 = tpu.vector_load %arg10[%get3A_287, %get3A_288] {strides = array<i32>} : memref<80x128xf32, #tpu.memory_space<vmem>>, vector<1x16xf32>,
        %get3A_290 = vector.shape_cast %get3A_289 : vector<1x16xf32> to vector<16xf32>
        %get3A_291 = arith.index_cast %scan3A_184 : i32 to index
        %get3A_292 = arith.constant 96 : index
        %get3A_293 = tpu.vector_load %arg9[%get3A_291, %get3A_292] {strides = array<i32>} : memref<80x128xf32, #tpu.memory_space<vmem>>, vector<1x16xf32>,
        %get3A_294 = vector.shape_cast %get3A_293 : vector<1x16xf32> to vector<16xf32>
        %add3A_295 = arith.addf %get3A_290, %get3A_294 : vector<16xf32>
        %max3A_296 = arith.constant 0.000000e+00 : f32
        %max3A_297 = vector.broadcast %max3A_296 : f32 to vector<16xf32>
        %max3A_298 = arith.maximumf %add3A_295, %max3A_297 : vector<16xf32>
        %swap3A_299 = arith.index_cast %scan3A_184 : i32 to index
        %swap3A_300 = arith.constant 96 : index
        %swap3A_301 = tpu.vector_load %arg10[%swap3A_299, %swap3A_300] {strides = array<i32>} : memref<80x128xf32, #tpu.memory_space<vmem>>, vector<1x16xf32>,
        %swap3A_302 = vector.shape_cast %swap3A_301 : vector<1x16xf32> to vector<16xf32>
        %swap3A_303 = vector.shape_cast %max3A_298 : vector<16xf32> to vector<1x16xf32>
        tpu.vector_store %arg10[%swap3A_299, %swap3A_300], %swap3A_303 {strides = array<i32>} : memref<80x128xf32, #tpu.memory_space<vmem>>, vector<1x16xf32>,
        %get3A_304 = arith.index_cast %scan3A_184 : i32 to index
        %get3A_305 = arith.constant 112 : index
        %get3A_306 = tpu.vector_load %arg10[%get3A_304, %get3A_305] {strides = array<i32>} : memref<80x128xf32, #tpu.memory_space<vmem>>, vector<1x16xf32>,
        %get3A_307 = vector.shape_cast %get3A_306 : vector<1x16xf32> to vector<16xf32>
        %get3A_308 = arith.index_cast %scan3A_184 : i32 to index
        %get3A_309 = arith.constant 112 : index
        %get3A_310 = tpu.vector_load %arg9[%get3A_308, %get3A_309] {strides = array<i32>} : memref<80x128xf32, #tpu.memory_space<vmem>>, vector<1x16xf32>,
        %get3A_311 = vector.shape_cast %get3A_310 : vector<1x16xf32> to vector<16xf32>
        %add3A_312 = arith.addf %get3A_307, %get3A_311 : vector<16xf32>
        %max3A_313 = arith.constant 0.000000e+00 : f32
        %max3A_314 = vector.broadcast %max3A_313 : f32 to vector<16xf32>
        %max3A_315 = arith.maximumf %add3A_312, %max3A_314 : vector<16xf32>
        %swap3A_316 = arith.index_cast %scan3A_184 : i32 to index
        %swap3A_317 = arith.constant 112 : index
        %swap3A_318 = tpu.vector_load %arg10[%swap3A_316, %swap3A_317] {strides = array<i32>} : memref<80x128xf32, #tpu.memory_space<vmem>>, vector<1x16xf32>,
        %swap3A_319 = vector.shape_cast %swap3A_318 : vector<1x16xf32> to vector<16xf32>
        %swap3A_320 = vector.shape_cast %max3A_315 : vector<16xf32> to vector<1x16xf32>
        tpu.vector_store %arg10[%swap3A_316, %swap3A_317], %swap3A_320 {strides = array<i32>} : memref<80x128xf32, #tpu.memory_space<vmem>>, vector<1x16xf32>,
        %scan3A_321 = arith.constant 0 : i32
        scf.yield %scan3A_321 : i32
      }
      %scan3A_45 = arith.constant 80 : i32
      "tpu.region"() ({
        %run_scoped3A = tpu.sem_alloc : memref<!tpu.dma_semaphore, #tpu.memory_space<semaphore_mem>>
        %dma_start3A_47 = arith.constant 0 : i32
        %dma_start3A_48 = arith.constant 0 : i32
        %dma_start3A_49 = tpu.memref_slice %arg12[%dma_start3A_47, %dma_start3A_48] : memref<10240x128xf32, #tpu.memory_space<vmem_shared>> -> memref<10240x128xf32, #tpu.memory_space<vmem_shared>>
        tpu.enqueue_indirect_dma source(%arg10 : memref<80x128xf32, #tpu.memory_space<vmem>>) target(%dma_start3A_49 : memref<10240x128xf32, #tpu.memory_space<vmem_shared>>) offsets(%arg8 : memref<80xi32, #tpu.memory_space<vmem>>) semaphore(%run_scoped3A : memref<!tpu.dma_semaphore, #tpu.memory_space<semaphore_mem>>) {add = true}
        %dma_wait3A_50 = arith.constant 0 : i32
        %dma_wait3A_51 = arith.constant 0 : i32
        %dma_wait3A_52 = tpu.memref_slice %arg12[%dma_wait3A_50, %dma_wait3A_51] : memref<10240x128xf32, #tpu.memory_space<vmem_shared>> -> memref<10240x128xf32, #tpu.memory_space<vmem_shared>>
        tpu.wait_indirect_dma semaphore(%run_scoped3A : memref<!tpu.dma_semaphore, #tpu.memory_space<semaphore_mem>>) src(%arg10 : memref<80x128xf32, #tpu.memory_space<vmem>>) dst(%dma_wait3A_52 : memref<10240x128xf32, #tpu.memory_space<vmem_shared>>)
        tpu.yield
      }) : () -> ()
      %scan3A_46 = arith.constant 0 : i32
      scf.yield %scan3A_46 : i32
    }
    %scan3A_28 = arith.constant 125 : i32
    %barrier3A_29 = arith.constant 0 : index
    tpu.barrier barrier_id(%barrier3A_29)
    "tpu.region"() ({
      %run_scoped3A = tpu.sem_alloc : memref<!tpu.dma_semaphore, #tpu.memory_space<semaphore_mem>>
      %dma_start3A = arith.constant 0 : i32
      %dma_start3A_30 = tpu.memref_slice %arg6[%arg0, %mul3A_9, %dma_start3A] : memref<2x10240x128xf32, #tpu.memory_space<hbm>> -> memref<1x640x128xf32, #tpu.memory_space<hbm>>
      %dma_start3A_31 = tpu.memref_squeeze %dma_start3A_30 : memref<1x640x128xf32, #tpu.memory_space<hbm>> -> memref<640x128xf32, #tpu.memory_space<hbm>>
      %dma_start3A_32 = arith.constant 0 : i32
      %dma_start3A_33 = tpu.memref_slice %arg12[%mul3A_9, %dma_start3A_32] : memref<10240x128xf32, #tpu.memory_space<vmem_shared>> -> memref<640x128xf32, #tpu.memory_space<vmem_shared>>
      tpu.enqueue_dma source(%dma_start3A_33 : memref<640x128xf32, #tpu.memory_space<vmem_shared>>) target(%dma_start3A_31 : memref<640x128xf32, #tpu.memory_space<hbm>>) target_semaphore(%run_scoped3A : memref<!tpu.dma_semaphore, #tpu.memory_space<semaphore_mem>>)
      %dma_wait3A = arith.constant 0 : i32
      %dma_wait3A_34 = tpu.memref_slice %arg6[%arg0, %mul3A_9, %dma_wait3A] : memref<2x10240x128xf32, #tpu.memory_space<hbm>> -> memref<1x640x128xf32, #tpu.memory_space<hbm>>
      %dma_wait3A_35 = tpu.memref_squeeze %dma_wait3A_34 : memref<1x640x128xf32, #tpu.memory_space<hbm>> -> memref<640x128xf32, #tpu.memory_space<hbm>>
      %dma_wait3A_36 = arith.constant 0 : i32
      %dma_wait3A_37 = tpu.memref_slice %arg12[%mul3A_9, %dma_wait3A_36] : memref<10240x128xf32, #tpu.memory_space<vmem_shared>> -> memref<640x128xf32, #tpu.memory_space<vmem_shared>>
      tpu.wait_dma2 semaphore(%run_scoped3A : memref<!tpu.dma_semaphore, #tpu.memory_space<semaphore_mem>>) src(%dma_wait3A_37 : memref<640x128xf32, #tpu.memory_space<vmem_shared>>) dst(%dma_wait3A_35 : memref<640x128xf32, #tpu.memory_space<hbm>>)
      tpu.yield
    }) : () -> ()
    return
  }
}

module attributes {stable_mosaic.version = 14 : i64} {
  func.func @_edge_enc_body(%arg0: i32, %arg1: memref<8000x16xf32, #tpu.memory_space<vmem>>, %arg2: memref<16x128xf32, #tpu.memory_space<vmem>>, %arg3: memref<1x128xf32, #tpu.memory_space<vmem>>, %arg4: memref<8000x128xf32, #tpu.memory_space<vmem>>) attributes {dimension_semantics = [#tpu.dimension_semantics<arbitrary>], iteration_bounds = array<i64: 40>, scalar_prefetch = 0 : i64, scratch_operands = 0 : i64, tpu.core_type = #tpu.core_type<tc>, window_params = [{transform_indices = @transform_0, window_bounds = array<i64: 8000, 16>}, {pipeline_mode = #tpu.pipeline_mode<synchronous>, transform_indices = @transform_1, window_bounds = array<i64: 16, 128>}, {pipeline_mode = #tpu.pipeline_mode<synchronous>, transform_indices = @transform_2, window_bounds = array<i64: 1, 128>}, {transform_indices = @transform_3, window_bounds = array<i64: 8000, 128>}]} {
    %get3A = arith.constant 0 : index
    %get3A_0 = arith.constant 0 : index
    %get3A_1 = vector.load %arg1[%get3A, %get3A_0] : memref<8000x16xf32, #tpu.memory_space<vmem>>, vector<8000x16xf32>
    %get3A_2 = arith.constant 0 : index
    %get3A_3 = arith.constant 0 : index
    %get3A_4 = vector.load %arg2[%get3A_2, %get3A_3] : memref<16x128xf32, #tpu.memory_space<vmem>>, vector<16x128xf32>
    %dot_general3A = arith.constant dense<0.000000e+00> : vector<8000x128xf32>
    %dot_general3A_5 = tpu.matmul %get3A_1, %get3A_4, %dot_general3A {dimension_numbers = #tpu.dot_dimension_numbers<[1], [0], [0], [1], [0, 0, 1, 1], [], []>, transpose_lhs_hint = false} : vector<8000x16xf32>, vector<16x128xf32>, vector<8000x128xf32> -> vector<8000x128xf32>
    %get3A_6 = arith.constant 0 : index
    %get3A_7 = arith.constant 0 : index
    %get3A_8 = vector.load %arg3[%get3A_6, %get3A_7] : memref<1x128xf32, #tpu.memory_space<vmem>>, vector<1x128xf32>
    %add3A = vector.broadcast %get3A_8 : vector<1x128xf32> to vector<8000x128xf32>
    %add3A_9 = arith.addf %dot_general3A_5, %add3A : vector<8000x128xf32>
    %swap3A = arith.constant 0 : index
    %swap3A_10 = arith.constant 0 : index
    %swap3A_11 = vector.load %arg4[%swap3A, %swap3A_10] : memref<8000x128xf32, #tpu.memory_space<vmem>>, vector<8000x128xf32>
    tpu.vector_store %arg4[%swap3A, %swap3A_10], %add3A_9 {strides = array<i32>} : memref<8000x128xf32, #tpu.memory_space<vmem>>, vector<8000x128xf32>,
    return
  }
  func.func @transform_0(%arg0: i32) -> (i32, i32) {
    %c0_i32 = arith.constant 0 : i32
    %c0_i32_0 = arith.constant 0 : i32
    return %arg0, %c0_i32 : i32, i32
  }
  func.func @transform_1(%arg0: i32) -> (i32, i32) {
    %c0_i32 = arith.constant 0 : i32
    %c0_i32_0 = arith.constant 0 : i32
    %c0_i32_1 = arith.constant 0 : i32
    return %c0_i32, %c0_i32_0 : i32, i32
  }
  func.func @transform_2(%arg0: i32) -> (i32, i32) {
    %c0_i32 = arith.constant 0 : i32
    %c0_i32_0 = arith.constant 0 : i32
    %c0_i32_1 = arith.constant 0 : i32
    return %c0_i32, %c0_i32_0 : i32, i32
  }
  func.func @transform_3(%arg0: i32) -> (i32, i32) {
    %c0_i32 = arith.constant 0 : i32
    %c0_i32_0 = arith.constant 0 : i32
    return %arg0, %c0_i32 : i32, i32
  }
}

module attributes {stable_mosaic.version = 14 : i64} {
  func.func @_mlp_body(%arg0: i32, %arg1: memref<1xf32, #tpu.memory_space<smem>>, %arg2: memref<2048x128xf32, #tpu.memory_space<vmem>>, %arg3: memref<2x2048x128xf32, #tpu.memory_space<vmem>>, %arg4: memref<128x256xf32, #tpu.memory_space<vmem>>, %arg5: memref<1x256xf32, #tpu.memory_space<vmem>>, %arg6: memref<256x128xf32, #tpu.memory_space<vmem>>, %arg7: memref<1x128xf32, #tpu.memory_space<vmem>>, %arg8: memref<2048x128xf32, #tpu.memory_space<vmem>>) attributes {dimension_semantics = [#tpu.dimension_semantics<arbitrary>], iteration_bounds = array<i64: 5>, scalar_prefetch = 0 : i64, scratch_operands = 0 : i64, tpu.core_type = #tpu.core_type<tc>, window_params = [{transform_indices = @transform_0, window_bounds = array<i64: 1>}, {transform_indices = @transform_1, window_bounds = array<i64: 2048, 128>}, {transform_indices = @transform_2, window_bounds = array<i64: 2, 2048, 128>}, {pipeline_mode = #tpu.pipeline_mode<synchronous>, transform_indices = @transform_3, window_bounds = array<i64: 128, 256>}, {pipeline_mode = #tpu.pipeline_mode<synchronous>, transform_indices = @transform_4, window_bounds = array<i64: 1, 256>}, {pipeline_mode = #tpu.pipeline_mode<synchronous>, transform_indices = @transform_5, window_bounds = array<i64: 256, 128>}, {pipeline_mode = #tpu.pipeline_mode<synchronous>, transform_indices = @transform_6, window_bounds = array<i64: 1, 128>}, {transform_indices = @transform_7, window_bounds = array<i64: 2048, 128>}]} {
    %get3A = arith.constant 0 : index
    %get3A_0 = memref.load %arg1[%get3A] : memref<1xf32, #tpu.memory_space<smem>>
    %add3A = arith.constant 1.000000e+00 : f32
    %add3A_1 = arith.addf %add3A, %get3A_0 : f32
    %get3A_2 = arith.constant 0 : index
    %get3A_3 = arith.constant 0 : index
    %get3A_4 = vector.load %arg2[%get3A_2, %get3A_3] : memref<2048x128xf32, #tpu.memory_space<vmem>>, vector<2048x128xf32>
    %mul3A = vector.broadcast %add3A_1 : f32 to vector<2048x128xf32>
    %mul3A_5 = arith.mulf %mul3A, %get3A_4 : vector<2048x128xf32>
    %get3A_6 = arith.constant 0 : index
    %get3A_7 = arith.constant 0 : index
    %get3A_8 = arith.constant 0 : index
    %get3A_9 = vector.load %arg3[%get3A_6, %get3A_7, %get3A_8] : memref<2x2048x128xf32, #tpu.memory_space<vmem>>, vector<1x2048x128xf32>
    %get3A_10 = vector.shape_cast %get3A_9 : vector<1x2048x128xf32> to vector<2048x128xf32>
    %add3A_11 = arith.addf %mul3A_5, %get3A_10 : vector<2048x128xf32>
    %get3A_12 = arith.constant 1 : index
    %get3A_13 = arith.constant 0 : index
    %get3A_14 = arith.constant 0 : index
    %get3A_15 = vector.load %arg3[%get3A_12, %get3A_13, %get3A_14] : memref<2x2048x128xf32, #tpu.memory_space<vmem>>, vector<1x2048x128xf32>
    %get3A_16 = vector.shape_cast %get3A_15 : vector<1x2048x128xf32> to vector<2048x128xf32>
    %add3A_17 = arith.addf %add3A_11, %get3A_16 : vector<2048x128xf32>
    %get3A_18 = arith.constant 0 : index
    %get3A_19 = arith.constant 0 : index
    %get3A_20 = vector.load %arg4[%get3A_18, %get3A_19] : memref<128x256xf32, #tpu.memory_space<vmem>>, vector<128x256xf32>
    %dot_general3A = arith.constant dense<0.000000e+00> : vector<2048x256xf32>
    %dot_general3A_21 = tpu.matmul %add3A_17, %get3A_20, %dot_general3A {dimension_numbers = #tpu.dot_dimension_numbers<[1], [0], [0], [1], [0, 0, 1, 1], [], []>, transpose_lhs_hint = false} : vector<2048x128xf32>, vector<128x256xf32>, vector<2048x256xf32> -> vector<2048x256xf32>
    %get3A_22 = arith.constant 0 : index
    %get3A_23 = arith.constant 0 : index
    %get3A_24 = vector.load %arg5[%get3A_22, %get3A_23] : memref<1x256xf32, #tpu.memory_space<vmem>>, vector<1x256xf32>
    %add3A_25 = vector.broadcast %get3A_24 : vector<1x256xf32> to vector<2048x256xf32>
    %add3A_26 = arith.addf %dot_general3A_21, %add3A_25 : vector<2048x256xf32>
    %max3A = arith.constant 0.000000e+00 : f32
    %max3A_27 = vector.broadcast %max3A : f32 to vector<2048x256xf32>
    %max3A_28 = arith.maximumf %add3A_26, %max3A_27 : vector<2048x256xf32>
    %get3A_29 = arith.constant 0 : index
    %get3A_30 = arith.constant 0 : index
    %get3A_31 = vector.load %arg6[%get3A_29, %get3A_30] : memref<256x128xf32, #tpu.memory_space<vmem>>, vector<256x128xf32>
    %dot_general3A_32 = arith.constant dense<0.000000e+00> : vector<2048x128xf32>
    %dot_general3A_33 = tpu.matmul %max3A_28, %get3A_31, %dot_general3A_32 {dimension_numbers = #tpu.dot_dimension_numbers<[1], [0], [0], [1], [0, 0, 1, 1], [], []>, transpose_lhs_hint = false} : vector<2048x256xf32>, vector<256x128xf32>, vector<2048x128xf32> -> vector<2048x128xf32>
    %get3A_34 = arith.constant 0 : index
    %get3A_35 = arith.constant 0 : index
    %get3A_36 = vector.load %arg7[%get3A_34, %get3A_35] : memref<1x128xf32, #tpu.memory_space<vmem>>, vector<1x128xf32>
    %add3A_37 = vector.broadcast %get3A_36 : vector<1x128xf32> to vector<2048x128xf32>
    %add3A_38 = arith.addf %dot_general3A_33, %add3A_37 : vector<2048x128xf32>
    %swap3A = arith.constant 0 : index
    %swap3A_39 = arith.constant 0 : index
    %swap3A_40 = vector.load %arg8[%swap3A, %swap3A_39] : memref<2048x128xf32, #tpu.memory_space<vmem>>, vector<2048x128xf32>
    tpu.vector_store %arg8[%swap3A, %swap3A_39], %add3A_38 {strides = array<i32>} : memref<2048x128xf32, #tpu.memory_space<vmem>>, vector<2048x128xf32>,
    return
  }
  func.func @transform_0(%arg0: i32) -> i32 {
    %c0_i32 = arith.constant 0 : i32
    %c0_i32_0 = arith.constant 0 : i32
    return %c0_i32 : i32
  }
  func.func @transform_1(%arg0: i32) -> (i32, i32) {
    %c0_i32 = arith.constant 0 : i32
    %c0_i32_0 = arith.constant 0 : i32
    return %arg0, %c0_i32 : i32, i32
  }
  func.func @transform_2(%arg0: i32) -> (i32, i32, i32) {
    %c0_i32 = arith.constant 0 : i32
    %c0_i32_0 = arith.constant 0 : i32
    %c0_i32_1 = arith.constant 0 : i32
    return %c0_i32, %arg0, %c0_i32_0 : i32, i32, i32
  }
  func.func @transform_3(%arg0: i32) -> (i32, i32) {
    %c0_i32 = arith.constant 0 : i32
    %c0_i32_0 = arith.constant 0 : i32
    %c0_i32_1 = arith.constant 0 : i32
    return %c0_i32, %c0_i32_0 : i32, i32
  }
  func.func @transform_4(%arg0: i32) -> (i32, i32) {
    %c0_i32 = arith.constant 0 : i32
    %c0_i32_0 = arith.constant 0 : i32
    %c0_i32_1 = arith.constant 0 : i32
    return %c0_i32, %c0_i32_0 : i32, i32
  }
  func.func @transform_5(%arg0: i32) -> (i32, i32) {
    %c0_i32 = arith.constant 0 : i32
    %c0_i32_0 = arith.constant 0 : i32
    %c0_i32_1 = arith.constant 0 : i32
    return %c0_i32, %c0_i32_0 : i32, i32
  }
  func.func @transform_6(%arg0: i32) -> (i32, i32) {
    %c0_i32 = arith.constant 0 : i32
    %c0_i32_0 = arith.constant 0 : i32
    %c0_i32_1 = arith.constant 0 : i32
    return %c0_i32, %c0_i32_0 : i32, i32
  }
  func.func @transform_7(%arg0: i32) -> (i32, i32) {
    %c0_i32 = arith.constant 0 : i32
    %c0_i32_0 = arith.constant 0 : i32
    return %arg0, %c0_i32 : i32, i32
  }
}

module attributes {stable_mosaic.version = 14 : i64} {
  func.func @_pool_body(%arg0: i32, %arg1: memref<2048x128xf32, #tpu.memory_space<vmem>>, %arg2: memref<1x1x2048xi32, #tpu.memory_space<vmem>>, %arg3: memref<128x64xf32, #tpu.memory_space<vmem>>, %arg4: memref<1x64xf32, #tpu.memory_space<vmem>>, %arg5: memref<64x64xf32, #tpu.memory_space<vmem>>, %arg6: memref<1x64xf32, #tpu.memory_space<vmem>>, %arg7: memref<64x64xf32, #tpu.memory_space<vmem>>, %arg8: memref<64x128xf32, #tpu.memory_space<vmem>>) attributes {dimension_semantics = [#tpu.dimension_semantics<arbitrary>], iteration_bounds = array<i64: 5>, scalar_prefetch = 0 : i64, scratch_operands = 1 : i64, tpu.core_type = #tpu.core_type<tc>, window_params = [{transform_indices = @transform_0, window_bounds = array<i64: 2048, 128>}, {transform_indices = @transform_1, window_bounds = array<i64: 1, 1, 2048>}, {pipeline_mode = #tpu.pipeline_mode<synchronous>, transform_indices = @transform_2, window_bounds = array<i64: 128, 64>}, {pipeline_mode = #tpu.pipeline_mode<synchronous>, transform_indices = @transform_3, window_bounds = array<i64: 1, 64>}, {pipeline_mode = #tpu.pipeline_mode<synchronous>, transform_indices = @transform_4, window_bounds = array<i64: 64, 64>}, {pipeline_mode = #tpu.pipeline_mode<synchronous>, transform_indices = @transform_5, window_bounds = array<i64: 1, 64>}, {pipeline_mode = #tpu.pipeline_mode<synchronous>, transform_indices = @transform_6, window_bounds = array<i64: 64, 64>}]} {
    %eq3A = arith.constant 0 : i32
    %eq3A_0 = arith.cmpi eq, %arg0, %eq3A : i32
    %convert_element_type3A = arith.extui %eq3A_0 : i1 to i32
    %cond3A = arith.constant 0 : i32
    %cond3A_1 = arith.cmpi ne, %convert_element_type3A, %cond3A : i32
    scf.if %cond3A_1 {
      %broadcast_in_dim3A_24 = arith.constant 0.000000e+00 : f32
      %broadcast_in_dim3A_25 = vector.broadcast %broadcast_in_dim3A_24 : f32 to vector<64x128xf32>
      %swap3A_26 = arith.constant 0 : index
      %swap3A_27 = arith.constant 0 : index
      %swap3A_28 = vector.load %arg8[%swap3A_26, %swap3A_27] : memref<64x128xf32, #tpu.memory_space<vmem>>, vector<64x128xf32>
      tpu.vector_store %arg8[%swap3A_26, %swap3A_27], %broadcast_in_dim3A_25 {strides = array<i32>} : memref<64x128xf32, #tpu.memory_space<vmem>>, vector<64x128xf32>,
    } else {
    }
    %iota3A = tpu.iota {dimensions = array<i32: 0>} : vector<64x2048xi32>
    %get3A = arith.constant 0 : index
    %get3A_2 = arith.constant 0 : index
    %get3A_3 = arith.constant 0 : index
    %get3A_4 = vector.load %arg2[%get3A, %get3A_2, %get3A_3] : memref<1x1x2048xi32, #tpu.memory_space<vmem>>, vector<1x1x2048xi32>
    %get3A_5 = vector.shape_cast %get3A_4 : vector<1x1x2048xi32> to vector<2048xi32>
    %broadcast_in_dim3A = vector.shape_cast %get3A_5 : vector<2048xi32> to vector<1x2048xi32>
    %eq3A_6 = vector.broadcast %broadcast_in_dim3A : vector<1x2048xi32> to vector<64x2048xi32>
    %eq3A_7 = arith.cmpi eq, %iota3A, %eq3A_6 : vector<64x2048xi32>
    %convert_element_type3A_8 = arith.extui %eq3A_7 : vector<64x2048xi1> to vector<64x2048xi32>
    %convert_element_type3A_9 = arith.sitofp %convert_element_type3A_8 : vector<64x2048xi32> to vector<64x2048xf32>
    %get3A_10 = arith.constant 0 : index
    %get3A_11 = arith.constant 0 : index
    %get3A_12 = vector.load %arg8[%get3A_10, %get3A_11] : memref<64x128xf32, #tpu.memory_space<vmem>>, vector<64x128xf32>
    %get3A_13 = arith.constant 0 : index
    %get3A_14 = arith.constant 0 : index
    %get3A_15 = vector.load %arg1[%get3A_13, %get3A_14] : memref<2048x128xf32, #tpu.memory_space<vmem>>, vector<2048x128xf32>
    %dot_general3A = arith.constant dense<0.000000e+00> : vector<64x128xf32>
    %dot_general3A_16 = tpu.matmul %convert_element_type3A_9, %get3A_15, %dot_general3A {dimension_numbers = #tpu.dot_dimension_numbers<[1], [0], [0], [1], [0, 0, 1, 1], [], []>, transpose_lhs_hint = false} : vector<64x2048xf32>, vector<2048x128xf32>, vector<64x128xf32> -> vector<64x128xf32>
    %add3A = arith.addf %get3A_12, %dot_general3A_16 : vector<64x128xf32>
    %swap3A = arith.constant 0 : index
    %swap3A_17 = arith.constant 0 : index
    %swap3A_18 = vector.load %arg8[%swap3A, %swap3A_17] : memref<64x128xf32, #tpu.memory_space<vmem>>, vector<64x128xf32>
    tpu.vector_store %arg8[%swap3A, %swap3A_17], %add3A {strides = array<i32>} : memref<64x128xf32, #tpu.memory_space<vmem>>, vector<64x128xf32>,
    %eq3A_19 = arith.constant 4 : i32
    %eq3A_20 = arith.cmpi eq, %arg0, %eq3A_19 : i32
    %convert_element_type3A_21 = arith.extui %eq3A_20 : i1 to i32
    %cond3A_22 = arith.constant 0 : i32
    %cond3A_23 = arith.cmpi ne, %convert_element_type3A_21, %cond3A_22 : i32
    scf.if %cond3A_23 {
      %get3A_24 = arith.constant 0 : index
      %get3A_25 = arith.constant 0 : index
      %get3A_26 = vector.load %arg8[%get3A_24, %get3A_25] : memref<64x128xf32, #tpu.memory_space<vmem>>, vector<64x128xf32>
      %get3A_27 = arith.constant 0 : index
      %get3A_28 = arith.constant 0 : index
      %get3A_29 = vector.load %arg3[%get3A_27, %get3A_28] : memref<128x64xf32, #tpu.memory_space<vmem>>, vector<128x64xf32>
      %dot_general3A_30 = arith.constant dense<0.000000e+00> : vector<64x64xf32>
      %dot_general3A_31 = tpu.matmul %get3A_26, %get3A_29, %dot_general3A_30 {dimension_numbers = #tpu.dot_dimension_numbers<[1], [0], [0], [1], [0, 0, 1, 1], [], []>, transpose_lhs_hint = false} : vector<64x128xf32>, vector<128x64xf32>, vector<64x64xf32> -> vector<64x64xf32>
      %get3A_32 = arith.constant 0 : index
      %get3A_33 = arith.constant 0 : index
      %get3A_34 = vector.load %arg4[%get3A_32, %get3A_33] : memref<1x64xf32, #tpu.memory_space<vmem>>, vector<1x64xf32>
      %add3A_35 = vector.broadcast %get3A_34 : vector<1x64xf32> to vector<64x64xf32>
      %add3A_36 = arith.addf %dot_general3A_31, %add3A_35 : vector<64x64xf32>
      %max3A = arith.constant 0.000000e+00 : f32
      %max3A_37 = vector.broadcast %max3A : f32 to vector<64x64xf32>
      %max3A_38 = arith.maximumf %add3A_36, %max3A_37 : vector<64x64xf32>
      %get3A_39 = arith.constant 0 : index
      %get3A_40 = arith.constant 0 : index
      %get3A_41 = vector.load %arg5[%get3A_39, %get3A_40] : memref<64x64xf32, #tpu.memory_space<vmem>>, vector<64x64xf32>
      %dot_general3A_42 = arith.constant dense<0.000000e+00> : vector<64x64xf32>
      %dot_general3A_43 = tpu.matmul %max3A_38, %get3A_41, %dot_general3A_42 {dimension_numbers = #tpu.dot_dimension_numbers<[1], [0], [0], [1], [0, 0, 1, 1], [], []>, transpose_lhs_hint = false} : vector<64x64xf32>, vector<64x64xf32>, vector<64x64xf32> -> vector<64x64xf32>
      %get3A_44 = arith.constant 0 : index
      %get3A_45 = arith.constant 0 : index
      %get3A_46 = vector.load %arg6[%get3A_44, %get3A_45] : memref<1x64xf32, #tpu.memory_space<vmem>>, vector<1x64xf32>
      %add3A_47 = vector.broadcast %get3A_46 : vector<1x64xf32> to vector<64x64xf32>
      %add3A_48 = arith.addf %dot_general3A_43, %add3A_47 : vector<64x64xf32>
      %swap3A_49 = arith.constant 0 : index
      %swap3A_50 = arith.constant 0 : index
      %swap3A_51 = vector.load %arg7[%swap3A_49, %swap3A_50] : memref<64x64xf32, #tpu.memory_space<vmem>>, vector<64x64xf32>
      tpu.vector_store %arg7[%swap3A_49, %swap3A_50], %add3A_48 {strides = array<i32>} : memref<64x64xf32, #tpu.memory_space<vmem>>, vector<64x64xf32>,
    } else {
    }
    return
  }
  func.func @transform_0(%arg0: i32) -> (i32, i32) {
    %c0_i32 = arith.constant 0 : i32
    %c0_i32_0 = arith.constant 0 : i32
    return %arg0, %c0_i32 : i32, i32
  }
  func.func @transform_1(%arg0: i32) -> (i32, i32, i32) {
    %c0_i32 = arith.constant 0 : i32
    %c0_i32_0 = arith.constant 0 : i32
    %c0_i32_1 = arith.constant 0 : i32
    return %arg0, %c0_i32, %c0_i32_0 : i32, i32, i32
  }
  func.func @transform_2(%arg0: i32) -> (i32, i32) {
    %c0_i32 = arith.constant 0 : i32
    %c0_i32_0 = arith.constant 0 : i32
    %c0_i32_1 = arith.constant 0 : i32
    return %c0_i32, %c0_i32_0 : i32, i32
  }
  func.func @transform_3(%arg0: i32) -> (i32, i32) {
    %c0_i32 = arith.constant 0 : i32
    %c0_i32_0 = arith.constant 0 : i32
    %c0_i32_1 = arith.constant 0 : i32
    return %c0_i32, %c0_i32_0 : i32, i32
  }
  func.func @transform_4(%arg0: i32) -> (i32, i32) {
    %c0_i32 = arith.constant 0 : i32
    %c0_i32_0 = arith.constant 0 : i32
    %c0_i32_1 = arith.constant 0 : i32
    return %c0_i32, %c0_i32_0 : i32, i32
  }
  func.func @transform_5(%arg0: i32) -> (i32, i32) {
    %c0_i32 = arith.constant 0 : i32
    %c0_i32_0 = arith.constant 0 : i32
    %c0_i32_1 = arith.constant 0 : i32
    return %c0_i32, %c0_i32_0 : i32, i32
  }
  func.func @transform_6(%arg0: i32) -> (i32, i32) {
    %c0_i32 = arith.constant 0 : i32
    %c0_i32_0 = arith.constant 0 : i32
    %c0_i32_1 = arith.constant 0 : i32
    return %c0_i32, %c0_i32_0 : i32, i32
  }
}

</mosaic_0001>

<sc_bundles>
// kernel: kernel.18.cloned.1.call-start
scs
__scs_entry_jumppad:
0x0: {  	(pc) =	sbr.rel $0x88, $3  }
0x1: {  	(tag) =	ssettag $0x0;
	lr =	simm.s32 $0x1  }
0x2: {  	[smem:$0x3F90] =	sst lr;
	_ =	strace $0xD0000000  }
0x3: {  	_ = 	snop  }
0x4: {  	_ = 	snop  }
0x5: {  	_ = 	snop  }
0x6: {  	_ = 	snop  }
0x7: {  	_ = 	snop  }
__scs_overlays_trampoline_lowered:
0x8: {  	[smem:$0x3F9F] =	sst s0  }
0x9: {  	[smem:$0x3FA0] =	sst s1  }
0xa: {  	[smem:$0x3FA1] =	sst s2  }
0xb: {  	[smem:$0x3FA2] =	sst s3  }
0xc: {  	[smem:$0x3FA3] =	sst s4  }
0xd: {  	[smem:$0x3FA4] =	sst s5  }
0xe: {  	[smem:$0x3FA5] =	sst s6  }
0xf: {  	[smem:$0x3FA6] =	sst s7  }
0x10: {  	[smem:$0x3FA7] =	sst s8  }
0x11: {  	[smem:$0x3FA8] =	sst s9;
	s0 =	simm.s32 @!p0 $0x0  }
0x12: {  	s1 =	sld [smem:$0x3F8E];
	s0 =	simm.s32 @p0 $0x1  }
0x13: {  	[smem:$0x3FA9] =	sst s0;
	s0 =	simm.s32 @!p1 $0x0  }
0x14: {  	s2 =	sld [smem:$0x3F8D];
	s0 =	simm.s32 @p1 $0x1  }
0x15: {  	[smem:$0x3FAA] =	sst s0;
	s0 =	simm.s32 @!p2 $0x0  }
0x16: {  	s3 =	sld [smem:$0x3FDB];
	s0 =	simm.s32 @p2 $0x1  }
0x17: {  	s4 =	simm.s32 $0x1BF5;
	[smem:$0x3FAC] =	sst s0  }
0x18: {  	s0 =	sld [smem:$0x3F8F];
	_ =	swait.ge [sflag:s4], $0x0  }
0x19: {  	s7 =	sld [smem:$0x3F90]  }
0x1a: {  	s8 =	sadd.s32 $0xFFFFE003, lr  }
0x1b: {  	s9 =	sadd.s32 $0xFFFFFEF7, lr;
	s5 =	simm.s32 $0xFFFFFFFF;
	p2 =	slt.u32 s8, $0xFFFFF086  }
0x1c: {  	p1 =	slt.u32 s9, $0xF7A;
	s5 =	simm.s32 @!p2 $0x0  }
0x1d: {  	s5 =	simm.s32 @p1 $0x1;
	p0 =	seq.s32 s7, s2  }
0x1e: {  	s7 =	smul.u32 @!p0 $0xF7A, s2;
	p2 =	seq.s32 @!p0 s5, $0x0  }
0x1f: {  	s9 =	smul.u32 $0xF7A, s1;
	s8 =	simm.s32 @!p0 $0x1BF5;
	p2 =	por !p2, p0  }
0x20: {  	[sflag:s8] =	ssyncset.s32 @!p0 $0xFFFFF086;
	s6 =	sadd.s32 @!p0 s3, s7;
	s7 =	simm.s32 @!p0 $0x108  }
0x21: {  	s3 =	sadd.s32 s3, s9;
	s6 =	sadd.s32 @!p0 $0x88, s6;
	s7 =	simm.s32 @p2 $0x1082  }
0x22: {  	[simem:s7], [sflag:s8] =	dma.local @!p0 [hbm:s6], $0xF7A  }
0x23: {  	s9 =	sor.u32 $0xD0000000, s2;
	s6 =	simm.s32 $0x108;
	_ =	swait.ge @!p0 [sflag:s8], $0x0  }
0x24: {  	s3 =	sadd.s32 $0x88, s3;
	s6 =	simm.s32 @!p1 $0x1082;
	[sflag:s4] =	ssyncset.s32 $0xFFFFF086  }
0x25: {  	[simem:s6], [sflag:s4] =	dma.local [hbm:s3], $0xF7A  }
0x26: {  	[smem:$0x3F90] =	sst s1;
	(tag) =	ssettag s2;
	_ =	strace s9  }
0x27: {  	s1 =	sld [smem:$0x3FA0]  }
0x28: {  	s2 =	sld [smem:$0x3FA1]  }
0x29: {  	s4 =	sld [smem:$0x3FA3]  }
0x2a: {  	p0 =	seq.s32 s5, $0x0;
	s5 =	sld [smem:$0x3FA4]  }
0x2b: {  	s6 =	sld [smem:$0x3FA5]  }
0x2c: {  	s7 =	sld [smem:$0x3FA6]  }
0x2d: {  	s3 =	simm.s32 $0x108;
	s8 =	sld [smem:$0x3FA7]  }
0x2e: {  	s3 =	simm.s32 @!p0 $0x1082;
	s9 =	sld [smem:$0x3FA8]  }
0x2f: {  	lr =	sadd.s32 s0, s3;
	s0 =	sld [smem:$0x3F9F]  }
0x30: {  	s3 =	sld [smem:$0x3FA2]  }
0x31: {  	[smem:$0x3FAB] =	sst s10  }
0x32: {  	s10 =	sld [smem:$0x3FA9];
	_ =	sdelay $0x3  }
0x33: {  	p0 =	seq.s32 s10, $0x1;
	s10 =	sld [smem:$0x3FAB];
	_ =	sdelay $0x3  }
0x34: {  	[smem:$0x3FAB] =	sst s10  }
0x35: {  	s10 =	sld [smem:$0x3FAA];
	_ =	sdelay $0x3  }
0x36: {  	p1 =	seq.s32 s10, $0x1;
	s10 =	sld [smem:$0x3FAB];
	_ =	sdelay $0x3  }
0x37: {  	[smem:$0x3FAB] =	sst s10  }
0x38: {  	s10 =	sld [smem:$0x3FAC]  }
0x39: {  	_ = 	snop;
	(pc) =	sbr.ind lr, $3  }
0x3a: {  	_ = 	snop  }
0x3b: {  	_ = 	snop  }
0x3c: {  	p2 =	seq.s32 s10, $0x1;
	s10 =	sld [smem:$0x3FAB]  }
0x3d: {  	_ =	shalt  }
0x3e: {  	_ =	shalt  }
0x3f: {  	_ =	shalt  }
0x40: {  	_ =	shalt  }
0x41: {  	_ =	shalt  }
0x42: {  	_ =	shalt  }
0x43: {  	_ =	shalt  }
0x44: {  	_ =	shalt  }
0x45: {  	_ =	shalt  }
0x46: {  	_ =	shalt  }
0x47: {  	_ =	shalt  }
0x48: {  	_ =	shalt  }
0x49: {  	_ =	shalt  }
0x4a: {  	_ =	shalt  }
0x4b: {  	_ =	shalt  }
0x4c: {  	_ =	shalt  }
0x4d: {  	_ =	shalt  }
0x4e: {  	_ =	shalt  }
0x4f: {  	_ =	shalt  }
0x50: {  	_ =	shalt  }
0x51: {  	_ =	shalt  }
0x52: {  	_ =	shalt  }
0x53: {  	_ =	shalt  }
0x54: {  	_ =	shalt  }
0x55: {  	_ =	shalt  }
0x56: {  	_ =	shalt  }
0x57: {  	_ =	shalt  }
0x58: {  	_ =	shalt  }
0x59: {  	_ =	shalt  }
0x5a: {  	_ =	shalt  }
0x5b: {  	_ =	shalt  }
0x5c: {  	_ =	shalt  }
0x5d: {  	_ =	shalt  }
0x5e: {  	_ =	shalt  }
0x5f: {  	_ =	shalt  }
0x60: {  	_ =	shalt  }
0x61: {  	_ =	shalt  }
0x62: {  	_ =	shalt  }
0x63: {  	_ =	shalt  }
0x64: {  	_ =	shalt  }
0x65: {  	_ =	shalt  }
0x66: {  	_ =	shalt  }
0x67: {  	_ =	shalt  }
0x68: {  	_ =	shalt  }
0x69: {  	_ =	shalt  }
0x6a: {  	_ =	shalt  }
0x6b: {  	_ =	shalt  }
0x6c: {  	_ =	shalt  }
0x6d: {  	_ =	shalt  }
0x6e: {  	_ =	shalt  }
0x6f: {  	_ =	shalt  }
0x70: {  	_ =	shalt  }
0x71: {  	_ =	shalt  }
0x72: {  	_ =	shalt  }
0x73: {  	_ =	shalt  }
0x74: {  	_ =	shalt  }
0x75: {  	_ =	shalt  }
0x76: {  	_ =	shalt  }
0x77: {  	_ =	shalt  }
0x78: {  	_ =	shalt  }
0x79: {  	_ =	shalt  }
0x7a: {  	_ =	shalt  }
0x7b: {  	_ =	shalt  }
0x7c: {  	_ =	shalt  }
0x7d: {  	_ =	shalt  }
0x7e: {  	_ =	shalt  }
0x7f: {  	_ =	shalt  }
0x80: {  	_ =	shalt  }
0x81: {  	_ =	shalt  }
0x82: {  	_ =	shalt  }
0x83: {  	_ =	shalt  }
0x84: {  	_ =	shalt  }
0x85: {  	_ =	shalt  }
0x86: {  	_ =	shalt  }
0x87: {  	_ =	shalt  }
.Lfunc_end0:
.L_simem_size_0:
called_computation_lowered:
.L_overlay_start_0:
0x88: {  	s2 =	sld [smem:$0x3FD9]  }
0x89: {  	s3 =	sld [smem:$0x3FFE];
	_ =	sdelay $0x1  }
0x8a: {  	s1 =	srdreg.scid  }
0x8b: {  	s0 =	sand.u32 $0x1, s1  }
0x8c: {  	s16 =	sshll.u32 s0, $0xA;
	s2 =	sadd.s32 s3, s2  }
0x8d: {  	s2 =	sadd.s32 s2, s16  }
0x8e: {  	[smem:$0x3FB7] =	sst s2  }
0x8f: {  	_ = 	snop  }
0x90: {  	(tm) =	ssettm $0x1  }
0x91: {  	s17 =	sld [smem:$0x3FFB];
	_ =	sdelay $0x3  }
0x92: {  	_ =	strace s17  }
0x93: {  	s2 =	sld [smem:$0x3FFC];
	_ =	sdelay $0x3  }
0x94: {  	_ =	strace s2  }
0x95: {  	s2 =	sld [smem:$0x3FFD];
	_ =	sdelay $0x3  }
0x96: {  	_ =	strace s2  }
0x97: {  	_ =	strace $0x8FFFFFFF  }
0x98: {  	s18 =	sld [smem:$0x3FDB];
	_ =	sdelay $0x1  }
0x99: {  	s19 =	simm.s32 $_scs_section_size  }
0x9a: {  	s4 =	simm.s32 $_size__tile_overlayer_lowered;
	s5 =	simm.s32 $_tile_overlayer_lowered  }
0x9b: {  	s22 =	simm.s32 $0x1BFF;
	s21 =	sshll.u32 s5, $0x1;
	s2 =	sadd.s32 s19, s18  }
0x9c: {  	s6 =	simm.s32 $0x0;
	s20 =	sshll.u32 s4, $0x1;
	s4 =	sadd.s32 s21, s2  }
0x9d: {  	[timem:s6], [sflag:s22] =	dma.local [hbm:s4], s20  }
0x9e: {  	_ =	swait.ge [sflag:s22], s20  }
0x9f: {  	s3 =	ssub.s32 $0x0, s20;
	[sflag:s22] =	ssyncset.done $0x0  }
0xa0: {  	[sflag:s22] =	ssyncadd.s32 s3;
	_ =	sdelay $0x1  }
0xa1: {  	s23 =	simm.s32 $0x1B8B  }
0xa2: {  	_ =	swait.ge [sflag:s23], $0x1  }
0xa3: {  	[sflag:s23] =	ssyncset.done $0x0  }
0xa4: {  	s25 =	simm.s32 $0x1B8E;
	s24 =	sld [smem:$0x3FFE];
	[sflag:s23] =	ssyncadd.s32 $0xFFFFFFFF  }
0xa5: {  	s26 =	simm.s32 $execute0_lowered;
	[smem:$0x3FD2] =	sst s25  }
0xa6: {  	s4 =	sshll.u32 s26, $0x1;
	_ =	strace $0x80000046;
	[dreg:$0x1] =	wrdreg $0xFFFFFFFF  }
0xa7: {  	s28 =	simm.s32 $_size_execute0_lowered;
	s2 =	sadd.s32 s2, s4;
	[dreg:$0x0] =	wrdreg $0x0  }
0xa8: {  	s4 =	sshll.u32 s28, $0x1;
	[dreg:$0x2] =	wrdreg s2  }
0xa9: {  	[dreg:$0x3] =	wrdreg s4  }
0xaa: {  	[dreg:$0x4] =	wrdreg $0xC0  }
0xab: {  	_ =	task [dreg:s6], $0x5FFFF  }
0xac: {  	[dreg:$0x1] =	wrdreg $0xFFFFFFFF  }
0xad: {  	[dreg:$0x0] =	wrdreg $0x60  }
0xae: {  	[dreg:$0x2] =	wrdreg s24  }
0xaf: {  	[dreg:$0x3] =	wrdreg $0x91000  }
0xb0: {  	[dreg:$0x4] =	wrdreg $0x9  }
0xb1: {  	_ =	task.clear_ibuf [dreg:s6], $0x5FFFF;
	_ =	strace $0x90000046  }
0xb2: {  	s29 =	simm.s32 $0x9;
	_ =	strace $0x80000048  }
0xb3: {  	_ =	swait.ge [sflag:s29], $0x1  }
0xb4: {  	[sflag:s29] =	ssyncadd.s32 $0xFFFFFFFF  }
0xb5: {  	_ =	strace $0x90000048  }
0xb6: {  	_ =	sfence  }
0xb7: {  	s30 =	sld [smem:$0x0];
	_ =	sdelay $0x2  }
0xb8: {  	s31 =	sshll.u32 s1, $0xD;
	s1 =	sshrl.u32 s1, $0x2  }
0xb9: {  	s3 =	sand.u32 $0x4000, s31;
	s1 =	sadd.s32 s1, s30  }
0xba: {  	s0 =	sor.u32 s3, s0;
	s1 =	sshll.u32 s1, $0x11  }
0xbb: {  	s0 =	sor.u32 s1, s0  }
0xbc: {  	s0 =	sadd.s32 $0x8F2B, s0  }
0xbd: {  	[sflag:s0] =	ssyncadd.remote.s32 $0x1  }
0xbe: {  	_ =	sfence.sel $0xFFFF  }
0xbf: {  	[dreg:$0x0] =	wrdreg $0xFFFFFFFF;
	(pc) =	sbr.abs _section_cstart, $3  }
0xc0: {  	[dreg:$0x1] =	wrdreg $0xFFFFFFFF  }
0xc1: {  	_ =	task.clear_ibuf [dreg:s6], $0x2FFFF;
	_ =	strace $0x9FFFFFFF  }
0xc2: {  	(tm) =	ssettm $0x7FFFFFFF  }
0xc3: {  	_ =	shalt  }
tec
execute0_lowered:
.L_overlay_start_1:
0x0: {  	(tag) =	ssettag $0x1  }
0x1: {  	s8 =	rddreg [dreg:$0x0]  }
0x2: {  	s1 =	rddreg [dreg:$0x1]  }
0x3: {  	s2 =	srdreg.scid;
	s0 =	rddreg [dreg:$0x2];
	s3 =	simm.s32 $0x0  }
0x4: {  	s16 =	simm.s32 $0x5100;
	s17 =	simm.s32 $0x2;
	s18 =	simm.s32 $0x80  }
0x5: {  	s19 =	simm.s32 $0x50;
	s20 =	simm.s32 $0x100;
	s21 =	simm.s32 $0x2900  }
0x6: {  	s22 =	simm.s32 $0x1;
	s23 =	simm.s32 $0x0;
	s9 =	sand.u32 $0x1, s2  }
0x7: {  	s2 =	stileid.u32;
	s4 =	sadd.s32 $0x4FFE00, s8;
	s6 =	smul.u32 $0x140000, s9  }
0x8: {  	[smem:$0x7FF] =	sst s3;
	s5 =	sadd.s32 $0x527E00, s8;
	s7 =	smul.u32 $0x14000, s2  }
0x9: {  	s11 =	smul.u32 $0x50000, s2;
	s30 =	ssub.s32 $0x2, s9;
	s9 =	sshll.u32 s9, $0x4  }
0xa: {  	_ =	strace $0x80000047;
	s31 =	sshrl.u32 s30, $0x1;
	s13 =	sor.u32 s2, s9  }
0xb: {  	s7 =	sadd.s32 s7, s6;
	s6 =	sadd.s32 $0x4F6000, s8;
	s11 =	sshrl.u32 s11, $0x2  }
0xc: {  	s15 =	ssub.s32 s30, s31;
	s13 =	smul.u32 $0x2710, s13;
	s10 =	sshrl.u32 s7, $0x3  }
0xd: {  	s7 =	sadd.s32 $0x4EC200, s8;
	s14 =	sadd.s32 s10, s8;
	s8 =	sadd.s32 s11, s1  }
0xe: {  	s15 =	smax.u32 s15, $0x1;
	s9 =	sadd.s32 $0x4000, s8;
	s10 =	sadd.s32 $0x8000, s8  }
0xf: {  	v0 =	vimm.f32 $0.0e+00;
	s11 =	sadd.s32 $0xC000, s8;
	s12 =	sadd.s32 $0x10000, s8;
	s14 =	sadd.s32 $0xA09E00, s14  }
.LBB2_1:
0x10: {  	s24 =	simm.s32 $0x5200  }
0x11: {  	[tilespmem:s24+$0xFFFFFF00] =	vst v0  }
0x12: {  	[tilespmem:s24+$0xF0] =	vst v0  }
0x13: {  	[tilespmem:s24+$0xE0] =	vst v0  }
0x14: {  	[tilespmem:s24+$0xD0] =	vst v0  }
0x15: {  	[tilespmem:s24+$0xC0] =	vst v0  }
0x16: {  	[tilespmem:s24+$0xB0] =	vst v0  }
0x17: {  	[tilespmem:s24+$0xA0] =	vst v0  }
0x18: {  	[tilespmem:s24+$0x90] =	vst v0  }
0x19: {  	[tilespmem:s24+$0x80] =	vst v0  }
0x1a: {  	[tilespmem:s24+$0x70] =	vst v0  }
0x1b: {  	[tilespmem:s24+$0x60] =	vst v0  }
0x1c: {  	[tilespmem:s24+$0x50] =	vst v0  }
0x1d: {  	[tilespmem:s24+$0x40] =	vst v0  }
0x1e: {  	[tilespmem:s24+$0x30] =	vst v0  }
0x1f: {  	[tilespmem:s24+$0x20] =	vst v0  }
0x20: {  	[tilespmem:s24+$0x10] =	vst v0  }
0x21: {  	[tilespmem:s24+$0x0] =	vst v0  }
0x22: {  	[tilespmem:s24+$0xFFFFFFF0] =	vst v0  }
0x23: {  	[tilespmem:s24+$0xFFFFFFE0] =	vst v0  }
0x24: {  	[tilespmem:s24+$0xFFFFFFD0] =	vst v0  }
0x25: {  	[tilespmem:s24+$0xFFFFFFC0] =	vst v0  }
0x26: {  	[tilespmem:s24+$0xFFFFFFB0] =	vst v0  }
0x27: {  	[tilespmem:s24+$0xFFFFFFA0] =	vst v0  }
0x28: {  	[tilespmem:s24+$0xFFFFFF90] =	vst v0  }
0x29: {  	[tilespmem:s24+$0xFFFFFF80] =	vst v0  }
0x2a: {  	[tilespmem:s24+$0xFFFFFF70] =	vst v0  }
0x2b: {  	[tilespmem:s24+$0xFFFFFF60] =	vst v0  }
0x2c: {  	[tilespmem:s24+$0xFFFFFF50] =	vst v0  }
0x2d: {  	[tilespmem:s24+$0xFFFFFF40] =	vst v0  }
0x2e: {  	[tilespmem:s24+$0xFFFFFF30] =	vst v0  }
0x2f: {  	s25 =	simm.s32 $0x0;
	[tilespmem:s24+$0xFFFFFF20] =	vst v0  }
.LBB2_2:
0x30: {  	s25 =	sadd.s32 $0x4, s25;
	[tilespmem:s24+$0xFFFFFF10] =	vst v0;
	s24 =	sadd.s32 $0x200, s24  }
0x31: {  	[tilespmem:s24+$0xFFFFFF00] =	vst v0;
	p0 =	slt.u32 s25, $0x7C  }
0x32: {  	[tilespmem:s24+$0xF0] =	vst v0  }
0x33: {  	[tilespmem:s24+$0xE0] =	vst v0  }
0x34: {  	[tilespmem:s24+$0xD0] =	vst v0  }
0x35: {  	[tilespmem:s24+$0xC0] =	vst v0  }
0x36: {  	[tilespmem:s24+$0xB0] =	vst v0  }
0x37: {  	[tilespmem:s24+$0xA0] =	vst v0  }
0x38: {  	[tilespmem:s24+$0x90] =	vst v0  }
0x39: {  	[tilespmem:s24+$0x80] =	vst v0  }
0x3a: {  	[tilespmem:s24+$0x70] =	vst v0  }
0x3b: {  	[tilespmem:s24+$0x60] =	vst v0  }
0x3c: {  	[tilespmem:s24+$0x50] =	vst v0  }
0x3d: {  	[tilespmem:s24+$0x40] =	vst v0  }
0x3e: {  	[tilespmem:s24+$0x30] =	vst v0  }
0x3f: {  	[tilespmem:s24+$0x20] =	vst v0  }
0x40: {  	[tilespmem:s24+$0x10] =	vst v0  }
0x41: {  	[tilespmem:s24+$0x0] =	vst v0  }
0x42: {  	[tilespmem:s24+$0xFFFFFFF0] =	vst v0  }
0x43: {  	[tilespmem:s24+$0xFFFFFFE0] =	vst v0  }
0x44: {  	[tilespmem:s24+$0xFFFFFFD0] =	vst v0  }
0x45: {  	[tilespmem:s24+$0xFFFFFFC0] =	vst v0  }
0x46: {  	[tilespmem:s24+$0xFFFFFFB0] =	vst v0  }
0x47: {  	[tilespmem:s24+$0xFFFFFFA0] =	vst v0  }
0x48: {  	[tilespmem:s24+$0xFFFFFF90] =	vst v0  }
0x49: {  	[tilespmem:s24+$0xFFFFFF80] =	vst v0  }
0x4a: {  	[tilespmem:s24+$0xFFFFFF70] =	vst v0  }
.Ltmp0:
0x4b: {  	[tilespmem:s24+$0xFFFFFF60] =	vst v0;
	(pc) =	sbr.rel @p0 .LBB2_2-.Ltmp0, $4  }
0x4c: {  	[tilespmem:s24+$0xFFFFFF50] =	vst v0  }
0x4d: {  	[tilespmem:s24+$0xFFFFFF40] =	vst v0  }
0x4e: {  	[tilespmem:s24+$0xFFFFFF30] =	vst v0  }
0x4f: {  	[tilespmem:s24+$0xFFFFFF20] =	vst v0  }
0x50: {  	[tilespmem:s24+$0xFFFFFF10] =	vst v0  }
0x51: {  	[spmem:s8] =	stream.linear.scatter [tilespmem:s16], [sflag:$0x2], $0x4000, $0x38;
	[tilespmem:$0x1D100] =	vst v63  }
0x52: {  	_ =	swait.ge [sflag:s17], $0x4000  }
0x53: {  	[sflag:s17] =	ssyncset.done $0x0  }
0x54: {  	[sflag:s17] =	ssyncadd.s32 $0xFFFFC000  }
0x55: {  	[spmem:s9] =	stream.linear.scatter [tilespmem:s16], [sflag:$0x2], $0x4000, $0x38;
	[tilespmem:$0x1D100] =	vst v63  }
0x56: {  	_ =	swait.ge [sflag:s17], $0x4000  }
0x57: {  	[sflag:s17] =	ssyncset.done $0x0  }
0x58: {  	[sflag:s17] =	ssyncadd.s32 $0xFFFFC000  }
0x59: {  	[spmem:s10] =	stream.linear.scatter [tilespmem:s16], [sflag:$0x2], $0x4000, $0x38;
	[tilespmem:$0x1D100] =	vst v63  }
0x5a: {  	_ =	swait.ge [sflag:s17], $0x4000  }
0x5b: {  	[sflag:s17] =	ssyncset.done $0x0  }
0x5c: {  	[sflag:s17] =	ssyncadd.s32 $0xFFFFC000  }
0x5d: {  	[spmem:s11] =	stream.linear.scatter [tilespmem:s16], [sflag:$0x2], $0x4000, $0x38;
	[tilespmem:$0x1D100] =	vst v63  }
0x5e: {  	_ =	swait.ge [sflag:s17], $0x4000  }
0x5f: {  	[sflag:s17] =	ssyncset.done $0x0  }
0x60: {  	[sflag:s17] =	ssyncadd.s32 $0xFFFFC000  }
0x61: {  	[spmem:s12] =	stream.linear.scatter [tilespmem:s16], [sflag:$0x2], $0x4000, $0x38;
	[tilespmem:$0x1D100] =	vst v63  }
0x62: {  	_ =	swait.ge [sflag:s17], $0x4000  }
0x63: {  	[sflag:s17] =	ssyncset.done $0x0  }
0x64: {  	[sflag:s17] =	ssyncadd.s32 $0xFFFFC000  }
0x65: {  	s24 =	simm.s32 $0x0;
	[bflag:$0x0] =	sbarrier.arrive $0xFFFF  }
.LBB2_4:
0x66: {  	s25 =	smul.u32 $0x50, s24;
	_ =	sdelay $0x1  }
0x67: {  	s25 =	sadd.s32 s13, s25  }
0x68: {  	s26 =	sshrl.u32 s25, $0x3  }
0x69: {  	s28 =	sadd.s32 s6, s26  }
0x6a: {  	[tilespmem:s3], [sflag:$0x2] =	stream.linear.gather [hbm4b:s28+s3], $0x50, $0x38;
	[tilespmem:$0x1D100] =	vst v63  }
0x6b: {  	_ =	swait.ge [sflag:s17], $0x50  }
0x6c: {  	[sflag:s17] =	ssyncset.done $0x0  }
0x6d: {  	s26 =	sadd.s32 s7, s26;
	[sflag:s17] =	ssyncadd.s32 $0xFFFFFFB0  }
0x6e: {  	[tilespmem:s18], [sflag:$0x2] =	stream.linear.gather [hbm4b:s26+s3], $0x50, $0x38;
	[tilespmem:$0x1D100] =	vst v63  }
0x6f: {  	_ =	swait.ge [sflag:s17], $0x50  }
0x70: {  	[sflag:s17] =	ssyncset.done $0x0  }
0x71: {  	s25 =	sshll.u32 s25, $0x4;
	[sflag:s17] =	ssyncadd.s32 $0xFFFFFFB0  }
0x72: {  	[tilespmem:s20], [sflag:$0x1] =	stream.indirect.gather [hbm4b:s4+s19], $0x80, s3, s19, $0xb8;
	[tilespmem:$0x1D100] =	vst v63  }
0x73: {  	s25 =	sadd.s32 s5, s25  }
0x74: {  	[tilespmem:s21], [sflag:$0x2] =	stream.linear.gather [hbm4b:s25+s3], $0x2800, $0x38;
	[tilespmem:$0x1D100] =	vst v63  }
0x75: {  	_ =	swait.ge [sflag:s17], $0x2800  }
0x76: {  	[sflag:s17] =	ssyncset.done $0x0  }
0x77: {  	[sflag:s17] =	ssyncadd.s32 $0xFFFFD800  }
0x78: {  	_ =	swait.ge [sflag:s22], $0x2800  }
0x79: {  	[sflag:s22] =	ssyncset.done $0x0  }
0x7a: {  	s25 =	simm.s32 $0x2980;
	[sflag:s22] =	ssyncadd.s32 $0xFFFFD800  }
0x7b: {  	s26 =	simm.s32 $0x180;
	v1 =	vld [tilespmem:s25+$0xFFFFFF80]  }
0x7c: {  	v2 =	vld [tilespmem:s26+$0xFFFFFF80];
	_ =	sdelay $0x4  }
0x7d: {  	v1 =	vadd.f32 v2, v1;
	_ =	sdelay $0x1  }
0x7e: {  	v1 =	vmax.f32 v1, $0.0e+00  }
0x7f: {  	[tilespmem:s25+$0xFFFFFF80] =	vst v1;
	v1 =	vld [tilespmem:s25+$0xFFFFFF90]  }
0x80: {  	v2 =	vld [tilespmem:s26+$0xFFFFFF90];
	_ =	sdelay $0x4  }
0x81: {  	v1 =	vadd.f32 v2, v1;
	_ =	sdelay $0x1  }
0x82: {  	v1 =	vmax.f32 v1, $0.0e+00  }
0x83: {  	[tilespmem:s25+$0xFFFFFF90] =	vst v1;
	v1 =	vld [tilespmem:s25+$0xFFFFFFA0]  }
0x84: {  	v2 =	vld [tilespmem:s26+$0xFFFFFFA0];
	_ =	sdelay $0x4  }
0x85: {  	v1 =	vadd.f32 v2, v1;
	_ =	sdelay $0x1  }
0x86: {  	v1 =	vmax.f32 v1, $0.0e+00  }
0x87: {  	[tilespmem:s25+$0xFFFFFFA0] =	vst v1;
	v1 =	vld [tilespmem:s25+$0xFFFFFFB0]  }
0x88: {  	v2 =	vld [tilespmem:s26+$0xFFFFFFB0];
	_ =	sdelay $0x4  }
0x89: {  	v1 =	vadd.f32 v2, v1;
	_ =	sdelay $0x1  }
0x8a: {  	v1 =	vmax.f32 v1, $0.0e+00  }
0x8b: {  	[tilespmem:s25+$0xFFFFFFB0] =	vst v1;
	v1 =	vld [tilespmem:s25+$0xFFFFFFC0]  }
0x8c: {  	v2 =	vld [tilespmem:s26+$0xFFFFFFC0];
	_ =	sdelay $0x4  }
0x8d: {  	v1 =	vadd.f32 v2, v1;
	_ =	sdelay $0x1  }
0x8e: {  	v1 =	vmax.f32 v1, $0.0e+00  }
0x8f: {  	[tilespmem:s25+$0xFFFFFFC0] =	vst v1;
	v1 =	vld [tilespmem:s25+$0xFFFFFFD0]  }
0x90: {  	v2 =	vld [tilespmem:s26+$0xFFFFFFD0];
	_ =	sdelay $0x4  }
0x91: {  	v1 =	vadd.f32 v2, v1;
	_ =	sdelay $0x1  }
0x92: {  	v1 =	vmax.f32 v1, $0.0e+00  }
0x93: {  	[tilespmem:s25+$0xFFFFFFD0] =	vst v1;
	v1 =	vld [tilespmem:s25+$0xFFFFFFE0]  }
0x94: {  	v2 =	vld [tilespmem:s26+$0xFFFFFFE0];
	_ =	sdelay $0x4  }
0x95: {  	v1 =	vadd.f32 v2, v1;
	_ =	sdelay $0x1  }
0x96: {  	v1 =	vmax.f32 v1, $0.0e+00  }
0x97: {  	[tilespmem:s25+$0xFFFFFFE0] =	vst v1;
	v1 =	vld [tilespmem:s25+$0xFFFFFFF0]  }
0x98: {  	v2 =	vld [tilespmem:s26+$0xFFFFFFF0];
	_ =	sdelay $0x4  }
0x99: {  	v1 =	vadd.f32 v2, v1;
	_ =	sdelay $0x1  }
0x9a: {  	v1 =	vmax.f32 v1, $0.0e+00  }
0x9b: {  	[tilespmem:s25+$0xFFFFFFF0] =	vst v1;
	v1 =	vld [tilespmem:s25+$0x0]  }
0x9c: {  	v2 =	vld [tilespmem:s26+$0x0];
	_ =	sdelay $0x4  }
0x9d: {  	v1 =	vadd.f32 v2, v1;
	_ =	sdelay $0x1  }
0x9e: {  	v1 =	vmax.f32 v1, $0.0e+00  }
0x9f: {  	[tilespmem:s25+$0x0] =	vst v1;
	v1 =	vld [tilespmem:s25+$0x10]  }
0xa0: {  	v2 =	vld [tilespmem:s26+$0x10];
	_ =	sdelay $0x4  }
0xa1: {  	v1 =	vadd.f32 v2, v1;
	_ =	sdelay $0x1  }
0xa2: {  	v1 =	vmax.f32 v1, $0.0e+00  }
0xa3: {  	[tilespmem:s25+$0x10] =	vst v1;
	v1 =	vld [tilespmem:s25+$0x20]  }
0xa4: {  	v2 =	vld [tilespmem:s26+$0x20];
	_ =	sdelay $0x4  }
0xa5: {  	v1 =	vadd.f32 v2, v1;
	_ =	sdelay $0x1  }
0xa6: {  	v1 =	vmax.f32 v1, $0.0e+00  }
0xa7: {  	[tilespmem:s25+$0x20] =	vst v1;
	v1 =	vld [tilespmem:s25+$0x30]  }
0xa8: {  	v2 =	vld [tilespmem:s26+$0x30];
	_ =	sdelay $0x4  }
0xa9: {  	v1 =	vadd.f32 v2, v1;
	_ =	sdelay $0x1  }
0xaa: {  	v1 =	vmax.f32 v1, $0.0e+00  }
0xab: {  	[tilespmem:s25+$0x30] =	vst v1;
	v1 =	vld [tilespmem:s25+$0x40]  }
0xac: {  	v2 =	vld [tilespmem:s26+$0x40];
	_ =	sdelay $0x4  }
0xad: {  	v1 =	vadd.f32 v2, v1;
	_ =	sdelay $0x1  }
0xae: {  	v1 =	vmax.f32 v1, $0.0e+00  }
0xaf: {  	[tilespmem:s25+$0x40] =	vst v1;
	v1 =	vld [tilespmem:s25+$0x50]  }
0xb0: {  	v2 =	vld [tilespmem:s26+$0x50];
	_ =	sdelay $0x4  }
0xb1: {  	v1 =	vadd.f32 v2, v1;
	_ =	sdelay $0x1  }
0xb2: {  	v1 =	vmax.f32 v1, $0.0e+00  }
0xb3: {  	[tilespmem:s25+$0x50] =	vst v1;
	v1 =	vld [tilespmem:s25+$0x60]  }
0xb4: {  	v2 =	vld [tilespmem:s26+$0x60];
	_ =	sdelay $0x4  }
0xb5: {  	v1 =	vadd.f32 v2, v1;
	_ =	sdelay $0x1  }
0xb6: {  	v1 =	vmax.f32 v1, $0.0e+00  }
0xb7: {  	[tilespmem:s25+$0x60] =	vst v1;
	v1 =	vld [tilespmem:s25+$0x70]  }
0xb8: {  	v2 =	vld [tilespmem:s26+$0x70];
	_ =	sdelay $0x4  }
0xb9: {  	v1 =	vadd.f32 v2, v1;
	_ =	sdelay $0x1  }
0xba: {  	s29 =	simm.s32 $0x2A80;
	s28 =	simm.s32 $0x0;
	v1 =	vmax.f32 v1, $0.0e+00  }
.LBB2_5:
0xbb: {  	v2 =	vld [tilespmem:s29+$0xFFFFFF80];
	[tilespmem:s25+$0x70] =	vst v1;
	s26 =	sadd.s32 $0x100, s26;
	s25 =	smov.u32 s29  }
0xbc: {  	s28 =	sadd.s32 $0x2, s28;
	v1 =	vld [tilespmem:s26+$0xFFFFFF80]  }
0xbd: {  	p0 =	slt.u32 s28, $0x4E;
	_ =	sdelay $0x3  }
0xbe: {  	v1 =	vadd.f32 v1, v2;
	_ =	sdelay $0x1  }
0xbf: {  	v1 =	vmax.f32 v1, $0.0e+00  }
0xc0: {  	[tilespmem:s29+$0xFFFFFF80] =	vst v1;
	v1 =	vld [tilespmem:s29+$0xFFFFFF90]  }
0xc1: {  	v2 =	vld [tilespmem:s26+$0xFFFFFF90];
	_ =	sdelay $0x4  }
0xc2: {  	v1 =	vadd.f32 v2, v1;
	_ =	sdelay $0x1  }
0xc3: {  	v1 =	vmax.f32 v1, $0.0e+00  }
0xc4: {  	[tilespmem:s29+$0xFFFFFF90] =	vst v1;
	v1 =	vld [tilespmem:s29+$0xFFFFFFA0]  }
0xc5: {  	v2 =	vld [tilespmem:s26+$0xFFFFFFA0];
	_ =	sdelay $0x4  }
0xc6: {  	v1 =	vadd.f32 v2, v1;
	_ =	sdelay $0x1  }
0xc7: {  	v1 =	vmax.f32 v1, $0.0e+00  }
0xc8: {  	[tilespmem:s29+$0xFFFFFFA0] =	vst v1;
	v1 =	vld [tilespmem:s29+$0xFFFFFFB0]  }
0xc9: {  	v2 =	vld [tilespmem:s26+$0xFFFFFFB0];
	_ =	sdelay $0x4  }
0xca: {  	v1 =	vadd.f32 v2, v1;
	_ =	sdelay $0x1  }
0xcb: {  	v1 =	vmax.f32 v1, $0.0e+00  }
0xcc: {  	[tilespmem:s29+$0xFFFFFFB0] =	vst v1;
	v1 =	vld [tilespmem:s29+$0xFFFFFFC0]  }
0xcd: {  	v2 =	vld [tilespmem:s26+$0xFFFFFFC0];
	_ =	sdelay $0x4  }
0xce: {  	v1 =	vadd.f32 v2, v1;
	_ =	sdelay $0x1  }
0xcf: {  	v1 =	vmax.f32 v1, $0.0e+00  }
0xd0: {  	[tilespmem:s29+$0xFFFFFFC0] =	vst v1;
	v1 =	vld [tilespmem:s29+$0xFFFFFFD0]  }
0xd1: {  	v2 =	vld [tilespmem:s26+$0xFFFFFFD0];
	_ =	sdelay $0x4  }
0xd2: {  	v1 =	vadd.f32 v2, v1;
	_ =	sdelay $0x1  }
0xd3: {  	v1 =	vmax.f32 v1, $0.0e+00  }
0xd4: {  	[tilespmem:s29+$0xFFFFFFD0] =	vst v1;
	v1 =	vld [tilespmem:s29+$0xFFFFFFE0]  }
0xd5: {  	v2 =	vld [tilespmem:s26+$0xFFFFFFE0];
	_ =	sdelay $0x4  }
0xd6: {  	v1 =	vadd.f32 v2, v1;
	_ =	sdelay $0x1  }
0xd7: {  	v1 =	vmax.f32 v1, $0.0e+00  }
0xd8: {  	[tilespmem:s29+$0xFFFFFFE0] =	vst v1;
	v1 =	vld [tilespmem:s29+$0xFFFFFFF0]  }
0xd9: {  	v2 =	vld [tilespmem:s26+$0xFFFFFFF0];
	_ =	sdelay $0x4  }
0xda: {  	v1 =	vadd.f32 v2, v1;
	_ =	sdelay $0x1  }
0xdb: {  	v1 =	vmax.f32 v1, $0.0e+00  }
0xdc: {  	[tilespmem:s29+$0xFFFFFFF0] =	vst v1;
	v1 =	vld [tilespmem:s29+$0x0]  }
0xdd: {  	v2 =	vld [tilespmem:s26+$0x0];
	_ =	sdelay $0x4  }
0xde: {  	v1 =	vadd.f32 v2, v1;
	_ =	sdelay $0x1  }
0xdf: {  	v1 =	vmax.f32 v1, $0.0e+00  }
0xe0: {  	[tilespmem:s29+$0x0] =	vst v1;
	v1 =	vld [tilespmem:s29+$0x10]  }
0xe1: {  	v2 =	vld [tilespmem:s26+$0x10];
	_ =	sdelay $0x4  }
0xe2: {  	v1 =	vadd.f32 v2, v1;
	_ =	sdelay $0x1  }
0xe3: {  	v1 =	vmax.f32 v1, $0.0e+00  }
0xe4: {  	[tilespmem:s29+$0x10] =	vst v1;
	v1 =	vld [tilespmem:s29+$0x20]  }
0xe5: {  	v2 =	vld [tilespmem:s26+$0x20];
	_ =	sdelay $0x4  }
0xe6: {  	v1 =	vadd.f32 v2, v1;
	_ =	sdelay $0x1  }
0xe7: {  	v1 =	vmax.f32 v1, $0.0e+00  }
0xe8: {  	[tilespmem:s29+$0x20] =	vst v1;
	v1 =	vld [tilespmem:s29+$0x30]  }
0xe9: {  	v2 =	vld [tilespmem:s26+$0x30];
	_ =	sdelay $0x4  }
0xea: {  	v1 =	vadd.f32 v2, v1;
	_ =	sdelay $0x1  }
0xeb: {  	v1 =	vmax.f32 v1, $0.0e+00  }
0xec: {  	[tilespmem:s29+$0x30] =	vst v1;
	v1 =	vld [tilespmem:s29+$0x40]  }
0xed: {  	v2 =	vld [tilespmem:s26+$0x40];
	_ =	sdelay $0x4  }
0xee: {  	v1 =	vadd.f32 v2, v1;
	_ =	sdelay $0x1  }
0xef: {  	v1 =	vmax.f32 v1, $0.0e+00  }
0xf0: {  	[tilespmem:s29+$0x40] =	vst v1;
	v1 =	vld [tilespmem:s29+$0x50]  }
0xf1: {  	v2 =	vld [tilespmem:s26+$0x50];
	_ =	sdelay $0x4  }
0xf2: {  	v1 =	vadd.f32 v2, v1;
	_ =	sdelay $0x1  }
0xf3: {  	v1 =	vmax.f32 v1, $0.0e+00  }
0xf4: {  	[tilespmem:s29+$0x50] =	vst v1;
	v1 =	vld [tilespmem:s29+$0x60]  }
0xf5: {  	v2 =	vld [tilespmem:s26+$0x60];
	_ =	sdelay $0x4  }
0xf6: {  	v1 =	vadd.f32 v2, v1;
	_ =	sdelay $0x1  }
0xf7: {  	v1 =	vmax.f32 v1, $0.0e+00  }
0xf8: {  	[tilespmem:s29+$0x60] =	vst v1;
	v1 =	vld [tilespmem:s29+$0x70]  }
0xf9: {  	v2 =	vld [tilespmem:s26+$0x70];
	_ =	sdelay $0x2  }
.Ltmp1:
0xfa: {  	(pc) =	sbr.rel @p0 .LBB2_5-.Ltmp1, $3  }
0xfb: {  	_ = 	snop  }
0xfc: {  	v1 =	vadd.f32 v2, v1;
	_ =	sdelay $0x1  }
0xfd: {  	s29 =	sadd.s32 $0x100, s29;
	v1 =	vmax.f32 v1, $0.0e+00  }
0xfe: {  	s24 =	sadd.s32 $0x1, s24  }
0xff: {  	p0 =	sne.s32 s24, $0x7D  }
.Ltmp2:
0x100: {  	[tilespmem:s25+$0x70] =	vst v1;
	(pc) =	sbr.rel @p0 .LBB2_4-.Ltmp2, $4  }
0x101: {  	[spmem:s1] =	stream.indirect.scatter.add.f32 [tilespmem:s21], [sflag:$0x2], $0x80, s18, s19, $0xb8;
	[tilespmem:$0x1D100] =	vst v63  }
0x102: {  	_ =	swait.ge [sflag:s17], $0x2800  }
0x103: {  	[sflag:s17] =	ssyncset.done $0x0  }
0x104: {  	[sflag:s17] =	ssyncadd.s32 $0xFFFFD800  }
0x105: {  	s23 =	sadd.s32 $0x1, s23  }
0x106: {  	s24 =	sshll.u32 s2, $0x6;
	[bflag:$0x0] =	sbarrier.arrive $0xFFFF;
	p0 =	sne.s32 s23, s15  }
.Ltmp3:
0x107: {  	s25 =	sshrl.u32 s8, $0x3;
	s24 =	sor.u32 $0x1C02, s24;
	(pc) =	sbr.rel @p0 .LBB2_1-.Ltmp3, $4  }
0x108: {  	[hbm:s14], [sflag:s24] =	dma.local [spmem:s25], $0x2800  }
0x109: {  	_ =	swait.ge [sflag:s17], $0x2800  }
0x10a: {  	[sflag:s17] =	ssyncset.done $0x0  }
0x10b: {  	[sflag:s17] =	ssyncadd.s32 $0xFFFFD800  }
0x10c: {  	_ =	sfence.sel $0x180000  }
0x10d: {  	[bflag:$0x0] =	sbarrier.arrive $0xFFFF  }
0x10e: {  	p0 =	sne.s32 s2, $0x0;
	_ =	strace $0x90000047  }
0x10f: {  	s0 =	sadd.s32 @!p0 $0x100000, s0;
	[bflag:$0x2] =	sbarrier.arrive $0xFFFF  }
0x110: {  	[sflag:s0] =	ssyncadd.tile.s32 @!p0 $0x1;
	_ =	shalt  }
.Lfunc_end2:
_tile_overlayer_lowered:
.L_overlay_start_2:
0x111: {  	(tag) =	ssettag $0x2  }
0x112: {  	s0 =	rddreg [dreg:$0x0];
	s2 =	stileid.u32  }
0x113: {  	s1 =	rddreg [dreg:$0x1];
	p0 =	sne.s32 s2, $0x0  }
0x114: {  	s3 =	rddreg [dreg:$0x2];
	[bflag:$0x3] =	sbarrier.arrive $0xFFFF;
	s2 =	simm.s32 @!p0 $0x1C02  }
0x115: {  	[timem:s3], [sflag:s2] =	dma.local @!p0 [hbm:s0], s1  }
0x116: {  	s0 =	simm.s32 @!p0 $0x2  }
0x117: {  	_ =	swait.ge @!p0 [sflag:s0], s1  }
0x118: {  	s1 =	ssub.s32 @!p0 $0x0, s1;
	[sflag:s0] =	ssyncset.done @!p0 $0x0  }
0x119: {  	[sflag:s0] =	ssyncadd.s32 @!p0 s1  }
0x11a: {  	[bflag:$0x3] =	sbarrier.arrive $0xFFFF  }
0x11b: {  	_ =	shalt  }

// kernel: kernel.21.cloned.1.call-start
scs
__scs_entry_jumppad:
0x0: {  	(pc) =	sbr.rel $0x88, $3  }
0x1: {  	(tag) =	ssettag $0x0;
	lr =	simm.s32 $0x1  }
0x2: {  	[smem:$0x3F90] =	sst lr;
	_ =	strace $0xD0000000  }
0x3: {  	_ = 	snop  }
0x4: {  	_ = 	snop  }
0x5: {  	_ = 	snop  }
0x6: {  	_ = 	snop  }
0x7: {  	_ = 	snop  }
__scs_overlays_trampoline_lowered:
0x8: {  	[smem:$0x3F9F] =	sst s0  }
0x9: {  	[smem:$0x3FA0] =	sst s1  }
0xa: {  	[smem:$0x3FA1] =	sst s2  }
0xb: {  	[smem:$0x3FA2] =	sst s3  }
0xc: {  	[smem:$0x3FA3] =	sst s4  }
0xd: {  	[smem:$0x3FA4] =	sst s5  }
0xe: {  	[smem:$0x3FA5] =	sst s6  }
0xf: {  	[smem:$0x3FA6] =	sst s7  }
0x10: {  	[smem:$0x3FA7] =	sst s8  }
0x11: {  	[smem:$0x3FA8] =	sst s9;
	s0 =	simm.s32 @!p0 $0x0  }
0x12: {  	s1 =	sld [smem:$0x3F8E];
	s0 =	simm.s32 @p0 $0x1  }
0x13: {  	[smem:$0x3FA9] =	sst s0;
	s0 =	simm.s32 @!p1 $0x0  }
0x14: {  	s2 =	sld [smem:$0x3F8D];
	s0 =	simm.s32 @p1 $0x1  }
0x15: {  	[smem:$0x3FAA] =	sst s0;
	s0 =	simm.s32 @!p2 $0x0  }
0x16: {  	s3 =	sld [smem:$0x3FDB];
	s0 =	simm.s32 @p2 $0x1  }
0x17: {  	s4 =	simm.s32 $0x1BF5;
	[smem:$0x3FAC] =	sst s0  }
0x18: {  	s0 =	sld [smem:$0x3F8F];
	_ =	swait.ge [sflag:s4], $0x0  }
0x19: {  	s7 =	sld [smem:$0x3F90]  }
0x1a: {  	s8 =	sadd.s32 $0xFFFFE003, lr  }
0x1b: {  	s9 =	sadd.s32 $0xFFFFFEF7, lr;
	s5 =	simm.s32 $0xFFFFFFFF;
	p2 =	slt.u32 s8, $0xFFFFF086  }
0x1c: {  	p1 =	slt.u32 s9, $0xF7A;
	s5 =	simm.s32 @!p2 $0x0  }
0x1d: {  	s5 =	simm.s32 @p1 $0x1;
	p0 =	seq.s32 s7, s2  }
0x1e: {  	s7 =	smul.u32 @!p0 $0xF7A, s2;
	p2 =	seq.s32 @!p0 s5, $0x0  }
0x1f: {  	s9 =	smul.u32 $0xF7A, s1;
	s8 =	simm.s32 @!p0 $0x1BF5;
	p2 =	por !p2, p0  }
0x20: {  	[sflag:s8] =	ssyncset.s32 @!p0 $0xFFFFF086;
	s6 =	sadd.s32 @!p0 s3, s7;
	s7 =	simm.s32 @!p0 $0x108  }
0x21: {  	s3 =	sadd.s32 s3, s9;
	s6 =	sadd.s32 @!p0 $0x88, s6;
	s7 =	simm.s32 @p2 $0x1082  }
0x22: {  	[simem:s7], [sflag:s8] =	dma.local @!p0 [hbm:s6], $0xF7A  }
0x23: {  	s9 =	sor.u32 $0xD0000000, s2;
	s6 =	simm.s32 $0x108;
	_ =	swait.ge @!p0 [sflag:s8], $0x0  }
0x24: {  	s3 =	sadd.s32 $0x88, s3;
	s6 =	simm.s32 @!p1 $0x1082;
	[sflag:s4] =	ssyncset.s32 $0xFFFFF086  }
0x25: {  	[simem:s6], [sflag:s4] =	dma.local [hbm:s3], $0xF7A  }
0x26: {  	[smem:$0x3F90] =	sst s1;
	(tag) =	ssettag s2;
	_ =	strace s9  }
0x27: {  	s1 =	sld [smem:$0x3FA0]  }
0x28: {  	s2 =	sld [smem:$0x3FA1]  }
0x29: {  	s4 =	sld [smem:$0x3FA3]  }
0x2a: {  	p0 =	seq.s32 s5, $0x0;
	s5 =	sld [smem:$0x3FA4]  }
0x2b: {  	s6 =	sld [smem:$0x3FA5]  }
0x2c: {  	s7 =	sld [smem:$0x3FA6]  }
0x2d: {  	s3 =	simm.s32 $0x108;
	s8 =	sld [smem:$0x3FA7]  }
0x2e: {  	s3 =	simm.s32 @!p0 $0x1082;
	s9 =	sld [smem:$0x3FA8]  }
0x2f: {  	lr =	sadd.s32 s0, s3;
	s0 =	sld [smem:$0x3F9F]  }
0x30: {  	s3 =	sld [smem:$0x3FA2]  }
0x31: {  	[smem:$0x3FAB] =	sst s10  }
0x32: {  	s10 =	sld [smem:$0x3FA9];
	_ =	sdelay $0x3  }
0x33: {  	p0 =	seq.s32 s10, $0x1;
	s10 =	sld [smem:$0x3FAB];
	_ =	sdelay $0x3  }
0x34: {  	[smem:$0x3FAB] =	sst s10  }
0x35: {  	s10 =	sld [smem:$0x3FAA];
	_ =	sdelay $0x3  }
0x36: {  	p1 =	seq.s32 s10, $0x1;
	s10 =	sld [smem:$0x3FAB];
	_ =	sdelay $0x3  }
0x37: {  	[smem:$0x3FAB] =	sst s10  }
0x38: {  	s10 =	sld [smem:$0x3FAC]  }
0x39: {  	_ = 	snop;
	(pc) =	sbr.ind lr, $3  }
0x3a: {  	_ = 	snop  }
0x3b: {  	_ = 	snop  }
0x3c: {  	p2 =	seq.s32 s10, $0x1;
	s10 =	sld [smem:$0x3FAB]  }
0x3d: {  	_ =	shalt  }
0x3e: {  	_ =	shalt  }
0x3f: {  	_ =	shalt  }
0x40: {  	_ =	shalt  }
0x41: {  	_ =	shalt  }
0x42: {  	_ =	shalt  }
0x43: {  	_ =	shalt  }
0x44: {  	_ =	shalt  }
0x45: {  	_ =	shalt  }
0x46: {  	_ =	shalt  }
0x47: {  	_ =	shalt  }
0x48: {  	_ =	shalt  }
0x49: {  	_ =	shalt  }
0x4a: {  	_ =	shalt  }
0x4b: {  	_ =	shalt  }
0x4c: {  	_ =	shalt  }
0x4d: {  	_ =	shalt  }
0x4e: {  	_ =	shalt  }
0x4f: {  	_ =	shalt  }
0x50: {  	_ =	shalt  }
0x51: {  	_ =	shalt  }
0x52: {  	_ =	shalt  }
0x53: {  	_ =	shalt  }
0x54: {  	_ =	shalt  }
0x55: {  	_ =	shalt  }
0x56: {  	_ =	shalt  }
0x57: {  	_ =	shalt  }
0x58: {  	_ =	shalt  }
0x59: {  	_ =	shalt  }
0x5a: {  	_ =	shalt  }
0x5b: {  	_ =	shalt  }
0x5c: {  	_ =	shalt  }
0x5d: {  	_ =	shalt  }
0x5e: {  	_ =	shalt  }
0x5f: {  	_ =	shalt  }
0x60: {  	_ =	shalt  }
0x61: {  	_ =	shalt  }
0x62: {  	_ =	shalt  }
0x63: {  	_ =	shalt  }
0x64: {  	_ =	shalt  }
0x65: {  	_ =	shalt  }
0x66: {  	_ =	shalt  }
0x67: {  	_ =	shalt  }
0x68: {  	_ =	shalt  }
0x69: {  	_ =	shalt  }
0x6a: {  	_ =	shalt  }
0x6b: {  	_ =	shalt  }
0x6c: {  	_ =	shalt  }
0x6d: {  	_ =	shalt  }
0x6e: {  	_ =	shalt  }
0x6f: {  	_ =	shalt  }
0x70: {  	_ =	shalt  }
0x71: {  	_ =	shalt  }
0x72: {  	_ =	shalt  }
0x73: {  	_ =	shalt  }
0x74: {  	_ =	shalt  }
0x75: {  	_ =	shalt  }
0x76: {  	_ =	shalt  }
0x77: {  	_ =	shalt  }
0x78: {  	_ =	shalt  }
0x79: {  	_ =	shalt  }
0x7a: {  	_ =	shalt  }
0x7b: {  	_ =	shalt  }
0x7c: {  	_ =	shalt  }
0x7d: {  	_ =	shalt  }
0x7e: {  	_ =	shalt  }
0x7f: {  	_ =	shalt  }
0x80: {  	_ =	shalt  }
0x81: {  	_ =	shalt  }
0x82: {  	_ =	shalt  }
0x83: {  	_ =	shalt  }
0x84: {  	_ =	shalt  }
0x85: {  	_ =	shalt  }
0x86: {  	_ =	shalt  }
0x87: {  	_ =	shalt  }
.Lfunc_end0:
.L_simem_size_0:
called_computation.1_lowered:
.L_overlay_start_0:
0x88: {  	s2 =	sld [smem:$0x3FD9]  }
0x89: {  	s3 =	sld [smem:$0x3FFE];
	_ =	sdelay $0x1  }
0x8a: {  	s1 =	srdreg.scid  }
0x8b: {  	s0 =	sand.u32 $0x1, s1  }
0x8c: {  	s16 =	sshll.u32 s0, $0xA;
	s2 =	sadd.s32 s3, s2  }
0x8d: {  	s2 =	sadd.s32 s2, s16  }
0x8e: {  	[smem:$0x3FB7] =	sst s2  }
0x8f: {  	_ = 	snop  }
0x90: {  	(tm) =	ssettm $0x1  }
0x91: {  	s17 =	sld [smem:$0x3FFB];
	_ =	sdelay $0x3  }
0x92: {  	_ =	strace s17  }
0x93: {  	s2 =	sld [smem:$0x3FFC];
	_ =	sdelay $0x3  }
0x94: {  	_ =	strace s2  }
0x95: {  	s2 =	sld [smem:$0x3FFD];
	_ =	sdelay $0x3  }
0x96: {  	_ =	strace s2  }
0x97: {  	_ =	strace $0x8FFFFFFF  }
0x98: {  	s18 =	sld [smem:$0x3FDB];
	_ =	sdelay $0x1  }
0x99: {  	s19 =	simm.s32 $_scs_section_size  }
0x9a: {  	s4 =	simm.s32 $_size__tile_overlayer_lowered;
	s5 =	simm.s32 $_tile_overlayer_lowered  }
0x9b: {  	s22 =	simm.s32 $0x1BFF;
	s21 =	sshll.u32 s5, $0x1;
	s2 =	sadd.s32 s19, s18  }
0x9c: {  	s6 =	simm.s32 $0x0;
	s20 =	sshll.u32 s4, $0x1;
	s4 =	sadd.s32 s21, s2  }
0x9d: {  	[timem:s6], [sflag:s22] =	dma.local [hbm:s4], s20  }
0x9e: {  	_ =	swait.ge [sflag:s22], s20  }
0x9f: {  	s3 =	ssub.s32 $0x0, s20;
	[sflag:s22] =	ssyncset.done $0x0  }
0xa0: {  	[sflag:s22] =	ssyncadd.s32 s3;
	_ =	sdelay $0x1  }
0xa1: {  	s23 =	simm.s32 $0x1B8B  }
0xa2: {  	_ =	swait.ge [sflag:s23], $0x1  }
0xa3: {  	[sflag:s23] =	ssyncset.done $0x0  }
0xa4: {  	s25 =	simm.s32 $0x1B8E;
	s24 =	sld [smem:$0x3FFE];
	[sflag:s23] =	ssyncadd.s32 $0xFFFFFFFF  }
0xa5: {  	s26 =	simm.s32 $execute0_lowered;
	[smem:$0x3FD2] =	sst s25  }
0xa6: {  	s4 =	sshll.u32 s26, $0x1;
	_ =	strace $0x80000049;
	[dreg:$0x1] =	wrdreg $0xFFFFFFFF  }
0xa7: {  	s28 =	simm.s32 $_size_execute0_lowered;
	s2 =	sadd.s32 s2, s4;
	[dreg:$0x0] =	wrdreg $0x0  }
0xa8: {  	s4 =	sshll.u32 s28, $0x1;
	[dreg:$0x2] =	wrdreg s2  }
0xa9: {  	[dreg:$0x3] =	wrdreg s4  }
0xaa: {  	[dreg:$0x4] =	wrdreg $0xC0  }
0xab: {  	_ =	task [dreg:s6], $0x5FFFF  }
0xac: {  	[dreg:$0x1] =	wrdreg $0xFFFFFFFF  }
0xad: {  	[dreg:$0x0] =	wrdreg $0x60  }
0xae: {  	[dreg:$0x2] =	wrdreg s24  }
0xaf: {  	[dreg:$0x3] =	wrdreg $0x91000  }
0xb0: {  	[dreg:$0x4] =	wrdreg $0x9  }
0xb1: {  	_ =	task.clear_ibuf [dreg:s6], $0x5FFFF;
	_ =	strace $0x90000049  }
0xb2: {  	s29 =	simm.s32 $0x9;
	_ =	strace $0x8000004B  }
0xb3: {  	_ =	swait.ge [sflag:s29], $0x1  }
0xb4: {  	[sflag:s29] =	ssyncadd.s32 $0xFFFFFFFF  }
0xb5: {  	_ =	strace $0x9000004B  }
0xb6: {  	_ =	sfence  }
0xb7: {  	s30 =	sld [smem:$0x0];
	_ =	sdelay $0x2  }
0xb8: {  	s31 =	sshll.u32 s1, $0xD;
	s1 =	sshrl.u32 s1, $0x2  }
0xb9: {  	s3 =	sand.u32 $0x4000, s31;
	s1 =	sadd.s32 s1, s30  }
0xba: {  	s0 =	sor.u32 s3, s0;
	s1 =	sshll.u32 s1, $0x11  }
0xbb: {  	s0 =	sor.u32 s1, s0  }
0xbc: {  	s0 =	sadd.s32 $0x8F2B, s0  }
0xbd: {  	[sflag:s0] =	ssyncadd.remote.s32 $0x1  }
0xbe: {  	_ =	sfence.sel $0xFFFF  }
0xbf: {  	[dreg:$0x0] =	wrdreg $0xFFFFFFFF;
	(pc) =	sbr.abs _section_cstart, $3  }
0xc0: {  	[dreg:$0x1] =	wrdreg $0xFFFFFFFF  }
0xc1: {  	_ =	task.clear_ibuf [dreg:s6], $0x2FFFF;
	_ =	strace $0x9FFFFFFF  }
0xc2: {  	(tm) =	ssettm $0x7FFFFFFF  }
0xc3: {  	_ =	shalt  }
tec
execute0_lowered:
.L_overlay_start_1:
0x0: {  	(tag) =	ssettag $0x1  }
0x1: {  	s8 =	rddreg [dreg:$0x0]  }
0x2: {  	s1 =	rddreg [dreg:$0x1]  }
0x3: {  	s2 =	srdreg.scid;
	s0 =	rddreg [dreg:$0x2];
	s3 =	simm.s32 $0x0  }
0x4: {  	s16 =	simm.s32 $0x5100;
	s17 =	simm.s32 $0x2;
	s18 =	simm.s32 $0x80  }
0x5: {  	s19 =	simm.s32 $0x50;
	s20 =	simm.s32 $0x100;
	s21 =	simm.s32 $0x2900  }
0x6: {  	s22 =	simm.s32 $0x1;
	s23 =	simm.s32 $0x0;
	s9 =	sand.u32 $0x1, s2  }
0x7: {  	s2 =	stileid.u32;
	s4 =	sadd.s32 $0x4FFE00, s8;
	s6 =	smul.u32 $0x140000, s9  }
0x8: {  	[smem:$0x7FF] =	sst s3;
	s5 =	sadd.s32 $0xA59E00, s8;
	s7 =	smul.u32 $0x14000, s2  }
0x9: {  	s11 =	smul.u32 $0x50000, s2;
	s30 =	ssub.s32 $0x2, s9;
	s9 =	sshll.u32 s9, $0x4  }
0xa: {  	_ =	strace $0x8000004A;
	s31 =	sshrl.u32 s30, $0x1;
	s13 =	sor.u32 s2, s9  }
0xb: {  	s7 =	sadd.s32 s7, s6;
	s6 =	sadd.s32 $0x4F6000, s8;
	s11 =	sshrl.u32 s11, $0x2  }
0xc: {  	s15 =	ssub.s32 s30, s31;
	s13 =	smul.u32 $0x2710, s13;
	s10 =	sshrl.u32 s7, $0x3  }
0xd: {  	s7 =	sadd.s32 $0x4EC200, s8;
	s14 =	sadd.s32 s10, s8;
	s8 =	sadd.s32 s11, s1  }
0xe: {  	s15 =	smax.u32 s15, $0x1;
	s9 =	sadd.s32 $0x4000, s8;
	s10 =	sadd.s32 $0x8000, s8  }
0xf: {  	v0 =	vimm.f32 $0.0e+00;
	s11 =	sadd.s32 $0xC000, s8;
	s12 =	sadd.s32 $0x10000, s8;
	s14 =	sadd.s32 $0x527E00, s14  }
.LBB2_1:
0x10: {  	s24 =	simm.s32 $0x5200  }
0x11: {  	[tilespmem:s24+$0xFFFFFF00] =	vst v0  }
0x12: {  	[tilespmem:s24+$0xF0] =	vst v0  }
0x13: {  	[tilespmem:s24+$0xE0] =	vst v0  }
0x14: {  	[tilespmem:s24+$0xD0] =	vst v0  }
0x15: {  	[tilespmem:s24+$0xC0] =	vst v0  }
0x16: {  	[tilespmem:s24+$0xB0] =	vst v0  }
0x17: {  	[tilespmem:s24+$0xA0] =	vst v0  }
0x18: {  	[tilespmem:s24+$0x90] =	vst v0  }
0x19: {  	[tilespmem:s24+$0x80] =	vst v0  }
0x1a: {  	[tilespmem:s24+$0x70] =	vst v0  }
0x1b: {  	[tilespmem:s24+$0x60] =	vst v0  }
0x1c: {  	[tilespmem:s24+$0x50] =	vst v0  }
0x1d: {  	[tilespmem:s24+$0x40] =	vst v0  }
0x1e: {  	[tilespmem:s24+$0x30] =	vst v0  }
0x1f: {  	[tilespmem:s24+$0x20] =	vst v0  }
0x20: {  	[tilespmem:s24+$0x10] =	vst v0  }
0x21: {  	[tilespmem:s24+$0x0] =	vst v0  }
0x22: {  	[tilespmem:s24+$0xFFFFFFF0] =	vst v0  }
0x23: {  	[tilespmem:s24+$0xFFFFFFE0] =	vst v0  }
0x24: {  	[tilespmem:s24+$0xFFFFFFD0] =	vst v0  }
0x25: {  	[tilespmem:s24+$0xFFFFFFC0] =	vst v0  }
0x26: {  	[tilespmem:s24+$0xFFFFFFB0] =	vst v0  }
0x27: {  	[tilespmem:s24+$0xFFFFFFA0] =	vst v0  }
0x28: {  	[tilespmem:s24+$0xFFFFFF90] =	vst v0  }
0x29: {  	[tilespmem:s24+$0xFFFFFF80] =	vst v0  }
0x2a: {  	[tilespmem:s24+$0xFFFFFF70] =	vst v0  }
0x2b: {  	[tilespmem:s24+$0xFFFFFF60] =	vst v0  }
0x2c: {  	[tilespmem:s24+$0xFFFFFF50] =	vst v0  }
0x2d: {  	[tilespmem:s24+$0xFFFFFF40] =	vst v0  }
0x2e: {  	[tilespmem:s24+$0xFFFFFF30] =	vst v0  }
0x2f: {  	s25 =	simm.s32 $0x0;
	[tilespmem:s24+$0xFFFFFF20] =	vst v0  }
.LBB2_2:
0x30: {  	s25 =	sadd.s32 $0x4, s25;
	[tilespmem:s24+$0xFFFFFF10] =	vst v0;
	s24 =	sadd.s32 $0x200, s24  }
0x31: {  	[tilespmem:s24+$0xFFFFFF00] =	vst v0;
	p0 =	slt.u32 s25, $0x7C  }
0x32: {  	[tilespmem:s24+$0xF0] =	vst v0  }
0x33: {  	[tilespmem:s24+$0xE0] =	vst v0  }
0x34: {  	[tilespmem:s24+$0xD0] =	vst v0  }
0x35: {  	[tilespmem:s24+$0xC0] =	vst v0  }
0x36: {  	[tilespmem:s24+$0xB0] =	vst v0  }
0x37: {  	[tilespmem:s24+$0xA0] =	vst v0  }
0x38: {  	[tilespmem:s24+$0x90] =	vst v0  }
0x39: {  	[tilespmem:s24+$0x80] =	vst v0  }
0x3a: {  	[tilespmem:s24+$0x70] =	vst v0  }
0x3b: {  	[tilespmem:s24+$0x60] =	vst v0  }
0x3c: {  	[tilespmem:s24+$0x50] =	vst v0  }
0x3d: {  	[tilespmem:s24+$0x40] =	vst v0  }
0x3e: {  	[tilespmem:s24+$0x30] =	vst v0  }
0x3f: {  	[tilespmem:s24+$0x20] =	vst v0  }
0x40: {  	[tilespmem:s24+$0x10] =	vst v0  }
0x41: {  	[tilespmem:s24+$0x0] =	vst v0  }
0x42: {  	[tilespmem:s24+$0xFFFFFFF0] =	vst v0  }
0x43: {  	[tilespmem:s24+$0xFFFFFFE0] =	vst v0  }
0x44: {  	[tilespmem:s24+$0xFFFFFFD0] =	vst v0  }
0x45: {  	[tilespmem:s24+$0xFFFFFFC0] =	vst v0  }
0x46: {  	[tilespmem:s24+$0xFFFFFFB0] =	vst v0  }
0x47: {  	[tilespmem:s24+$0xFFFFFFA0] =	vst v0  }
0x48: {  	[tilespmem:s24+$0xFFFFFF90] =	vst v0  }
0x49: {  	[tilespmem:s24+$0xFFFFFF80] =	vst v0  }
0x4a: {  	[tilespmem:s24+$0xFFFFFF70] =	vst v0  }
.Ltmp0:
0x4b: {  	[tilespmem:s24+$0xFFFFFF60] =	vst v0;
	(pc) =	sbr.rel @p0 .LBB2_2-.Ltmp0, $4  }
0x4c: {  	[tilespmem:s24+$0xFFFFFF50] =	vst v0  }
0x4d: {  	[tilespmem:s24+$0xFFFFFF40] =	vst v0  }
0x4e: {  	[tilespmem:s24+$0xFFFFFF30] =	vst v0  }
0x4f: {  	[tilespmem:s24+$0xFFFFFF20] =	vst v0  }
0x50: {  	[tilespmem:s24+$0xFFFFFF10] =	vst v0  }
0x51: {  	[spmem:s8] =	stream.linear.scatter [tilespmem:s16], [sflag:$0x2], $0x4000, $0x38;
	[tilespmem:$0x1D100] =	vst v63  }
0x52: {  	_ =	swait.ge [sflag:s17], $0x4000  }
0x53: {  	[sflag:s17] =	ssyncset.done $0x0  }
0x54: {  	[sflag:s17] =	ssyncadd.s32 $0xFFFFC000  }
0x55: {  	[spmem:s9] =	stream.linear.scatter [tilespmem:s16], [sflag:$0x2], $0x4000, $0x38;
	[tilespmem:$0x1D100] =	vst v63  }
0x56: {  	_ =	swait.ge [sflag:s17], $0x4000  }
0x57: {  	[sflag:s17] =	ssyncset.done $0x0  }
0x58: {  	[sflag:s17] =	ssyncadd.s32 $0xFFFFC000  }
0x59: {  	[spmem:s10] =	stream.linear.scatter [tilespmem:s16], [sflag:$0x2], $0x4000, $0x38;
	[tilespmem:$0x1D100] =	vst v63  }
0x5a: {  	_ =	swait.ge [sflag:s17], $0x4000  }
0x5b: {  	[sflag:s17] =	ssyncset.done $0x0  }
0x5c: {  	[sflag:s17] =	ssyncadd.s32 $0xFFFFC000  }
0x5d: {  	[spmem:s11] =	stream.linear.scatter [tilespmem:s16], [sflag:$0x2], $0x4000, $0x38;
	[tilespmem:$0x1D100] =	vst v63  }
0x5e: {  	_ =	swait.ge [sflag:s17], $0x4000  }
0x5f: {  	[sflag:s17] =	ssyncset.done $0x0  }
0x60: {  	[sflag:s17] =	ssyncadd.s32 $0xFFFFC000  }
0x61: {  	[spmem:s12] =	stream.linear.scatter [tilespmem:s16], [sflag:$0x2], $0x4000, $0x38;
	[tilespmem:$0x1D100] =	vst v63  }
0x62: {  	_ =	swait.ge [sflag:s17], $0x4000  }
0x63: {  	[sflag:s17] =	ssyncset.done $0x0  }
0x64: {  	[sflag:s17] =	ssyncadd.s32 $0xFFFFC000  }
0x65: {  	s24 =	simm.s32 $0x0;
	[bflag:$0x0] =	sbarrier.arrive $0xFFFF  }
.LBB2_4:
0x66: {  	s25 =	smul.u32 $0x50, s24;
	_ =	sdelay $0x1  }
0x67: {  	s25 =	sadd.s32 s13, s25  }
0x68: {  	s26 =	sshrl.u32 s25, $0x3  }
0x69: {  	s28 =	sadd.s32 s6, s26  }
0x6a: {  	[tilespmem:s3], [sflag:$0x2] =	stream.linear.gather [hbm4b:s28+s3], $0x50, $0x38;
	[tilespmem:$0x1D100] =	vst v63  }
0x6b: {  	_ =	swait.ge [sflag:s17], $0x50  }
0x6c: {  	[sflag:s17] =	ssyncset.done $0x0  }
0x6d: {  	s26 =	sadd.s32 s7, s26;
	[sflag:s17] =	ssyncadd.s32 $0xFFFFFFB0  }
0x6e: {  	[tilespmem:s18], [sflag:$0x2] =	stream.linear.gather [hbm4b:s26+s3], $0x50, $0x38;
	[tilespmem:$0x1D100] =	vst v63  }
0x6f: {  	_ =	swait.ge [sflag:s17], $0x50  }
0x70: {  	[sflag:s17] =	ssyncset.done $0x0  }
0x71: {  	s25 =	sshll.u32 s25, $0x4;
	[sflag:s17] =	ssyncadd.s32 $0xFFFFFFB0  }
0x72: {  	[tilespmem:s20], [sflag:$0x1] =	stream.indirect.gather [hbm4b:s4+s19], $0x80, s3, s19, $0xb8;
	[tilespmem:$0x1D100] =	vst v63  }
0x73: {  	s25 =	sadd.s32 s5, s25  }
0x74: {  	[tilespmem:s21], [sflag:$0x2] =	stream.linear.gather [hbm4b:s25+s3], $0x2800, $0x38;
	[tilespmem:$0x1D100] =	vst v63  }
0x75: {  	_ =	swait.ge [sflag:s17], $0x2800  }
0x76: {  	[sflag:s17] =	ssyncset.done $0x0  }
0x77: {  	[sflag:s17] =	ssyncadd.s32 $0xFFFFD800  }
0x78: {  	_ =	swait.ge [sflag:s22], $0x2800  }
0x79: {  	[sflag:s22] =	ssyncset.done $0x0  }
0x7a: {  	s25 =	simm.s32 $0x2980;
	[sflag:s22] =	ssyncadd.s32 $0xFFFFD800  }
0x7b: {  	s26 =	simm.s32 $0x180;
	v1 =	vld [tilespmem:s25+$0xFFFFFF80]  }
0x7c: {  	v2 =	vld [tilespmem:s26+$0xFFFFFF80];
	_ =	sdelay $0x4  }
0x7d: {  	v1 =	vadd.f32 v2, v1;
	_ =	sdelay $0x1  }
0x7e: {  	v1 =	vmax.f32 v1, $0.0e+00  }
0x7f: {  	[tilespmem:s25+$0xFFFFFF80] =	vst v1;
	v1 =	vld [tilespmem:s25+$0xFFFFFF90]  }
0x80: {  	v2 =	vld [tilespmem:s26+$0xFFFFFF90];
	_ =	sdelay $0x4  }
0x81: {  	v1 =	vadd.f32 v2, v1;
	_ =	sdelay $0x1  }
0x82: {  	v1 =	vmax.f32 v1, $0.0e+00  }
0x83: {  	[tilespmem:s25+$0xFFFFFF90] =	vst v1;
	v1 =	vld [tilespmem:s25+$0xFFFFFFA0]  }
0x84: {  	v2 =	vld [tilespmem:s26+$0xFFFFFFA0];
	_ =	sdelay $0x4  }
0x85: {  	v1 =	vadd.f32 v2, v1;
	_ =	sdelay $0x1  }
0x86: {  	v1 =	vmax.f32 v1, $0.0e+00  }
0x87: {  	[tilespmem:s25+$0xFFFFFFA0] =	vst v1;
	v1 =	vld [tilespmem:s25+$0xFFFFFFB0]  }
0x88: {  	v2 =	vld [tilespmem:s26+$0xFFFFFFB0];
	_ =	sdelay $0x4  }
0x89: {  	v1 =	vadd.f32 v2, v1;
	_ =	sdelay $0x1  }
0x8a: {  	v1 =	vmax.f32 v1, $0.0e+00  }
0x8b: {  	[tilespmem:s25+$0xFFFFFFB0] =	vst v1;
	v1 =	vld [tilespmem:s25+$0xFFFFFFC0]  }
0x8c: {  	v2 =	vld [tilespmem:s26+$0xFFFFFFC0];
	_ =	sdelay $0x4  }
0x8d: {  	v1 =	vadd.f32 v2, v1;
	_ =	sdelay $0x1  }
0x8e: {  	v1 =	vmax.f32 v1, $0.0e+00  }
0x8f: {  	[tilespmem:s25+$0xFFFFFFC0] =	vst v1;
	v1 =	vld [tilespmem:s25+$0xFFFFFFD0]  }
0x90: {  	v2 =	vld [tilespmem:s26+$0xFFFFFFD0];
	_ =	sdelay $0x4  }
0x91: {  	v1 =	vadd.f32 v2, v1;
	_ =	sdelay $0x1  }
0x92: {  	v1 =	vmax.f32 v1, $0.0e+00  }
0x93: {  	[tilespmem:s25+$0xFFFFFFD0] =	vst v1;
	v1 =	vld [tilespmem:s25+$0xFFFFFFE0]  }
0x94: {  	v2 =	vld [tilespmem:s26+$0xFFFFFFE0];
	_ =	sdelay $0x4  }
0x95: {  	v1 =	vadd.f32 v2, v1;
	_ =	sdelay $0x1  }
0x96: {  	v1 =	vmax.f32 v1, $0.0e+00  }
0x97: {  	[tilespmem:s25+$0xFFFFFFE0] =	vst v1;
	v1 =	vld [tilespmem:s25+$0xFFFFFFF0]  }
0x98: {  	v2 =	vld [tilespmem:s26+$0xFFFFFFF0];
	_ =	sdelay $0x4  }
0x99: {  	v1 =	vadd.f32 v2, v1;
	_ =	sdelay $0x1  }
0x9a: {  	v1 =	vmax.f32 v1, $0.0e+00  }
0x9b: {  	[tilespmem:s25+$0xFFFFFFF0] =	vst v1;
	v1 =	vld [tilespmem:s25+$0x0]  }
0x9c: {  	v2 =	vld [tilespmem:s26+$0x0];
	_ =	sdelay $0x4  }
0x9d: {  	v1 =	vadd.f32 v2, v1;
	_ =	sdelay $0x1  }
0x9e: {  	v1 =	vmax.f32 v1, $0.0e+00  }
0x9f: {  	[tilespmem:s25+$0x0] =	vst v1;
	v1 =	vld [tilespmem:s25+$0x10]  }
0xa0: {  	v2 =	vld [tilespmem:s26+$0x10];
	_ =	sdelay $0x4  }
0xa1: {  	v1 =	vadd.f32 v2, v1;
	_ =	sdelay $0x1  }
0xa2: {  	v1 =	vmax.f32 v1, $0.0e+00  }
0xa3: {  	[tilespmem:s25+$0x10] =	vst v1;
	v1 =	vld [tilespmem:s25+$0x20]  }
0xa4: {  	v2 =	vld [tilespmem:s26+$0x20];
	_ =	sdelay $0x4  }
0xa5: {  	v1 =	vadd.f32 v2, v1;
	_ =	sdelay $0x1  }
0xa6: {  	v1 =	vmax.f32 v1, $0.0e+00  }
0xa7: {  	[tilespmem:s25+$0x20] =	vst v1;
	v1 =	vld [tilespmem:s25+$0x30]  }
0xa8: {  	v2 =	vld [tilespmem:s26+$0x30];
	_ =	sdelay $0x4  }
0xa9: {  	v1 =	vadd.f32 v2, v1;
	_ =	sdelay $0x1  }
0xaa: {  	v1 =	vmax.f32 v1, $0.0e+00  }
0xab: {  	[tilespmem:s25+$0x30] =	vst v1;
	v1 =	vld [tilespmem:s25+$0x40]  }
0xac: {  	v2 =	vld [tilespmem:s26+$0x40];
	_ =	sdelay $0x4  }
0xad: {  	v1 =	vadd.f32 v2, v1;
	_ =	sdelay $0x1  }
0xae: {  	v1 =	vmax.f32 v1, $0.0e+00  }
0xaf: {  	[tilespmem:s25+$0x40] =	vst v1;
	v1 =	vld [tilespmem:s25+$0x50]  }
0xb0: {  	v2 =	vld [tilespmem:s26+$0x50];
	_ =	sdelay $0x4  }
0xb1: {  	v1 =	vadd.f32 v2, v1;
	_ =	sdelay $0x1  }
0xb2: {  	v1 =	vmax.f32 v1, $0.0e+00  }
0xb3: {  	[tilespmem:s25+$0x50] =	vst v1;
	v1 =	vld [tilespmem:s25+$0x60]  }
0xb4: {  	v2 =	vld [tilespmem:s26+$0x60];
	_ =	sdelay $0x4  }
0xb5: {  	v1 =	vadd.f32 v2, v1;
	_ =	sdelay $0x1  }
0xb6: {  	v1 =	vmax.f32 v1, $0.0e+00  }
0xb7: {  	[tilespmem:s25+$0x60] =	vst v1;
	v1 =	vld [tilespmem:s25+$0x70]  }
0xb8: {  	v2 =	vld [tilespmem:s26+$0x70];
	_ =	sdelay $0x4  }
0xb9: {  	v1 =	vadd.f32 v2, v1;
	_ =	sdelay $0x1  }
0xba: {  	s29 =	simm.s32 $0x2A80;
	s28 =	simm.s32 $0x0;
	v1 =	vmax.f32 v1, $0.0e+00  }
.LBB2_5:
0xbb: {  	v2 =	vld [tilespmem:s29+$0xFFFFFF80];
	[tilespmem:s25+$0x70] =	vst v1;
	s26 =	sadd.s32 $0x100, s26;
	s25 =	smov.u32 s29  }
0xbc: {  	s28 =	sadd.s32 $0x2, s28;
	v1 =	vld [tilespmem:s26+$0xFFFFFF80]  }
0xbd: {  	p0 =	slt.u32 s28, $0x4E;
	_ =	sdelay $0x3  }
0xbe: {  	v1 =	vadd.f32 v1, v2;
	_ =	sdelay $0x1  }
0xbf: {  	v1 =	vmax.f32 v1, $0.0e+00  }
0xc0: {  	[tilespmem:s29+$0xFFFFFF80] =	vst v1;
	v1 =	vld [tilespmem:s29+$0xFFFFFF90]  }
0xc1: {  	v2 =	vld [tilespmem:s26+$0xFFFFFF90];
	_ =	sdelay $0x4  }
0xc2: {  	v1 =	vadd.f32 v2, v1;
	_ =	sdelay $0x1  }
0xc3: {  	v1 =	vmax.f32 v1, $0.0e+00  }
0xc4: {  	[tilespmem:s29+$0xFFFFFF90] =	vst v1;
	v1 =	vld [tilespmem:s29+$0xFFFFFFA0]  }
0xc5: {  	v2 =	vld [tilespmem:s26+$0xFFFFFFA0];
	_ =	sdelay $0x4  }
0xc6: {  	v1 =	vadd.f32 v2, v1;
	_ =	sdelay $0x1  }
0xc7: {  	v1 =	vmax.f32 v1, $0.0e+00  }
0xc8: {  	[tilespmem:s29+$0xFFFFFFA0] =	vst v1;
	v1 =	vld [tilespmem:s29+$0xFFFFFFB0]  }
0xc9: {  	v2 =	vld [tilespmem:s26+$0xFFFFFFB0];
	_ =	sdelay $0x4  }
0xca: {  	v1 =	vadd.f32 v2, v1;
	_ =	sdelay $0x1  }
0xcb: {  	v1 =	vmax.f32 v1, $0.0e+00  }
0xcc: {  	[tilespmem:s29+$0xFFFFFFB0] =	vst v1;
	v1 =	vld [tilespmem:s29+$0xFFFFFFC0]  }
0xcd: {  	v2 =	vld [tilespmem:s26+$0xFFFFFFC0];
	_ =	sdelay $0x4  }
0xce: {  	v1 =	vadd.f32 v2, v1;
	_ =	sdelay $0x1  }
0xcf: {  	v1 =	vmax.f32 v1, $0.0e+00  }
0xd0: {  	[tilespmem:s29+$0xFFFFFFC0] =	vst v1;
	v1 =	vld [tilespmem:s29+$0xFFFFFFD0]  }
0xd1: {  	v2 =	vld [tilespmem:s26+$0xFFFFFFD0];
	_ =	sdelay $0x4  }
0xd2: {  	v1 =	vadd.f32 v2, v1;
	_ =	sdelay $0x1  }
0xd3: {  	v1 =	vmax.f32 v1, $0.0e+00  }
0xd4: {  	[tilespmem:s29+$0xFFFFFFD0] =	vst v1;
	v1 =	vld [tilespmem:s29+$0xFFFFFFE0]  }
0xd5: {  	v2 =	vld [tilespmem:s26+$0xFFFFFFE0];
	_ =	sdelay $0x4  }
0xd6: {  	v1 =	vadd.f32 v2, v1;
	_ =	sdelay $0x1  }
0xd7: {  	v1 =	vmax.f32 v1, $0.0e+00  }
0xd8: {  	[tilespmem:s29+$0xFFFFFFE0] =	vst v1;
	v1 =	vld [tilespmem:s29+$0xFFFFFFF0]  }
0xd9: {  	v2 =	vld [tilespmem:s26+$0xFFFFFFF0];
	_ =	sdelay $0x4  }
0xda: {  	v1 =	vadd.f32 v2, v1;
	_ =	sdelay $0x1  }
0xdb: {  	v1 =	vmax.f32 v1, $0.0e+00  }
0xdc: {  	[tilespmem:s29+$0xFFFFFFF0] =	vst v1;
	v1 =	vld [tilespmem:s29+$0x0]  }
0xdd: {  	v2 =	vld [tilespmem:s26+$0x0];
	_ =	sdelay $0x4  }
0xde: {  	v1 =	vadd.f32 v2, v1;
	_ =	sdelay $0x1  }
0xdf: {  	v1 =	vmax.f32 v1, $0.0e+00  }
0xe0: {  	[tilespmem:s29+$0x0] =	vst v1;
	v1 =	vld [tilespmem:s29+$0x10]  }
0xe1: {  	v2 =	vld [tilespmem:s26+$0x10];
	_ =	sdelay $0x4  }
0xe2: {  	v1 =	vadd.f32 v2, v1;
	_ =	sdelay $0x1  }
0xe3: {  	v1 =	vmax.f32 v1, $0.0e+00  }
0xe4: {  	[tilespmem:s29+$0x10] =	vst v1;
	v1 =	vld [tilespmem:s29+$0x20]  }
0xe5: {  	v2 =	vld [tilespmem:s26+$0x20];
	_ =	sdelay $0x4  }
0xe6: {  	v1 =	vadd.f32 v2, v1;
	_ =	sdelay $0x1  }
0xe7: {  	v1 =	vmax.f32 v1, $0.0e+00  }
0xe8: {  	[tilespmem:s29+$0x20] =	vst v1;
	v1 =	vld [tilespmem:s29+$0x30]  }
0xe9: {  	v2 =	vld [tilespmem:s26+$0x30];
	_ =	sdelay $0x4  }
0xea: {  	v1 =	vadd.f32 v2, v1;
	_ =	sdelay $0x1  }
0xeb: {  	v1 =	vmax.f32 v1, $0.0e+00  }
0xec: {  	[tilespmem:s29+$0x30] =	vst v1;
	v1 =	vld [tilespmem:s29+$0x40]  }
0xed: {  	v2 =	vld [tilespmem:s26+$0x40];
	_ =	sdelay $0x4  }
0xee: {  	v1 =	vadd.f32 v2, v1;
	_ =	sdelay $0x1  }
0xef: {  	v1 =	vmax.f32 v1, $0.0e+00  }
0xf0: {  	[tilespmem:s29+$0x40] =	vst v1;
	v1 =	vld [tilespmem:s29+$0x50]  }
0xf1: {  	v2 =	vld [tilespmem:s26+$0x50];
	_ =	sdelay $0x4  }
0xf2: {  	v1 =	vadd.f32 v2, v1;
	_ =	sdelay $0x1  }
0xf3: {  	v1 =	vmax.f32 v1, $0.0e+00  }
0xf4: {  	[tilespmem:s29+$0x50] =	vst v1;
	v1 =	vld [tilespmem:s29+$0x60]  }
0xf5: {  	v2 =	vld [tilespmem:s26+$0x60];
	_ =	sdelay $0x4  }
0xf6: {  	v1 =	vadd.f32 v2, v1;
	_ =	sdelay $0x1  }
0xf7: {  	v1 =	vmax.f32 v1, $0.0e+00  }
0xf8: {  	[tilespmem:s29+$0x60] =	vst v1;
	v1 =	vld [tilespmem:s29+$0x70]  }
0xf9: {  	v2 =	vld [tilespmem:s26+$0x70];
	_ =	sdelay $0x2  }
.Ltmp1:
0xfa: {  	(pc) =	sbr.rel @p0 .LBB2_5-.Ltmp1, $3  }
0xfb: {  	_ = 	snop  }
0xfc: {  	v1 =	vadd.f32 v2, v1;
	_ =	sdelay $0x1  }
0xfd: {  	s29 =	sadd.s32 $0x100, s29;
	v1 =	vmax.f32 v1, $0.0e+00  }
0xfe: {  	s24 =	sadd.s32 $0x1, s24  }
0xff: {  	p0 =	sne.s32 s24, $0x7D  }
.Ltmp2:
0x100: {  	[tilespmem:s25+$0x70] =	vst v1;
	(pc) =	sbr.rel @p0 .LBB2_4-.Ltmp2, $4  }
0x101: {  	[spmem:s1] =	stream.indirect.scatter.add.f32 [tilespmem:s21], [sflag:$0x2], $0x80, s18, s19, $0xb8;
	[tilespmem:$0x1D100] =	vst v63  }
0x102: {  	_ =	swait.ge [sflag:s17], $0x2800  }
0x103: {  	[sflag:s17] =	ssyncset.done $0x0  }
0x104: {  	[sflag:s17] =	ssyncadd.s32 $0xFFFFD800  }
0x105: {  	s23 =	sadd.s32 $0x1, s23  }
0x106: {  	s24 =	sshll.u32 s2, $0x6;
	[bflag:$0x0] =	sbarrier.arrive $0xFFFF;
	p0 =	sne.s32 s23, s15  }
.Ltmp3:
0x107: {  	s25 =	sshrl.u32 s8, $0x3;
	s24 =	sor.u32 $0x1C02, s24;
	(pc) =	sbr.rel @p0 .LBB2_1-.Ltmp3, $4  }
0x108: {  	[hbm:s14], [sflag:s24] =	dma.local [spmem:s25], $0x2800  }
0x109: {  	_ =	swait.ge [sflag:s17], $0x2800  }
0x10a: {  	[sflag:s17] =	ssyncset.done $0x0  }
0x10b: {  	[sflag:s17] =	ssyncadd.s32 $0xFFFFD800  }
0x10c: {  	_ =	sfence.sel $0x180000  }
0x10d: {  	[bflag:$0x0] =	sbarrier.arrive $0xFFFF  }
0x10e: {  	p0 =	sne.s32 s2, $0x0;
	_ =	strace $0x9000004A  }
0x10f: {  	s0 =	sadd.s32 @!p0 $0x100000, s0;
	[bflag:$0x2] =	sbarrier.arrive $0xFFFF  }
0x110: {  	[sflag:s0] =	ssyncadd.tile.s32 @!p0 $0x1;
	_ =	shalt  }
.Lfunc_end2:
_tile_overlayer_lowered:
.L_overlay_start_2:
0x111: {  	(tag) =	ssettag $0x2  }
0x112: {  	s0 =	rddreg [dreg:$0x0];
	s2 =	stileid.u32  }
0x113: {  	s1 =	rddreg [dreg:$0x1];
	p0 =	sne.s32 s2, $0x0  }
0x114: {  	s3 =	rddreg [dreg:$0x2];
	[bflag:$0x3] =	sbarrier.arrive $0xFFFF;
	s2 =	simm.s32 @!p0 $0x1C02  }
0x115: {  	[timem:s3], [sflag:s2] =	dma.local @!p0 [hbm:s0], s1  }
0x116: {  	s0 =	simm.s32 @!p0 $0x2  }
0x117: {  	_ =	swait.ge @!p0 [sflag:s0], s1  }
0x118: {  	s1 =	ssub.s32 @!p0 $0x0, s1;
	[sflag:s0] =	ssyncset.done @!p0 $0x0  }
0x119: {  	[sflag:s0] =	ssyncadd.s32 @!p0 s1  }
0x11a: {  	[bflag:$0x3] =	sbarrier.arrive $0xFFFF  }
0x11b: {  	_ =	shalt  }

// kernel: kernel.24.cloned.1.call-start
scs
__scs_entry_jumppad:
0x0: {  	(pc) =	sbr.rel $0x88, $3  }
0x1: {  	(tag) =	ssettag $0x0;
	lr =	simm.s32 $0x1  }
0x2: {  	[smem:$0x3F90] =	sst lr;
	_ =	strace $0xD0000000  }
0x3: {  	_ = 	snop  }
0x4: {  	_ = 	snop  }
0x5: {  	_ = 	snop  }
0x6: {  	_ = 	snop  }
0x7: {  	_ = 	snop  }
__scs_overlays_trampoline_lowered:
0x8: {  	[smem:$0x3F9F] =	sst s0  }
0x9: {  	[smem:$0x3FA0] =	sst s1  }
0xa: {  	[smem:$0x3FA1] =	sst s2  }
0xb: {  	[smem:$0x3FA2] =	sst s3  }
0xc: {  	[smem:$0x3FA3] =	sst s4  }
0xd: {  	[smem:$0x3FA4] =	sst s5  }
0xe: {  	[smem:$0x3FA5] =	sst s6  }
0xf: {  	[smem:$0x3FA6] =	sst s7  }
0x10: {  	[smem:$0x3FA7] =	sst s8  }
0x11: {  	[smem:$0x3FA8] =	sst s9;
	s0 =	simm.s32 @!p0 $0x0  }
0x12: {  	s1 =	sld [smem:$0x3F8E];
	s0 =	simm.s32 @p0 $0x1  }
0x13: {  	[smem:$0x3FA9] =	sst s0;
	s0 =	simm.s32 @!p1 $0x0  }
0x14: {  	s2 =	sld [smem:$0x3F8D];
	s0 =	simm.s32 @p1 $0x1  }
0x15: {  	[smem:$0x3FAA] =	sst s0;
	s0 =	simm.s32 @!p2 $0x0  }
0x16: {  	s3 =	sld [smem:$0x3FDB];
	s0 =	simm.s32 @p2 $0x1  }
0x17: {  	s4 =	simm.s32 $0x1BF5;
	[smem:$0x3FAC] =	sst s0  }
0x18: {  	s0 =	sld [smem:$0x3F8F];
	_ =	swait.ge [sflag:s4], $0x0  }
0x19: {  	s7 =	sld [smem:$0x3F90]  }
0x1a: {  	s8 =	sadd.s32 $0xFFFFE003, lr  }
0x1b: {  	s9 =	sadd.s32 $0xFFFFFEF7, lr;
	s5 =	simm.s32 $0xFFFFFFFF;
	p2 =	slt.u32 s8, $0xFFFFF086  }
0x1c: {  	p1 =	slt.u32 s9, $0xF7A;
	s5 =	simm.s32 @!p2 $0x0  }
0x1d: {  	s5 =	simm.s32 @p1 $0x1;
	p0 =	seq.s32 s7, s2  }
0x1e: {  	s7 =	smul.u32 @!p0 $0xF7A, s2;
	p2 =	seq.s32 @!p0 s5, $0x0  }
0x1f: {  	s9 =	smul.u32 $0xF7A, s1;
	s8 =	simm.s32 @!p0 $0x1BF5;
	p2 =	por !p2, p0  }
0x20: {  	[sflag:s8] =	ssyncset.s32 @!p0 $0xFFFFF086;
	s6 =	sadd.s32 @!p0 s3, s7;
	s7 =	simm.s32 @!p0 $0x108  }
0x21: {  	s3 =	sadd.s32 s3, s9;
	s6 =	sadd.s32 @!p0 $0x88, s6;
	s7 =	simm.s32 @p2 $0x1082  }
0x22: {  	[simem:s7], [sflag:s8] =	dma.local @!p0 [hbm:s6], $0xF7A  }
0x23: {  	s9 =	sor.u32 $0xD0000000, s2;
	s6 =	simm.s32 $0x108;
	_ =	swait.ge @!p0 [sflag:s8], $0x0  }
0x24: {  	s3 =	sadd.s32 $0x88, s3;
	s6 =	simm.s32 @!p1 $0x1082;
	[sflag:s4] =	ssyncset.s32 $0xFFFFF086  }
0x25: {  	[simem:s6], [sflag:s4] =	dma.local [hbm:s3], $0xF7A  }
0x26: {  	[smem:$0x3F90] =	sst s1;
	(tag) =	ssettag s2;
	_ =	strace s9  }
0x27: {  	s1 =	sld [smem:$0x3FA0]  }
0x28: {  	s2 =	sld [smem:$0x3FA1]  }
0x29: {  	s4 =	sld [smem:$0x3FA3]  }
0x2a: {  	p0 =	seq.s32 s5, $0x0;
	s5 =	sld [smem:$0x3FA4]  }
0x2b: {  	s6 =	sld [smem:$0x3FA5]  }
0x2c: {  	s7 =	sld [smem:$0x3FA6]  }
0x2d: {  	s3 =	simm.s32 $0x108;
	s8 =	sld [smem:$0x3FA7]  }
0x2e: {  	s3 =	simm.s32 @!p0 $0x1082;
	s9 =	sld [smem:$0x3FA8]  }
0x2f: {  	lr =	sadd.s32 s0, s3;
	s0 =	sld [smem:$0x3F9F]  }
0x30: {  	s3 =	sld [smem:$0x3FA2]  }
0x31: {  	[smem:$0x3FAB] =	sst s10  }
0x32: {  	s10 =	sld [smem:$0x3FA9];
	_ =	sdelay $0x3  }
0x33: {  	p0 =	seq.s32 s10, $0x1;
	s10 =	sld [smem:$0x3FAB];
	_ =	sdelay $0x3  }
0x34: {  	[smem:$0x3FAB] =	sst s10  }
0x35: {  	s10 =	sld [smem:$0x3FAA];
	_ =	sdelay $0x3  }
0x36: {  	p1 =	seq.s32 s10, $0x1;
	s10 =	sld [smem:$0x3FAB];
	_ =	sdelay $0x3  }
0x37: {  	[smem:$0x3FAB] =	sst s10  }
0x38: {  	s10 =	sld [smem:$0x3FAC]  }
0x39: {  	_ = 	snop;
	(pc) =	sbr.ind lr, $3  }
0x3a: {  	_ = 	snop  }
0x3b: {  	_ = 	snop  }
0x3c: {  	p2 =	seq.s32 s10, $0x1;
	s10 =	sld [smem:$0x3FAB]  }
0x3d: {  	_ =	shalt  }
0x3e: {  	_ =	shalt  }
0x3f: {  	_ =	shalt  }
0x40: {  	_ =	shalt  }
0x41: {  	_ =	shalt  }
0x42: {  	_ =	shalt  }
0x43: {  	_ =	shalt  }
0x44: {  	_ =	shalt  }
0x45: {  	_ =	shalt  }
0x46: {  	_ =	shalt  }
0x47: {  	_ =	shalt  }
0x48: {  	_ =	shalt  }
0x49: {  	_ =	shalt  }
0x4a: {  	_ =	shalt  }
0x4b: {  	_ =	shalt  }
0x4c: {  	_ =	shalt  }
0x4d: {  	_ =	shalt  }
0x4e: {  	_ =	shalt  }
0x4f: {  	_ =	shalt  }
0x50: {  	_ =	shalt  }
0x51: {  	_ =	shalt  }
0x52: {  	_ =	shalt  }
0x53: {  	_ =	shalt  }
0x54: {  	_ =	shalt  }
0x55: {  	_ =	shalt  }
0x56: {  	_ =	shalt  }
0x57: {  	_ =	shalt  }
0x58: {  	_ =	shalt  }
0x59: {  	_ =	shalt  }
0x5a: {  	_ =	shalt  }
0x5b: {  	_ =	shalt  }
0x5c: {  	_ =	shalt  }
0x5d: {  	_ =	shalt  }
0x5e: {  	_ =	shalt  }
0x5f: {  	_ =	shalt  }
0x60: {  	_ =	shalt  }
0x61: {  	_ =	shalt  }
0x62: {  	_ =	shalt  }
0x63: {  	_ =	shalt  }
0x64: {  	_ =	shalt  }
0x65: {  	_ =	shalt  }
0x66: {  	_ =	shalt  }
0x67: {  	_ =	shalt  }
0x68: {  	_ =	shalt  }
0x69: {  	_ =	shalt  }
0x6a: {  	_ =	shalt  }
0x6b: {  	_ =	shalt  }
0x6c: {  	_ =	shalt  }
0x6d: {  	_ =	shalt  }
0x6e: {  	_ =	shalt  }
0x6f: {  	_ =	shalt  }
0x70: {  	_ =	shalt  }
0x71: {  	_ =	shalt  }
0x72: {  	_ =	shalt  }
0x73: {  	_ =	shalt  }
0x74: {  	_ =	shalt  }
0x75: {  	_ =	shalt  }
0x76: {  	_ =	shalt  }
0x77: {  	_ =	shalt  }
0x78: {  	_ =	shalt  }
0x79: {  	_ =	shalt  }
0x7a: {  	_ =	shalt  }
0x7b: {  	_ =	shalt  }
0x7c: {  	_ =	shalt  }
0x7d: {  	_ =	shalt  }
0x7e: {  	_ =	shalt  }
0x7f: {  	_ =	shalt  }
0x80: {  	_ =	shalt  }
0x81: {  	_ =	shalt  }
0x82: {  	_ =	shalt  }
0x83: {  	_ =	shalt  }
0x84: {  	_ =	shalt  }
0x85: {  	_ =	shalt  }
0x86: {  	_ =	shalt  }
0x87: {  	_ =	shalt  }
.Lfunc_end0:
.L_simem_size_0:
called_computation.2_lowered:
.L_overlay_start_0:
0x88: {  	s2 =	sld [smem:$0x3FD9]  }
0x89: {  	s3 =	sld [smem:$0x3FFE];
	_ =	sdelay $0x1  }
0x8a: {  	s1 =	srdreg.scid  }
0x8b: {  	s0 =	sand.u32 $0x1, s1  }
0x8c: {  	s16 =	sshll.u32 s0, $0xA;
	s2 =	sadd.s32 s3, s2  }
0x8d: {  	s2 =	sadd.s32 s2, s16  }
0x8e: {  	[smem:$0x3FB7] =	sst s2  }
0x8f: {  	_ = 	snop  }
0x90: {  	(tm) =	ssettm $0x1  }
0x91: {  	s17 =	sld [smem:$0x3FFB];
	_ =	sdelay $0x3  }
0x92: {  	_ =	strace s17  }
0x93: {  	s2 =	sld [smem:$0x3FFC];
	_ =	sdelay $0x3  }
0x94: {  	_ =	strace s2  }
0x95: {  	s2 =	sld [smem:$0x3FFD];
	_ =	sdelay $0x3  }
0x96: {  	_ =	strace s2  }
0x97: {  	_ =	strace $0x8FFFFFFF  }
0x98: {  	s18 =	sld [smem:$0x3FDB];
	_ =	sdelay $0x1  }
0x99: {  	s19 =	simm.s32 $_scs_section_size  }
0x9a: {  	s4 =	simm.s32 $_size__tile_overlayer_lowered;
	s5 =	simm.s32 $_tile_overlayer_lowered  }
0x9b: {  	s22 =	simm.s32 $0x1BFF;
	s21 =	sshll.u32 s5, $0x1;
	s2 =	sadd.s32 s19, s18  }
0x9c: {  	s6 =	simm.s32 $0x0;
	s20 =	sshll.u32 s4, $0x1;
	s4 =	sadd.s32 s21, s2  }
0x9d: {  	[timem:s6], [sflag:s22] =	dma.local [hbm:s4], s20  }
0x9e: {  	_ =	swait.ge [sflag:s22], s20  }
0x9f: {  	s3 =	ssub.s32 $0x0, s20;
	[sflag:s22] =	ssyncset.done $0x0  }
0xa0: {  	[sflag:s22] =	ssyncadd.s32 s3;
	_ =	sdelay $0x1  }
0xa1: {  	s23 =	simm.s32 $0x1B8B  }
0xa2: {  	_ =	swait.ge [sflag:s23], $0x1  }
0xa3: {  	[sflag:s23] =	ssyncset.done $0x0  }
0xa4: {  	s25 =	simm.s32 $0x1B8E;
	s24 =	sld [smem:$0x3FFE];
	[sflag:s23] =	ssyncadd.s32 $0xFFFFFFFF  }
0xa5: {  	s26 =	simm.s32 $execute0_lowered;
	[smem:$0x3FD2] =	sst s25  }
0xa6: {  	s4 =	sshll.u32 s26, $0x1;
	_ =	strace $0x8000004C;
	[dreg:$0x1] =	wrdreg $0xFFFFFFFF  }
0xa7: {  	s28 =	simm.s32 $_size_execute0_lowered;
	s2 =	sadd.s32 s2, s4;
	[dreg:$0x0] =	wrdreg $0x0  }
0xa8: {  	s4 =	sshll.u32 s28, $0x1;
	[dreg:$0x2] =	wrdreg s2  }
0xa9: {  	[dreg:$0x3] =	wrdreg s4  }
0xaa: {  	[dreg:$0x4] =	wrdreg $0xC0  }
0xab: {  	_ =	task [dreg:s6], $0x5FFFF  }
0xac: {  	[dreg:$0x1] =	wrdreg $0xFFFFFFFF  }
0xad: {  	[dreg:$0x0] =	wrdreg $0x60  }
0xae: {  	[dreg:$0x2] =	wrdreg s24  }
0xaf: {  	[dreg:$0x3] =	wrdreg $0x91000  }
0xb0: {  	[dreg:$0x4] =	wrdreg $0x9  }
0xb1: {  	_ =	task.clear_ibuf [dreg:s6], $0x5FFFF;
	_ =	strace $0x9000004C  }
0xb2: {  	s29 =	simm.s32 $0x9;
	_ =	strace $0x8000004E  }
0xb3: {  	_ =	swait.ge [sflag:s29], $0x1  }
0xb4: {  	[sflag:s29] =	ssyncadd.s32 $0xFFFFFFFF  }
0xb5: {  	_ =	strace $0x9000004E  }
0xb6: {  	_ =	sfence  }
0xb7: {  	s30 =	sld [smem:$0x0];
	_ =	sdelay $0x2  }
0xb8: {  	s31 =	sshll.u32 s1, $0xD;
	s1 =	sshrl.u32 s1, $0x2  }
0xb9: {  	s3 =	sand.u32 $0x4000, s31;
	s1 =	sadd.s32 s1, s30  }
0xba: {  	s0 =	sor.u32 s3, s0;
	s1 =	sshll.u32 s1, $0x11  }
0xbb: {  	s0 =	sor.u32 s1, s0  }
0xbc: {  	s0 =	sadd.s32 $0x8F2B, s0  }
0xbd: {  	[sflag:s0] =	ssyncadd.remote.s32 $0x1  }
0xbe: {  	_ =	sfence.sel $0xFFFF  }
0xbf: {  	[dreg:$0x0] =	wrdreg $0xFFFFFFFF;
	(pc) =	sbr.abs _section_cstart, $3  }
0xc0: {  	[dreg:$0x1] =	wrdreg $0xFFFFFFFF  }
0xc1: {  	_ =	task.clear_ibuf [dreg:s6], $0x2FFFF;
	_ =	strace $0x9FFFFFFF  }
0xc2: {  	(tm) =	ssettm $0x7FFFFFFF  }
0xc3: {  	_ =	shalt  }
tec
execute0_lowered:
.L_overlay_start_1:
0x0: {  	(tag) =	ssettag $0x1  }
0x1: {  	s8 =	rddreg [dreg:$0x0]  }
0x2: {  	s1 =	rddreg [dreg:$0x1]  }
0x3: {  	s2 =	srdreg.scid;
	s0 =	rddreg [dreg:$0x2];
	s3 =	simm.s32 $0x0  }
0x4: {  	s16 =	simm.s32 $0x5100;
	s17 =	simm.s32 $0x2;
	s18 =	simm.s32 $0x80  }
0x5: {  	s19 =	simm.s32 $0x50;
	s20 =	simm.s32 $0x100;
	s21 =	simm.s32 $0x2900  }
0x6: {  	s22 =	simm.s32 $0x1;
	s23 =	simm.s32 $0x0;
	s9 =	sand.u32 $0x1, s2  }
0x7: {  	s2 =	stileid.u32;
	s4 =	sadd.s32 $0x4FFE00, s8;
	s6 =	smul.u32 $0x140000, s9  }
0x8: {  	[smem:$0x7FF] =	sst s3;
	s5 =	sadd.s32 $0x577E00, s8;
	s7 =	smul.u32 $0x14000, s2  }
0x9: {  	s11 =	smul.u32 $0x50000, s2;
	s30 =	ssub.s32 $0x2, s9;
	s9 =	sshll.u32 s9, $0x4  }
0xa: {  	_ =	strace $0x8000004D;
	s31 =	sshrl.u32 s30, $0x1;
	s13 =	sor.u32 s2, s9  }
0xb: {  	s7 =	sadd.s32 s7, s6;
	s6 =	sadd.s32 $0x4F6000, s8;
	s11 =	sshrl.u32 s11, $0x2  }
0xc: {  	s15 =	ssub.s32 s30, s31;
	s13 =	smul.u32 $0x2710, s13;
	s10 =	sshrl.u32 s7, $0x3  }
0xd: {  	s7 =	sadd.s32 $0x4EC200, s8;
	s14 =	sadd.s32 s10, s8;
	s8 =	sadd.s32 s11, s1  }
0xe: {  	s15 =	smax.u32 s15, $0x1;
	s9 =	sadd.s32 $0x4000, s8;
	s10 =	sadd.s32 $0x8000, s8  }
0xf: {  	v0 =	vimm.f32 $0.0e+00;
	s11 =	sadd.s32 $0xC000, s8;
	s12 =	sadd.s32 $0x10000, s8;
	s14 =	sadd.s32 $0x527E00, s14  }
.LBB2_1:
0x10: {  	s24 =	simm.s32 $0x5200  }
0x11: {  	[tilespmem:s24+$0xFFFFFF00] =	vst v0  }
0x12: {  	[tilespmem:s24+$0xF0] =	vst v0  }
0x13: {  	[tilespmem:s24+$0xE0] =	vst v0  }
0x14: {  	[tilespmem:s24+$0xD0] =	vst v0  }
0x15: {  	[tilespmem:s24+$0xC0] =	vst v0  }
0x16: {  	[tilespmem:s24+$0xB0] =	vst v0  }
0x17: {  	[tilespmem:s24+$0xA0] =	vst v0  }
0x18: {  	[tilespmem:s24+$0x90] =	vst v0  }
0x19: {  	[tilespmem:s24+$0x80] =	vst v0  }
0x1a: {  	[tilespmem:s24+$0x70] =	vst v0  }
0x1b: {  	[tilespmem:s24+$0x60] =	vst v0  }
0x1c: {  	[tilespmem:s24+$0x50] =	vst v0  }
0x1d: {  	[tilespmem:s24+$0x40] =	vst v0  }
0x1e: {  	[tilespmem:s24+$0x30] =	vst v0  }
0x1f: {  	[tilespmem:s24+$0x20] =	vst v0  }
0x20: {  	[tilespmem:s24+$0x10] =	vst v0  }
0x21: {  	[tilespmem:s24+$0x0] =	vst v0  }
0x22: {  	[tilespmem:s24+$0xFFFFFFF0] =	vst v0  }
0x23: {  	[tilespmem:s24+$0xFFFFFFE0] =	vst v0  }
0x24: {  	[tilespmem:s24+$0xFFFFFFD0] =	vst v0  }
0x25: {  	[tilespmem:s24+$0xFFFFFFC0] =	vst v0  }
0x26: {  	[tilespmem:s24+$0xFFFFFFB0] =	vst v0  }
0x27: {  	[tilespmem:s24+$0xFFFFFFA0] =	vst v0  }
0x28: {  	[tilespmem:s24+$0xFFFFFF90] =	vst v0  }
0x29: {  	[tilespmem:s24+$0xFFFFFF80] =	vst v0  }
0x2a: {  	[tilespmem:s24+$0xFFFFFF70] =	vst v0  }
0x2b: {  	[tilespmem:s24+$0xFFFFFF60] =	vst v0  }
0x2c: {  	[tilespmem:s24+$0xFFFFFF50] =	vst v0  }
0x2d: {  	[tilespmem:s24+$0xFFFFFF40] =	vst v0  }
0x2e: {  	[tilespmem:s24+$0xFFFFFF30] =	vst v0  }
0x2f: {  	s25 =	simm.s32 $0x0;
	[tilespmem:s24+$0xFFFFFF20] =	vst v0  }
.LBB2_2:
0x30: {  	s25 =	sadd.s32 $0x4, s25;
	[tilespmem:s24+$0xFFFFFF10] =	vst v0;
	s24 =	sadd.s32 $0x200, s24  }
0x31: {  	[tilespmem:s24+$0xFFFFFF00] =	vst v0;
	p0 =	slt.u32 s25, $0x7C  }
0x32: {  	[tilespmem:s24+$0xF0] =	vst v0  }
0x33: {  	[tilespmem:s24+$0xE0] =	vst v0  }
0x34: {  	[tilespmem:s24+$0xD0] =	vst v0  }
0x35: {  	[tilespmem:s24+$0xC0] =	vst v0  }
0x36: {  	[tilespmem:s24+$0xB0] =	vst v0  }
0x37: {  	[tilespmem:s24+$0xA0] =	vst v0  }
0x38: {  	[tilespmem:s24+$0x90] =	vst v0  }
0x39: {  	[tilespmem:s24+$0x80] =	vst v0  }
0x3a: {  	[tilespmem:s24+$0x70] =	vst v0  }
0x3b: {  	[tilespmem:s24+$0x60] =	vst v0  }
0x3c: {  	[tilespmem:s24+$0x50] =	vst v0  }
0x3d: {  	[tilespmem:s24+$0x40] =	vst v0  }
0x3e: {  	[tilespmem:s24+$0x30] =	vst v0  }
0x3f: {  	[tilespmem:s24+$0x20] =	vst v0  }
0x40: {  	[tilespmem:s24+$0x10] =	vst v0  }
0x41: {  	[tilespmem:s24+$0x0] =	vst v0  }
0x42: {  	[tilespmem:s24+$0xFFFFFFF0] =	vst v0  }
0x43: {  	[tilespmem:s24+$0xFFFFFFE0] =	vst v0  }
0x44: {  	[tilespmem:s24+$0xFFFFFFD0] =	vst v0  }
0x45: {  	[tilespmem:s24+$0xFFFFFFC0] =	vst v0  }
0x46: {  	[tilespmem:s24+$0xFFFFFFB0] =	vst v0  }
0x47: {  	[tilespmem:s24+$0xFFFFFFA0] =	vst v0  }
0x48: {  	[tilespmem:s24+$0xFFFFFF90] =	vst v0  }
0x49: {  	[tilespmem:s24+$0xFFFFFF80] =	vst v0  }
0x4a: {  	[tilespmem:s24+$0xFFFFFF70] =	vst v0  }
.Ltmp0:
0x4b: {  	[tilespmem:s24+$0xFFFFFF60] =	vst v0;
	(pc) =	sbr.rel @p0 .LBB2_2-.Ltmp0, $4  }
0x4c: {  	[tilespmem:s24+$0xFFFFFF50] =	vst v0  }
0x4d: {  	[tilespmem:s24+$0xFFFFFF40] =	vst v0  }
0x4e: {  	[tilespmem:s24+$0xFFFFFF30] =	vst v0  }
0x4f: {  	[tilespmem:s24+$0xFFFFFF20] =	vst v0  }
0x50: {  	[tilespmem:s24+$0xFFFFFF10] =	vst v0  }
0x51: {  	[spmem:s8] =	stream.linear.scatter [tilespmem:s16], [sflag:$0x2], $0x4000, $0x38;
	[tilespmem:$0x1D100] =	vst v63  }
0x52: {  	_ =	swait.ge [sflag:s17], $0x4000  }
0x53: {  	[sflag:s17] =	ssyncset.done $0x0  }
0x54: {  	[sflag:s17] =	ssyncadd.s32 $0xFFFFC000  }
0x55: {  	[spmem:s9] =	stream.linear.scatter [tilespmem:s16], [sflag:$0x2], $0x4000, $0x38;
	[tilespmem:$0x1D100] =	vst v63  }
0x56: {  	_ =	swait.ge [sflag:s17], $0x4000  }
0x57: {  	[sflag:s17] =	ssyncset.done $0x0  }
0x58: {  	[sflag:s17] =	ssyncadd.s32 $0xFFFFC000  }
0x59: {  	[spmem:s10] =	stream.linear.scatter [tilespmem:s16], [sflag:$0x2], $0x4000, $0x38;
	[tilespmem:$0x1D100] =	vst v63  }
0x5a: {  	_ =	swait.ge [sflag:s17], $0x4000  }
0x5b: {  	[sflag:s17] =	ssyncset.done $0x0  }
0x5c: {  	[sflag:s17] =	ssyncadd.s32 $0xFFFFC000  }
0x5d: {  	[spmem:s11] =	stream.linear.scatter [tilespmem:s16], [sflag:$0x2], $0x4000, $0x38;
	[tilespmem:$0x1D100] =	vst v63  }
0x5e: {  	_ =	swait.ge [sflag:s17], $0x4000  }
0x5f: {  	[sflag:s17] =	ssyncset.done $0x0  }
0x60: {  	[sflag:s17] =	ssyncadd.s32 $0xFFFFC000  }
0x61: {  	[spmem:s12] =	stream.linear.scatter [tilespmem:s16], [sflag:$0x2], $0x4000, $0x38;
	[tilespmem:$0x1D100] =	vst v63  }
0x62: {  	_ =	swait.ge [sflag:s17], $0x4000  }
0x63: {  	[sflag:s17] =	ssyncset.done $0x0  }
0x64: {  	[sflag:s17] =	ssyncadd.s32 $0xFFFFC000  }
0x65: {  	s24 =	simm.s32 $0x0;
	[bflag:$0x0] =	sbarrier.arrive $0xFFFF  }
.LBB2_4:
0x66: {  	s25 =	smul.u32 $0x50, s24;
	_ =	sdelay $0x1  }
0x67: {  	s25 =	sadd.s32 s13, s25  }
0x68: {  	s26 =	sshrl.u32 s25, $0x3  }
0x69: {  	s28 =	sadd.s32 s6, s26  }
0x6a: {  	[tilespmem:s3], [sflag:$0x2] =	stream.linear.gather [hbm4b:s28+s3], $0x50, $0x38;
	[tilespmem:$0x1D100] =	vst v63  }
0x6b: {  	_ =	swait.ge [sflag:s17], $0x50  }
0x6c: {  	[sflag:s17] =	ssyncset.done $0x0  }
0x6d: {  	s26 =	sadd.s32 s7, s26;
	[sflag:s17] =	ssyncadd.s32 $0xFFFFFFB0  }
0x6e: {  	[tilespmem:s18], [sflag:$0x2] =	stream.linear.gather [hbm4b:s26+s3], $0x50, $0x38;
	[tilespmem:$0x1D100] =	vst v63  }
0x6f: {  	_ =	swait.ge [sflag:s17], $0x50  }
0x70: {  	[sflag:s17] =	ssyncset.done $0x0  }
0x71: {  	s25 =	sshll.u32 s25, $0x4;
	[sflag:s17] =	ssyncadd.s32 $0xFFFFFFB0  }
0x72: {  	[tilespmem:s20], [sflag:$0x1] =	stream.indirect.gather [hbm4b:s4+s19], $0x80, s3, s19, $0xb8;
	[tilespmem:$0x1D100] =	vst v63  }
0x73: {  	s25 =	sadd.s32 s5, s25  }
0x74: {  	[tilespmem:s21], [sflag:$0x2] =	stream.linear.gather [hbm4b:s25+s3], $0x2800, $0x38;
	[tilespmem:$0x1D100] =	vst v63  }
0x75: {  	_ =	swait.ge [sflag:s17], $0x2800  }
0x76: {  	[sflag:s17] =	ssyncset.done $0x0  }
0x77: {  	[sflag:s17] =	ssyncadd.s32 $0xFFFFD800  }
0x78: {  	_ =	swait.ge [sflag:s22], $0x2800  }
0x79: {  	[sflag:s22] =	ssyncset.done $0x0  }
0x7a: {  	s25 =	simm.s32 $0x2980;
	[sflag:s22] =	ssyncadd.s32 $0xFFFFD800  }
0x7b: {  	s26 =	simm.s32 $0x180;
	v1 =	vld [tilespmem:s25+$0xFFFFFF80]  }
0x7c: {  	v2 =	vld [tilespmem:s26+$0xFFFFFF80];
	_ =	sdelay $0x4  }
0x7d: {  	v1 =	vadd.f32 v2, v1;
	_ =	sdelay $0x1  }
0x7e: {  	v1 =	vmax.f32 v1, $0.0e+00  }
0x7f: {  	[tilespmem:s25+$0xFFFFFF80] =	vst v1;
	v1 =	vld [tilespmem:s25+$0xFFFFFF90]  }
0x80: {  	v2 =	vld [tilespmem:s26+$0xFFFFFF90];
	_ =	sdelay $0x4  }
0x81: {  	v1 =	vadd.f32 v2, v1;
	_ =	sdelay $0x1  }
0x82: {  	v1 =	vmax.f32 v1, $0.0e+00  }
0x83: {  	[tilespmem:s25+$0xFFFFFF90] =	vst v1;
	v1 =	vld [tilespmem:s25+$0xFFFFFFA0]  }
0x84: {  	v2 =	vld [tilespmem:s26+$0xFFFFFFA0];
	_ =	sdelay $0x4  }
0x85: {  	v1 =	vadd.f32 v2, v1;
	_ =	sdelay $0x1  }
0x86: {  	v1 =	vmax.f32 v1, $0.0e+00  }
0x87: {  	[tilespmem:s25+$0xFFFFFFA0] =	vst v1;
	v1 =	vld [tilespmem:s25+$0xFFFFFFB0]  }
0x88: {  	v2 =	vld [tilespmem:s26+$0xFFFFFFB0];
	_ =	sdelay $0x4  }
0x89: {  	v1 =	vadd.f32 v2, v1;
	_ =	sdelay $0x1  }
0x8a: {  	v1 =	vmax.f32 v1, $0.0e+00  }
0x8b: {  	[tilespmem:s25+$0xFFFFFFB0] =	vst v1;
	v1 =	vld [tilespmem:s25+$0xFFFFFFC0]  }
0x8c: {  	v2 =	vld [tilespmem:s26+$0xFFFFFFC0];
	_ =	sdelay $0x4  }
0x8d: {  	v1 =	vadd.f32 v2, v1;
	_ =	sdelay $0x1  }
0x8e: {  	v1 =	vmax.f32 v1, $0.0e+00  }
0x8f: {  	[tilespmem:s25+$0xFFFFFFC0] =	vst v1;
	v1 =	vld [tilespmem:s25+$0xFFFFFFD0]  }
0x90: {  	v2 =	vld [tilespmem:s26+$0xFFFFFFD0];
	_ =	sdelay $0x4  }
0x91: {  	v1 =	vadd.f32 v2, v1;
	_ =	sdelay $0x1  }
0x92: {  	v1 =	vmax.f32 v1, $0.0e+00  }
0x93: {  	[tilespmem:s25+$0xFFFFFFD0] =	vst v1;
	v1 =	vld [tilespmem:s25+$0xFFFFFFE0]  }
0x94: {  	v2 =	vld [tilespmem:s26+$0xFFFFFFE0];
	_ =	sdelay $0x4  }
0x95: {  	v1 =	vadd.f32 v2, v1;
	_ =	sdelay $0x1  }
0x96: {  	v1 =	vmax.f32 v1, $0.0e+00  }
0x97: {  	[tilespmem:s25+$0xFFFFFFE0] =	vst v1;
	v1 =	vld [tilespmem:s25+$0xFFFFFFF0]  }
0x98: {  	v2 =	vld [tilespmem:s26+$0xFFFFFFF0];
	_ =	sdelay $0x4  }
0x99: {  	v1 =	vadd.f32 v2, v1;
	_ =	sdelay $0x1  }
0x9a: {  	v1 =	vmax.f32 v1, $0.0e+00  }
0x9b: {  	[tilespmem:s25+$0xFFFFFFF0] =	vst v1;
	v1 =	vld [tilespmem:s25+$0x0]  }
0x9c: {  	v2 =	vld [tilespmem:s26+$0x0];
	_ =	sdelay $0x4  }
0x9d: {  	v1 =	vadd.f32 v2, v1;
	_ =	sdelay $0x1  }
0x9e: {  	v1 =	vmax.f32 v1, $0.0e+00  }
0x9f: {  	[tilespmem:s25+$0x0] =	vst v1;
	v1 =	vld [tilespmem:s25+$0x10]  }
0xa0: {  	v2 =	vld [tilespmem:s26+$0x10];
	_ =	sdelay $0x4  }
0xa1: {  	v1 =	vadd.f32 v2, v1;
	_ =	sdelay $0x1  }
0xa2: {  	v1 =	vmax.f32 v1, $0.0e+00  }
0xa3: {  	[tilespmem:s25+$0x10] =	vst v1;
	v1 =	vld [tilespmem:s25+$0x20]  }
0xa4: {  	v2 =	vld [tilespmem:s26+$0x20];
	_ =	sdelay $0x4  }
0xa5: {  	v1 =	vadd.f32 v2, v1;
	_ =	sdelay $0x1  }
0xa6: {  	v1 =	vmax.f32 v1, $0.0e+00  }
0xa7: {  	[tilespmem:s25+$0x20] =	vst v1;
	v1 =	vld [tilespmem:s25+$0x30]  }
0xa8: {  	v2 =	vld [tilespmem:s26+$0x30];
	_ =	sdelay $0x4  }
0xa9: {  	v1 =	vadd.f32 v2, v1;
	_ =	sdelay $0x1  }
0xaa: {  	v1 =	vmax.f32 v1, $0.0e+00  }
0xab: {  	[tilespmem:s25+$0x30] =	vst v1;
	v1 =	vld [tilespmem:s25+$0x40]  }
0xac: {  	v2 =	vld [tilespmem:s26+$0x40];
	_ =	sdelay $0x4  }
0xad: {  	v1 =	vadd.f32 v2, v1;
	_ =	sdelay $0x1  }
0xae: {  	v1 =	vmax.f32 v1, $0.0e+00  }
0xaf: {  	[tilespmem:s25+$0x40] =	vst v1;
	v1 =	vld [tilespmem:s25+$0x50]  }
0xb0: {  	v2 =	vld [tilespmem:s26+$0x50];
	_ =	sdelay $0x4  }
0xb1: {  	v1 =	vadd.f32 v2, v1;
	_ =	sdelay $0x1  }
0xb2: {  	v1 =	vmax.f32 v1, $0.0e+00  }
0xb3: {  	[tilespmem:s25+$0x50] =	vst v1;
	v1 =	vld [tilespmem:s25+$0x60]  }
0xb4: {  	v2 =	vld [tilespmem:s26+$0x60];
	_ =	sdelay $0x4  }
0xb5: {  	v1 =	vadd.f32 v2, v1;
	_ =	sdelay $0x1  }
0xb6: {  	v1 =	vmax.f32 v1, $0.0e+00  }
0xb7: {  	[tilespmem:s25+$0x60] =	vst v1;
	v1 =	vld [tilespmem:s25+$0x70]  }
0xb8: {  	v2 =	vld [tilespmem:s26+$0x70];
	_ =	sdelay $0x4  }
0xb9: {  	v1 =	vadd.f32 v2, v1;
	_ =	sdelay $0x1  }
0xba: {  	s29 =	simm.s32 $0x2A80;
	s28 =	simm.s32 $0x0;
	v1 =	vmax.f32 v1, $0.0e+00  }
.LBB2_5:
0xbb: {  	v2 =	vld [tilespmem:s29+$0xFFFFFF80];
	[tilespmem:s25+$0x70] =	vst v1;
	s26 =	sadd.s32 $0x100, s26;
	s25 =	smov.u32 s29  }
0xbc: {  	s28 =	sadd.s32 $0x2, s28;
	v1 =	vld [tilespmem:s26+$0xFFFFFF80]  }
0xbd: {  	p0 =	slt.u32 s28, $0x4E;
	_ =	sdelay $0x3  }
0xbe: {  	v1 =	vadd.f32 v1, v2;
	_ =	sdelay $0x1  }
0xbf: {  	v1 =	vmax.f32 v1, $0.0e+00  }
0xc0: {  	[tilespmem:s29+$0xFFFFFF80] =	vst v1;
	v1 =	vld [tilespmem:s29+$0xFFFFFF90]  }
0xc1: {  	v2 =	vld [tilespmem:s26+$0xFFFFFF90];
	_ =	sdelay $0x4  }
0xc2: {  	v1 =	vadd.f32 v2, v1;
	_ =	sdelay $0x1  }
0xc3: {  	v1 =	vmax.f32 v1, $0.0e+00  }
0xc4: {  	[tilespmem:s29+$0xFFFFFF90] =	vst v1;
	v1 =	vld [tilespmem:s29+$0xFFFFFFA0]  }
0xc5: {  	v2 =	vld [tilespmem:s26+$0xFFFFFFA0];
	_ =	sdelay $0x4  }
0xc6: {  	v1 =	vadd.f32 v2, v1;
	_ =	sdelay $0x1  }
0xc7: {  	v1 =	vmax.f32 v1, $0.0e+00  }
0xc8: {  	[tilespmem:s29+$0xFFFFFFA0] =	vst v1;
	v1 =	vld [tilespmem:s29+$0xFFFFFFB0]  }
0xc9: {  	v2 =	vld [tilespmem:s26+$0xFFFFFFB0];
	_ =	sdelay $0x4  }
0xca: {  	v1 =	vadd.f32 v2, v1;
	_ =	sdelay $0x1  }
0xcb: {  	v1 =	vmax.f32 v1, $0.0e+00  }
0xcc: {  	[tilespmem:s29+$0xFFFFFFB0] =	vst v1;
	v1 =	vld [tilespmem:s29+$0xFFFFFFC0]  }
0xcd: {  	v2 =	vld [tilespmem:s26+$0xFFFFFFC0];
	_ =	sdelay $0x4  }
0xce: {  	v1 =	vadd.f32 v2, v1;
	_ =	sdelay $0x1  }
0xcf: {  	v1 =	vmax.f32 v1, $0.0e+00  }
0xd0: {  	[tilespmem:s29+$0xFFFFFFC0] =	vst v1;
	v1 =	vld [tilespmem:s29+$0xFFFFFFD0]  }
0xd1: {  	v2 =	vld [tilespmem:s26+$0xFFFFFFD0];
	_ =	sdelay $0x4  }
0xd2: {  	v1 =	vadd.f32 v2, v1;
	_ =	sdelay $0x1  }
0xd3: {  	v1 =	vmax.f32 v1, $0.0e+00  }
0xd4: {  	[tilespmem:s29+$0xFFFFFFD0] =	vst v1;
	v1 =	vld [tilespmem:s29+$0xFFFFFFE0]  }
0xd5: {  	v2 =	vld [tilespmem:s26+$0xFFFFFFE0];
	_ =	sdelay $0x4  }
0xd6: {  	v1 =	vadd.f32 v2, v1;
	_ =	sdelay $0x1  }
0xd7: {  	v1 =	vmax.f32 v1, $0.0e+00  }
0xd8: {  	[tilespmem:s29+$0xFFFFFFE0] =	vst v1;
	v1 =	vld [tilespmem:s29+$0xFFFFFFF0]  }
0xd9: {  	v2 =	vld [tilespmem:s26+$0xFFFFFFF0];
	_ =	sdelay $0x4  }
0xda: {  	v1 =	vadd.f32 v2, v1;
	_ =	sdelay $0x1  }
0xdb: {  	v1 =	vmax.f32 v1, $0.0e+00  }
0xdc: {  	[tilespmem:s29+$0xFFFFFFF0] =	vst v1;
	v1 =	vld [tilespmem:s29+$0x0]  }
0xdd: {  	v2 =	vld [tilespmem:s26+$0x0];
	_ =	sdelay $0x4  }
0xde: {  	v1 =	vadd.f32 v2, v1;
	_ =	sdelay $0x1  }
0xdf: {  	v1 =	vmax.f32 v1, $0.0e+00  }
0xe0: {  	[tilespmem:s29+$0x0] =	vst v1;
	v1 =	vld [tilespmem:s29+$0x10]  }
0xe1: {  	v2 =	vld [tilespmem:s26+$0x10];
	_ =	sdelay $0x4  }
0xe2: {  	v1 =	vadd.f32 v2, v1;
	_ =	sdelay $0x1  }
0xe3: {  	v1 =	vmax.f32 v1, $0.0e+00  }
0xe4: {  	[tilespmem:s29+$0x10] =	vst v1;
	v1 =	vld [tilespmem:s29+$0x20]  }
0xe5: {  	v2 =	vld [tilespmem:s26+$0x20];
	_ =	sdelay $0x4  }
0xe6: {  	v1 =	vadd.f32 v2, v1;
	_ =	sdelay $0x1  }
0xe7: {  	v1 =	vmax.f32 v1, $0.0e+00  }
0xe8: {  	[tilespmem:s29+$0x20] =	vst v1;
	v1 =	vld [tilespmem:s29+$0x30]  }
0xe9: {  	v2 =	vld [tilespmem:s26+$0x30];
	_ =	sdelay $0x4  }
0xea: {  	v1 =	vadd.f32 v2, v1;
	_ =	sdelay $0x1  }
0xeb: {  	v1 =	vmax.f32 v1, $0.0e+00  }
0xec: {  	[tilespmem:s29+$0x30] =	vst v1;
	v1 =	vld [tilespmem:s29+$0x40]  }
0xed: {  	v2 =	vld [tilespmem:s26+$0x40];
	_ =	sdelay $0x4  }
0xee: {  	v1 =	vadd.f32 v2, v1;
	_ =	sdelay $0x1  }
0xef: {  	v1 =	vmax.f32 v1, $0.0e+00  }
0xf0: {  	[tilespmem:s29+$0x40] =	vst v1;
	v1 =	vld [tilespmem:s29+$0x50]  }
0xf1: {  	v2 =	vld [tilespmem:s26+$0x50];
	_ =	sdelay $0x4  }
0xf2: {  	v1 =	vadd.f32 v2, v1;
	_ =	sdelay $0x1  }
0xf3: {  	v1 =	vmax.f32 v1, $0.0e+00  }
0xf4: {  	[tilespmem:s29+$0x50] =	vst v1;
	v1 =	vld [tilespmem:s29+$0x60]  }
0xf5: {  	v2 =	vld [tilespmem:s26+$0x60];
	_ =	sdelay $0x4  }
0xf6: {  	v1 =	vadd.f32 v2, v1;
	_ =	sdelay $0x1  }
0xf7: {  	v1 =	vmax.f32 v1, $0.0e+00  }
0xf8: {  	[tilespmem:s29+$0x60] =	vst v1;
	v1 =	vld [tilespmem:s29+$0x70]  }
0xf9: {  	v2 =	vld [tilespmem:s26+$0x70];
	_ =	sdelay $0x2  }
.Ltmp1:
0xfa: {  	(pc) =	sbr.rel @p0 .LBB2_5-.Ltmp1, $3  }
0xfb: {  	_ = 	snop  }
0xfc: {  	v1 =	vadd.f32 v2, v1;
	_ =	sdelay $0x1  }
0xfd: {  	s29 =	sadd.s32 $0x100, s29;
	v1 =	vmax.f32 v1, $0.0e+00  }
0xfe: {  	s24 =	sadd.s32 $0x1, s24  }
0xff: {  	p0 =	sne.s32 s24, $0x7D  }
.Ltmp2:
0x100: {  	[tilespmem:s25+$0x70] =	vst v1;
	(pc) =	sbr.rel @p0 .LBB2_4-.Ltmp2, $4  }
0x101: {  	[spmem:s1] =	stream.indirect.scatter.add.f32 [tilespmem:s21], [sflag:$0x2], $0x80, s18, s19, $0xb8;
	[tilespmem:$0x1D100] =	vst v63  }
0x102: {  	_ =	swait.ge [sflag:s17], $0x2800  }
0x103: {  	[sflag:s17] =	ssyncset.done $0x0  }
0x104: {  	[sflag:s17] =	ssyncadd.s32 $0xFFFFD800  }
0x105: {  	s23 =	sadd.s32 $0x1, s23  }
0x106: {  	s24 =	sshll.u32 s2, $0x6;
	[bflag:$0x0] =	sbarrier.arrive $0xFFFF;
	p0 =	sne.s32 s23, s15  }
.Ltmp3:
0x107: {  	s25 =	sshrl.u32 s8, $0x3;
	s24 =	sor.u32 $0x1C02, s24;
	(pc) =	sbr.rel @p0 .LBB2_1-.Ltmp3, $4  }
0x108: {  	[hbm:s14], [sflag:s24] =	dma.local [spmem:s25], $0x2800  }
0x109: {  	_ =	swait.ge [sflag:s17], $0x2800  }
0x10a: {  	[sflag:s17] =	ssyncset.done $0x0  }
0x10b: {  	[sflag:s17] =	ssyncadd.s32 $0xFFFFD800  }
0x10c: {  	_ =	sfence.sel $0x180000  }
0x10d: {  	[bflag:$0x0] =	sbarrier.arrive $0xFFFF  }
0x10e: {  	p0 =	sne.s32 s2, $0x0;
	_ =	strace $0x9000004D  }
0x10f: {  	s0 =	sadd.s32 @!p0 $0x100000, s0;
	[bflag:$0x2] =	sbarrier.arrive $0xFFFF  }
0x110: {  	[sflag:s0] =	ssyncadd.tile.s32 @!p0 $0x1;
	_ =	shalt  }
.Lfunc_end2:
_tile_overlayer_lowered:
.L_overlay_start_2:
0x111: {  	(tag) =	ssettag $0x2  }
0x112: {  	s0 =	rddreg [dreg:$0x0];
	s2 =	stileid.u32  }
0x113: {  	s1 =	rddreg [dreg:$0x1];
	p0 =	sne.s32 s2, $0x0  }
0x114: {  	s3 =	rddreg [dreg:$0x2];
	[bflag:$0x3] =	sbarrier.arrive $0xFFFF;
	s2 =	simm.s32 @!p0 $0x1C02  }
0x115: {  	[timem:s3], [sflag:s2] =	dma.local @!p0 [hbm:s0], s1  }
0x116: {  	s0 =	simm.s32 @!p0 $0x2  }
0x117: {  	_ =	swait.ge @!p0 [sflag:s0], s1  }
0x118: {  	s1 =	ssub.s32 @!p0 $0x0, s1;
	[sflag:s0] =	ssyncset.done @!p0 $0x0  }
0x119: {  	[sflag:s0] =	ssyncadd.s32 @!p0 s1  }
0x11a: {  	[bflag:$0x3] =	sbarrier.arrive $0xFFFF  }
0x11b: {  	_ =	shalt  }

// kernel: kernel.27.cloned.1.call-start
scs
__scs_entry_jumppad:
0x0: {  	(pc) =	sbr.rel $0x88, $3  }
0x1: {  	(tag) =	ssettag $0x0;
	lr =	simm.s32 $0x1  }
0x2: {  	[smem:$0x3F90] =	sst lr;
	_ =	strace $0xD0000000  }
0x3: {  	_ = 	snop  }
0x4: {  	_ = 	snop  }
0x5: {  	_ = 	snop  }
0x6: {  	_ = 	snop  }
0x7: {  	_ = 	snop  }
__scs_overlays_trampoline_lowered:
0x8: {  	[smem:$0x3F9F] =	sst s0  }
0x9: {  	[smem:$0x3FA0] =	sst s1  }
0xa: {  	[smem:$0x3FA1] =	sst s2  }
0xb: {  	[smem:$0x3FA2] =	sst s3  }
0xc: {  	[smem:$0x3FA3] =	sst s4  }
0xd: {  	[smem:$0x3FA4] =	sst s5  }
0xe: {  	[smem:$0x3FA5] =	sst s6  }
0xf: {  	[smem:$0x3FA6] =	sst s7  }
0x10: {  	[smem:$0x3FA7] =	sst s8  }
0x11: {  	[smem:$0x3FA8] =	sst s9;
	s0 =	simm.s32 @!p0 $0x0  }
0x12: {  	s1 =	sld [smem:$0x3F8E];
	s0 =	simm.s32 @p0 $0x1  }
0x13: {  	[smem:$0x3FA9] =	sst s0;
	s0 =	simm.s32 @!p1 $0x0  }
0x14: {  	s2 =	sld [smem:$0x3F8D];
	s0 =	simm.s32 @p1 $0x1  }
0x15: {  	[smem:$0x3FAA] =	sst s0;
	s0 =	simm.s32 @!p2 $0x0  }
0x16: {  	s3 =	sld [smem:$0x3FDB];
	s0 =	simm.s32 @p2 $0x1  }
0x17: {  	s4 =	simm.s32 $0x1BF5;
	[smem:$0x3FAC] =	sst s0  }
0x18: {  	s0 =	sld [smem:$0x3F8F];
	_ =	swait.ge [sflag:s4], $0x0  }
0x19: {  	s7 =	sld [smem:$0x3F90]  }
0x1a: {  	s8 =	sadd.s32 $0xFFFFE003, lr  }
0x1b: {  	s9 =	sadd.s32 $0xFFFFFEF7, lr;
	s5 =	simm.s32 $0xFFFFFFFF;
	p2 =	slt.u32 s8, $0xFFFFF086  }
0x1c: {  	p1 =	slt.u32 s9, $0xF7A;
	s5 =	simm.s32 @!p2 $0x0  }
0x1d: {  	s5 =	simm.s32 @p1 $0x1;
	p0 =	seq.s32 s7, s2  }
0x1e: {  	s7 =	smul.u32 @!p0 $0xF7A, s2;
	p2 =	seq.s32 @!p0 s5, $0x0  }
0x1f: {  	s9 =	smul.u32 $0xF7A, s1;
	s8 =	simm.s32 @!p0 $0x1BF5;
	p2 =	por !p2, p0  }
0x20: {  	[sflag:s8] =	ssyncset.s32 @!p0 $0xFFFFF086;
	s6 =	sadd.s32 @!p0 s3, s7;
	s7 =	simm.s32 @!p0 $0x108  }
0x21: {  	s3 =	sadd.s32 s3, s9;
	s6 =	sadd.s32 @!p0 $0x88, s6;
	s7 =	simm.s32 @p2 $0x1082  }
0x22: {  	[simem:s7], [sflag:s8] =	dma.local @!p0 [hbm:s6], $0xF7A  }
0x23: {  	s9 =	sor.u32 $0xD0000000, s2;
	s6 =	simm.s32 $0x108;
	_ =	swait.ge @!p0 [sflag:s8], $0x0  }
0x24: {  	s3 =	sadd.s32 $0x88, s3;
	s6 =	simm.s32 @!p1 $0x1082;
	[sflag:s4] =	ssyncset.s32 $0xFFFFF086  }
0x25: {  	[simem:s6], [sflag:s4] =	dma.local [hbm:s3], $0xF7A  }
0x26: {  	[smem:$0x3F90] =	sst s1;
	(tag) =	ssettag s2;
	_ =	strace s9  }
0x27: {  	s1 =	sld [smem:$0x3FA0]  }
0x28: {  	s2 =	sld [smem:$0x3FA1]  }
0x29: {  	s4 =	sld [smem:$0x3FA3]  }
0x2a: {  	p0 =	seq.s32 s5, $0x0;
	s5 =	sld [smem:$0x3FA4]  }
0x2b: {  	s6 =	sld [smem:$0x3FA5]  }
0x2c: {  	s7 =	sld [smem:$0x3FA6]  }
0x2d: {  	s3 =	simm.s32 $0x108;
	s8 =	sld [smem:$0x3FA7]  }
0x2e: {  	s3 =	simm.s32 @!p0 $0x1082;
	s9 =	sld [smem:$0x3FA8]  }
0x2f: {  	lr =	sadd.s32 s0, s3;
	s0 =	sld [smem:$0x3F9F]  }
0x30: {  	s3 =	sld [smem:$0x3FA2]  }
0x31: {  	[smem:$0x3FAB] =	sst s10  }
0x32: {  	s10 =	sld [smem:$0x3FA9];
	_ =	sdelay $0x3  }
0x33: {  	p0 =	seq.s32 s10, $0x1;
	s10 =	sld [smem:$0x3FAB];
	_ =	sdelay $0x3  }
0x34: {  	[smem:$0x3FAB] =	sst s10  }
0x35: {  	s10 =	sld [smem:$0x3FAA];
	_ =	sdelay $0x3  }
0x36: {  	p1 =	seq.s32 s10, $0x1;
	s10 =	sld [smem:$0x3FAB];
	_ =	sdelay $0x3  }
0x37: {  	[smem:$0x3FAB] =	sst s10  }
0x38: {  	s10 =	sld [smem:$0x3FAC]  }
0x39: {  	_ = 	snop;
	(pc) =	sbr.ind lr, $3  }
0x3a: {  	_ = 	snop  }
0x3b: {  	_ = 	snop  }
0x3c: {  	p2 =	seq.s32 s10, $0x1;
	s10 =	sld [smem:$0x3FAB]  }
0x3d: {  	_ =	shalt  }
0x3e: {  	_ =	shalt  }
0x3f: {  	_ =	shalt  }
0x40: {  	_ =	shalt  }
0x41: {  	_ =	shalt  }
0x42: {  	_ =	shalt  }
0x43: {  	_ =	shalt  }
0x44: {  	_ =	shalt  }
0x45: {  	_ =	shalt  }
0x46: {  	_ =	shalt  }
0x47: {  	_ =	shalt  }
0x48: {  	_ =	shalt  }
0x49: {  	_ =	shalt  }
0x4a: {  	_ =	shalt  }
0x4b: {  	_ =	shalt  }
0x4c: {  	_ =	shalt  }
0x4d: {  	_ =	shalt  }
0x4e: {  	_ =	shalt  }
0x4f: {  	_ =	shalt  }
0x50: {  	_ =	shalt  }
0x51: {  	_ =	shalt  }
0x52: {  	_ =	shalt  }
0x53: {  	_ =	shalt  }
0x54: {  	_ =	shalt  }
0x55: {  	_ =	shalt  }
0x56: {  	_ =	shalt  }
0x57: {  	_ =	shalt  }
0x58: {  	_ =	shalt  }
0x59: {  	_ =	shalt  }
0x5a: {  	_ =	shalt  }
0x5b: {  	_ =	shalt  }
0x5c: {  	_ =	shalt  }
0x5d: {  	_ =	shalt  }
0x5e: {  	_ =	shalt  }
0x5f: {  	_ =	shalt  }
0x60: {  	_ =	shalt  }
0x61: {  	_ =	shalt  }
0x62: {  	_ =	shalt  }
0x63: {  	_ =	shalt  }
0x64: {  	_ =	shalt  }
0x65: {  	_ =	shalt  }
0x66: {  	_ =	shalt  }
0x67: {  	_ =	shalt  }
0x68: {  	_ =	shalt  }
0x69: {  	_ =	shalt  }
0x6a: {  	_ =	shalt  }
0x6b: {  	_ =	shalt  }
0x6c: {  	_ =	shalt  }
0x6d: {  	_ =	shalt  }
0x6e: {  	_ =	shalt  }
0x6f: {  	_ =	shalt  }
0x70: {  	_ =	shalt  }
0x71: {  	_ =	shalt  }
0x72: {  	_ =	shalt  }
0x73: {  	_ =	shalt  }
0x74: {  	_ =	shalt  }
0x75: {  	_ =	shalt  }
0x76: {  	_ =	shalt  }
0x77: {  	_ =	shalt  }
0x78: {  	_ =	shalt  }
0x79: {  	_ =	shalt  }
0x7a: {  	_ =	shalt  }
0x7b: {  	_ =	shalt  }
0x7c: {  	_ =	shalt  }
0x7d: {  	_ =	shalt  }
0x7e: {  	_ =	shalt  }
0x7f: {  	_ =	shalt  }
0x80: {  	_ =	shalt  }
0x81: {  	_ =	shalt  }
0x82: {  	_ =	shalt  }
0x83: {  	_ =	shalt  }
0x84: {  	_ =	shalt  }
0x85: {  	_ =	shalt  }
0x86: {  	_ =	shalt  }
0x87: {  	_ =	shalt  }
.Lfunc_end0:
.L_simem_size_0:
called_computation.3_lowered:
.L_overlay_start_0:
0x88: {  	s2 =	sld [smem:$0x3FD9]  }
0x89: {  	s3 =	sld [smem:$0x3FFE];
	_ =	sdelay $0x1  }
0x8a: {  	s1 =	srdreg.scid  }
0x8b: {  	s0 =	sand.u32 $0x1, s1  }
0x8c: {  	s16 =	sshll.u32 s0, $0xA;
	s2 =	sadd.s32 s3, s2  }
0x8d: {  	s2 =	sadd.s32 s2, s16  }
0x8e: {  	[smem:$0x3FB7] =	sst s2  }
0x8f: {  	_ = 	snop  }
0x90: {  	(tm) =	ssettm $0x1  }
0x91: {  	s17 =	sld [smem:$0x3FFB];
	_ =	sdelay $0x3  }
0x92: {  	_ =	strace s17  }
0x93: {  	s2 =	sld [smem:$0x3FFC];
	_ =	sdelay $0x3  }
0x94: {  	_ =	strace s2  }
0x95: {  	s2 =	sld [smem:$0x3FFD];
	_ =	sdelay $0x3  }
0x96: {  	_ =	strace s2  }
0x97: {  	_ =	strace $0x8FFFFFFF  }
0x98: {  	s18 =	sld [smem:$0x3FDB];
	_ =	sdelay $0x1  }
0x99: {  	s19 =	simm.s32 $_scs_section_size  }
0x9a: {  	s4 =	simm.s32 $_size__tile_overlayer_lowered;
	s5 =	simm.s32 $_tile_overlayer_lowered  }
0x9b: {  	s22 =	simm.s32 $0x1BFF;
	s21 =	sshll.u32 s5, $0x1;
	s2 =	sadd.s32 s19, s18  }
0x9c: {  	s6 =	simm.s32 $0x0;
	s20 =	sshll.u32 s4, $0x1;
	s4 =	sadd.s32 s21, s2  }
0x9d: {  	[timem:s6], [sflag:s22] =	dma.local [hbm:s4], s20  }
0x9e: {  	_ =	swait.ge [sflag:s22], s20  }
0x9f: {  	s3 =	ssub.s32 $0x0, s20;
	[sflag:s22] =	ssyncset.done $0x0  }
0xa0: {  	[sflag:s22] =	ssyncadd.s32 s3;
	_ =	sdelay $0x1  }
0xa1: {  	s23 =	simm.s32 $0x1B8B  }
0xa2: {  	_ =	swait.ge [sflag:s23], $0x1  }
0xa3: {  	[sflag:s23] =	ssyncset.done $0x0  }
0xa4: {  	s25 =	simm.s32 $0x1B8E;
	s24 =	sld [smem:$0x3FFE];
	[sflag:s23] =	ssyncadd.s32 $0xFFFFFFFF  }
0xa5: {  	s26 =	simm.s32 $execute0_lowered;
	[smem:$0x3FD2] =	sst s25  }
0xa6: {  	s4 =	sshll.u32 s26, $0x1;
	_ =	strace $0x8000004F;
	[dreg:$0x1] =	wrdreg $0xFFFFFFFF  }
0xa7: {  	s28 =	simm.s32 $_size_execute0_lowered;
	s2 =	sadd.s32 s2, s4;
	[dreg:$0x0] =	wrdreg $0x0  }
0xa8: {  	s4 =	sshll.u32 s28, $0x1;
	[dreg:$0x2] =	wrdreg s2  }
0xa9: {  	[dreg:$0x3] =	wrdreg s4  }
0xaa: {  	[dreg:$0x4] =	wrdreg $0xC0  }
0xab: {  	_ =	task [dreg:s6], $0x5FFFF  }
0xac: {  	[dreg:$0x1] =	wrdreg $0xFFFFFFFF  }
0xad: {  	[dreg:$0x0] =	wrdreg $0x60  }
0xae: {  	[dreg:$0x2] =	wrdreg s24  }
0xaf: {  	[dreg:$0x3] =	wrdreg $0x91000  }
0xb0: {  	[dreg:$0x4] =	wrdreg $0x9  }
0xb1: {  	_ =	task.clear_ibuf [dreg:s6], $0x5FFFF;
	_ =	strace $0x9000004F  }
0xb2: {  	s29 =	simm.s32 $0x9;
	_ =	strace $0x80000051  }
0xb3: {  	_ =	swait.ge [sflag:s29], $0x1  }
0xb4: {  	[sflag:s29] =	ssyncadd.s32 $0xFFFFFFFF  }
0xb5: {  	_ =	strace $0x90000051  }
0xb6: {  	_ =	sfence  }
0xb7: {  	s30 =	sld [smem:$0x0];
	_ =	sdelay $0x2  }
0xb8: {  	s31 =	sshll.u32 s1, $0xD;
	s1 =	sshrl.u32 s1, $0x2  }
0xb9: {  	s3 =	sand.u32 $0x4000, s31;
	s1 =	sadd.s32 s1, s30  }
0xba: {  	s0 =	sor.u32 s3, s0;
	s1 =	sshll.u32 s1, $0x11  }
0xbb: {  	s0 =	sor.u32 s1, s0  }
0xbc: {  	s0 =	sadd.s32 $0x8F2B, s0  }
0xbd: {  	[sflag:s0] =	ssyncadd.remote.s32 $0x1  }
0xbe: {  	_ =	sfence.sel $0xFFFF  }
0xbf: {  	[dreg:$0x0] =	wrdreg $0xFFFFFFFF;
	(pc) =	sbr.abs _section_cstart, $3  }
0xc0: {  	[dreg:$0x1] =	wrdreg $0xFFFFFFFF  }
0xc1: {  	_ =	task.clear_ibuf [dreg:s6], $0x2FFFF;
	_ =	strace $0x9FFFFFFF  }
0xc2: {  	(tm) =	ssettm $0x7FFFFFFF  }
0xc3: {  	_ =	shalt  }
tec
execute0_lowered:
.L_overlay_start_1:
0x0: {  	(tag) =	ssettag $0x1  }
0x1: {  	s8 =	rddreg [dreg:$0x0]  }
0x2: {  	s1 =	rddreg [dreg:$0x1]  }
0x3: {  	s2 =	srdreg.scid;
	s0 =	rddreg [dreg:$0x2];
	s3 =	simm.s32 $0x0  }
0x4: {  	s16 =	simm.s32 $0x5100;
	s17 =	simm.s32 $0x2;
	s18 =	simm.s32 $0x80  }
0x5: {  	s19 =	simm.s32 $0x50;
	s20 =	simm.s32 $0x100;
	s21 =	simm.s32 $0x2900  }
0x6: {  	s22 =	simm.s32 $0x1;
	s23 =	simm.s32 $0x0;
	s9 =	sand.u32 $0x1, s2  }
0x7: {  	s2 =	stileid.u32;
	s4 =	sadd.s32 $0x4FFE00, s8;
	s6 =	smul.u32 $0x140000, s9  }
0x8: {  	[smem:$0x7FF] =	sst s3;
	s5 =	sadd.s32 $0xA59E00, s8;
	s7 =	smul.u32 $0x14000, s2  }
0x9: {  	s11 =	smul.u32 $0x50000, s2;
	s30 =	ssub.s32 $0x2, s9;
	s9 =	sshll.u32 s9, $0x4  }
0xa: {  	_ =	strace $0x80000050;
	s31 =	sshrl.u32 s30, $0x1;
	s13 =	sor.u32 s2, s9  }
0xb: {  	s7 =	sadd.s32 s7, s6;
	s6 =	sadd.s32 $0x4F6000, s8;
	s11 =	sshrl.u32 s11, $0x2  }
0xc: {  	s15 =	ssub.s32 s30, s31;
	s13 =	smul.u32 $0x2710, s13;
	s10 =	sshrl.u32 s7, $0x3  }
0xd: {  	s7 =	sadd.s32 $0x4EC200, s8;
	s14 =	sadd.s32 s10, s8;
	s8 =	sadd.s32 s11, s1  }
0xe: {  	s15 =	smax.u32 s15, $0x1;
	s9 =	sadd.s32 $0x4000, s8;
	s10 =	sadd.s32 $0x8000, s8  }
0xf: {  	v0 =	vimm.f32 $0.0e+00;
	s11 =	sadd.s32 $0xC000, s8;
	s12 =	sadd.s32 $0x10000, s8;
	s14 =	sadd.s32 $0x527E00, s14  }
.LBB2_1:
0x10: {  	s24 =	simm.s32 $0x5200  }
0x11: {  	[tilespmem:s24+$0xFFFFFF00] =	vst v0  }
0x12: {  	[tilespmem:s24+$0xF0] =	vst v0  }
0x13: {  	[tilespmem:s24+$0xE0] =	vst v0  }
0x14: {  	[tilespmem:s24+$0xD0] =	vst v0  }
0x15: {  	[tilespmem:s24+$0xC0] =	vst v0  }
0x16: {  	[tilespmem:s24+$0xB0] =	vst v0  }
0x17: {  	[tilespmem:s24+$0xA0] =	vst v0  }
0x18: {  	[tilespmem:s24+$0x90] =	vst v0  }
0x19: {  	[tilespmem:s24+$0x80] =	vst v0  }
0x1a: {  	[tilespmem:s24+$0x70] =	vst v0  }
0x1b: {  	[tilespmem:s24+$0x60] =	vst v0  }
0x1c: {  	[tilespmem:s24+$0x50] =	vst v0  }
0x1d: {  	[tilespmem:s24+$0x40] =	vst v0  }
0x1e: {  	[tilespmem:s24+$0x30] =	vst v0  }
0x1f: {  	[tilespmem:s24+$0x20] =	vst v0  }
0x20: {  	[tilespmem:s24+$0x10] =	vst v0  }
0x21: {  	[tilespmem:s24+$0x0] =	vst v0  }
0x22: {  	[tilespmem:s24+$0xFFFFFFF0] =	vst v0  }
0x23: {  	[tilespmem:s24+$0xFFFFFFE0] =	vst v0  }
0x24: {  	[tilespmem:s24+$0xFFFFFFD0] =	vst v0  }
0x25: {  	[tilespmem:s24+$0xFFFFFFC0] =	vst v0  }
0x26: {  	[tilespmem:s24+$0xFFFFFFB0] =	vst v0  }
0x27: {  	[tilespmem:s24+$0xFFFFFFA0] =	vst v0  }
0x28: {  	[tilespmem:s24+$0xFFFFFF90] =	vst v0  }
0x29: {  	[tilespmem:s24+$0xFFFFFF80] =	vst v0  }
0x2a: {  	[tilespmem:s24+$0xFFFFFF70] =	vst v0  }
0x2b: {  	[tilespmem:s24+$0xFFFFFF60] =	vst v0  }
0x2c: {  	[tilespmem:s24+$0xFFFFFF50] =	vst v0  }
0x2d: {  	[tilespmem:s24+$0xFFFFFF40] =	vst v0  }
0x2e: {  	[tilespmem:s24+$0xFFFFFF30] =	vst v0  }
0x2f: {  	s25 =	simm.s32 $0x0;
	[tilespmem:s24+$0xFFFFFF20] =	vst v0  }
.LBB2_2:
0x30: {  	s25 =	sadd.s32 $0x4, s25;
	[tilespmem:s24+$0xFFFFFF10] =	vst v0;
	s24 =	sadd.s32 $0x200, s24  }
0x31: {  	[tilespmem:s24+$0xFFFFFF00] =	vst v0;
	p0 =	slt.u32 s25, $0x7C  }
0x32: {  	[tilespmem:s24+$0xF0] =	vst v0  }
0x33: {  	[tilespmem:s24+$0xE0] =	vst v0  }
0x34: {  	[tilespmem:s24+$0xD0] =	vst v0  }
0x35: {  	[tilespmem:s24+$0xC0] =	vst v0  }
0x36: {  	[tilespmem:s24+$0xB0] =	vst v0  }
0x37: {  	[tilespmem:s24+$0xA0] =	vst v0  }
0x38: {  	[tilespmem:s24+$0x90] =	vst v0  }
0x39: {  	[tilespmem:s24+$0x80] =	vst v0  }
0x3a: {  	[tilespmem:s24+$0x70] =	vst v0  }
0x3b: {  	[tilespmem:s24+$0x60] =	vst v0  }
0x3c: {  	[tilespmem:s24+$0x50] =	vst v0  }
0x3d: {  	[tilespmem:s24+$0x40] =	vst v0  }
0x3e: {  	[tilespmem:s24+$0x30] =	vst v0  }
0x3f: {  	[tilespmem:s24+$0x20] =	vst v0  }
0x40: {  	[tilespmem:s24+$0x10] =	vst v0  }
0x41: {  	[tilespmem:s24+$0x0] =	vst v0  }
0x42: {  	[tilespmem:s24+$0xFFFFFFF0] =	vst v0  }
0x43: {  	[tilespmem:s24+$0xFFFFFFE0] =	vst v0  }
0x44: {  	[tilespmem:s24+$0xFFFFFFD0] =	vst v0  }
0x45: {  	[tilespmem:s24+$0xFFFFFFC0] =	vst v0  }
0x46: {  	[tilespmem:s24+$0xFFFFFFB0] =	vst v0  }
0x47: {  	[tilespmem:s24+$0xFFFFFFA0] =	vst v0  }
0x48: {  	[tilespmem:s24+$0xFFFFFF90] =	vst v0  }
0x49: {  	[tilespmem:s24+$0xFFFFFF80] =	vst v0  }
0x4a: {  	[tilespmem:s24+$0xFFFFFF70] =	vst v0  }
.Ltmp0:
0x4b: {  	[tilespmem:s24+$0xFFFFFF60] =	vst v0;
	(pc) =	sbr.rel @p0 .LBB2_2-.Ltmp0, $4  }
0x4c: {  	[tilespmem:s24+$0xFFFFFF50] =	vst v0  }
0x4d: {  	[tilespmem:s24+$0xFFFFFF40] =	vst v0  }
0x4e: {  	[tilespmem:s24+$0xFFFFFF30] =	vst v0  }
0x4f: {  	[tilespmem:s24+$0xFFFFFF20] =	vst v0  }
0x50: {  	[tilespmem:s24+$0xFFFFFF10] =	vst v0  }
0x51: {  	[spmem:s8] =	stream.linear.scatter [tilespmem:s16], [sflag:$0x2], $0x4000, $0x38;
	[tilespmem:$0x1D100] =	vst v63  }
0x52: {  	_ =	swait.ge [sflag:s17], $0x4000  }
0x53: {  	[sflag:s17] =	ssyncset.done $0x0  }
0x54: {  	[sflag:s17] =	ssyncadd.s32 $0xFFFFC000  }
0x55: {  	[spmem:s9] =	stream.linear.scatter [tilespmem:s16], [sflag:$0x2], $0x4000, $0x38;
	[tilespmem:$0x1D100] =	vst v63  }
0x56: {  	_ =	swait.ge [sflag:s17], $0x4000  }
0x57: {  	[sflag:s17] =	ssyncset.done $0x0  }
0x58: {  	[sflag:s17] =	ssyncadd.s32 $0xFFFFC000  }
0x59: {  	[spmem:s10] =	stream.linear.scatter [tilespmem:s16], [sflag:$0x2], $0x4000, $0x38;
	[tilespmem:$0x1D100] =	vst v63  }
0x5a: {  	_ =	swait.ge [sflag:s17], $0x4000  }
0x5b: {  	[sflag:s17] =	ssyncset.done $0x0  }
0x5c: {  	[sflag:s17] =	ssyncadd.s32 $0xFFFFC000  }
0x5d: {  	[spmem:s11] =	stream.linear.scatter [tilespmem:s16], [sflag:$0x2], $0x4000, $0x38;
	[tilespmem:$0x1D100] =	vst v63  }
0x5e: {  	_ =	swait.ge [sflag:s17], $0x4000  }
0x5f: {  	[sflag:s17] =	ssyncset.done $0x0  }
0x60: {  	[sflag:s17] =	ssyncadd.s32 $0xFFFFC000  }
0x61: {  	[spmem:s12] =	stream.linear.scatter [tilespmem:s16], [sflag:$0x2], $0x4000, $0x38;
	[tilespmem:$0x1D100] =	vst v63  }
0x62: {  	_ =	swait.ge [sflag:s17], $0x4000  }
0x63: {  	[sflag:s17] =	ssyncset.done $0x0  }
0x64: {  	[sflag:s17] =	ssyncadd.s32 $0xFFFFC000  }
0x65: {  	s24 =	simm.s32 $0x0;
	[bflag:$0x0] =	sbarrier.arrive $0xFFFF  }
.LBB2_4:
0x66: {  	s25 =	smul.u32 $0x50, s24;
	_ =	sdelay $0x1  }
0x67: {  	s25 =	sadd.s32 s13, s25  }
0x68: {  	s26 =	sshrl.u32 s25, $0x3  }
0x69: {  	s28 =	sadd.s32 s6, s26  }
0x6a: {  	[tilespmem:s3], [sflag:$0x2] =	stream.linear.gather [hbm4b:s28+s3], $0x50, $0x38;
	[tilespmem:$0x1D100] =	vst v63  }
0x6b: {  	_ =	swait.ge [sflag:s17], $0x50  }
0x6c: {  	[sflag:s17] =	ssyncset.done $0x0  }
0x6d: {  	s26 =	sadd.s32 s7, s26;
	[sflag:s17] =	ssyncadd.s32 $0xFFFFFFB0  }
0x6e: {  	[tilespmem:s18], [sflag:$0x2] =	stream.linear.gather [hbm4b:s26+s3], $0x50, $0x38;
	[tilespmem:$0x1D100] =	vst v63  }
0x6f: {  	_ =	swait.ge [sflag:s17], $0x50  }
0x70: {  	[sflag:s17] =	ssyncset.done $0x0  }
0x71: {  	s25 =	sshll.u32 s25, $0x4;
	[sflag:s17] =	ssyncadd.s32 $0xFFFFFFB0  }
0x72: {  	[tilespmem:s20], [sflag:$0x1] =	stream.indirect.gather [hbm4b:s4+s19], $0x80, s3, s19, $0xb8;
	[tilespmem:$0x1D100] =	vst v63  }
0x73: {  	s25 =	sadd.s32 s5, s25  }
0x74: {  	[tilespmem:s21], [sflag:$0x2] =	stream.linear.gather [hbm4b:s25+s3], $0x2800, $0x38;
	[tilespmem:$0x1D100] =	vst v63  }
0x75: {  	_ =	swait.ge [sflag:s17], $0x2800  }
0x76: {  	[sflag:s17] =	ssyncset.done $0x0  }
0x77: {  	[sflag:s17] =	ssyncadd.s32 $0xFFFFD800  }
0x78: {  	_ =	swait.ge [sflag:s22], $0x2800  }
0x79: {  	[sflag:s22] =	ssyncset.done $0x0  }
0x7a: {  	s25 =	simm.s32 $0x2980;
	[sflag:s22] =	ssyncadd.s32 $0xFFFFD800  }
0x7b: {  	s26 =	simm.s32 $0x180;
	v1 =	vld [tilespmem:s25+$0xFFFFFF80]  }
0x7c: {  	v2 =	vld [tilespmem:s26+$0xFFFFFF80];
	_ =	sdelay $0x4  }
0x7d: {  	v1 =	vadd.f32 v2, v1;
	_ =	sdelay $0x1  }
0x7e: {  	v1 =	vmax.f32 v1, $0.0e+00  }
0x7f: {  	[tilespmem:s25+$0xFFFFFF80] =	vst v1;
	v1 =	vld [tilespmem:s25+$0xFFFFFF90]  }
0x80: {  	v2 =	vld [tilespmem:s26+$0xFFFFFF90];
	_ =	sdelay $0x4  }
0x81: {  	v1 =	vadd.f32 v2, v1;
	_ =	sdelay $0x1  }
0x82: {  	v1 =	vmax.f32 v1, $0.0e+00  }
0x83: {  	[tilespmem:s25+$0xFFFFFF90] =	vst v1;
	v1 =	vld [tilespmem:s25+$0xFFFFFFA0]  }
0x84: {  	v2 =	vld [tilespmem:s26+$0xFFFFFFA0];
	_ =	sdelay $0x4  }
0x85: {  	v1 =	vadd.f32 v2, v1;
	_ =	sdelay $0x1  }
0x86: {  	v1 =	vmax.f32 v1, $0.0e+00  }
0x87: {  	[tilespmem:s25+$0xFFFFFFA0] =	vst v1;
	v1 =	vld [tilespmem:s25+$0xFFFFFFB0]  }
0x88: {  	v2 =	vld [tilespmem:s26+$0xFFFFFFB0];
	_ =	sdelay $0x4  }
0x89: {  	v1 =	vadd.f32 v2, v1;
	_ =	sdelay $0x1  }
0x8a: {  	v1 =	vmax.f32 v1, $0.0e+00  }
0x8b: {  	[tilespmem:s25+$0xFFFFFFB0] =	vst v1;
	v1 =	vld [tilespmem:s25+$0xFFFFFFC0]  }
0x8c: {  	v2 =	vld [tilespmem:s26+$0xFFFFFFC0];
	_ =	sdelay $0x4  }
0x8d: {  	v1 =	vadd.f32 v2, v1;
	_ =	sdelay $0x1  }
0x8e: {  	v1 =	vmax.f32 v1, $0.0e+00  }
0x8f: {  	[tilespmem:s25+$0xFFFFFFC0] =	vst v1;
	v1 =	vld [tilespmem:s25+$0xFFFFFFD0]  }
0x90: {  	v2 =	vld [tilespmem:s26+$0xFFFFFFD0];
	_ =	sdelay $0x4  }
0x91: {  	v1 =	vadd.f32 v2, v1;
	_ =	sdelay $0x1  }
0x92: {  	v1 =	vmax.f32 v1, $0.0e+00  }
0x93: {  	[tilespmem:s25+$0xFFFFFFD0] =	vst v1;
	v1 =	vld [tilespmem:s25+$0xFFFFFFE0]  }
0x94: {  	v2 =	vld [tilespmem:s26+$0xFFFFFFE0];
	_ =	sdelay $0x4  }
0x95: {  	v1 =	vadd.f32 v2, v1;
	_ =	sdelay $0x1  }
0x96: {  	v1 =	vmax.f32 v1, $0.0e+00  }
0x97: {  	[tilespmem:s25+$0xFFFFFFE0] =	vst v1;
	v1 =	vld [tilespmem:s25+$0xFFFFFFF0]  }
0x98: {  	v2 =	vld [tilespmem:s26+$0xFFFFFFF0];
	_ =	sdelay $0x4  }
0x99: {  	v1 =	vadd.f32 v2, v1;
	_ =	sdelay $0x1  }
0x9a: {  	v1 =	vmax.f32 v1, $0.0e+00  }
0x9b: {  	[tilespmem:s25+$0xFFFFFFF0] =	vst v1;
	v1 =	vld [tilespmem:s25+$0x0]  }
0x9c: {  	v2 =	vld [tilespmem:s26+$0x0];
	_ =	sdelay $0x4  }
0x9d: {  	v1 =	vadd.f32 v2, v1;
	_ =	sdelay $0x1  }
0x9e: {  	v1 =	vmax.f32 v1, $0.0e+00  }
0x9f: {  	[tilespmem:s25+$0x0] =	vst v1;
	v1 =	vld [tilespmem:s25+$0x10]  }
0xa0: {  	v2 =	vld [tilespmem:s26+$0x10];
	_ =	sdelay $0x4  }
0xa1: {  	v1 =	vadd.f32 v2, v1;
	_ =	sdelay $0x1  }
0xa2: {  	v1 =	vmax.f32 v1, $0.0e+00  }
0xa3: {  	[tilespmem:s25+$0x10] =	vst v1;
	v1 =	vld [tilespmem:s25+$0x20]  }
0xa4: {  	v2 =	vld [tilespmem:s26+$0x20];
	_ =	sdelay $0x4  }
0xa5: {  	v1 =	vadd.f32 v2, v1;
	_ =	sdelay $0x1  }
0xa6: {  	v1 =	vmax.f32 v1, $0.0e+00  }
0xa7: {  	[tilespmem:s25+$0x20] =	vst v1;
	v1 =	vld [tilespmem:s25+$0x30]  }
0xa8: {  	v2 =	vld [tilespmem:s26+$0x30];
	_ =	sdelay $0x4  }
0xa9: {  	v1 =	vadd.f32 v2, v1;
	_ =	sdelay $0x1  }
0xaa: {  	v1 =	vmax.f32 v1, $0.0e+00  }
0xab: {  	[tilespmem:s25+$0x30] =	vst v1;
	v1 =	vld [tilespmem:s25+$0x40]  }
0xac: {  	v2 =	vld [tilespmem:s26+$0x40];
	_ =	sdelay $0x4  }
0xad: {  	v1 =	vadd.f32 v2, v1;
	_ =	sdelay $0x1  }
0xae: {  	v1 =	vmax.f32 v1, $0.0e+00  }
0xaf: {  	[tilespmem:s25+$0x40] =	vst v1;
	v1 =	vld [tilespmem:s25+$0x50]  }
0xb0: {  	v2 =	vld [tilespmem:s26+$0x50];
	_ =	sdelay $0x4  }
0xb1: {  	v1 =	vadd.f32 v2, v1;
	_ =	sdelay $0x1  }
0xb2: {  	v1 =	vmax.f32 v1, $0.0e+00  }
0xb3: {  	[tilespmem:s25+$0x50] =	vst v1;
	v1 =	vld [tilespmem:s25+$0x60]  }
0xb4: {  	v2 =	vld [tilespmem:s26+$0x60];
	_ =	sdelay $0x4  }
0xb5: {  	v1 =	vadd.f32 v2, v1;
	_ =	sdelay $0x1  }
0xb6: {  	v1 =	vmax.f32 v1, $0.0e+00  }
0xb7: {  	[tilespmem:s25+$0x60] =	vst v1;
	v1 =	vld [tilespmem:s25+$0x70]  }
0xb8: {  	v2 =	vld [tilespmem:s26+$0x70];
	_ =	sdelay $0x4  }
0xb9: {  	v1 =	vadd.f32 v2, v1;
	_ =	sdelay $0x1  }
0xba: {  	s29 =	simm.s32 $0x2A80;
	s28 =	simm.s32 $0x0;
	v1 =	vmax.f32 v1, $0.0e+00  }
.LBB2_5:
0xbb: {  	v2 =	vld [tilespmem:s29+$0xFFFFFF80];
	[tilespmem:s25+$0x70] =	vst v1;
	s26 =	sadd.s32 $0x100, s26;
	s25 =	smov.u32 s29  }
0xbc: {  	s28 =	sadd.s32 $0x2, s28;
	v1 =	vld [tilespmem:s26+$0xFFFFFF80]  }
0xbd: {  	p0 =	slt.u32 s28, $0x4E;
	_ =	sdelay $0x3  }
0xbe: {  	v1 =	vadd.f32 v1, v2;
	_ =	sdelay $0x1  }
0xbf: {  	v1 =	vmax.f32 v1, $0.0e+00  }
0xc0: {  	[tilespmem:s29+$0xFFFFFF80] =	vst v1;
	v1 =	vld [tilespmem:s29+$0xFFFFFF90]  }
0xc1: {  	v2 =	vld [tilespmem:s26+$0xFFFFFF90];
	_ =	sdelay $0x4  }
0xc2: {  	v1 =	vadd.f32 v2, v1;
	_ =	sdelay $0x1  }
0xc3: {  	v1 =	vmax.f32 v1, $0.0e+00  }
0xc4: {  	[tilespmem:s29+$0xFFFFFF90] =	vst v1;
	v1 =	vld [tilespmem:s29+$0xFFFFFFA0]  }
0xc5: {  	v2 =	vld [tilespmem:s26+$0xFFFFFFA0];
	_ =	sdelay $0x4  }
0xc6: {  	v1 =	vadd.f32 v2, v1;
	_ =	sdelay $0x1  }
0xc7: {  	v1 =	vmax.f32 v1, $0.0e+00  }
0xc8: {  	[tilespmem:s29+$0xFFFFFFA0] =	vst v1;
	v1 =	vld [tilespmem:s29+$0xFFFFFFB0]  }
0xc9: {  	v2 =	vld [tilespmem:s26+$0xFFFFFFB0];
	_ =	sdelay $0x4  }
0xca: {  	v1 =	vadd.f32 v2, v1;
	_ =	sdelay $0x1  }
0xcb: {  	v1 =	vmax.f32 v1, $0.0e+00  }
0xcc: {  	[tilespmem:s29+$0xFFFFFFB0] =	vst v1;
	v1 =	vld [tilespmem:s29+$0xFFFFFFC0]  }
0xcd: {  	v2 =	vld [tilespmem:s26+$0xFFFFFFC0];
	_ =	sdelay $0x4  }
0xce: {  	v1 =	vadd.f32 v2, v1;
	_ =	sdelay $0x1  }
0xcf: {  	v1 =	vmax.f32 v1, $0.0e+00  }
0xd0: {  	[tilespmem:s29+$0xFFFFFFC0] =	vst v1;
	v1 =	vld [tilespmem:s29+$0xFFFFFFD0]  }
0xd1: {  	v2 =	vld [tilespmem:s26+$0xFFFFFFD0];
	_ =	sdelay $0x4  }
0xd2: {  	v1 =	vadd.f32 v2, v1;
	_ =	sdelay $0x1  }
0xd3: {  	v1 =	vmax.f32 v1, $0.0e+00  }
0xd4: {  	[tilespmem:s29+$0xFFFFFFD0] =	vst v1;
	v1 =	vld [tilespmem:s29+$0xFFFFFFE0]  }
0xd5: {  	v2 =	vld [tilespmem:s26+$0xFFFFFFE0];
	_ =	sdelay $0x4  }
0xd6: {  	v1 =	vadd.f32 v2, v1;
	_ =	sdelay $0x1  }
0xd7: {  	v1 =	vmax.f32 v1, $0.0e+00  }
0xd8: {  	[tilespmem:s29+$0xFFFFFFE0] =	vst v1;
	v1 =	vld [tilespmem:s29+$0xFFFFFFF0]  }
0xd9: {  	v2 =	vld [tilespmem:s26+$0xFFFFFFF0];
	_ =	sdelay $0x4  }
0xda: {  	v1 =	vadd.f32 v2, v1;
	_ =	sdelay $0x1  }
0xdb: {  	v1 =	vmax.f32 v1, $0.0e+00  }
0xdc: {  	[tilespmem:s29+$0xFFFFFFF0] =	vst v1;
	v1 =	vld [tilespmem:s29+$0x0]  }
0xdd: {  	v2 =	vld [tilespmem:s26+$0x0];
	_ =	sdelay $0x4  }
0xde: {  	v1 =	vadd.f32 v2, v1;
	_ =	sdelay $0x1  }
0xdf: {  	v1 =	vmax.f32 v1, $0.0e+00  }
0xe0: {  	[tilespmem:s29+$0x0] =	vst v1;
	v1 =	vld [tilespmem:s29+$0x10]  }
0xe1: {  	v2 =	vld [tilespmem:s26+$0x10];
	_ =	sdelay $0x4  }
0xe2: {  	v1 =	vadd.f32 v2, v1;
	_ =	sdelay $0x1  }
0xe3: {  	v1 =	vmax.f32 v1, $0.0e+00  }
0xe4: {  	[tilespmem:s29+$0x10] =	vst v1;
	v1 =	vld [tilespmem:s29+$0x20]  }
0xe5: {  	v2 =	vld [tilespmem:s26+$0x20];
	_ =	sdelay $0x4  }
0xe6: {  	v1 =	vadd.f32 v2, v1;
	_ =	sdelay $0x1  }
0xe7: {  	v1 =	vmax.f32 v1, $0.0e+00  }
0xe8: {  	[tilespmem:s29+$0x20] =	vst v1;
	v1 =	vld [tilespmem:s29+$0x30]  }
0xe9: {  	v2 =	vld [tilespmem:s26+$0x30];
	_ =	sdelay $0x4  }
0xea: {  	v1 =	vadd.f32 v2, v1;
	_ =	sdelay $0x1  }
0xeb: {  	v1 =	vmax.f32 v1, $0.0e+00  }
0xec: {  	[tilespmem:s29+$0x30] =	vst v1;
	v1 =	vld [tilespmem:s29+$0x40]  }
0xed: {  	v2 =	vld [tilespmem:s26+$0x40];
	_ =	sdelay $0x4  }
0xee: {  	v1 =	vadd.f32 v2, v1;
	_ =	sdelay $0x1  }
0xef: {  	v1 =	vmax.f32 v1, $0.0e+00  }
0xf0: {  	[tilespmem:s29+$0x40] =	vst v1;
	v1 =	vld [tilespmem:s29+$0x50]  }
0xf1: {  	v2 =	vld [tilespmem:s26+$0x50];
	_ =	sdelay $0x4  }
0xf2: {  	v1 =	vadd.f32 v2, v1;
	_ =	sdelay $0x1  }
0xf3: {  	v1 =	vmax.f32 v1, $0.0e+00  }
0xf4: {  	[tilespmem:s29+$0x50] =	vst v1;
	v1 =	vld [tilespmem:s29+$0x60]  }
0xf5: {  	v2 =	vld [tilespmem:s26+$0x60];
	_ =	sdelay $0x4  }
0xf6: {  	v1 =	vadd.f32 v2, v1;
	_ =	sdelay $0x1  }
0xf7: {  	v1 =	vmax.f32 v1, $0.0e+00  }
0xf8: {  	[tilespmem:s29+$0x60] =	vst v1;
	v1 =	vld [tilespmem:s29+$0x70]  }
0xf9: {  	v2 =	vld [tilespmem:s26+$0x70];
	_ =	sdelay $0x2  }
.Ltmp1:
0xfa: {  	(pc) =	sbr.rel @p0 .LBB2_5-.Ltmp1, $3  }
0xfb: {  	_ = 	snop  }
0xfc: {  	v1 =	vadd.f32 v2, v1;
	_ =	sdelay $0x1  }
0xfd: {  	s29 =	sadd.s32 $0x100, s29;
	v1 =	vmax.f32 v1, $0.0e+00  }
0xfe: {  	s24 =	sadd.s32 $0x1, s24  }
0xff: {  	p0 =	sne.s32 s24, $0x7D  }
.Ltmp2:
0x100: {  	[tilespmem:s25+$0x70] =	vst v1;
	(pc) =	sbr.rel @p0 .LBB2_4-.Ltmp2, $4  }
0x101: {  	[spmem:s1] =	stream.indirect.scatter.add.f32 [tilespmem:s21], [sflag:$0x2], $0x80, s18, s19, $0xb8;
	[tilespmem:$0x1D100] =	vst v63  }
0x102: {  	_ =	swait.ge [sflag:s17], $0x2800  }
0x103: {  	[sflag:s17] =	ssyncset.done $0x0  }
0x104: {  	[sflag:s17] =	ssyncadd.s32 $0xFFFFD800  }
0x105: {  	s23 =	sadd.s32 $0x1, s23  }
0x106: {  	s24 =	sshll.u32 s2, $0x6;
	[bflag:$0x0] =	sbarrier.arrive $0xFFFF;
	p0 =	sne.s32 s23, s15  }
.Ltmp3:
0x107: {  	s25 =	sshrl.u32 s8, $0x3;
	s24 =	sor.u32 $0x1C02, s24;
	(pc) =	sbr.rel @p0 .LBB2_1-.Ltmp3, $4  }
0x108: {  	[hbm:s14], [sflag:s24] =	dma.local [spmem:s25], $0x2800  }
0x109: {  	_ =	swait.ge [sflag:s17], $0x2800  }
0x10a: {  	[sflag:s17] =	ssyncset.done $0x0  }
0x10b: {  	[sflag:s17] =	ssyncadd.s32 $0xFFFFD800  }
0x10c: {  	_ =	sfence.sel $0x180000  }
0x10d: {  	[bflag:$0x0] =	sbarrier.arrive $0xFFFF  }
0x10e: {  	p0 =	sne.s32 s2, $0x0;
	_ =	strace $0x90000050  }
0x10f: {  	s0 =	sadd.s32 @!p0 $0x100000, s0;
	[bflag:$0x2] =	sbarrier.arrive $0xFFFF  }
0x110: {  	[sflag:s0] =	ssyncadd.tile.s32 @!p0 $0x1;
	_ =	shalt  }
.Lfunc_end2:
_tile_overlayer_lowered:
.L_overlay_start_2:
0x111: {  	(tag) =	ssettag $0x2  }
0x112: {  	s0 =	rddreg [dreg:$0x0];
	s2 =	stileid.u32  }
0x113: {  	s1 =	rddreg [dreg:$0x1];
	p0 =	sne.s32 s2, $0x0  }
0x114: {  	s3 =	rddreg [dreg:$0x2];
	[bflag:$0x3] =	sbarrier.arrive $0xFFFF;
	s2 =	simm.s32 @!p0 $0x1C02  }
0x115: {  	[timem:s3], [sflag:s2] =	dma.local @!p0 [hbm:s0], s1  }
0x116: {  	s0 =	simm.s32 @!p0 $0x2  }
0x117: {  	_ =	swait.ge @!p0 [sflag:s0], s1  }
0x118: {  	s1 =	ssub.s32 @!p0 $0x0, s1;
	[sflag:s0] =	ssyncset.done @!p0 $0x0  }
0x119: {  	[sflag:s0] =	ssyncadd.s32 @!p0 s1  }
0x11a: {  	[bflag:$0x3] =	sbarrier.arrive $0xFFFF  }
0x11b: {  	_ =	shalt  }

// kernel: kernel.30.cloned.1.call-start
scs
__scs_entry_jumppad:
0x0: {  	(pc) =	sbr.rel $0x88, $3  }
0x1: {  	(tag) =	ssettag $0x0;
	lr =	simm.s32 $0x1  }
0x2: {  	[smem:$0x3F90] =	sst lr;
	_ =	strace $0xD0000000  }
0x3: {  	_ = 	snop  }
0x4: {  	_ = 	snop  }
0x5: {  	_ = 	snop  }
0x6: {  	_ = 	snop  }
0x7: {  	_ = 	snop  }
__scs_overlays_trampoline_lowered:
0x8: {  	[smem:$0x3F9F] =	sst s0  }
0x9: {  	[smem:$0x3FA0] =	sst s1  }
0xa: {  	[smem:$0x3FA1] =	sst s2  }
0xb: {  	[smem:$0x3FA2] =	sst s3  }
0xc: {  	[smem:$0x3FA3] =	sst s4  }
0xd: {  	[smem:$0x3FA4] =	sst s5  }
0xe: {  	[smem:$0x3FA5] =	sst s6  }
0xf: {  	[smem:$0x3FA6] =	sst s7  }
0x10: {  	[smem:$0x3FA7] =	sst s8  }
0x11: {  	[smem:$0x3FA8] =	sst s9;
	s0 =	simm.s32 @!p0 $0x0  }
0x12: {  	s1 =	sld [smem:$0x3F8E];
	s0 =	simm.s32 @p0 $0x1  }
0x13: {  	[smem:$0x3FA9] =	sst s0;
	s0 =	simm.s32 @!p1 $0x0  }
0x14: {  	s2 =	sld [smem:$0x3F8D];
	s0 =	simm.s32 @p1 $0x1  }
0x15: {  	[smem:$0x3FAA] =	sst s0;
	s0 =	simm.s32 @!p2 $0x0  }
0x16: {  	s3 =	sld [smem:$0x3FDB];
	s0 =	simm.s32 @p2 $0x1  }
0x17: {  	s4 =	simm.s32 $0x1BF5;
	[smem:$0x3FAC] =	sst s0  }
0x18: {  	s0 =	sld [smem:$0x3F8F];
	_ =	swait.ge [sflag:s4], $0x0  }
0x19: {  	s7 =	sld [smem:$0x3F90]  }
0x1a: {  	s8 =	sadd.s32 $0xFFFFE003, lr  }
0x1b: {  	s9 =	sadd.s32 $0xFFFFFEF7, lr;
	s5 =	simm.s32 $0xFFFFFFFF;
	p2 =	slt.u32 s8, $0xFFFFF086  }
0x1c: {  	p1 =	slt.u32 s9, $0xF7A;
	s5 =	simm.s32 @!p2 $0x0  }
0x1d: {  	s5 =	simm.s32 @p1 $0x1;
	p0 =	seq.s32 s7, s2  }
0x1e: {  	s7 =	smul.u32 @!p0 $0xF7A, s2;
	p2 =	seq.s32 @!p0 s5, $0x0  }
0x1f: {  	s9 =	smul.u32 $0xF7A, s1;
	s8 =	simm.s32 @!p0 $0x1BF5;
	p2 =	por !p2, p0  }
0x20: {  	[sflag:s8] =	ssyncset.s32 @!p0 $0xFFFFF086;
	s6 =	sadd.s32 @!p0 s3, s7;
	s7 =	simm.s32 @!p0 $0x108  }
0x21: {  	s3 =	sadd.s32 s3, s9;
	s6 =	sadd.s32 @!p0 $0x88, s6;
	s7 =	simm.s32 @p2 $0x1082  }
0x22: {  	[simem:s7], [sflag:s8] =	dma.local @!p0 [hbm:s6], $0xF7A  }
0x23: {  	s9 =	sor.u32 $0xD0000000, s2;
	s6 =	simm.s32 $0x108;
	_ =	swait.ge @!p0 [sflag:s8], $0x0  }
0x24: {  	s3 =	sadd.s32 $0x88, s3;
	s6 =	simm.s32 @!p1 $0x1082;
	[sflag:s4] =	ssyncset.s32 $0xFFFFF086  }
0x25: {  	[simem:s6], [sflag:s4] =	dma.local [hbm:s3], $0xF7A  }
0x26: {  	[smem:$0x3F90] =	sst s1;
	(tag) =	ssettag s2;
	_ =	strace s9  }
0x27: {  	s1 =	sld [smem:$0x3FA0]  }
0x28: {  	s2 =	sld [smem:$0x3FA1]  }
0x29: {  	s4 =	sld [smem:$0x3FA3]  }
0x2a: {  	p0 =	seq.s32 s5, $0x0;
	s5 =	sld [smem:$0x3FA4]  }
0x2b: {  	s6 =	sld [smem:$0x3FA5]  }
0x2c: {  	s7 =	sld [smem:$0x3FA6]  }
0x2d: {  	s3 =	simm.s32 $0x108;
	s8 =	sld [smem:$0x3FA7]  }
0x2e: {  	s3 =	simm.s32 @!p0 $0x1082;
	s9 =	sld [smem:$0x3FA8]  }
0x2f: {  	lr =	sadd.s32 s0, s3;
	s0 =	sld [smem:$0x3F9F]  }
0x30: {  	s3 =	sld [smem:$0x3FA2]  }
0x31: {  	[smem:$0x3FAB] =	sst s10  }
0x32: {  	s10 =	sld [smem:$0x3FA9];
	_ =	sdelay $0x3  }
0x33: {  	p0 =	seq.s32 s10, $0x1;
	s10 =	sld [smem:$0x3FAB];
	_ =	sdelay $0x3  }
0x34: {  	[smem:$0x3FAB] =	sst s10  }
0x35: {  	s10 =	sld [smem:$0x3FAA];
	_ =	sdelay $0x3  }
0x36: {  	p1 =	seq.s32 s10, $0x1;
	s10 =	sld [smem:$0x3FAB];
	_ =	sdelay $0x3  }
0x37: {  	[smem:$0x3FAB] =	sst s10  }
0x38: {  	s10 =	sld [smem:$0x3FAC]  }
0x39: {  	_ = 	snop;
	(pc) =	sbr.ind lr, $3  }
0x3a: {  	_ = 	snop  }
0x3b: {  	_ = 	snop  }
0x3c: {  	p2 =	seq.s32 s10, $0x1;
	s10 =	sld [smem:$0x3FAB]  }
0x3d: {  	_ =	shalt  }
0x3e: {  	_ =	shalt  }
0x3f: {  	_ =	shalt  }
0x40: {  	_ =	shalt  }
0x41: {  	_ =	shalt  }
0x42: {  	_ =	shalt  }
0x43: {  	_ =	shalt  }
0x44: {  	_ =	shalt  }
0x45: {  	_ =	shalt  }
0x46: {  	_ =	shalt  }
0x47: {  	_ =	shalt  }
0x48: {  	_ =	shalt  }
0x49: {  	_ =	shalt  }
0x4a: {  	_ =	shalt  }
0x4b: {  	_ =	shalt  }
0x4c: {  	_ =	shalt  }
0x4d: {  	_ =	shalt  }
0x4e: {  	_ =	shalt  }
0x4f: {  	_ =	shalt  }
0x50: {  	_ =	shalt  }
0x51: {  	_ =	shalt  }
0x52: {  	_ =	shalt  }
0x53: {  	_ =	shalt  }
0x54: {  	_ =	shalt  }
0x55: {  	_ =	shalt  }
0x56: {  	_ =	shalt  }
0x57: {  	_ =	shalt  }
0x58: {  	_ =	shalt  }
0x59: {  	_ =	shalt  }
0x5a: {  	_ =	shalt  }
0x5b: {  	_ =	shalt  }
0x5c: {  	_ =	shalt  }
0x5d: {  	_ =	shalt  }
0x5e: {  	_ =	shalt  }
0x5f: {  	_ =	shalt  }
0x60: {  	_ =	shalt  }
0x61: {  	_ =	shalt  }
0x62: {  	_ =	shalt  }
0x63: {  	_ =	shalt  }
0x64: {  	_ =	shalt  }
0x65: {  	_ =	shalt  }
0x66: {  	_ =	shalt  }
0x67: {  	_ =	shalt  }
0x68: {  	_ =	shalt  }
0x69: {  	_ =	shalt  }
0x6a: {  	_ =	shalt  }
0x6b: {  	_ =	shalt  }
0x6c: {  	_ =	shalt  }
0x6d: {  	_ =	shalt  }
0x6e: {  	_ =	shalt  }
0x6f: {  	_ =	shalt  }
0x70: {  	_ =	shalt  }
0x71: {  	_ =	shalt  }
0x72: {  	_ =	shalt  }
0x73: {  	_ =	shalt  }
0x74: {  	_ =	shalt  }
0x75: {  	_ =	shalt  }
0x76: {  	_ =	shalt  }
0x77: {  	_ =	shalt  }
0x78: {  	_ =	shalt  }
0x79: {  	_ =	shalt  }
0x7a: {  	_ =	shalt  }
0x7b: {  	_ =	shalt  }
0x7c: {  	_ =	shalt  }
0x7d: {  	_ =	shalt  }
0x7e: {  	_ =	shalt  }
0x7f: {  	_ =	shalt  }
0x80: {  	_ =	shalt  }
0x81: {  	_ =	shalt  }
0x82: {  	_ =	shalt  }
0x83: {  	_ =	shalt  }
0x84: {  	_ =	shalt  }
0x85: {  	_ =	shalt  }
0x86: {  	_ =	shalt  }
0x87: {  	_ =	shalt  }
.Lfunc_end0:
.L_simem_size_0:
called_computation.4_lowered:
.L_overlay_start_0:
0x88: {  	s2 =	sld [smem:$0x3FD9]  }
0x89: {  	s3 =	sld [smem:$0x3FFE];
	_ =	sdelay $0x1  }
0x8a: {  	s1 =	srdreg.scid  }
0x8b: {  	s0 =	sand.u32 $0x1, s1  }
0x8c: {  	s16 =	sshll.u32 s0, $0xA;
	s2 =	sadd.s32 s3, s2  }
0x8d: {  	s2 =	sadd.s32 s2, s16  }
0x8e: {  	[smem:$0x3FB7] =	sst s2  }
0x8f: {  	_ = 	snop  }
0x90: {  	(tm) =	ssettm $0x1  }
0x91: {  	s17 =	sld [smem:$0x3FFB];
	_ =	sdelay $0x3  }
0x92: {  	_ =	strace s17  }
0x93: {  	s2 =	sld [smem:$0x3FFC];
	_ =	sdelay $0x3  }
0x94: {  	_ =	strace s2  }
0x95: {  	s2 =	sld [smem:$0x3FFD];
	_ =	sdelay $0x3  }
0x96: {  	_ =	strace s2  }
0x97: {  	_ =	strace $0x8FFFFFFF  }
0x98: {  	s18 =	sld [smem:$0x3FDB];
	_ =	sdelay $0x1  }
0x99: {  	s19 =	simm.s32 $_scs_section_size  }
0x9a: {  	s4 =	simm.s32 $_size__tile_overlayer_lowered;
	s5 =	simm.s32 $_tile_overlayer_lowered  }
0x9b: {  	s22 =	simm.s32 $0x1BFF;
	s21 =	sshll.u32 s5, $0x1;
	s2 =	sadd.s32 s19, s18  }
0x9c: {  	s6 =	simm.s32 $0x0;
	s20 =	sshll.u32 s4, $0x1;
	s4 =	sadd.s32 s21, s2  }
0x9d: {  	[timem:s6], [sflag:s22] =	dma.local [hbm:s4], s20  }
0x9e: {  	_ =	swait.ge [sflag:s22], s20  }
0x9f: {  	s3 =	ssub.s32 $0x0, s20;
	[sflag:s22] =	ssyncset.done $0x0  }
0xa0: {  	[sflag:s22] =	ssyncadd.s32 s3;
	_ =	sdelay $0x1  }
0xa1: {  	s23 =	simm.s32 $0x1B8B  }
0xa2: {  	_ =	swait.ge [sflag:s23], $0x1  }
0xa3: {  	[sflag:s23] =	ssyncset.done $0x0  }
0xa4: {  	s25 =	simm.s32 $0x1B8E;
	s24 =	sld [smem:$0x3FFE];
	[sflag:s23] =	ssyncadd.s32 $0xFFFFFFFF  }
0xa5: {  	s26 =	simm.s32 $execute0_lowered;
	[smem:$0x3FD2] =	sst s25  }
0xa6: {  	s4 =	sshll.u32 s26, $0x1;
	_ =	strace $0x80000052;
	[dreg:$0x1] =	wrdreg $0xFFFFFFFF  }
0xa7: {  	s28 =	simm.s32 $_size_execute0_lowered;
	s2 =	sadd.s32 s2, s4;
	[dreg:$0x0] =	wrdreg $0x0  }
0xa8: {  	s4 =	sshll.u32 s28, $0x1;
	[dreg:$0x2] =	wrdreg s2  }
0xa9: {  	[dreg:$0x3] =	wrdreg s4  }
0xaa: {  	[dreg:$0x4] =	wrdreg $0xC0  }
0xab: {  	_ =	task [dreg:s6], $0x5FFFF  }
0xac: {  	[dreg:$0x1] =	wrdreg $0xFFFFFFFF  }
0xad: {  	[dreg:$0x0] =	wrdreg $0x60  }
0xae: {  	[dreg:$0x2] =	wrdreg s24  }
0xaf: {  	[dreg:$0x3] =	wrdreg $0x91000  }
0xb0: {  	[dreg:$0x4] =	wrdreg $0x9  }
0xb1: {  	_ =	task.clear_ibuf [dreg:s6], $0x5FFFF;
	_ =	strace $0x90000052  }
0xb2: {  	s29 =	simm.s32 $0x9;
	_ =	strace $0x80000054  }
0xb3: {  	_ =	swait.ge [sflag:s29], $0x1  }
0xb4: {  	[sflag:s29] =	ssyncadd.s32 $0xFFFFFFFF  }
0xb5: {  	_ =	strace $0x90000054  }
0xb6: {  	_ =	sfence  }
0xb7: {  	s30 =	sld [smem:$0x0];
	_ =	sdelay $0x2  }
0xb8: {  	s31 =	sshll.u32 s1, $0xD;
	s1 =	sshrl.u32 s1, $0x2  }
0xb9: {  	s3 =	sand.u32 $0x4000, s31;
	s1 =	sadd.s32 s1, s30  }
0xba: {  	s0 =	sor.u32 s3, s0;
	s1 =	sshll.u32 s1, $0x11  }
0xbb: {  	s0 =	sor.u32 s1, s0  }
0xbc: {  	s0 =	sadd.s32 $0x8F2B, s0  }
0xbd: {  	[sflag:s0] =	ssyncadd.remote.s32 $0x1  }
0xbe: {  	_ =	sfence.sel $0xFFFF  }
0xbf: {  	[dreg:$0x0] =	wrdreg $0xFFFFFFFF;
	(pc) =	sbr.abs _section_cstart, $3  }
0xc0: {  	[dreg:$0x1] =	wrdreg $0xFFFFFFFF  }
0xc1: {  	_ =	task.clear_ibuf [dreg:s6], $0x2FFFF;
	_ =	strace $0x9FFFFFFF  }
0xc2: {  	(tm) =	ssettm $0x7FFFFFFF  }
0xc3: {  	_ =	shalt  }
tec
execute0_lowered:
.L_overlay_start_1:
0x0: {  	(tag) =	ssettag $0x1  }
0x1: {  	s8 =	rddreg [dreg:$0x0]  }
0x2: {  	s1 =	rddreg [dreg:$0x1]  }
0x3: {  	s2 =	srdreg.scid;
	s0 =	rddreg [dreg:$0x2];
	s3 =	simm.s32 $0x0  }
0x4: {  	s16 =	simm.s32 $0x5100;
	s17 =	simm.s32 $0x2;
	s18 =	simm.s32 $0x80  }
0x5: {  	s19 =	simm.s32 $0x50;
	s20 =	simm.s32 $0x100;
	s21 =	simm.s32 $0x2900  }
0x6: {  	s22 =	simm.s32 $0x1;
	s23 =	simm.s32 $0x0;
	s9 =	sand.u32 $0x1, s2  }
0x7: {  	s2 =	stileid.u32;
	s4 =	sadd.s32 $0x4FFE00, s8;
	s6 =	smul.u32 $0x140000, s9  }
0x8: {  	[smem:$0x7FF] =	sst s3;
	s5 =	sadd.s32 $0x577E00, s8;
	s7 =	smul.u32 $0x14000, s2  }
0x9: {  	s11 =	smul.u32 $0x50000, s2;
	s30 =	ssub.s32 $0x2, s9;
	s9 =	sshll.u32 s9, $0x4  }
0xa: {  	_ =	strace $0x80000053;
	s31 =	sshrl.u32 s30, $0x1;
	s13 =	sor.u32 s2, s9  }
0xb: {  	s7 =	sadd.s32 s7, s6;
	s6 =	sadd.s32 $0x4F6000, s8;
	s11 =	sshrl.u32 s11, $0x2  }
0xc: {  	s15 =	ssub.s32 s30, s31;
	s13 =	smul.u32 $0x2710, s13;
	s10 =	sshrl.u32 s7, $0x3  }
0xd: {  	s7 =	sadd.s32 $0x4EC200, s8;
	s14 =	sadd.s32 s10, s8;
	s8 =	sadd.s32 s11, s1  }
0xe: {  	s15 =	smax.u32 s15, $0x1;
	s9 =	sadd.s32 $0x4000, s8;
	s10 =	sadd.s32 $0x8000, s8  }
0xf: {  	v0 =	vimm.f32 $0.0e+00;
	s11 =	sadd.s32 $0xC000, s8;
	s12 =	sadd.s32 $0x10000, s8;
	s14 =	sadd.s32 $0x527E00, s14  }
.LBB2_1:
0x10: {  	s24 =	simm.s32 $0x5200  }
0x11: {  	[tilespmem:s24+$0xFFFFFF00] =	vst v0  }
0x12: {  	[tilespmem:s24+$0xF0] =	vst v0  }
0x13: {  	[tilespmem:s24+$0xE0] =	vst v0  }
0x14: {  	[tilespmem:s24+$0xD0] =	vst v0  }
0x15: {  	[tilespmem:s24+$0xC0] =	vst v0  }
0x16: {  	[tilespmem:s24+$0xB0] =	vst v0  }
0x17: {  	[tilespmem:s24+$0xA0] =	vst v0  }
0x18: {  	[tilespmem:s24+$0x90] =	vst v0  }
0x19: {  	[tilespmem:s24+$0x80] =	vst v0  }
0x1a: {  	[tilespmem:s24+$0x70] =	vst v0  }
0x1b: {  	[tilespmem:s24+$0x60] =	vst v0  }
0x1c: {  	[tilespmem:s24+$0x50] =	vst v0  }
0x1d: {  	[tilespmem:s24+$0x40] =	vst v0  }
0x1e: {  	[tilespmem:s24+$0x30] =	vst v0  }
0x1f: {  	[tilespmem:s24+$0x20] =	vst v0  }
0x20: {  	[tilespmem:s24+$0x10] =	vst v0  }
0x21: {  	[tilespmem:s24+$0x0] =	vst v0  }
0x22: {  	[tilespmem:s24+$0xFFFFFFF0] =	vst v0  }
0x23: {  	[tilespmem:s24+$0xFFFFFFE0] =	vst v0  }
0x24: {  	[tilespmem:s24+$0xFFFFFFD0] =	vst v0  }
0x25: {  	[tilespmem:s24+$0xFFFFFFC0] =	vst v0  }
0x26: {  	[tilespmem:s24+$0xFFFFFFB0] =	vst v0  }
0x27: {  	[tilespmem:s24+$0xFFFFFFA0] =	vst v0  }
0x28: {  	[tilespmem:s24+$0xFFFFFF90] =	vst v0  }
0x29: {  	[tilespmem:s24+$0xFFFFFF80] =	vst v0  }
0x2a: {  	[tilespmem:s24+$0xFFFFFF70] =	vst v0  }
0x2b: {  	[tilespmem:s24+$0xFFFFFF60] =	vst v0  }
0x2c: {  	[tilespmem:s24+$0xFFFFFF50] =	vst v0  }
0x2d: {  	[tilespmem:s24+$0xFFFFFF40] =	vst v0  }
0x2e: {  	[tilespmem:s24+$0xFFFFFF30] =	vst v0  }
0x2f: {  	s25 =	simm.s32 $0x0;
	[tilespmem:s24+$0xFFFFFF20] =	vst v0  }
.LBB2_2:
0x30: {  	s25 =	sadd.s32 $0x4, s25;
	[tilespmem:s24+$0xFFFFFF10] =	vst v0;
	s24 =	sadd.s32 $0x200, s24  }
0x31: {  	[tilespmem:s24+$0xFFFFFF00] =	vst v0;
	p0 =	slt.u32 s25, $0x7C  }
0x32: {  	[tilespmem:s24+$0xF0] =	vst v0  }
0x33: {  	[tilespmem:s24+$0xE0] =	vst v0  }
0x34: {  	[tilespmem:s24+$0xD0] =	vst v0  }
0x35: {  	[tilespmem:s24+$0xC0] =	vst v0  }
0x36: {  	[tilespmem:s24+$0xB0] =	vst v0  }
0x37: {  	[tilespmem:s24+$0xA0] =	vst v0  }
0x38: {  	[tilespmem:s24+$0x90] =	vst v0  }
0x39: {  	[tilespmem:s24+$0x80] =	vst v0  }
0x3a: {  	[tilespmem:s24+$0x70] =	vst v0  }
0x3b: {  	[tilespmem:s24+$0x60] =	vst v0  }
0x3c: {  	[tilespmem:s24+$0x50] =	vst v0  }
0x3d: {  	[tilespmem:s24+$0x40] =	vst v0  }
0x3e: {  	[tilespmem:s24+$0x30] =	vst v0  }
0x3f: {  	[tilespmem:s24+$0x20] =	vst v0  }
0x40: {  	[tilespmem:s24+$0x10] =	vst v0  }
0x41: {  	[tilespmem:s24+$0x0] =	vst v0  }
0x42: {  	[tilespmem:s24+$0xFFFFFFF0] =	vst v0  }
0x43: {  	[tilespmem:s24+$0xFFFFFFE0] =	vst v0  }
0x44: {  	[tilespmem:s24+$0xFFFFFFD0] =	vst v0  }
0x45: {  	[tilespmem:s24+$0xFFFFFFC0] =	vst v0  }
0x46: {  	[tilespmem:s24+$0xFFFFFFB0] =	vst v0  }
0x47: {  	[tilespmem:s24+$0xFFFFFFA0] =	vst v0  }
0x48: {  	[tilespmem:s24+$0xFFFFFF90] =	vst v0  }
0x49: {  	[tilespmem:s24+$0xFFFFFF80] =	vst v0  }
0x4a: {  	[tilespmem:s24+$0xFFFFFF70] =	vst v0  }
.Ltmp0:
0x4b: {  	[tilespmem:s24+$0xFFFFFF60] =	vst v0;
	(pc) =	sbr.rel @p0 .LBB2_2-.Ltmp0, $4  }
0x4c: {  	[tilespmem:s24+$0xFFFFFF50] =	vst v0  }
0x4d: {  	[tilespmem:s24+$0xFFFFFF40] =	vst v0  }
0x4e: {  	[tilespmem:s24+$0xFFFFFF30] =	vst v0  }
0x4f: {  	[tilespmem:s24+$0xFFFFFF20] =	vst v0  }
0x50: {  	[tilespmem:s24+$0xFFFFFF10] =	vst v0  }
0x51: {  	[spmem:s8] =	stream.linear.scatter [tilespmem:s16], [sflag:$0x2], $0x4000, $0x38;
	[tilespmem:$0x1D100] =	vst v63  }
0x52: {  	_ =	swait.ge [sflag:s17], $0x4000  }
0x53: {  	[sflag:s17] =	ssyncset.done $0x0  }
0x54: {  	[sflag:s17] =	ssyncadd.s32 $0xFFFFC000  }
0x55: {  	[spmem:s9] =	stream.linear.scatter [tilespmem:s16], [sflag:$0x2], $0x4000, $0x38;
	[tilespmem:$0x1D100] =	vst v63  }
0x56: {  	_ =	swait.ge [sflag:s17], $0x4000  }
0x57: {  	[sflag:s17] =	ssyncset.done $0x0  }
0x58: {  	[sflag:s17] =	ssyncadd.s32 $0xFFFFC000  }
0x59: {  	[spmem:s10] =	stream.linear.scatter [tilespmem:s16], [sflag:$0x2], $0x4000, $0x38;
	[tilespmem:$0x1D100] =	vst v63  }
0x5a: {  	_ =	swait.ge [sflag:s17], $0x4000  }
0x5b: {  	[sflag:s17] =	ssyncset.done $0x0  }
0x5c: {  	[sflag:s17] =	ssyncadd.s32 $0xFFFFC000  }
0x5d: {  	[spmem:s11] =	stream.linear.scatter [tilespmem:s16], [sflag:$0x2], $0x4000, $0x38;
	[tilespmem:$0x1D100] =	vst v63  }
0x5e: {  	_ =	swait.ge [sflag:s17], $0x4000  }
0x5f: {  	[sflag:s17] =	ssyncset.done $0x0  }
0x60: {  	[sflag:s17] =	ssyncadd.s32 $0xFFFFC000  }
0x61: {  	[spmem:s12] =	stream.linear.scatter [tilespmem:s16], [sflag:$0x2], $0x4000, $0x38;
	[tilespmem:$0x1D100] =	vst v63  }
0x62: {  	_ =	swait.ge [sflag:s17], $0x4000  }
0x63: {  	[sflag:s17] =	ssyncset.done $0x0  }
0x64: {  	[sflag:s17] =	ssyncadd.s32 $0xFFFFC000  }
0x65: {  	s24 =	simm.s32 $0x0;
	[bflag:$0x0] =	sbarrier.arrive $0xFFFF  }
.LBB2_4:
0x66: {  	s25 =	smul.u32 $0x50, s24;
	_ =	sdelay $0x1  }
0x67: {  	s25 =	sadd.s32 s13, s25  }
0x68: {  	s26 =	sshrl.u32 s25, $0x3  }
0x69: {  	s28 =	sadd.s32 s6, s26  }
0x6a: {  	[tilespmem:s3], [sflag:$0x2] =	stream.linear.gather [hbm4b:s28+s3], $0x50, $0x38;
	[tilespmem:$0x1D100] =	vst v63  }
0x6b: {  	_ =	swait.ge [sflag:s17], $0x50  }
0x6c: {  	[sflag:s17] =	ssyncset.done $0x0  }
0x6d: {  	s26 =	sadd.s32 s7, s26;
	[sflag:s17] =	ssyncadd.s32 $0xFFFFFFB0  }
0x6e: {  	[tilespmem:s18], [sflag:$0x2] =	stream.linear.gather [hbm4b:s26+s3], $0x50, $0x38;
	[tilespmem:$0x1D100] =	vst v63  }
0x6f: {  	_ =	swait.ge [sflag:s17], $0x50  }
0x70: {  	[sflag:s17] =	ssyncset.done $0x0  }
0x71: {  	s25 =	sshll.u32 s25, $0x4;
	[sflag:s17] =	ssyncadd.s32 $0xFFFFFFB0  }
0x72: {  	[tilespmem:s20], [sflag:$0x1] =	stream.indirect.gather [hbm4b:s4+s19], $0x80, s3, s19, $0xb8;
	[tilespmem:$0x1D100] =	vst v63  }
0x73: {  	s25 =	sadd.s32 s5, s25  }
0x74: {  	[tilespmem:s21], [sflag:$0x2] =	stream.linear.gather [hbm4b:s25+s3], $0x2800, $0x38;
	[tilespmem:$0x1D100] =	vst v63  }
0x75: {  	_ =	swait.ge [sflag:s17], $0x2800  }
0x76: {  	[sflag:s17] =	ssyncset.done $0x0  }
0x77: {  	[sflag:s17] =	ssyncadd.s32 $0xFFFFD800  }
0x78: {  	_ =	swait.ge [sflag:s22], $0x2800  }
0x79: {  	[sflag:s22] =	ssyncset.done $0x0  }
0x7a: {  	s25 =	simm.s32 $0x2980;
	[sflag:s22] =	ssyncadd.s32 $0xFFFFD800  }
0x7b: {  	s26 =	simm.s32 $0x180;
	v1 =	vld [tilespmem:s25+$0xFFFFFF80]  }
0x7c: {  	v2 =	vld [tilespmem:s26+$0xFFFFFF80];
	_ =	sdelay $0x4  }
0x7d: {  	v1 =	vadd.f32 v2, v1;
	_ =	sdelay $0x1  }
0x7e: {  	v1 =	vmax.f32 v1, $0.0e+00  }
0x7f: {  	[tilespmem:s25+$0xFFFFFF80] =	vst v1;
	v1 =	vld [tilespmem:s25+$0xFFFFFF90]  }
0x80: {  	v2 =	vld [tilespmem:s26+$0xFFFFFF90];
	_ =	sdelay $0x4  }
0x81: {  	v1 =	vadd.f32 v2, v1;
	_ =	sdelay $0x1  }
0x82: {  	v1 =	vmax.f32 v1, $0.0e+00  }
0x83: {  	[tilespmem:s25+$0xFFFFFF90] =	vst v1;
	v1 =	vld [tilespmem:s25+$0xFFFFFFA0]  }
0x84: {  	v2 =	vld [tilespmem:s26+$0xFFFFFFA0];
	_ =	sdelay $0x4  }
0x85: {  	v1 =	vadd.f32 v2, v1;
	_ =	sdelay $0x1  }
0x86: {  	v1 =	vmax.f32 v1, $0.0e+00  }
0x87: {  	[tilespmem:s25+$0xFFFFFFA0] =	vst v1;
	v1 =	vld [tilespmem:s25+$0xFFFFFFB0]  }
0x88: {  	v2 =	vld [tilespmem:s26+$0xFFFFFFB0];
	_ =	sdelay $0x4  }
0x89: {  	v1 =	vadd.f32 v2, v1;
	_ =	sdelay $0x1  }
0x8a: {  	v1 =	vmax.f32 v1, $0.0e+00  }
0x8b: {  	[tilespmem:s25+$0xFFFFFFB0] =	vst v1;
	v1 =	vld [tilespmem:s25+$0xFFFFFFC0]  }
0x8c: {  	v2 =	vld [tilespmem:s26+$0xFFFFFFC0];
	_ =	sdelay $0x4  }
0x8d: {  	v1 =	vadd.f32 v2, v1;
	_ =	sdelay $0x1  }
0x8e: {  	v1 =	vmax.f32 v1, $0.0e+00  }
0x8f: {  	[tilespmem:s25+$0xFFFFFFC0] =	vst v1;
	v1 =	vld [tilespmem:s25+$0xFFFFFFD0]  }
0x90: {  	v2 =	vld [tilespmem:s26+$0xFFFFFFD0];
	_ =	sdelay $0x4  }
0x91: {  	v1 =	vadd.f32 v2, v1;
	_ =	sdelay $0x1  }
0x92: {  	v1 =	vmax.f32 v1, $0.0e+00  }
0x93: {  	[tilespmem:s25+$0xFFFFFFD0] =	vst v1;
	v1 =	vld [tilespmem:s25+$0xFFFFFFE0]  }
0x94: {  	v2 =	vld [tilespmem:s26+$0xFFFFFFE0];
	_ =	sdelay $0x4  }
0x95: {  	v1 =	vadd.f32 v2, v1;
	_ =	sdelay $0x1  }
0x96: {  	v1 =	vmax.f32 v1, $0.0e+00  }
0x97: {  	[tilespmem:s25+$0xFFFFFFE0] =	vst v1;
	v1 =	vld [tilespmem:s25+$0xFFFFFFF0]  }
0x98: {  	v2 =	vld [tilespmem:s26+$0xFFFFFFF0];
	_ =	sdelay $0x4  }
0x99: {  	v1 =	vadd.f32 v2, v1;
	_ =	sdelay $0x1  }
0x9a: {  	v1 =	vmax.f32 v1, $0.0e+00  }
0x9b: {  	[tilespmem:s25+$0xFFFFFFF0] =	vst v1;
	v1 =	vld [tilespmem:s25+$0x0]  }
0x9c: {  	v2 =	vld [tilespmem:s26+$0x0];
	_ =	sdelay $0x4  }
0x9d: {  	v1 =	vadd.f32 v2, v1;
	_ =	sdelay $0x1  }
0x9e: {  	v1 =	vmax.f32 v1, $0.0e+00  }
0x9f: {  	[tilespmem:s25+$0x0] =	vst v1;
	v1 =	vld [tilespmem:s25+$0x10]  }
0xa0: {  	v2 =	vld [tilespmem:s26+$0x10];
	_ =	sdelay $0x4  }
0xa1: {  	v1 =	vadd.f32 v2, v1;
	_ =	sdelay $0x1  }
0xa2: {  	v1 =	vmax.f32 v1, $0.0e+00  }
0xa3: {  	[tilespmem:s25+$0x10] =	vst v1;
	v1 =	vld [tilespmem:s25+$0x20]  }
0xa4: {  	v2 =	vld [tilespmem:s26+$0x20];
	_ =	sdelay $0x4  }
0xa5: {  	v1 =	vadd.f32 v2, v1;
	_ =	sdelay $0x1  }
0xa6: {  	v1 =	vmax.f32 v1, $0.0e+00  }
0xa7: {  	[tilespmem:s25+$0x20] =	vst v1;
	v1 =	vld [tilespmem:s25+$0x30]  }
0xa8: {  	v2 =	vld [tilespmem:s26+$0x30];
	_ =	sdelay $0x4  }
0xa9: {  	v1 =	vadd.f32 v2, v1;
	_ =	sdelay $0x1  }
0xaa: {  	v1 =	vmax.f32 v1, $0.0e+00  }
0xab: {  	[tilespmem:s25+$0x30] =	vst v1;
	v1 =	vld [tilespmem:s25+$0x40]  }
0xac: {  	v2 =	vld [tilespmem:s26+$0x40];
	_ =	sdelay $0x4  }
0xad: {  	v1 =	vadd.f32 v2, v1;
	_ =	sdelay $0x1  }
0xae: {  	v1 =	vmax.f32 v1, $0.0e+00  }
0xaf: {  	[tilespmem:s25+$0x40] =	vst v1;
	v1 =	vld [tilespmem:s25+$0x50]  }
0xb0: {  	v2 =	vld [tilespmem:s26+$0x50];
	_ =	sdelay $0x4  }
0xb1: {  	v1 =	vadd.f32 v2, v1;
	_ =	sdelay $0x1  }
0xb2: {  	v1 =	vmax.f32 v1, $0.0e+00  }
0xb3: {  	[tilespmem:s25+$0x50] =	vst v1;
	v1 =	vld [tilespmem:s25+$0x60]  }
0xb4: {  	v2 =	vld [tilespmem:s26+$0x60];
	_ =	sdelay $0x4  }
0xb5: {  	v1 =	vadd.f32 v2, v1;
	_ =	sdelay $0x1  }
0xb6: {  	v1 =	vmax.f32 v1, $0.0e+00  }
0xb7: {  	[tilespmem:s25+$0x60] =	vst v1;
	v1 =	vld [tilespmem:s25+$0x70]  }
0xb8: {  	v2 =	vld [tilespmem:s26+$0x70];
	_ =	sdelay $0x4  }
0xb9: {  	v1 =	vadd.f32 v2, v1;
	_ =	sdelay $0x1  }
0xba: {  	s29 =	simm.s32 $0x2A80;
	s28 =	simm.s32 $0x0;
	v1 =	vmax.f32 v1, $0.0e+00  }
.LBB2_5:
0xbb: {  	v2 =	vld [tilespmem:s29+$0xFFFFFF80];
	[tilespmem:s25+$0x70] =	vst v1;
	s26 =	sadd.s32 $0x100, s26;
	s25 =	smov.u32 s29  }
0xbc: {  	s28 =	sadd.s32 $0x2, s28;
	v1 =	vld [tilespmem:s26+$0xFFFFFF80]  }
0xbd: {  	p0 =	slt.u32 s28, $0x4E;
	_ =	sdelay $0x3  }
0xbe: {  	v1 =	vadd.f32 v1, v2;
	_ =	sdelay $0x1  }
0xbf: {  	v1 =	vmax.f32 v1, $0.0e+00  }
0xc0: {  	[tilespmem:s29+$0xFFFFFF80] =	vst v1;
	v1 =	vld [tilespmem:s29+$0xFFFFFF90]  }
0xc1: {  	v2 =	vld [tilespmem:s26+$0xFFFFFF90];
	_ =	sdelay $0x4  }
0xc2: {  	v1 =	vadd.f32 v2, v1;
	_ =	sdelay $0x1  }
0xc3: {  	v1 =	vmax.f32 v1, $0.0e+00  }
0xc4: {  	[tilespmem:s29+$0xFFFFFF90] =	vst v1;
	v1 =	vld [tilespmem:s29+$0xFFFFFFA0]  }
0xc5: {  	v2 =	vld [tilespmem:s26+$0xFFFFFFA0];
	_ =	sdelay $0x4  }
0xc6: {  	v1 =	vadd.f32 v2, v1;
	_ =	sdelay $0x1  }
0xc7: {  	v1 =	vmax.f32 v1, $0.0e+00  }
0xc8: {  	[tilespmem:s29+$0xFFFFFFA0] =	vst v1;
	v1 =	vld [tilespmem:s29+$0xFFFFFFB0]  }
0xc9: {  	v2 =	vld [tilespmem:s26+$0xFFFFFFB0];
	_ =	sdelay $0x4  }
0xca: {  	v1 =	vadd.f32 v2, v1;
	_ =	sdelay $0x1  }
0xcb: {  	v1 =	vmax.f32 v1, $0.0e+00  }
0xcc: {  	[tilespmem:s29+$0xFFFFFFB0] =	vst v1;
	v1 =	vld [tilespmem:s29+$0xFFFFFFC0]  }
0xcd: {  	v2 =	vld [tilespmem:s26+$0xFFFFFFC0];
	_ =	sdelay $0x4  }
0xce: {  	v1 =	vadd.f32 v2, v1;
	_ =	sdelay $0x1  }
0xcf: {  	v1 =	vmax.f32 v1, $0.0e+00  }
0xd0: {  	[tilespmem:s29+$0xFFFFFFC0] =	vst v1;
	v1 =	vld [tilespmem:s29+$0xFFFFFFD0]  }
0xd1: {  	v2 =	vld [tilespmem:s26+$0xFFFFFFD0];
	_ =	sdelay $0x4  }
0xd2: {  	v1 =	vadd.f32 v2, v1;
	_ =	sdelay $0x1  }
0xd3: {  	v1 =	vmax.f32 v1, $0.0e+00  }
0xd4: {  	[tilespmem:s29+$0xFFFFFFD0] =	vst v1;
	v1 =	vld [tilespmem:s29+$0xFFFFFFE0]  }
0xd5: {  	v2 =	vld [tilespmem:s26+$0xFFFFFFE0];
	_ =	sdelay $0x4  }
0xd6: {  	v1 =	vadd.f32 v2, v1;
	_ =	sdelay $0x1  }
0xd7: {  	v1 =	vmax.f32 v1, $0.0e+00  }
0xd8: {  	[tilespmem:s29+$0xFFFFFFE0] =	vst v1;
	v1 =	vld [tilespmem:s29+$0xFFFFFFF0]  }
0xd9: {  	v2 =	vld [tilespmem:s26+$0xFFFFFFF0];
	_ =	sdelay $0x4  }
0xda: {  	v1 =	vadd.f32 v2, v1;
	_ =	sdelay $0x1  }
0xdb: {  	v1 =	vmax.f32 v1, $0.0e+00  }
0xdc: {  	[tilespmem:s29+$0xFFFFFFF0] =	vst v1;
	v1 =	vld [tilespmem:s29+$0x0]  }
0xdd: {  	v2 =	vld [tilespmem:s26+$0x0];
	_ =	sdelay $0x4  }
0xde: {  	v1 =	vadd.f32 v2, v1;
	_ =	sdelay $0x1  }
0xdf: {  	v1 =	vmax.f32 v1, $0.0e+00  }
0xe0: {  	[tilespmem:s29+$0x0] =	vst v1;
	v1 =	vld [tilespmem:s29+$0x10]  }
0xe1: {  	v2 =	vld [tilespmem:s26+$0x10];
	_ =	sdelay $0x4  }
0xe2: {  	v1 =	vadd.f32 v2, v1;
	_ =	sdelay $0x1  }
0xe3: {  	v1 =	vmax.f32 v1, $0.0e+00  }
0xe4: {  	[tilespmem:s29+$0x10] =	vst v1;
	v1 =	vld [tilespmem:s29+$0x20]  }
0xe5: {  	v2 =	vld [tilespmem:s26+$0x20];
	_ =	sdelay $0x4  }
0xe6: {  	v1 =	vadd.f32 v2, v1;
	_ =	sdelay $0x1  }
0xe7: {  	v1 =	vmax.f32 v1, $0.0e+00  }
0xe8: {  	[tilespmem:s29+$0x20] =	vst v1;
	v1 =	vld [tilespmem:s29+$0x30]  }
0xe9: {  	v2 =	vld [tilespmem:s26+$0x30];
	_ =	sdelay $0x4  }
0xea: {  	v1 =	vadd.f32 v2, v1;
	_ =	sdelay $0x1  }
0xeb: {  	v1 =	vmax.f32 v1, $0.0e+00  }
0xec: {  	[tilespmem:s29+$0x30] =	vst v1;
	v1 =	vld [tilespmem:s29+$0x40]  }
0xed: {  	v2 =	vld [tilespmem:s26+$0x40];
	_ =	sdelay $0x4  }
0xee: {  	v1 =	vadd.f32 v2, v1;
	_ =	sdelay $0x1  }
0xef: {  	v1 =	vmax.f32 v1, $0.0e+00  }
0xf0: {  	[tilespmem:s29+$0x40] =	vst v1;
	v1 =	vld [tilespmem:s29+$0x50]  }
0xf1: {  	v2 =	vld [tilespmem:s26+$0x50];
	_ =	sdelay $0x4  }
0xf2: {  	v1 =	vadd.f32 v2, v1;
	_ =	sdelay $0x1  }
0xf3: {  	v1 =	vmax.f32 v1, $0.0e+00  }
0xf4: {  	[tilespmem:s29+$0x50] =	vst v1;
	v1 =	vld [tilespmem:s29+$0x60]  }
0xf5: {  	v2 =	vld [tilespmem:s26+$0x60];
	_ =	sdelay $0x4  }
0xf6: {  	v1 =	vadd.f32 v2, v1;
	_ =	sdelay $0x1  }
0xf7: {  	v1 =	vmax.f32 v1, $0.0e+00  }
0xf8: {  	[tilespmem:s29+$0x60] =	vst v1;
	v1 =	vld [tilespmem:s29+$0x70]  }
0xf9: {  	v2 =	vld [tilespmem:s26+$0x70];
	_ =	sdelay $0x2  }
.Ltmp1:
0xfa: {  	(pc) =	sbr.rel @p0 .LBB2_5-.Ltmp1, $3  }
0xfb: {  	_ = 	snop  }
0xfc: {  	v1 =	vadd.f32 v2, v1;
	_ =	sdelay $0x1  }
0xfd: {  	s29 =	sadd.s32 $0x100, s29;
	v1 =	vmax.f32 v1, $0.0e+00  }
0xfe: {  	s24 =	sadd.s32 $0x1, s24  }
0xff: {  	p0 =	sne.s32 s24, $0x7D  }
.Ltmp2:
0x100: {  	[tilespmem:s25+$0x70] =	vst v1;
	(pc) =	sbr.rel @p0 .LBB2_4-.Ltmp2, $4  }
0x101: {  	[spmem:s1] =	stream.indirect.scatter.add.f32 [tilespmem:s21], [sflag:$0x2], $0x80, s18, s19, $0xb8;
	[tilespmem:$0x1D100] =	vst v63  }
0x102: {  	_ =	swait.ge [sflag:s17], $0x2800  }
0x103: {  	[sflag:s17] =	ssyncset.done $0x0  }
0x104: {  	[sflag:s17] =	ssyncadd.s32 $0xFFFFD800  }
0x105: {  	s23 =	sadd.s32 $0x1, s23  }
0x106: {  	s24 =	sshll.u32 s2, $0x6;
	[bflag:$0x0] =	sbarrier.arrive $0xFFFF;
	p0 =	sne.s32 s23, s15  }
.Ltmp3:
0x107: {  	s25 =	sshrl.u32 s8, $0x3;
	s24 =	sor.u32 $0x1C02, s24;
	(pc) =	sbr.rel @p0 .LBB2_1-.Ltmp3, $4  }
0x108: {  	[hbm:s14], [sflag:s24] =	dma.local [spmem:s25], $0x2800  }
0x109: {  	_ =	swait.ge [sflag:s17], $0x2800  }
0x10a: {  	[sflag:s17] =	ssyncset.done $0x0  }
0x10b: {  	[sflag:s17] =	ssyncadd.s32 $0xFFFFD800  }
0x10c: {  	_ =	sfence.sel $0x180000  }
0x10d: {  	[bflag:$0x0] =	sbarrier.arrive $0xFFFF  }
0x10e: {  	p0 =	sne.s32 s2, $0x0;
	_ =	strace $0x90000053  }
0x10f: {  	s0 =	sadd.s32 @!p0 $0x100000, s0;
	[bflag:$0x2] =	sbarrier.arrive $0xFFFF  }
0x110: {  	[sflag:s0] =	ssyncadd.tile.s32 @!p0 $0x1;
	_ =	shalt  }
.Lfunc_end2:
_tile_overlayer_lowered:
.L_overlay_start_2:
0x111: {  	(tag) =	ssettag $0x2  }
0x112: {  	s0 =	rddreg [dreg:$0x0];
	s2 =	stileid.u32  }
0x113: {  	s1 =	rddreg [dreg:$0x1];
	p0 =	sne.s32 s2, $0x0  }
0x114: {  	s3 =	rddreg [dreg:$0x2];
	[bflag:$0x3] =	sbarrier.arrive $0xFFFF;
	s2 =	simm.s32 @!p0 $0x1C02  }
0x115: {  	[timem:s3], [sflag:s2] =	dma.local @!p0 [hbm:s0], s1  }
0x116: {  	s0 =	simm.s32 @!p0 $0x2  }
0x117: {  	_ =	swait.ge @!p0 [sflag:s0], s1  }
0x118: {  	s1 =	ssub.s32 @!p0 $0x0, s1;
	[sflag:s0] =	ssyncset.done @!p0 $0x0  }
0x119: {  	[sflag:s0] =	ssyncadd.s32 @!p0 s1  }
0x11a: {  	[bflag:$0x3] =	sbarrier.arrive $0xFFFF  }
0x11b: {  	_ =	shalt  }

</sc_bundles>
